<compile_context>
chip_gen: v7x
topology: tpu7x:2x2x1
jax: 0.10.2.dev20260603
libtpu: 0.0.44.dev20260713+nightly
codegen_flags: <defaults>
</compile_context>

<pallas_src>
import functools

import jax
import jax.numpy as jnp
from jax import lax
from jax.experimental import pallas as pl
from jax.experimental.pallas import tpu as pltpu
from jax.experimental.pallas import tpu_sc as plsc

N = 10000
E = 320000
D_IN = 128
D_H = 256
D_OUT = 128

NC = 2
NS = 16
CHUNK = 128
S0 = 80
S1 = 80
TOT = NS * (S0 + S1)
E_PAD = TOT * CHUNK
NACC = 10240
RPT = NACC // NS
ZR = 128
NBUF = 2
NIDX = 4


def _seg_sum_body(compute_deg, x_hbm, src_hbm, dst_hbm, *rest):
    if compute_deg:
        (acc_out, deg_out, acc_sh, deg_sh, ones_v, degc_v) = rest[:6]
        rest = rest[6:]
    else:
        acc_out, acc_sh = rest[:2]
        rest = rest[2:]
    rows = list(rest[0:NBUF])
    srcv = list(rest[NBUF:NBUF + NIDX])
    dstv = list(rest[NBUF + NIDX:NBUF + 2 * NIDX])
    rest = rest[NBUF + 2 * NIDX:]
    gsem = list(rest[0:NBUF])
    ssem = list(rest[NBUF:2 * NBUF])
    isem = list(rest[2 * NBUF:2 * NBUF + NIDX])
    dsem = list(rest[2 * NBUF + NIDX:]) if compute_deg else [None] * NBUF

    c = lax.axis_index("c")
    s = lax.axis_index("s")
    base = s * RPT
    cbase = jnp.where(c == 0, s * S0, NS * S0 + s * S1)
    T = jnp.where(c == 0, S0, S1)
    G = jnp.where(c == 0, (S0 - 4) // 4, (S1 - 4) // 4)

    def zrow(i, carry):
        for j in range(8):
            rows[0][i, pl.ds(j * 16, 16)] = jnp.zeros((16,), jnp.float32)
        return carry
    lax.fori_loop(0, ZR, zrow, 0)

    for k in range(RPT // ZR):
        pltpu.sync_copy(rows[0], acc_sh.at[pl.ds(base + k * ZR, ZR)])

    if compute_deg:
        def orow(j, carry):
            ones_v[pl.ds(j * 16, 16)] = jnp.ones((16,), jnp.float32)
            return carry
        lax.fori_loop(0, CHUNK // 16, orow, 0)

        def drow(j, carry):
            degc_v[pl.ds(j * 16, 16)] = jnp.zeros((16,), jnp.float32)
            return carry
        lax.fori_loop(0, RPT // 16, drow, 0)
        pltpu.sync_copy(degc_v, deg_sh.at[pl.ds(base, RPT)])

    plsc.subcore_barrier()

    def idxload(cid, q):
        pltpu.async_copy(src_hbm.at[cid], srcv[q], isem[q])
        pltpu.async_copy(dst_hbm.at[cid], dstv[q], isem[q])

    def wait_idx(q):
        pltpu.make_async_copy(src_hbm.at[0], srcv[q], isem[q]).wait()
        pltpu.make_async_copy(dst_hbm.at[0], dstv[q], isem[q]).wait()

    def gather(q, b):
        pltpu.async_copy(x_hbm.at[srcv[q]], rows[b], gsem[b])

    def wait_g(b):
        pltpu.make_async_copy(x_hbm.at[srcv[0]], rows[b], gsem[b]).wait()

    def scatters(q, b):
        pltpu.async_copy(rows[b], acc_sh.at[dstv[q]], ssem[b], add=True)
        if compute_deg:
            pltpu.async_copy(ones_v, deg_sh.at[dstv[q]], dsem[b], add=True)

    def wait_sc(b):
        pltpu.make_async_copy(rows[b], acc_sh.at[dstv[0]], ssem[b]).wait()
        if compute_deg:
            pltpu.make_async_copy(ones_v, deg_sh.at[dstv[0]],
                                  dsem[b]).wait()

    for q in range(NIDX - 1):
        idxload(cbase + q, q)
    wait_idx(0)
    gather(0, 0)

    wait_g(0)
    scatters(0, 0)
    wait_idx(1)
    gather(1, 1)
    idxload(cbase + 3, 3)
    wait_g(1)
    scatters(1, 1)
    wait_idx(2)
    wait_sc(0)
    gather(2, 0)
    idxload(cbase + 4, 0)

    def group(g, carry):
        jg = 2 + 4 * g
        for k in range(4):
            b = k % 2
            wait_g(b)
            scatters((2 + k) % 4, b)
            wait_idx((3 + k) % 4)
            wait_sc((k + 1) % 2)
            gather((3 + k) % 4, (k + 1) % 2)
            idxload(cbase + jg + k + 3, (1 + k) % 4)
        return carry
    lax.fori_loop(0, G, group, 0)

    wait_g(0)
    scatters(2, 0)
    wait_idx(3)
    wait_sc(1)
    gather(3, 1)
    wait_g(1)
    scatters(3, 1)

    wait_sc(0)
    wait_sc(1)
    wait_idx(0)

    plsc.subcore_barrier()

    pltpu.sync_copy(acc_sh.at[pl.ds(base, RPT)],
                    acc_out.at[c, pl.ds(base, RPT)])
    if compute_deg:
        pltpu.sync_copy(deg_sh.at[pl.ds(base, RPT)],
                        deg_out.at[c, pl.ds(base, RPT)])


def _make_seg_sum(compute_deg):
    mesh = plsc.VectorSubcoreMesh(core_axis_name="c", subcore_axis_name="s")
    out_type = [jax.ShapeDtypeStruct((NC, NACC, D_IN), jnp.float32)]
    scratch = [
        pltpu.VMEM_SHARED((NACC, D_IN), jnp.float32),
    ]
    if compute_deg:
        out_type.append(jax.ShapeDtypeStruct((NC, NACC), jnp.float32))
        scratch.append(pltpu.VMEM_SHARED((NACC,), jnp.float32))
        scratch += [
            pltpu.VMEM((CHUNK,), jnp.float32),
            pltpu.VMEM((RPT,), jnp.float32),
        ]
    scratch += [pltpu.VMEM((CHUNK, D_IN), jnp.float32)] * NBUF
    scratch += [pltpu.VMEM((CHUNK,), jnp.int32)] * NIDX
    scratch += [pltpu.VMEM((CHUNK,), jnp.int32)] * NIDX
    nsem = 2 * NBUF + NIDX + (NBUF if compute_deg else 0)
    scratch += [pltpu.SemaphoreType.DMA] * nsem
    return pl.kernel(
        functools.partial(_seg_sum_body, compute_deg),
        out_type=out_type,
        mesh=mesh,
        scratch_types=scratch,
        compiler_params=pltpu.CompilerParams(needs_layout_passes=False),
    )


_seg_sum_deg = _make_seg_sum(True)
_seg_sum = _make_seg_sum(False)


RB = 1000


def _tc1_body(part_ref, deg_ref, x_ref, wl1_ref, wr1_ref, b1_ref,
              wl2_ref, wr2_ref, p_ref, r_ref):
    agg = (part_ref[0].astype(jnp.float32)
           + part_ref[1].astype(jnp.float32))
    d = jnp.maximum(deg_ref[0] + deg_ref[1], 1.0)
    agg = agg / d
    h = (jnp.dot(agg, wl1_ref[...], preferred_element_type=jnp.float32)
         + jnp.dot(x_ref[...], wr1_ref[...], preferred_element_type=jnp.float32)
         + b1_ref[...])
    h = jnp.maximum(h, 0.0)
    p_ref[...] = jnp.dot(h, wl2_ref[...], preferred_element_type=jnp.float32)
    r_ref[...] = jnp.dot(h, wr2_ref[...], preferred_element_type=jnp.float32)


def _tc2_body(part_ref, deg_ref, r_ref, b2_ref, out_ref):
    agg = (part_ref[0].astype(jnp.float32)
           + part_ref[1].astype(jnp.float32))
    d = jnp.maximum(deg_ref[0] + deg_ref[1], 1.0)
    out_ref[...] = agg / d + b2_ref[...] + r_ref[...]


def _tc1(part, deg, x, wl1, wr1, b1, wl2, wr2):
    grid = (N // RB,)
    return pl.pallas_call(
        _tc1_body,
        grid=grid,
        in_specs=[
            pl.BlockSpec((NC, RB, D_IN), lambda i: (0, i, 0)),
            pl.BlockSpec((NC, RB, 1), lambda i: (0, i, 0)),
            pl.BlockSpec((RB, D_IN), lambda i: (i, 0)),
            pl.BlockSpec((D_IN, D_H), lambda i: (0, 0)),
            pl.BlockSpec((D_IN, D_H), lambda i: (0, 0)),
            pl.BlockSpec((1, D_H), lambda i: (0, 0)),
            pl.BlockSpec((D_H, D_OUT), lambda i: (0, 0)),
            pl.BlockSpec((D_H, D_OUT), lambda i: (0, 0)),
        ],
        out_specs=[
            pl.BlockSpec((RB, D_OUT), lambda i: (i, 0)),
            pl.BlockSpec((RB, D_OUT), lambda i: (i, 0)),
        ],
        out_shape=[
            jax.ShapeDtypeStruct((N, D_OUT), jnp.float32),
            jax.ShapeDtypeStruct((N, D_OUT), jnp.float32),
        ],
    )(part, deg, x, wl1, wr1, b1, wl2, wr2)


def _tc2(part, deg, r, b2):
    grid = (N // RB,)
    return pl.pallas_call(
        _tc2_body,
        grid=grid,
        in_specs=[
            pl.BlockSpec((NC, RB, D_OUT), lambda i: (0, i, 0)),
            pl.BlockSpec((NC, RB, 1), lambda i: (0, i, 0)),
            pl.BlockSpec((RB, D_OUT), lambda i: (i, 0)),
            pl.BlockSpec((1, D_OUT), lambda i: (0, 0)),
        ],
        out_specs=pl.BlockSpec((RB, D_OUT), lambda i: (i, 0)),
        out_shape=jax.ShapeDtypeStruct((N, D_OUT), jnp.float32),
    )(part, deg, r, b2)


def kernel(x, edge_index, Wl1, Wr1, b1, Wl2, Wr2, b2):
    src = edge_index[0]
    dst = edge_index[1]
    pad = (TOT + 1) * CHUNK - E
    pad_iota = jnp.arange(pad, dtype=jnp.int32)
    src2 = jnp.concatenate(
        [src, pad_iota % N]).reshape(TOT + 1, CHUNK)
    dst2 = jnp.concatenate(
        [dst, N + pad_iota % (NACC - N)]).reshape(TOT + 1, CHUNK)

    part_x, deg = _seg_sum_deg(x, src2, dst2)
    deg3 = deg.reshape(NC, NACC, 1)
    p, r = _tc1(part_x, deg3, x, Wl1, Wr1, b1.reshape(1, D_H), Wl2, Wr2)
    part_p, = _seg_sum(p, src2, dst2)
    out = _tc2(part_p, deg3, r, b2.reshape(1, D_OUT))
    return out

# --- scband reference (transcript-rebuilt; emitter-appended) ---
"""Pipeline reference for scband-graph-sage-9285719294178 (READ-ONLY COPY).

The authoritative reference and input builder live on the scoring server;
editing this copy changes nothing except your own understanding.
"""

import jax, jax.numpy as jnp
import numpy as np

N = 10000
E = 320000
D_IN = 128
D_H = 256
D_OUT = 128


def _sage_conv(x, src, dst, Wl, Wr, b):
    # mean aggregation of neighbor messages at destination nodes
    msgs = x[src]
    agg = jax.ops.segment_sum(msgs, dst, num_segments=N)
    deg = jax.ops.segment_sum(jnp.ones((src.shape[0],), dtype=x.dtype), dst, num_segments=N)
    agg = agg / jnp.clip(deg, 1.0)[:, None]
    # PyG SAGEConv: lin_l(aggregated) (with bias) + lin_r(root)
    return agg @ Wl + b + x @ Wr


def setup_inputs(seed: int = 0) -> dict:
    key = jax.random.key(seed)
    ks = jax.random.split(key, 8)
    x = jax.random.normal(ks[0], (N, D_IN), dtype=jnp.float32)
    edge_index = jax.random.randint(ks[1], (2, E), 0, N, dtype=jnp.int32)
    s1 = 1.0 / np.sqrt(D_IN)
    s2 = 1.0 / np.sqrt(D_H)
    Wl1 = jax.random.uniform(ks[2], (D_IN, D_H), jnp.float32, -s1, s1)
    Wr1 = jax.random.uniform(ks[3], (D_IN, D_H), jnp.float32, -s1, s1)
    b1 = jnp.zeros((D_H,), dtype=jnp.float32)
    Wl2 = jax.random.uniform(ks[4], (D_H, D_OUT), jnp.float32, -s2, s2)
    Wr2 = jax.random.uniform(ks[5], (D_H, D_OUT), jnp.float32, -s2, s2)
    b2 = jnp.zeros((D_OUT,), dtype=jnp.float32)
    return {"x": x, "edge_index": edge_index, "Wl1": Wl1, "Wr1": Wr1, "b1": b1, "Wl2": Wl2, "Wr2": Wr2, "b2": b2}


def reference(x, edge_index, Wl1, Wr1, b1, Wl2, Wr2, b2):
    src = edge_index[0]
    dst = edge_index[1]
    h = _sage_conv(x, src, dst, Wl1, Wr1, b1)
    h = jax.nn.relu(h)
    # dropout is identity in eval mode (training=False)
    out = _sage_conv(h, src, dst, Wl2, Wr2, b2)
    return out

if __name__ == "__main__":
    import jax
    _d = setup_inputs()
    print(jax.jit(kernel)(*tuple(_d.values())))

</pallas_src>

<mosaic_0001>
#map = affine_map<(d0, d1) -> (0, 0)>
#map1 = affine_map<(d0, d1) -> (0, 0, 0)>
module attributes {stable_mosaic.version = 14 : i64} {
  func.func @_seg_sum_body(%arg0: i32, %arg1: i32, %arg2: memref<10000x128xf32, #tpu.memory_space<hbm>>, %arg3: memref<2561x128xi32, #tpu.memory_space<hbm>>, %arg4: memref<2561x128xi32, #tpu.memory_space<hbm>>, %arg5: memref<2x10240x128xf32, #tpu.memory_space<hbm>>, %arg6: memref<10240x128xf32, #tpu.memory_space<vmem_shared>>, %arg7: memref<128x128xf32, #tpu.memory_space<vmem>>, %arg8: memref<128x128xf32, #tpu.memory_space<vmem>>, %arg9: memref<128xi32, #tpu.memory_space<vmem>>, %arg10: memref<128xi32, #tpu.memory_space<vmem>>, %arg11: memref<128xi32, #tpu.memory_space<vmem>>, %arg12: memref<128xi32, #tpu.memory_space<vmem>>, %arg13: memref<128xi32, #tpu.memory_space<vmem>>, %arg14: memref<128xi32, #tpu.memory_space<vmem>>, %arg15: memref<128xi32, #tpu.memory_space<vmem>>, %arg16: memref<128xi32, #tpu.memory_space<vmem>>, %arg17: memref<!tpu.dma_semaphore, #tpu.memory_space<semaphore_mem>>, %arg18: memref<!tpu.dma_semaphore, #tpu.memory_space<semaphore_mem>>, %arg19: memref<!tpu.dma_semaphore, #tpu.memory_space<semaphore_mem>>, %arg20: memref<!tpu.dma_semaphore, #tpu.memory_space<semaphore_mem>>, %arg21: memref<!tpu.dma_semaphore, #tpu.memory_space<semaphore_mem>>, %arg22: memref<!tpu.dma_semaphore, #tpu.memory_space<semaphore_mem>>, %arg23: memref<!tpu.dma_semaphore, #tpu.memory_space<semaphore_mem>>, %arg24: memref<!tpu.dma_semaphore, #tpu.memory_space<semaphore_mem>>) attributes {dimension_semantics = [#tpu.dimension_semantics<core_parallel>, #tpu.dimension_semantics<subcore_parallel>], iteration_bounds = array<i64: 2, 16>, scalar_prefetch = 0 : i64, scratch_operands = 19 : i64, tpu.core_type = #tpu.core_type<sc_vector_subcore>, window_params = [{transform_indices = #map}, {transform_indices = #map}, {transform_indices = #map}, {transform_indices = #map1}]} {
    %mul3A = arith.constant 640 : i32
    %mul3A_0 = arith.muli %arg1, %mul3A : i32
    %eq3A = arith.constant 0 : i32
    %eq3A_1 = arith.cmpi eq, %arg0, %eq3A : i32
    %mul3A_2 = arith.constant 80 : i32
    %mul3A_3 = arith.muli %arg1, %mul3A_2 : i32
    %mul3A_4 = arith.constant 80 : i32
    %mul3A_5 = arith.muli %arg1, %mul3A_4 : i32
    %add3A = arith.constant 1280 : i32
    %add3A_6 = arith.addi %add3A, %mul3A_5 : i32
    %select_n3A = arith.select %eq3A_1, %mul3A_3, %add3A_6 : i32
    %eq3A_7 = arith.constant 0 : i32
    %eq3A_8 = arith.cmpi eq, %arg0, %eq3A_7 : i32
    %jit3A = arith.constant 80 : i32
    %jit3A_9 = arith.constant 80 : i32
    %select_n3A_10 = arith.select %eq3A_8, %jit3A, %jit3A_9 : i32
    %eq3A_11 = arith.constant 0 : i32
    %eq3A_12 = arith.cmpi eq, %arg0, %eq3A_11 : i32
    %jit3A_13 = arith.constant 19 : i32
    %jit3A_14 = arith.constant 19 : i32
    %select_n3A_15 = arith.select %eq3A_12, %jit3A_13, %jit3A_14 : i32
    %scan3A = arith.constant 0 : i32
    %scan3A_16 = arith.constant 0 : i32
    %scan3A_17 = arith.constant 128 : i32
    %scan3A_18 = arith.addi %scan3A_16, %scan3A_17 : i32
    %scan3A_19 = arith.constant 1 : i32
    scf.for %scan3A_227 = %scan3A_16 to %scan3A_18 step %scan3A_19  : i32 {
      %broadcast_in_dim3A = arith.constant 0.000000e+00 : f32
      %broadcast_in_dim3A_228 = vector.broadcast %broadcast_in_dim3A : f32 to vector<16xf32>
      %swap3A = arith.index_cast %scan3A_227 : i32 to index
      %swap3A_229 = arith.constant 0 : index
      %swap3A_230 = tpu.vector_load %arg7[%swap3A, %swap3A_229] {strides = array<i32>} : memref<128x128xf32, #tpu.memory_space<vmem>>, vector<16xf32>,
      tpu.vector_store %arg7[%swap3A, %swap3A_229], %broadcast_in_dim3A_228 {strides = array<i32>} : memref<128x128xf32, #tpu.memory_space<vmem>>, vector<16xf32>,
      %broadcast_in_dim3A_231 = arith.constant 0.000000e+00 : f32
      %broadcast_in_dim3A_232 = vector.broadcast %broadcast_in_dim3A_231 : f32 to vector<16xf32>
      %swap3A_233 = arith.index_cast %scan3A_227 : i32 to index
      %swap3A_234 = arith.constant 16 : index
      %swap3A_235 = tpu.vector_load %arg7[%swap3A_233, %swap3A_234] {strides = array<i32>} : memref<128x128xf32, #tpu.memory_space<vmem>>, vector<16xf32>,
      tpu.vector_store %arg7[%swap3A_233, %swap3A_234], %broadcast_in_dim3A_232 {strides = array<i32>} : memref<128x128xf32, #tpu.memory_space<vmem>>, vector<16xf32>,
      %broadcast_in_dim3A_236 = arith.constant 0.000000e+00 : f32
      %broadcast_in_dim3A_237 = vector.broadcast %broadcast_in_dim3A_236 : f32 to vector<16xf32>
      %swap3A_238 = arith.index_cast %scan3A_227 : i32 to index
      %swap3A_239 = arith.constant 32 : index
      %swap3A_240 = tpu.vector_load %arg7[%swap3A_238, %swap3A_239] {strides = array<i32>} : memref<128x128xf32, #tpu.memory_space<vmem>>, vector<16xf32>,
      tpu.vector_store %arg7[%swap3A_238, %swap3A_239], %broadcast_in_dim3A_237 {strides = array<i32>} : memref<128x128xf32, #tpu.memory_space<vmem>>, vector<16xf32>,
      %broadcast_in_dim3A_241 = arith.constant 0.000000e+00 : f32
      %broadcast_in_dim3A_242 = vector.broadcast %broadcast_in_dim3A_241 : f32 to vector<16xf32>
      %swap3A_243 = arith.index_cast %scan3A_227 : i32 to index
      %swap3A_244 = arith.constant 48 : index
      %swap3A_245 = tpu.vector_load %arg7[%swap3A_243, %swap3A_244] {strides = array<i32>} : memref<128x128xf32, #tpu.memory_space<vmem>>, vector<16xf32>,
      tpu.vector_store %arg7[%swap3A_243, %swap3A_244], %broadcast_in_dim3A_242 {strides = array<i32>} : memref<128x128xf32, #tpu.memory_space<vmem>>, vector<16xf32>,
      %broadcast_in_dim3A_246 = arith.constant 0.000000e+00 : f32
      %broadcast_in_dim3A_247 = vector.broadcast %broadcast_in_dim3A_246 : f32 to vector<16xf32>
      %swap3A_248 = arith.index_cast %scan3A_227 : i32 to index
      %swap3A_249 = arith.constant 64 : index
      %swap3A_250 = tpu.vector_load %arg7[%swap3A_248, %swap3A_249] {strides = array<i32>} : memref<128x128xf32, #tpu.memory_space<vmem>>, vector<16xf32>,
      tpu.vector_store %arg7[%swap3A_248, %swap3A_249], %broadcast_in_dim3A_247 {strides = array<i32>} : memref<128x128xf32, #tpu.memory_space<vmem>>, vector<16xf32>,
      %broadcast_in_dim3A_251 = arith.constant 0.000000e+00 : f32
      %broadcast_in_dim3A_252 = vector.broadcast %broadcast_in_dim3A_251 : f32 to vector<16xf32>
      %swap3A_253 = arith.index_cast %scan3A_227 : i32 to index
      %swap3A_254 = arith.constant 80 : index
      %swap3A_255 = tpu.vector_load %arg7[%swap3A_253, %swap3A_254] {strides = array<i32>} : memref<128x128xf32, #tpu.memory_space<vmem>>, vector<16xf32>,
      tpu.vector_store %arg7[%swap3A_253, %swap3A_254], %broadcast_in_dim3A_252 {strides = array<i32>} : memref<128x128xf32, #tpu.memory_space<vmem>>, vector<16xf32>,
      %broadcast_in_dim3A_256 = arith.constant 0.000000e+00 : f32
      %broadcast_in_dim3A_257 = vector.broadcast %broadcast_in_dim3A_256 : f32 to vector<16xf32>
      %swap3A_258 = arith.index_cast %scan3A_227 : i32 to index
      %swap3A_259 = arith.constant 96 : index
      %swap3A_260 = tpu.vector_load %arg7[%swap3A_258, %swap3A_259] {strides = array<i32>} : memref<128x128xf32, #tpu.memory_space<vmem>>, vector<16xf32>,
      tpu.vector_store %arg7[%swap3A_258, %swap3A_259], %broadcast_in_dim3A_257 {strides = array<i32>} : memref<128x128xf32, #tpu.memory_space<vmem>>, vector<16xf32>,
      %broadcast_in_dim3A_261 = arith.constant 0.000000e+00 : f32
      %broadcast_in_dim3A_262 = vector.broadcast %broadcast_in_dim3A_261 : f32 to vector<16xf32>
      %swap3A_263 = arith.index_cast %scan3A_227 : i32 to index
      %swap3A_264 = arith.constant 112 : index
      %swap3A_265 = tpu.vector_load %arg7[%swap3A_263, %swap3A_264] {strides = array<i32>} : memref<128x128xf32, #tpu.memory_space<vmem>>, vector<16xf32>,
      tpu.vector_store %arg7[%swap3A_263, %swap3A_264], %broadcast_in_dim3A_262 {strides = array<i32>} : memref<128x128xf32, #tpu.memory_space<vmem>>, vector<16xf32>,
    }
    %scan3A_20 = arith.constant 128 : i32
    %add3A_21 = arith.constant 0 : i32
    %add3A_22 = arith.addi %mul3A_0, %add3A_21 : i32
    "tpu.region"() ({
      %run_scoped3A = tpu.sem_alloc : memref<!tpu.dma_semaphore, #tpu.memory_space<semaphore_mem>>
      %dma_start3A_227 = arith.constant 0 : i32
      %dma_start3A_228 = tpu.memref_slice %arg6[%add3A_22, %dma_start3A_227] : memref<10240x128xf32, #tpu.memory_space<vmem_shared>> -> memref<128x128xf32, #tpu.memory_space<vmem_shared>>
      %dma_start3A_229 = arith.constant 0 : i32
      %dma_start3A_230 = tpu.memref_slice %arg6[%add3A_22, %dma_start3A_229] : memref<10240x128xf32, #tpu.memory_space<vmem_shared>> -> memref<128x128xf32, #tpu.memory_space<vmem_shared>>
      tpu.enqueue_dma source(%arg7 : memref<128x128xf32, #tpu.memory_space<vmem>>) target(%dma_start3A_230 : memref<128x128xf32, #tpu.memory_space<vmem_shared>>) target_semaphore(%run_scoped3A : memref<!tpu.dma_semaphore, #tpu.memory_space<semaphore_mem>>)
      %dma_wait3A_231 = arith.constant 0 : i32
      %dma_wait3A_232 = tpu.memref_slice %arg6[%add3A_22, %dma_wait3A_231] : memref<10240x128xf32, #tpu.memory_space<vmem_shared>> -> memref<128x128xf32, #tpu.memory_space<vmem_shared>>
      %dma_wait3A_233 = arith.constant 0 : i32
      %dma_wait3A_234 = tpu.memref_slice %arg6[%add3A_22, %dma_wait3A_233] : memref<10240x128xf32, #tpu.memory_space<vmem_shared>> -> memref<128x128xf32, #tpu.memory_space<vmem_shared>>
      tpu.wait_dma2 semaphore(%run_scoped3A : memref<!tpu.dma_semaphore, #tpu.memory_space<semaphore_mem>>) src(%arg7 : memref<128x128xf32, #tpu.memory_space<vmem>>) dst(%dma_wait3A_234 : memref<128x128xf32, #tpu.memory_space<vmem_shared>>)
      tpu.yield
    }) : () -> ()
    %add3A_23 = arith.constant 128 : i32
    %add3A_24 = arith.addi %mul3A_0, %add3A_23 : i32
    "tpu.region"() ({
      %run_scoped3A = tpu.sem_alloc : memref<!tpu.dma_semaphore, #tpu.memory_space<semaphore_mem>>
      %dma_start3A_227 = arith.constant 0 : i32
      %dma_start3A_228 = tpu.memref_slice %arg6[%add3A_24, %dma_start3A_227] : memref<10240x128xf32, #tpu.memory_space<vmem_shared>> -> memref<128x128xf32, #tpu.memory_space<vmem_shared>>
      %dma_start3A_229 = arith.constant 0 : i32
      %dma_start3A_230 = tpu.memref_slice %arg6[%add3A_24, %dma_start3A_229] : memref<10240x128xf32, #tpu.memory_space<vmem_shared>> -> memref<128x128xf32, #tpu.memory_space<vmem_shared>>
      tpu.enqueue_dma source(%arg7 : memref<128x128xf32, #tpu.memory_space<vmem>>) target(%dma_start3A_230 : memref<128x128xf32, #tpu.memory_space<vmem_shared>>) target_semaphore(%run_scoped3A : memref<!tpu.dma_semaphore, #tpu.memory_space<semaphore_mem>>)
      %dma_wait3A_231 = arith.constant 0 : i32
      %dma_wait3A_232 = tpu.memref_slice %arg6[%add3A_24, %dma_wait3A_231] : memref<10240x128xf32, #tpu.memory_space<vmem_shared>> -> memref<128x128xf32, #tpu.memory_space<vmem_shared>>
      %dma_wait3A_233 = arith.constant 0 : i32
      %dma_wait3A_234 = tpu.memref_slice %arg6[%add3A_24, %dma_wait3A_233] : memref<10240x128xf32, #tpu.memory_space<vmem_shared>> -> memref<128x128xf32, #tpu.memory_space<vmem_shared>>
      tpu.wait_dma2 semaphore(%run_scoped3A : memref<!tpu.dma_semaphore, #tpu.memory_space<semaphore_mem>>) src(%arg7 : memref<128x128xf32, #tpu.memory_space<vmem>>) dst(%dma_wait3A_234 : memref<128x128xf32, #tpu.memory_space<vmem_shared>>)
      tpu.yield
    }) : () -> ()
    %add3A_25 = arith.constant 256 : i32
    %add3A_26 = arith.addi %mul3A_0, %add3A_25 : i32
    "tpu.region"() ({
      %run_scoped3A = tpu.sem_alloc : memref<!tpu.dma_semaphore, #tpu.memory_space<semaphore_mem>>
      %dma_start3A_227 = arith.constant 0 : i32
      %dma_start3A_228 = tpu.memref_slice %arg6[%add3A_26, %dma_start3A_227] : memref<10240x128xf32, #tpu.memory_space<vmem_shared>> -> memref<128x128xf32, #tpu.memory_space<vmem_shared>>
      %dma_start3A_229 = arith.constant 0 : i32
      %dma_start3A_230 = tpu.memref_slice %arg6[%add3A_26, %dma_start3A_229] : memref<10240x128xf32, #tpu.memory_space<vmem_shared>> -> memref<128x128xf32, #tpu.memory_space<vmem_shared>>
      tpu.enqueue_dma source(%arg7 : memref<128x128xf32, #tpu.memory_space<vmem>>) target(%dma_start3A_230 : memref<128x128xf32, #tpu.memory_space<vmem_shared>>) target_semaphore(%run_scoped3A : memref<!tpu.dma_semaphore, #tpu.memory_space<semaphore_mem>>)
      %dma_wait3A_231 = arith.constant 0 : i32
      %dma_wait3A_232 = tpu.memref_slice %arg6[%add3A_26, %dma_wait3A_231] : memref<10240x128xf32, #tpu.memory_space<vmem_shared>> -> memref<128x128xf32, #tpu.memory_space<vmem_shared>>
      %dma_wait3A_233 = arith.constant 0 : i32
      %dma_wait3A_234 = tpu.memref_slice %arg6[%add3A_26, %dma_wait3A_233] : memref<10240x128xf32, #tpu.memory_space<vmem_shared>> -> memref<128x128xf32, #tpu.memory_space<vmem_shared>>
      tpu.wait_dma2 semaphore(%run_scoped3A : memref<!tpu.dma_semaphore, #tpu.memory_space<semaphore_mem>>) src(%arg7 : memref<128x128xf32, #tpu.memory_space<vmem>>) dst(%dma_wait3A_234 : memref<128x128xf32, #tpu.memory_space<vmem_shared>>)
      tpu.yield
    }) : () -> ()
    %add3A_27 = arith.constant 384 : i32
    %add3A_28 = arith.addi %mul3A_0, %add3A_27 : i32
    "tpu.region"() ({
      %run_scoped3A = tpu.sem_alloc : memref<!tpu.dma_semaphore, #tpu.memory_space<semaphore_mem>>
      %dma_start3A_227 = arith.constant 0 : i32
      %dma_start3A_228 = tpu.memref_slice %arg6[%add3A_28, %dma_start3A_227] : memref<10240x128xf32, #tpu.memory_space<vmem_shared>> -> memref<128x128xf32, #tpu.memory_space<vmem_shared>>
      %dma_start3A_229 = arith.constant 0 : i32
      %dma_start3A_230 = tpu.memref_slice %arg6[%add3A_28, %dma_start3A_229] : memref<10240x128xf32, #tpu.memory_space<vmem_shared>> -> memref<128x128xf32, #tpu.memory_space<vmem_shared>>
      tpu.enqueue_dma source(%arg7 : memref<128x128xf32, #tpu.memory_space<vmem>>) target(%dma_start3A_230 : memref<128x128xf32, #tpu.memory_space<vmem_shared>>) target_semaphore(%run_scoped3A : memref<!tpu.dma_semaphore, #tpu.memory_space<semaphore_mem>>)
      %dma_wait3A_231 = arith.constant 0 : i32
      %dma_wait3A_232 = tpu.memref_slice %arg6[%add3A_28, %dma_wait3A_231] : memref<10240x128xf32, #tpu.memory_space<vmem_shared>> -> memref<128x128xf32, #tpu.memory_space<vmem_shared>>
      %dma_wait3A_233 = arith.constant 0 : i32
      %dma_wait3A_234 = tpu.memref_slice %arg6[%add3A_28, %dma_wait3A_233] : memref<10240x128xf32, #tpu.memory_space<vmem_shared>> -> memref<128x128xf32, #tpu.memory_space<vmem_shared>>
      tpu.wait_dma2 semaphore(%run_scoped3A : memref<!tpu.dma_semaphore, #tpu.memory_space<semaphore_mem>>) src(%arg7 : memref<128x128xf32, #tpu.memory_space<vmem>>) dst(%dma_wait3A_234 : memref<128x128xf32, #tpu.memory_space<vmem_shared>>)
      tpu.yield
    }) : () -> ()
    %add3A_29 = arith.constant 512 : i32
    %add3A_30 = arith.addi %mul3A_0, %add3A_29 : i32
    "tpu.region"() ({
      %run_scoped3A = tpu.sem_alloc : memref<!tpu.dma_semaphore, #tpu.memory_space<semaphore_mem>>
      %dma_start3A_227 = arith.constant 0 : i32
      %dma_start3A_228 = tpu.memref_slice %arg6[%add3A_30, %dma_start3A_227] : memref<10240x128xf32, #tpu.memory_space<vmem_shared>> -> memref<128x128xf32, #tpu.memory_space<vmem_shared>>
      %dma_start3A_229 = arith.constant 0 : i32
      %dma_start3A_230 = tpu.memref_slice %arg6[%add3A_30, %dma_start3A_229] : memref<10240x128xf32, #tpu.memory_space<vmem_shared>> -> memref<128x128xf32, #tpu.memory_space<vmem_shared>>
      tpu.enqueue_dma source(%arg7 : memref<128x128xf32, #tpu.memory_space<vmem>>) target(%dma_start3A_230 : memref<128x128xf32, #tpu.memory_space<vmem_shared>>) target_semaphore(%run_scoped3A : memref<!tpu.dma_semaphore, #tpu.memory_space<semaphore_mem>>)
      %dma_wait3A_231 = arith.constant 0 : i32
      %dma_wait3A_232 = tpu.memref_slice %arg6[%add3A_30, %dma_wait3A_231] : memref<10240x128xf32, #tpu.memory_space<vmem_shared>> -> memref<128x128xf32, #tpu.memory_space<vmem_shared>>
      %dma_wait3A_233 = arith.constant 0 : i32
      %dma_wait3A_234 = tpu.memref_slice %arg6[%add3A_30, %dma_wait3A_233] : memref<10240x128xf32, #tpu.memory_space<vmem_shared>> -> memref<128x128xf32, #tpu.memory_space<vmem_shared>>
      tpu.wait_dma2 semaphore(%run_scoped3A : memref<!tpu.dma_semaphore, #tpu.memory_space<semaphore_mem>>) src(%arg7 : memref<128x128xf32, #tpu.memory_space<vmem>>) dst(%dma_wait3A_234 : memref<128x128xf32, #tpu.memory_space<vmem_shared>>)
      tpu.yield
    }) : () -> ()
    %barrier3A = arith.constant 0 : index
    tpu.barrier barrier_id(%barrier3A)
    %add3A_31 = arith.constant 0 : i32
    %add3A_32 = arith.addi %select_n3A, %add3A_31 : i32
    %dma_start3A = arith.constant 0 : i32
    %dma_start3A_33 = tpu.memref_slice %arg3[%add3A_32, %dma_start3A] : memref<2561x128xi32, #tpu.memory_space<hbm>> -> memref<1x128xi32, #tpu.memory_space<hbm>>
    %dma_start3A_34 = tpu.memref_squeeze %dma_start3A_33 : memref<1x128xi32, #tpu.memory_space<hbm>> -> memref<128xi32, #tpu.memory_space<hbm>>
    %dma_start3A_35 = arith.constant 0 : i32
    %dma_start3A_36 = tpu.memref_slice %arg3[%add3A_32, %dma_start3A_35] : memref<2561x128xi32, #tpu.memory_space<hbm>> -> memref<1x128xi32, #tpu.memory_space<hbm>>
    %dma_start3A_37 = tpu.memref_squeeze %dma_start3A_36 : memref<1x128xi32, #tpu.memory_space<hbm>> -> memref<128xi32, #tpu.memory_space<hbm>>
    tpu.enqueue_dma source(%dma_start3A_37 : memref<128xi32, #tpu.memory_space<hbm>>) target(%arg9 : memref<128xi32, #tpu.memory_space<vmem>>) target_semaphore(%arg21 : memref<!tpu.dma_semaphore, #tpu.memory_space<semaphore_mem>>)
    %dma_start3A_38 = arith.constant 0 : i32
    %dma_start3A_39 = tpu.memref_slice %arg4[%add3A_32, %dma_start3A_38] : memref<2561x128xi32, #tpu.memory_space<hbm>> -> memref<1x128xi32, #tpu.memory_space<hbm>>
    %dma_start3A_40 = tpu.memref_squeeze %dma_start3A_39 : memref<1x128xi32, #tpu.memory_space<hbm>> -> memref<128xi32, #tpu.memory_space<hbm>>
    %dma_start3A_41 = arith.constant 0 : i32
    %dma_start3A_42 = tpu.memref_slice %arg4[%add3A_32, %dma_start3A_41] : memref<2561x128xi32, #tpu.memory_space<hbm>> -> memref<1x128xi32, #tpu.memory_space<hbm>>
    %dma_start3A_43 = tpu.memref_squeeze %dma_start3A_42 : memref<1x128xi32, #tpu.memory_space<hbm>> -> memref<128xi32, #tpu.memory_space<hbm>>
    tpu.enqueue_dma source(%dma_start3A_43 : memref<128xi32, #tpu.memory_space<hbm>>) target(%arg13 : memref<128xi32, #tpu.memory_space<vmem>>) target_semaphore(%arg21 : memref<!tpu.dma_semaphore, #tpu.memory_space<semaphore_mem>>)
    %add3A_44 = arith.constant 1 : i32
    %add3A_45 = arith.addi %select_n3A, %add3A_44 : i32
    %dma_start3A_46 = arith.constant 0 : i32
    %dma_start3A_47 = tpu.memref_slice %arg3[%add3A_45, %dma_start3A_46] : memref<2561x128xi32, #tpu.memory_space<hbm>> -> memref<1x128xi32, #tpu.memory_space<hbm>>
    %dma_start3A_48 = tpu.memref_squeeze %dma_start3A_47 : memref<1x128xi32, #tpu.memory_space<hbm>> -> memref<128xi32, #tpu.memory_space<hbm>>
    %dma_start3A_49 = arith.constant 0 : i32
    %dma_start3A_50 = tpu.memref_slice %arg3[%add3A_45, %dma_start3A_49] : memref<2561x128xi32, #tpu.memory_space<hbm>> -> memref<1x128xi32, #tpu.memory_space<hbm>>
    %dma_start3A_51 = tpu.memref_squeeze %dma_start3A_50 : memref<1x128xi32, #tpu.memory_space<hbm>> -> memref<128xi32, #tpu.memory_space<hbm>>
    tpu.enqueue_dma source(%dma_start3A_51 : memref<128xi32, #tpu.memory_space<hbm>>) target(%arg10 : memref<128xi32, #tpu.memory_space<vmem>>) target_semaphore(%arg22 : memref<!tpu.dma_semaphore, #tpu.memory_space<semaphore_mem>>)
    %dma_start3A_52 = arith.constant 0 : i32
    %dma_start3A_53 = tpu.memref_slice %arg4[%add3A_45, %dma_start3A_52] : memref<2561x128xi32, #tpu.memory_space<hbm>> -> memref<1x128xi32, #tpu.memory_space<hbm>>
    %dma_start3A_54 = tpu.memref_squeeze %dma_start3A_53 : memref<1x128xi32, #tpu.memory_space<hbm>> -> memref<128xi32, #tpu.memory_space<hbm>>
    %dma_start3A_55 = arith.constant 0 : i32
    %dma_start3A_56 = tpu.memref_slice %arg4[%add3A_45, %dma_start3A_55] : memref<2561x128xi32, #tpu.memory_space<hbm>> -> memref<1x128xi32, #tpu.memory_space<hbm>>
    %dma_start3A_57 = tpu.memref_squeeze %dma_start3A_56 : memref<1x128xi32, #tpu.memory_space<hbm>> -> memref<128xi32, #tpu.memory_space<hbm>>
    tpu.enqueue_dma source(%dma_start3A_57 : memref<128xi32, #tpu.memory_space<hbm>>) target(%arg14 : memref<128xi32, #tpu.memory_space<vmem>>) target_semaphore(%arg22 : memref<!tpu.dma_semaphore, #tpu.memory_space<semaphore_mem>>)
    %add3A_58 = arith.constant 2 : i32
    %add3A_59 = arith.addi %select_n3A, %add3A_58 : i32
    %dma_start3A_60 = arith.constant 0 : i32
    %dma_start3A_61 = tpu.memref_slice %arg3[%add3A_59, %dma_start3A_60] : memref<2561x128xi32, #tpu.memory_space<hbm>> -> memref<1x128xi32, #tpu.memory_space<hbm>>
    %dma_start3A_62 = tpu.memref_squeeze %dma_start3A_61 : memref<1x128xi32, #tpu.memory_space<hbm>> -> memref<128xi32, #tpu.memory_space<hbm>>
    %dma_start3A_63 = arith.constant 0 : i32
    %dma_start3A_64 = tpu.memref_slice %arg3[%add3A_59, %dma_start3A_63] : memref<2561x128xi32, #tpu.memory_space<hbm>> -> memref<1x128xi32, #tpu.memory_space<hbm>>
    %dma_start3A_65 = tpu.memref_squeeze %dma_start3A_64 : memref<1x128xi32, #tpu.memory_space<hbm>> -> memref<128xi32, #tpu.memory_space<hbm>>
    tpu.enqueue_dma source(%dma_start3A_65 : memref<128xi32, #tpu.memory_space<hbm>>) target(%arg11 : memref<128xi32, #tpu.memory_space<vmem>>) target_semaphore(%arg23 : memref<!tpu.dma_semaphore, #tpu.memory_space<semaphore_mem>>)
    %dma_start3A_66 = arith.constant 0 : i32
    %dma_start3A_67 = tpu.memref_slice %arg4[%add3A_59, %dma_start3A_66] : memref<2561x128xi32, #tpu.memory_space<hbm>> -> memref<1x128xi32, #tpu.memory_space<hbm>>
    %dma_start3A_68 = tpu.memref_squeeze %dma_start3A_67 : memref<1x128xi32, #tpu.memory_space<hbm>> -> memref<128xi32, #tpu.memory_space<hbm>>
    %dma_start3A_69 = arith.constant 0 : i32
    %dma_start3A_70 = tpu.memref_slice %arg4[%add3A_59, %dma_start3A_69] : memref<2561x128xi32, #tpu.memory_space<hbm>> -> memref<1x128xi32, #tpu.memory_space<hbm>>
    %dma_start3A_71 = tpu.memref_squeeze %dma_start3A_70 : memref<1x128xi32, #tpu.memory_space<hbm>> -> memref<128xi32, #tpu.memory_space<hbm>>
    tpu.enqueue_dma source(%dma_start3A_71 : memref<128xi32, #tpu.memory_space<hbm>>) target(%arg15 : memref<128xi32, #tpu.memory_space<vmem>>) target_semaphore(%arg23 : memref<!tpu.dma_semaphore, #tpu.memory_space<semaphore_mem>>)
    %dma_wait3A = arith.constant 0 : i32
    %dma_wait3A_72 = arith.constant 0 : i32
    %dma_wait3A_73 = tpu.memref_slice %arg3[%dma_wait3A, %dma_wait3A_72] : memref<2561x128xi32, #tpu.memory_space<hbm>> -> memref<1x128xi32, #tpu.memory_space<hbm>>
    %dma_wait3A_74 = tpu.memref_squeeze %dma_wait3A_73 : memref<1x128xi32, #tpu.memory_space<hbm>> -> memref<128xi32, #tpu.memory_space<hbm>>
    %dma_wait3A_75 = arith.constant 0 : i32
    %dma_wait3A_76 = tpu.memref_slice %arg3[%dma_wait3A, %dma_wait3A_75] : memref<2561x128xi32, #tpu.memory_space<hbm>> -> memref<1x128xi32, #tpu.memory_space<hbm>>
    %dma_wait3A_77 = tpu.memref_squeeze %dma_wait3A_76 : memref<1x128xi32, #tpu.memory_space<hbm>> -> memref<128xi32, #tpu.memory_space<hbm>>
    tpu.wait_dma2 semaphore(%arg21 : memref<!tpu.dma_semaphore, #tpu.memory_space<semaphore_mem>>) src(%dma_wait3A_77 : memref<128xi32, #tpu.memory_space<hbm>>) dst(%arg9 : memref<128xi32, #tpu.memory_space<vmem>>)
    %dma_wait3A_78 = arith.constant 0 : i32
    %dma_wait3A_79 = arith.constant 0 : i32
    %dma_wait3A_80 = tpu.memref_slice %arg4[%dma_wait3A_78, %dma_wait3A_79] : memref<2561x128xi32, #tpu.memory_space<hbm>> -> memref<1x128xi32, #tpu.memory_space<hbm>>
    %dma_wait3A_81 = tpu.memref_squeeze %dma_wait3A_80 : memref<1x128xi32, #tpu.memory_space<hbm>> -> memref<128xi32, #tpu.memory_space<hbm>>
    %dma_wait3A_82 = arith.constant 0 : i32
    %dma_wait3A_83 = tpu.memref_slice %arg4[%dma_wait3A_78, %dma_wait3A_82] : memref<2561x128xi32, #tpu.memory_space<hbm>> -> memref<1x128xi32, #tpu.memory_space<hbm>>
    %dma_wait3A_84 = tpu.memref_squeeze %dma_wait3A_83 : memref<1x128xi32, #tpu.memory_space<hbm>> -> memref<128xi32, #tpu.memory_space<hbm>>
    tpu.wait_dma2 semaphore(%arg21 : memref<!tpu.dma_semaphore, #tpu.memory_space<semaphore_mem>>) src(%dma_wait3A_84 : memref<128xi32, #tpu.memory_space<hbm>>) dst(%arg13 : memref<128xi32, #tpu.memory_space<vmem>>)
    %dma_start3A_85 = arith.constant 0 : i32
    %dma_start3A_86 = arith.constant 0 : i32
    %dma_start3A_87 = tpu.memref_slice %arg2[%dma_start3A_85, %dma_start3A_86] : memref<10000x128xf32, #tpu.memory_space<hbm>> -> memref<10000x128xf32, #tpu.memory_space<hbm>>
    tpu.enqueue_indirect_dma source(%dma_start3A_87 : memref<10000x128xf32, #tpu.memory_space<hbm>>) target(%arg7 : memref<128x128xf32, #tpu.memory_space<vmem>>) offsets(%arg9 : memref<128xi32, #tpu.memory_space<vmem>>) semaphore(%arg17 : memref<!tpu.dma_semaphore, #tpu.memory_space<semaphore_mem>>)
    %dma_wait3A_88 = arith.constant 0 : i32
    %dma_wait3A_89 = arith.constant 0 : i32
    %dma_wait3A_90 = tpu.memref_slice %arg2[%dma_wait3A_88, %dma_wait3A_89] : memref<10000x128xf32, #tpu.memory_space<hbm>> -> memref<10000x128xf32, #tpu.memory_space<hbm>>
    tpu.wait_indirect_dma semaphore(%arg17 : memref<!tpu.dma_semaphore, #tpu.memory_space<semaphore_mem>>) src(%dma_wait3A_90 : memref<10000x128xf32, #tpu.memory_space<hbm>>) dst(%arg7 : memref<128x128xf32, #tpu.memory_space<vmem>>)
    %dma_start3A_91 = arith.constant 0 : i32
    %dma_start3A_92 = arith.constant 0 : i32
    %dma_start3A_93 = tpu.memref_slice %arg6[%dma_start3A_91, %dma_start3A_92] : memref<10240x128xf32, #tpu.memory_space<vmem_shared>> -> memref<10240x128xf32, #tpu.memory_space<vmem_shared>>
    tpu.enqueue_indirect_dma source(%arg7 : memref<128x128xf32, #tpu.memory_space<vmem>>) target(%dma_start3A_93 : memref<10240x128xf32, #tpu.memory_space<vmem_shared>>) offsets(%arg13 : memref<128xi32, #tpu.memory_space<vmem>>) semaphore(%arg19 : memref<!tpu.dma_semaphore, #tpu.memory_space<semaphore_mem>>) {add = true}
    %dma_wait3A_94 = arith.constant 0 : i32
    %dma_wait3A_95 = arith.constant 0 : i32
    %dma_wait3A_96 = tpu.memref_slice %arg3[%dma_wait3A_94, %dma_wait3A_95] : memref<2561x128xi32, #tpu.memory_space<hbm>> -> memref<1x128xi32, #tpu.memory_space<hbm>>
    %dma_wait3A_97 = tpu.memref_squeeze %dma_wait3A_96 : memref<1x128xi32, #tpu.memory_space<hbm>> -> memref<128xi32, #tpu.memory_space<hbm>>
    %dma_wait3A_98 = arith.constant 0 : i32
    %dma_wait3A_99 = tpu.memref_slice %arg3[%dma_wait3A_94, %dma_wait3A_98] : memref<2561x128xi32, #tpu.memory_space<hbm>> -> memref<1x128xi32, #tpu.memory_space<hbm>>
    %dma_wait3A_100 = tpu.memref_squeeze %dma_wait3A_99 : memref<1x128xi32, #tpu.memory_space<hbm>> -> memref<128xi32, #tpu.memory_space<hbm>>
    tpu.wait_dma2 semaphore(%arg22 : memref<!tpu.dma_semaphore, #tpu.memory_space<semaphore_mem>>) src(%dma_wait3A_100 : memref<128xi32, #tpu.memory_space<hbm>>) dst(%arg10 : memref<128xi32, #tpu.memory_space<vmem>>)
    %dma_wait3A_101 = arith.constant 0 : i32
    %dma_wait3A_102 = arith.constant 0 : i32
    %dma_wait3A_103 = tpu.memref_slice %arg4[%dma_wait3A_101, %dma_wait3A_102] : memref<2561x128xi32, #tpu.memory_space<hbm>> -> memref<1x128xi32, #tpu.memory_space<hbm>>
    %dma_wait3A_104 = tpu.memref_squeeze %dma_wait3A_103 : memref<1x128xi32, #tpu.memory_space<hbm>> -> memref<128xi32, #tpu.memory_space<hbm>>
    %dma_wait3A_105 = arith.constant 0 : i32
    %dma_wait3A_106 = tpu.memref_slice %arg4[%dma_wait3A_101, %dma_wait3A_105] : memref<2561x128xi32, #tpu.memory_space<hbm>> -> memref<1x128xi32, #tpu.memory_space<hbm>>
    %dma_wait3A_107 = tpu.memref_squeeze %dma_wait3A_106 : memref<1x128xi32, #tpu.memory_space<hbm>> -> memref<128xi32, #tpu.memory_space<hbm>>
    tpu.wait_dma2 semaphore(%arg22 : memref<!tpu.dma_semaphore, #tpu.memory_space<semaphore_mem>>) src(%dma_wait3A_107 : memref<128xi32, #tpu.memory_space<hbm>>) dst(%arg14 : memref<128xi32, #tpu.memory_space<vmem>>)
    %dma_start3A_108 = arith.constant 0 : i32
    %dma_start3A_109 = arith.constant 0 : i32
    %dma_start3A_110 = tpu.memref_slice %arg2[%dma_start3A_108, %dma_start3A_109] : memref<10000x128xf32, #tpu.memory_space<hbm>> -> memref<10000x128xf32, #tpu.memory_space<hbm>>
    tpu.enqueue_indirect_dma source(%dma_start3A_110 : memref<10000x128xf32, #tpu.memory_space<hbm>>) target(%arg8 : memref<128x128xf32, #tpu.memory_space<vmem>>) offsets(%arg10 : memref<128xi32, #tpu.memory_space<vmem>>) semaphore(%arg18 : memref<!tpu.dma_semaphore, #tpu.memory_space<semaphore_mem>>)
    %add3A_111 = arith.constant 3 : i32
    %add3A_112 = arith.addi %select_n3A, %add3A_111 : i32
    %dma_start3A_113 = arith.constant 0 : i32
    %dma_start3A_114 = tpu.memref_slice %arg3[%add3A_112, %dma_start3A_113] : memref<2561x128xi32, #tpu.memory_space<hbm>> -> memref<1x128xi32, #tpu.memory_space<hbm>>
    %dma_start3A_115 = tpu.memref_squeeze %dma_start3A_114 : memref<1x128xi32, #tpu.memory_space<hbm>> -> memref<128xi32, #tpu.memory_space<hbm>>
    %dma_start3A_116 = arith.constant 0 : i32
    %dma_start3A_117 = tpu.memref_slice %arg3[%add3A_112, %dma_start3A_116] : memref<2561x128xi32, #tpu.memory_space<hbm>> -> memref<1x128xi32, #tpu.memory_space<hbm>>
    %dma_start3A_118 = tpu.memref_squeeze %dma_start3A_117 : memref<1x128xi32, #tpu.memory_space<hbm>> -> memref<128xi32, #tpu.memory_space<hbm>>
    tpu.enqueue_dma source(%dma_start3A_118 : memref<128xi32, #tpu.memory_space<hbm>>) target(%arg12 : memref<128xi32, #tpu.memory_space<vmem>>) target_semaphore(%arg24 : memref<!tpu.dma_semaphore, #tpu.memory_space<semaphore_mem>>)
    %dma_start3A_119 = arith.constant 0 : i32
    %dma_start3A_120 = tpu.memref_slice %arg4[%add3A_112, %dma_start3A_119] : memref<2561x128xi32, #tpu.memory_space<hbm>> -> memref<1x128xi32, #tpu.memory_space<hbm>>
    %dma_start3A_121 = tpu.memref_squeeze %dma_start3A_120 : memref<1x128xi32, #tpu.memory_space<hbm>> -> memref<128xi32, #tpu.memory_space<hbm>>
    %dma_start3A_122 = arith.constant 0 : i32
    %dma_start3A_123 = tpu.memref_slice %arg4[%add3A_112, %dma_start3A_122] : memref<2561x128xi32, #tpu.memory_space<hbm>> -> memref<1x128xi32, #tpu.memory_space<hbm>>
    %dma_start3A_124 = tpu.memref_squeeze %dma_start3A_123 : memref<1x128xi32, #tpu.memory_space<hbm>> -> memref<128xi32, #tpu.memory_space<hbm>>
    tpu.enqueue_dma source(%dma_start3A_124 : memref<128xi32, #tpu.memory_space<hbm>>) target(%arg16 : memref<128xi32, #tpu.memory_space<vmem>>) target_semaphore(%arg24 : memref<!tpu.dma_semaphore, #tpu.memory_space<semaphore_mem>>)
    %dma_wait3A_125 = arith.constant 0 : i32
    %dma_wait3A_126 = arith.constant 0 : i32
    %dma_wait3A_127 = tpu.memref_slice %arg2[%dma_wait3A_125, %dma_wait3A_126] : memref<10000x128xf32, #tpu.memory_space<hbm>> -> memref<10000x128xf32, #tpu.memory_space<hbm>>
    tpu.wait_indirect_dma semaphore(%arg18 : memref<!tpu.dma_semaphore, #tpu.memory_space<semaphore_mem>>) src(%dma_wait3A_127 : memref<10000x128xf32, #tpu.memory_space<hbm>>) dst(%arg8 : memref<128x128xf32, #tpu.memory_space<vmem>>)
    %dma_start3A_128 = arith.constant 0 : i32
    %dma_start3A_129 = arith.constant 0 : i32
    %dma_start3A_130 = tpu.memref_slice %arg6[%dma_start3A_128, %dma_start3A_129] : memref<10240x128xf32, #tpu.memory_space<vmem_shared>> -> memref<10240x128xf32, #tpu.memory_space<vmem_shared>>
    tpu.enqueue_indirect_dma source(%arg8 : memref<128x128xf32, #tpu.memory_space<vmem>>) target(%dma_start3A_130 : memref<10240x128xf32, #tpu.memory_space<vmem_shared>>) offsets(%arg14 : memref<128xi32, #tpu.memory_space<vmem>>) semaphore(%arg20 : memref<!tpu.dma_semaphore, #tpu.memory_space<semaphore_mem>>) {add = true}
    %dma_wait3A_131 = arith.constant 0 : i32
    %dma_wait3A_132 = arith.constant 0 : i32
    %dma_wait3A_133 = tpu.memref_slice %arg3[%dma_wait3A_131, %dma_wait3A_132] : memref<2561x128xi32, #tpu.memory_space<hbm>> -> memref<1x128xi32, #tpu.memory_space<hbm>>
    %dma_wait3A_134 = tpu.memref_squeeze %dma_wait3A_133 : memref<1x128xi32, #tpu.memory_space<hbm>> -> memref<128xi32, #tpu.memory_space<hbm>>
    %dma_wait3A_135 = arith.constant 0 : i32
    %dma_wait3A_136 = tpu.memref_slice %arg3[%dma_wait3A_131, %dma_wait3A_135] : memref<2561x128xi32, #tpu.memory_space<hbm>> -> memref<1x128xi32, #tpu.memory_space<hbm>>
    %dma_wait3A_137 = tpu.memref_squeeze %dma_wait3A_136 : memref<1x128xi32, #tpu.memory_space<hbm>> -> memref<128xi32, #tpu.memory_space<hbm>>
    tpu.wait_dma2 semaphore(%arg23 : memref<!tpu.dma_semaphore, #tpu.memory_space<semaphore_mem>>) src(%dma_wait3A_137 : memref<128xi32, #tpu.memory_space<hbm>>) dst(%arg11 : memref<128xi32, #tpu.memory_space<vmem>>)
    %dma_wait3A_138 = arith.constant 0 : i32
    %dma_wait3A_139 = arith.constant 0 : i32
    %dma_wait3A_140 = tpu.memref_slice %arg4[%dma_wait3A_138, %dma_wait3A_139] : memref<2561x128xi32, #tpu.memory_space<hbm>> -> memref<1x128xi32, #tpu.memory_space<hbm>>
    %dma_wait3A_141 = tpu.memref_squeeze %dma_wait3A_140 : memref<1x128xi32, #tpu.memory_space<hbm>> -> memref<128xi32, #tpu.memory_space<hbm>>
    %dma_wait3A_142 = arith.constant 0 : i32
    %dma_wait3A_143 = tpu.memref_slice %arg4[%dma_wait3A_138, %dma_wait3A_142] : memref<2561x128xi32, #tpu.memory_space<hbm>> -> memref<1x128xi32, #tpu.memory_space<hbm>>
    %dma_wait3A_144 = tpu.memref_squeeze %dma_wait3A_143 : memref<1x128xi32, #tpu.memory_space<hbm>> -> memref<128xi32, #tpu.memory_space<hbm>>
    tpu.wait_dma2 semaphore(%arg23 : memref<!tpu.dma_semaphore, #tpu.memory_space<semaphore_mem>>) src(%dma_wait3A_144 : memref<128xi32, #tpu.memory_space<hbm>>) dst(%arg15 : memref<128xi32, #tpu.memory_space<vmem>>)
    %dma_wait3A_145 = arith.constant 0 : i32
    %dma_wait3A_146 = arith.constant 0 : i32
    %dma_wait3A_147 = tpu.memref_slice %arg6[%dma_wait3A_145, %dma_wait3A_146] : memref<10240x128xf32, #tpu.memory_space<vmem_shared>> -> memref<10240x128xf32, #tpu.memory_space<vmem_shared>>
    tpu.wait_indirect_dma semaphore(%arg19 : memref<!tpu.dma_semaphore, #tpu.memory_space<semaphore_mem>>) src(%arg7 : memref<128x128xf32, #tpu.memory_space<vmem>>) dst(%dma_wait3A_147 : memref<10240x128xf32, #tpu.memory_space<vmem_shared>>)
    %dma_start3A_148 = arith.constant 0 : i32
    %dma_start3A_149 = arith.constant 0 : i32
    %dma_start3A_150 = tpu.memref_slice %arg2[%dma_start3A_148, %dma_start3A_149] : memref<10000x128xf32, #tpu.memory_space<hbm>> -> memref<10000x128xf32, #tpu.memory_space<hbm>>
    tpu.enqueue_indirect_dma source(%dma_start3A_150 : memref<10000x128xf32, #tpu.memory_space<hbm>>) target(%arg7 : memref<128x128xf32, #tpu.memory_space<vmem>>) offsets(%arg11 : memref<128xi32, #tpu.memory_space<vmem>>) semaphore(%arg17 : memref<!tpu.dma_semaphore, #tpu.memory_space<semaphore_mem>>)
    %add3A_151 = arith.constant 4 : i32
    %add3A_152 = arith.addi %select_n3A, %add3A_151 : i32
    %dma_start3A_153 = arith.constant 0 : i32
    %dma_start3A_154 = tpu.memref_slice %arg3[%add3A_152, %dma_start3A_153] : memref<2561x128xi32, #tpu.memory_space<hbm>> -> memref<1x128xi32, #tpu.memory_space<hbm>>
    %dma_start3A_155 = tpu.memref_squeeze %dma_start3A_154 : memref<1x128xi32, #tpu.memory_space<hbm>> -> memref<128xi32, #tpu.memory_space<hbm>>
    %dma_start3A_156 = arith.constant 0 : i32
    %dma_start3A_157 = tpu.memref_slice %arg3[%add3A_152, %dma_start3A_156] : memref<2561x128xi32, #tpu.memory_space<hbm>> -> memref<1x128xi32, #tpu.memory_space<hbm>>
    %dma_start3A_158 = tpu.memref_squeeze %dma_start3A_157 : memref<1x128xi32, #tpu.memory_space<hbm>> -> memref<128xi32, #tpu.memory_space<hbm>>
    tpu.enqueue_dma source(%dma_start3A_158 : memref<128xi32, #tpu.memory_space<hbm>>) target(%arg9 : memref<128xi32, #tpu.memory_space<vmem>>) target_semaphore(%arg21 : memref<!tpu.dma_semaphore, #tpu.memory_space<semaphore_mem>>)
    %dma_start3A_159 = arith.constant 0 : i32
    %dma_start3A_160 = tpu.memref_slice %arg4[%add3A_152, %dma_start3A_159] : memref<2561x128xi32, #tpu.memory_space<hbm>> -> memref<1x128xi32, #tpu.memory_space<hbm>>
    %dma_start3A_161 = tpu.memref_squeeze %dma_start3A_160 : memref<1x128xi32, #tpu.memory_space<hbm>> -> memref<128xi32, #tpu.memory_space<hbm>>
    %dma_start3A_162 = arith.constant 0 : i32
    %dma_start3A_163 = tpu.memref_slice %arg4[%add3A_152, %dma_start3A_162] : memref<2561x128xi32, #tpu.memory_space<hbm>> -> memref<1x128xi32, #tpu.memory_space<hbm>>
    %dma_start3A_164 = tpu.memref_squeeze %dma_start3A_163 : memref<1x128xi32, #tpu.memory_space<hbm>> -> memref<128xi32, #tpu.memory_space<hbm>>
    tpu.enqueue_dma source(%dma_start3A_164 : memref<128xi32, #tpu.memory_space<hbm>>) target(%arg13 : memref<128xi32, #tpu.memory_space<vmem>>) target_semaphore(%arg21 : memref<!tpu.dma_semaphore, #tpu.memory_space<semaphore_mem>>)
    %while3A = arith.constant 0 : i32
    %while3A_165 = arith.constant 0 : i32
    %while3A_166 = arith.subi %select_n3A_15, %while3A_165 : i32
    %while3A_167 = arith.addi %while3A_165, %while3A_166 : i32
    %while3A_168 = arith.constant 1 : i32
    %while3A_169 = arith.divsi %while3A_166, %while3A_168 : i32
    %while3A_170 = arith.muli %while3A_169, %while3A_168 : i32
    %while3A_171 = arith.addi %while3A_165, %while3A_170 : i32
    %while3A_172 = arith.constant 1 : i32
    scf.for %while3A_227 = %while3A_165 to %while3A_171 step %while3A_172  : i32 {
      %mul3A_228 = arith.constant 4 : i32
      %mul3A_229 = arith.muli %mul3A_228, %while3A_227 : i32
      %add3A_230 = arith.constant 2 : i32
      %add3A_231 = arith.addi %add3A_230, %mul3A_229 : i32
      %dma_wait3A_232 = arith.constant 0 : i32
      %dma_wait3A_233 = arith.constant 0 : i32
      %dma_wait3A_234 = tpu.memref_slice %arg2[%dma_wait3A_232, %dma_wait3A_233] : memref<10000x128xf32, #tpu.memory_space<hbm>> -> memref<10000x128xf32, #tpu.memory_space<hbm>>
      tpu.wait_indirect_dma semaphore(%arg17 : memref<!tpu.dma_semaphore, #tpu.memory_space<semaphore_mem>>) src(%dma_wait3A_234 : memref<10000x128xf32, #tpu.memory_space<hbm>>) dst(%arg7 : memref<128x128xf32, #tpu.memory_space<vmem>>)
      %dma_start3A_235 = arith.constant 0 : i32
      %dma_start3A_236 = arith.constant 0 : i32
      %dma_start3A_237 = tpu.memref_slice %arg6[%dma_start3A_235, %dma_start3A_236] : memref<10240x128xf32, #tpu.memory_space<vmem_shared>> -> memref<10240x128xf32, #tpu.memory_space<vmem_shared>>
      tpu.enqueue_indirect_dma source(%arg7 : memref<128x128xf32, #tpu.memory_space<vmem>>) target(%dma_start3A_237 : memref<10240x128xf32, #tpu.memory_space<vmem_shared>>) offsets(%arg15 : memref<128xi32, #tpu.memory_space<vmem>>) semaphore(%arg19 : memref<!tpu.dma_semaphore, #tpu.memory_space<semaphore_mem>>) {add = true}
      %dma_wait3A_238 = arith.constant 0 : i32
      %dma_wait3A_239 = arith.constant 0 : i32
      %dma_wait3A_240 = tpu.memref_slice %arg3[%dma_wait3A_238, %dma_wait3A_239] : memref<2561x128xi32, #tpu.memory_space<hbm>> -> memref<1x128xi32, #tpu.memory_space<hbm>>
      %dma_wait3A_241 = tpu.memref_squeeze %dma_wait3A_240 : memref<1x128xi32, #tpu.memory_space<hbm>> -> memref<128xi32, #tpu.memory_space<hbm>>
      %dma_wait3A_242 = arith.constant 0 : i32
      %dma_wait3A_243 = tpu.memref_slice %arg3[%dma_wait3A_238, %dma_wait3A_242] : memref<2561x128xi32, #tpu.memory_space<hbm>> -> memref<1x128xi32, #tpu.memory_space<hbm>>
      %dma_wait3A_244 = tpu.memref_squeeze %dma_wait3A_243 : memref<1x128xi32, #tpu.memory_space<hbm>> -> memref<128xi32, #tpu.memory_space<hbm>>
      tpu.wait_dma2 semaphore(%arg24 : memref<!tpu.dma_semaphore, #tpu.memory_space<semaphore_mem>>) src(%dma_wait3A_244 : memref<128xi32, #tpu.memory_space<hbm>>) dst(%arg12 : memref<128xi32, #tpu.memory_space<vmem>>)
      %dma_wait3A_245 = arith.constant 0 : i32
      %dma_wait3A_246 = arith.constant 0 : i32
      %dma_wait3A_247 = tpu.memref_slice %arg4[%dma_wait3A_245, %dma_wait3A_246] : memref<2561x128xi32, #tpu.memory_space<hbm>> -> memref<1x128xi32, #tpu.memory_space<hbm>>
      %dma_wait3A_248 = tpu.memref_squeeze %dma_wait3A_247 : memref<1x128xi32, #tpu.memory_space<hbm>> -> memref<128xi32, #tpu.memory_space<hbm>>
      %dma_wait3A_249 = arith.constant 0 : i32
      %dma_wait3A_250 = tpu.memref_slice %arg4[%dma_wait3A_245, %dma_wait3A_249] : memref<2561x128xi32, #tpu.memory_space<hbm>> -> memref<1x128xi32, #tpu.memory_space<hbm>>
      %dma_wait3A_251 = tpu.memref_squeeze %dma_wait3A_250 : memref<1x128xi32, #tpu.memory_space<hbm>> -> memref<128xi32, #tpu.memory_space<hbm>>
      tpu.wait_dma2 semaphore(%arg24 : memref<!tpu.dma_semaphore, #tpu.memory_space<semaphore_mem>>) src(%dma_wait3A_251 : memref<128xi32, #tpu.memory_space<hbm>>) dst(%arg16 : memref<128xi32, #tpu.memory_space<vmem>>)
      %dma_wait3A_252 = arith.constant 0 : i32
      %dma_wait3A_253 = arith.constant 0 : i32
      %dma_wait3A_254 = tpu.memref_slice %arg6[%dma_wait3A_252, %dma_wait3A_253] : memref<10240x128xf32, #tpu.memory_space<vmem_shared>> -> memref<10240x128xf32, #tpu.memory_space<vmem_shared>>
      tpu.wait_indirect_dma semaphore(%arg20 : memref<!tpu.dma_semaphore, #tpu.memory_space<semaphore_mem>>) src(%arg8 : memref<128x128xf32, #tpu.memory_space<vmem>>) dst(%dma_wait3A_254 : memref<10240x128xf32, #tpu.memory_space<vmem_shared>>)
      %dma_start3A_255 = arith.constant 0 : i32
      %dma_start3A_256 = arith.constant 0 : i32
      %dma_start3A_257 = tpu.memref_slice %arg2[%dma_start3A_255, %dma_start3A_256] : memref<10000x128xf32, #tpu.memory_space<hbm>> -> memref<10000x128xf32, #tpu.memory_space<hbm>>
      tpu.enqueue_indirect_dma source(%dma_start3A_257 : memref<10000x128xf32, #tpu.memory_space<hbm>>) target(%arg8 : memref<128x128xf32, #tpu.memory_space<vmem>>) offsets(%arg12 : memref<128xi32, #tpu.memory_space<vmem>>) semaphore(%arg18 : memref<!tpu.dma_semaphore, #tpu.memory_space<semaphore_mem>>)
      %add3A_258 = arith.addi %select_n3A, %add3A_231 : i32
      %add3A_259 = arith.constant 0 : i32
      %add3A_260 = arith.addi %add3A_258, %add3A_259 : i32
      %add3A_261 = arith.constant 3 : i32
      %add3A_262 = arith.addi %add3A_260, %add3A_261 : i32
      %dma_start3A_263 = arith.constant 0 : i32
      %dma_start3A_264 = tpu.memref_slice %arg3[%add3A_262, %dma_start3A_263] : memref<2561x128xi32, #tpu.memory_space<hbm>> -> memref<1x128xi32, #tpu.memory_space<hbm>>
      %dma_start3A_265 = tpu.memref_squeeze %dma_start3A_264 : memref<1x128xi32, #tpu.memory_space<hbm>> -> memref<128xi32, #tpu.memory_space<hbm>>
      %dma_start3A_266 = arith.constant 0 : i32
      %dma_start3A_267 = tpu.memref_slice %arg3[%add3A_262, %dma_start3A_266] : memref<2561x128xi32, #tpu.memory_space<hbm>> -> memref<1x128xi32, #tpu.memory_space<hbm>>
      %dma_start3A_268 = tpu.memref_squeeze %dma_start3A_267 : memref<1x128xi32, #tpu.memory_space<hbm>> -> memref<128xi32, #tpu.memory_space<hbm>>
      tpu.enqueue_dma source(%dma_start3A_268 : memref<128xi32, #tpu.memory_space<hbm>>) target(%arg10 : memref<128xi32, #tpu.memory_space<vmem>>) target_semaphore(%arg22 : memref<!tpu.dma_semaphore, #tpu.memory_space<semaphore_mem>>)
      %dma_start3A_269 = arith.constant 0 : i32
      %dma_start3A_270 = tpu.memref_slice %arg4[%add3A_262, %dma_start3A_269] : memref<2561x128xi32, #tpu.memory_space<hbm>> -> memref<1x128xi32, #tpu.memory_space<hbm>>
      %dma_start3A_271 = tpu.memref_squeeze %dma_start3A_270 : memref<1x128xi32, #tpu.memory_space<hbm>> -> memref<128xi32, #tpu.memory_space<hbm>>
      %dma_start3A_272 = arith.constant 0 : i32
      %dma_start3A_273 = tpu.memref_slice %arg4[%add3A_262, %dma_start3A_272] : memref<2561x128xi32, #tpu.memory_space<hbm>> -> memref<1x128xi32, #tpu.memory_space<hbm>>
      %dma_start3A_274 = tpu.memref_squeeze %dma_start3A_273 : memref<1x128xi32, #tpu.memory_space<hbm>> -> memref<128xi32, #tpu.memory_space<hbm>>
      tpu.enqueue_dma source(%dma_start3A_274 : memref<128xi32, #tpu.memory_space<hbm>>) target(%arg14 : memref<128xi32, #tpu.memory_space<vmem>>) target_semaphore(%arg22 : memref<!tpu.dma_semaphore, #tpu.memory_space<semaphore_mem>>)
      %dma_wait3A_275 = arith.constant 0 : i32
      %dma_wait3A_276 = arith.constant 0 : i32
      %dma_wait3A_277 = tpu.memref_slice %arg2[%dma_wait3A_275, %dma_wait3A_276] : memref<10000x128xf32, #tpu.memory_space<hbm>> -> memref<10000x128xf32, #tpu.memory_space<hbm>>
      tpu.wait_indirect_dma semaphore(%arg18 : memref<!tpu.dma_semaphore, #tpu.memory_space<semaphore_mem>>) src(%dma_wait3A_277 : memref<10000x128xf32, #tpu.memory_space<hbm>>) dst(%arg8 : memref<128x128xf32, #tpu.memory_space<vmem>>)
      %dma_start3A_278 = arith.constant 0 : i32
      %dma_start3A_279 = arith.constant 0 : i32
      %dma_start3A_280 = tpu.memref_slice %arg6[%dma_start3A_278, %dma_start3A_279] : memref<10240x128xf32, #tpu.memory_space<vmem_shared>> -> memref<10240x128xf32, #tpu.memory_space<vmem_shared>>
      tpu.enqueue_indirect_dma source(%arg8 : memref<128x128xf32, #tpu.memory_space<vmem>>) target(%dma_start3A_280 : memref<10240x128xf32, #tpu.memory_space<vmem_shared>>) offsets(%arg16 : memref<128xi32, #tpu.memory_space<vmem>>) semaphore(%arg20 : memref<!tpu.dma_semaphore, #tpu.memory_space<semaphore_mem>>) {add = true}
      %dma_wait3A_281 = arith.constant 0 : i32
      %dma_wait3A_282 = arith.constant 0 : i32
      %dma_wait3A_283 = tpu.memref_slice %arg3[%dma_wait3A_281, %dma_wait3A_282] : memref<2561x128xi32, #tpu.memory_space<hbm>> -> memref<1x128xi32, #tpu.memory_space<hbm>>
      %dma_wait3A_284 = tpu.memref_squeeze %dma_wait3A_283 : memref<1x128xi32, #tpu.memory_space<hbm>> -> memref<128xi32, #tpu.memory_space<hbm>>
      %dma_wait3A_285 = arith.constant 0 : i32
      %dma_wait3A_286 = tpu.memref_slice %arg3[%dma_wait3A_281, %dma_wait3A_285] : memref<2561x128xi32, #tpu.memory_space<hbm>> -> memref<1x128xi32, #tpu.memory_space<hbm>>
      %dma_wait3A_287 = tpu.memref_squeeze %dma_wait3A_286 : memref<1x128xi32, #tpu.memory_space<hbm>> -> memref<128xi32, #tpu.memory_space<hbm>>
      tpu.wait_dma2 semaphore(%arg21 : memref<!tpu.dma_semaphore, #tpu.memory_space<semaphore_mem>>) src(%dma_wait3A_287 : memref<128xi32, #tpu.memory_space<hbm>>) dst(%arg9 : memref<128xi32, #tpu.memory_space<vmem>>)
      %dma_wait3A_288 = arith.constant 0 : i32
      %dma_wait3A_289 = arith.constant 0 : i32
      %dma_wait3A_290 = tpu.memref_slice %arg4[%dma_wait3A_288, %dma_wait3A_289] : memref<2561x128xi32, #tpu.memory_space<hbm>> -> memref<1x128xi32, #tpu.memory_space<hbm>>
      %dma_wait3A_291 = tpu.memref_squeeze %dma_wait3A_290 : memref<1x128xi32, #tpu.memory_space<hbm>> -> memref<128xi32, #tpu.memory_space<hbm>>
      %dma_wait3A_292 = arith.constant 0 : i32
      %dma_wait3A_293 = tpu.memref_slice %arg4[%dma_wait3A_288, %dma_wait3A_292] : memref<2561x128xi32, #tpu.memory_space<hbm>> -> memref<1x128xi32, #tpu.memory_space<hbm>>
      %dma_wait3A_294 = tpu.memref_squeeze %dma_wait3A_293 : memref<1x128xi32, #tpu.memory_space<hbm>> -> memref<128xi32, #tpu.memory_space<hbm>>
      tpu.wait_dma2 semaphore(%arg21 : memref<!tpu.dma_semaphore, #tpu.memory_space<semaphore_mem>>) src(%dma_wait3A_294 : memref<128xi32, #tpu.memory_space<hbm>>) dst(%arg13 : memref<128xi32, #tpu.memory_space<vmem>>)
      %dma_wait3A_295 = arith.constant 0 : i32
      %dma_wait3A_296 = arith.constant 0 : i32
      %dma_wait3A_297 = tpu.memref_slice %arg6[%dma_wait3A_295, %dma_wait3A_296] : memref<10240x128xf32, #tpu.memory_space<vmem_shared>> -> memref<10240x128xf32, #tpu.memory_space<vmem_shared>>
      tpu.wait_indirect_dma semaphore(%arg19 : memref<!tpu.dma_semaphore, #tpu.memory_space<semaphore_mem>>) src(%arg7 : memref<128x128xf32, #tpu.memory_space<vmem>>) dst(%dma_wait3A_297 : memref<10240x128xf32, #tpu.memory_space<vmem_shared>>)
      %dma_start3A_298 = arith.constant 0 : i32
      %dma_start3A_299 = arith.constant 0 : i32
      %dma_start3A_300 = tpu.memref_slice %arg2[%dma_start3A_298, %dma_start3A_299] : memref<10000x128xf32, #tpu.memory_space<hbm>> -> memref<10000x128xf32, #tpu.memory_space<hbm>>
      tpu.enqueue_indirect_dma source(%dma_start3A_300 : memref<10000x128xf32, #tpu.memory_space<hbm>>) target(%arg7 : memref<128x128xf32, #tpu.memory_space<vmem>>) offsets(%arg9 : memref<128xi32, #tpu.memory_space<vmem>>) semaphore(%arg17 : memref<!tpu.dma_semaphore, #tpu.memory_space<semaphore_mem>>)
      %add3A_301 = arith.addi %select_n3A, %add3A_231 : i32
      %add3A_302 = arith.constant 1 : i32
      %add3A_303 = arith.addi %add3A_301, %add3A_302 : i32
      %add3A_304 = arith.constant 3 : i32
      %add3A_305 = arith.addi %add3A_303, %add3A_304 : i32
      %dma_start3A_306 = arith.constant 0 : i32
      %dma_start3A_307 = tpu.memref_slice %arg3[%add3A_305, %dma_start3A_306] : memref<2561x128xi32, #tpu.memory_space<hbm>> -> memref<1x128xi32, #tpu.memory_space<hbm>>
      %dma_start3A_308 = tpu.memref_squeeze %dma_start3A_307 : memref<1x128xi32, #tpu.memory_space<hbm>> -> memref<128xi32, #tpu.memory_space<hbm>>
      %dma_start3A_309 = arith.constant 0 : i32
      %dma_start3A_310 = tpu.memref_slice %arg3[%add3A_305, %dma_start3A_309] : memref<2561x128xi32, #tpu.memory_space<hbm>> -> memref<1x128xi32, #tpu.memory_space<hbm>>
      %dma_start3A_311 = tpu.memref_squeeze %dma_start3A_310 : memref<1x128xi32, #tpu.memory_space<hbm>> -> memref<128xi32, #tpu.memory_space<hbm>>
      tpu.enqueue_dma source(%dma_start3A_311 : memref<128xi32, #tpu.memory_space<hbm>>) target(%arg11 : memref<128xi32, #tpu.memory_space<vmem>>) target_semaphore(%arg23 : memref<!tpu.dma_semaphore, #tpu.memory_space<semaphore_mem>>)
      %dma_start3A_312 = arith.constant 0 : i32
      %dma_start3A_313 = tpu.memref_slice %arg4[%add3A_305, %dma_start3A_312] : memref<2561x128xi32, #tpu.memory_space<hbm>> -> memref<1x128xi32, #tpu.memory_space<hbm>>
      %dma_start3A_314 = tpu.memref_squeeze %dma_start3A_313 : memref<1x128xi32, #tpu.memory_space<hbm>> -> memref<128xi32, #tpu.memory_space<hbm>>
      %dma_start3A_315 = arith.constant 0 : i32
      %dma_start3A_316 = tpu.memref_slice %arg4[%add3A_305, %dma_start3A_315] : memref<2561x128xi32, #tpu.memory_space<hbm>> -> memref<1x128xi32, #tpu.memory_space<hbm>>
      %dma_start3A_317 = tpu.memref_squeeze %dma_start3A_316 : memref<1x128xi32, #tpu.memory_space<hbm>> -> memref<128xi32, #tpu.memory_space<hbm>>
      tpu.enqueue_dma source(%dma_start3A_317 : memref<128xi32, #tpu.memory_space<hbm>>) target(%arg15 : memref<128xi32, #tpu.memory_space<vmem>>) target_semaphore(%arg23 : memref<!tpu.dma_semaphore, #tpu.memory_space<semaphore_mem>>)
      %dma_wait3A_318 = arith.constant 0 : i32
      %dma_wait3A_319 = arith.constant 0 : i32
      %dma_wait3A_320 = tpu.memref_slice %arg2[%dma_wait3A_318, %dma_wait3A_319] : memref<10000x128xf32, #tpu.memory_space<hbm>> -> memref<10000x128xf32, #tpu.memory_space<hbm>>
      tpu.wait_indirect_dma semaphore(%arg17 : memref<!tpu.dma_semaphore, #tpu.memory_space<semaphore_mem>>) src(%dma_wait3A_320 : memref<10000x128xf32, #tpu.memory_space<hbm>>) dst(%arg7 : memref<128x128xf32, #tpu.memory_space<vmem>>)
      %dma_start3A_321 = arith.constant 0 : i32
      %dma_start3A_322 = arith.constant 0 : i32
      %dma_start3A_323 = tpu.memref_slice %arg6[%dma_start3A_321, %dma_start3A_322] : memref<10240x128xf32, #tpu.memory_space<vmem_shared>> -> memref<10240x128xf32, #tpu.memory_space<vmem_shared>>
      tpu.enqueue_indirect_dma source(%arg7 : memref<128x128xf32, #tpu.memory_space<vmem>>) target(%dma_start3A_323 : memref<10240x128xf32, #tpu.memory_space<vmem_shared>>) offsets(%arg13 : memref<128xi32, #tpu.memory_space<vmem>>) semaphore(%arg19 : memref<!tpu.dma_semaphore, #tpu.memory_space<semaphore_mem>>) {add = true}
      %dma_wait3A_324 = arith.constant 0 : i32
      %dma_wait3A_325 = arith.constant 0 : i32
      %dma_wait3A_326 = tpu.memref_slice %arg3[%dma_wait3A_324, %dma_wait3A_325] : memref<2561x128xi32, #tpu.memory_space<hbm>> -> memref<1x128xi32, #tpu.memory_space<hbm>>
      %dma_wait3A_327 = tpu.memref_squeeze %dma_wait3A_326 : memref<1x128xi32, #tpu.memory_space<hbm>> -> memref<128xi32, #tpu.memory_space<hbm>>
      %dma_wait3A_328 = arith.constant 0 : i32
      %dma_wait3A_329 = tpu.memref_slice %arg3[%dma_wait3A_324, %dma_wait3A_328] : memref<2561x128xi32, #tpu.memory_space<hbm>> -> memref<1x128xi32, #tpu.memory_space<hbm>>
      %dma_wait3A_330 = tpu.memref_squeeze %dma_wait3A_329 : memref<1x128xi32, #tpu.memory_space<hbm>> -> memref<128xi32, #tpu.memory_space<hbm>>
      tpu.wait_dma2 semaphore(%arg22 : memref<!tpu.dma_semaphore, #tpu.memory_space<semaphore_mem>>) src(%dma_wait3A_330 : memref<128xi32, #tpu.memory_space<hbm>>) dst(%arg10 : memref<128xi32, #tpu.memory_space<vmem>>)
      %dma_wait3A_331 = arith.constant 0 : i32
      %dma_wait3A_332 = arith.constant 0 : i32
      %dma_wait3A_333 = tpu.memref_slice %arg4[%dma_wait3A_331, %dma_wait3A_332] : memref<2561x128xi32, #tpu.memory_space<hbm>> -> memref<1x128xi32, #tpu.memory_space<hbm>>
      %dma_wait3A_334 = tpu.memref_squeeze %dma_wait3A_333 : memref<1x128xi32, #tpu.memory_space<hbm>> -> memref<128xi32, #tpu.memory_space<hbm>>
      %dma_wait3A_335 = arith.constant 0 : i32
      %dma_wait3A_336 = tpu.memref_slice %arg4[%dma_wait3A_331, %dma_wait3A_335] : memref<2561x128xi32, #tpu.memory_space<hbm>> -> memref<1x128xi32, #tpu.memory_space<hbm>>
      %dma_wait3A_337 = tpu.memref_squeeze %dma_wait3A_336 : memref<1x128xi32, #tpu.memory_space<hbm>> -> memref<128xi32, #tpu.memory_space<hbm>>
      tpu.wait_dma2 semaphore(%arg22 : memref<!tpu.dma_semaphore, #tpu.memory_space<semaphore_mem>>) src(%dma_wait3A_337 : memref<128xi32, #tpu.memory_space<hbm>>) dst(%arg14 : memref<128xi32, #tpu.memory_space<vmem>>)
      %dma_wait3A_338 = arith.constant 0 : i32
      %dma_wait3A_339 = arith.constant 0 : i32
      %dma_wait3A_340 = tpu.memref_slice %arg6[%dma_wait3A_338, %dma_wait3A_339] : memref<10240x128xf32, #tpu.memory_space<vmem_shared>> -> memref<10240x128xf32, #tpu.memory_space<vmem_shared>>
      tpu.wait_indirect_dma semaphore(%arg20 : memref<!tpu.dma_semaphore, #tpu.memory_space<semaphore_mem>>) src(%arg8 : memref<128x128xf32, #tpu.memory_space<vmem>>) dst(%dma_wait3A_340 : memref<10240x128xf32, #tpu.memory_space<vmem_shared>>)
      %dma_start3A_341 = arith.constant 0 : i32
      %dma_start3A_342 = arith.constant 0 : i32
      %dma_start3A_343 = tpu.memref_slice %arg2[%dma_start3A_341, %dma_start3A_342] : memref<10000x128xf32, #tpu.memory_space<hbm>> -> memref<10000x128xf32, #tpu.memory_space<hbm>>
      tpu.enqueue_indirect_dma source(%dma_start3A_343 : memref<10000x128xf32, #tpu.memory_space<hbm>>) target(%arg8 : memref<128x128xf32, #tpu.memory_space<vmem>>) offsets(%arg10 : memref<128xi32, #tpu.memory_space<vmem>>) semaphore(%arg18 : memref<!tpu.dma_semaphore, #tpu.memory_space<semaphore_mem>>)
      %add3A_344 = arith.addi %select_n3A, %add3A_231 : i32
      %add3A_345 = arith.constant 2 : i32
      %add3A_346 = arith.addi %add3A_344, %add3A_345 : i32
      %add3A_347 = arith.constant 3 : i32
      %add3A_348 = arith.addi %add3A_346, %add3A_347 : i32
      %dma_start3A_349 = arith.constant 0 : i32
      %dma_start3A_350 = tpu.memref_slice %arg3[%add3A_348, %dma_start3A_349] : memref<2561x128xi32, #tpu.memory_space<hbm>> -> memref<1x128xi32, #tpu.memory_space<hbm>>
      %dma_start3A_351 = tpu.memref_squeeze %dma_start3A_350 : memref<1x128xi32, #tpu.memory_space<hbm>> -> memref<128xi32, #tpu.memory_space<hbm>>
      %dma_start3A_352 = arith.constant 0 : i32
      %dma_start3A_353 = tpu.memref_slice %arg3[%add3A_348, %dma_start3A_352] : memref<2561x128xi32, #tpu.memory_space<hbm>> -> memref<1x128xi32, #tpu.memory_space<hbm>>
      %dma_start3A_354 = tpu.memref_squeeze %dma_start3A_353 : memref<1x128xi32, #tpu.memory_space<hbm>> -> memref<128xi32, #tpu.memory_space<hbm>>
      tpu.enqueue_dma source(%dma_start3A_354 : memref<128xi32, #tpu.memory_space<hbm>>) target(%arg12 : memref<128xi32, #tpu.memory_space<vmem>>) target_semaphore(%arg24 : memref<!tpu.dma_semaphore, #tpu.memory_space<semaphore_mem>>)
      %dma_start3A_355 = arith.constant 0 : i32
      %dma_start3A_356 = tpu.memref_slice %arg4[%add3A_348, %dma_start3A_355] : memref<2561x128xi32, #tpu.memory_space<hbm>> -> memref<1x128xi32, #tpu.memory_space<hbm>>
      %dma_start3A_357 = tpu.memref_squeeze %dma_start3A_356 : memref<1x128xi32, #tpu.memory_space<hbm>> -> memref<128xi32, #tpu.memory_space<hbm>>
      %dma_start3A_358 = arith.constant 0 : i32
      %dma_start3A_359 = tpu.memref_slice %arg4[%add3A_348, %dma_start3A_358] : memref<2561x128xi32, #tpu.memory_space<hbm>> -> memref<1x128xi32, #tpu.memory_space<hbm>>
      %dma_start3A_360 = tpu.memref_squeeze %dma_start3A_359 : memref<1x128xi32, #tpu.memory_space<hbm>> -> memref<128xi32, #tpu.memory_space<hbm>>
      tpu.enqueue_dma source(%dma_start3A_360 : memref<128xi32, #tpu.memory_space<hbm>>) target(%arg16 : memref<128xi32, #tpu.memory_space<vmem>>) target_semaphore(%arg24 : memref<!tpu.dma_semaphore, #tpu.memory_space<semaphore_mem>>)
      %dma_wait3A_361 = arith.constant 0 : i32
      %dma_wait3A_362 = arith.constant 0 : i32
      %dma_wait3A_363 = tpu.memref_slice %arg2[%dma_wait3A_361, %dma_wait3A_362] : memref<10000x128xf32, #tpu.memory_space<hbm>> -> memref<10000x128xf32, #tpu.memory_space<hbm>>
      tpu.wait_indirect_dma semaphore(%arg18 : memref<!tpu.dma_semaphore, #tpu.memory_space<semaphore_mem>>) src(%dma_wait3A_363 : memref<10000x128xf32, #tpu.memory_space<hbm>>) dst(%arg8 : memref<128x128xf32, #tpu.memory_space<vmem>>)
      %dma_start3A_364 = arith.constant 0 : i32
      %dma_start3A_365 = arith.constant 0 : i32
      %dma_start3A_366 = tpu.memref_slice %arg6[%dma_start3A_364, %dma_start3A_365] : memref<10240x128xf32, #tpu.memory_space<vmem_shared>> -> memref<10240x128xf32, #tpu.memory_space<vmem_shared>>
      tpu.enqueue_indirect_dma source(%arg8 : memref<128x128xf32, #tpu.memory_space<vmem>>) target(%dma_start3A_366 : memref<10240x128xf32, #tpu.memory_space<vmem_shared>>) offsets(%arg14 : memref<128xi32, #tpu.memory_space<vmem>>) semaphore(%arg20 : memref<!tpu.dma_semaphore, #tpu.memory_space<semaphore_mem>>) {add = true}
      %dma_wait3A_367 = arith.constant 0 : i32
      %dma_wait3A_368 = arith.constant 0 : i32
      %dma_wait3A_369 = tpu.memref_slice %arg3[%dma_wait3A_367, %dma_wait3A_368] : memref<2561x128xi32, #tpu.memory_space<hbm>> -> memref<1x128xi32, #tpu.memory_space<hbm>>
      %dma_wait3A_370 = tpu.memref_squeeze %dma_wait3A_369 : memref<1x128xi32, #tpu.memory_space<hbm>> -> memref<128xi32, #tpu.memory_space<hbm>>
      %dma_wait3A_371 = arith.constant 0 : i32
      %dma_wait3A_372 = tpu.memref_slice %arg3[%dma_wait3A_367, %dma_wait3A_371] : memref<2561x128xi32, #tpu.memory_space<hbm>> -> memref<1x128xi32, #tpu.memory_space<hbm>>
      %dma_wait3A_373 = tpu.memref_squeeze %dma_wait3A_372 : memref<1x128xi32, #tpu.memory_space<hbm>> -> memref<128xi32, #tpu.memory_space<hbm>>
      tpu.wait_dma2 semaphore(%arg23 : memref<!tpu.dma_semaphore, #tpu.memory_space<semaphore_mem>>) src(%dma_wait3A_373 : memref<128xi32, #tpu.memory_space<hbm>>) dst(%arg11 : memref<128xi32, #tpu.memory_space<vmem>>)
      %dma_wait3A_374 = arith.constant 0 : i32
      %dma_wait3A_375 = arith.constant 0 : i32
      %dma_wait3A_376 = tpu.memref_slice %arg4[%dma_wait3A_374, %dma_wait3A_375] : memref<2561x128xi32, #tpu.memory_space<hbm>> -> memref<1x128xi32, #tpu.memory_space<hbm>>
      %dma_wait3A_377 = tpu.memref_squeeze %dma_wait3A_376 : memref<1x128xi32, #tpu.memory_space<hbm>> -> memref<128xi32, #tpu.memory_space<hbm>>
      %dma_wait3A_378 = arith.constant 0 : i32
      %dma_wait3A_379 = tpu.memref_slice %arg4[%dma_wait3A_374, %dma_wait3A_378] : memref<2561x128xi32, #tpu.memory_space<hbm>> -> memref<1x128xi32, #tpu.memory_space<hbm>>
      %dma_wait3A_380 = tpu.memref_squeeze %dma_wait3A_379 : memref<1x128xi32, #tpu.memory_space<hbm>> -> memref<128xi32, #tpu.memory_space<hbm>>
      tpu.wait_dma2 semaphore(%arg23 : memref<!tpu.dma_semaphore, #tpu.memory_space<semaphore_mem>>) src(%dma_wait3A_380 : memref<128xi32, #tpu.memory_space<hbm>>) dst(%arg15 : memref<128xi32, #tpu.memory_space<vmem>>)
      %dma_wait3A_381 = arith.constant 0 : i32
      %dma_wait3A_382 = arith.constant 0 : i32
      %dma_wait3A_383 = tpu.memref_slice %arg6[%dma_wait3A_381, %dma_wait3A_382] : memref<10240x128xf32, #tpu.memory_space<vmem_shared>> -> memref<10240x128xf32, #tpu.memory_space<vmem_shared>>
      tpu.wait_indirect_dma semaphore(%arg19 : memref<!tpu.dma_semaphore, #tpu.memory_space<semaphore_mem>>) src(%arg7 : memref<128x128xf32, #tpu.memory_space<vmem>>) dst(%dma_wait3A_383 : memref<10240x128xf32, #tpu.memory_space<vmem_shared>>)
      %dma_start3A_384 = arith.constant 0 : i32
      %dma_start3A_385 = arith.constant 0 : i32
      %dma_start3A_386 = tpu.memref_slice %arg2[%dma_start3A_384, %dma_start3A_385] : memref<10000x128xf32, #tpu.memory_space<hbm>> -> memref<10000x128xf32, #tpu.memory_space<hbm>>
      tpu.enqueue_indirect_dma source(%dma_start3A_386 : memref<10000x128xf32, #tpu.memory_space<hbm>>) target(%arg7 : memref<128x128xf32, #tpu.memory_space<vmem>>) offsets(%arg11 : memref<128xi32, #tpu.memory_space<vmem>>) semaphore(%arg17 : memref<!tpu.dma_semaphore, #tpu.memory_space<semaphore_mem>>)
      %add3A_387 = arith.addi %select_n3A, %add3A_231 : i32
      %add3A_388 = arith.constant 3 : i32
      %add3A_389 = arith.addi %add3A_387, %add3A_388 : i32
      %add3A_390 = arith.constant 3 : i32
      %add3A_391 = arith.addi %add3A_389, %add3A_390 : i32
      %dma_start3A_392 = arith.constant 0 : i32
      %dma_start3A_393 = tpu.memref_slice %arg3[%add3A_391, %dma_start3A_392] : memref<2561x128xi32, #tpu.memory_space<hbm>> -> memref<1x128xi32, #tpu.memory_space<hbm>>
      %dma_start3A_394 = tpu.memref_squeeze %dma_start3A_393 : memref<1x128xi32, #tpu.memory_space<hbm>> -> memref<128xi32, #tpu.memory_space<hbm>>
      %dma_start3A_395 = arith.constant 0 : i32
      %dma_start3A_396 = tpu.memref_slice %arg3[%add3A_391, %dma_start3A_395] : memref<2561x128xi32, #tpu.memory_space<hbm>> -> memref<1x128xi32, #tpu.memory_space<hbm>>
      %dma_start3A_397 = tpu.memref_squeeze %dma_start3A_396 : memref<1x128xi32, #tpu.memory_space<hbm>> -> memref<128xi32, #tpu.memory_space<hbm>>
      tpu.enqueue_dma source(%dma_start3A_397 : memref<128xi32, #tpu.memory_space<hbm>>) target(%arg9 : memref<128xi32, #tpu.memory_space<vmem>>) target_semaphore(%arg21 : memref<!tpu.dma_semaphore, #tpu.memory_space<semaphore_mem>>)
      %dma_start3A_398 = arith.constant 0 : i32
      %dma_start3A_399 = tpu.memref_slice %arg4[%add3A_391, %dma_start3A_398] : memref<2561x128xi32, #tpu.memory_space<hbm>> -> memref<1x128xi32, #tpu.memory_space<hbm>>
      %dma_start3A_400 = tpu.memref_squeeze %dma_start3A_399 : memref<1x128xi32, #tpu.memory_space<hbm>> -> memref<128xi32, #tpu.memory_space<hbm>>
      %dma_start3A_401 = arith.constant 0 : i32
      %dma_start3A_402 = tpu.memref_slice %arg4[%add3A_391, %dma_start3A_401] : memref<2561x128xi32, #tpu.memory_space<hbm>> -> memref<1x128xi32, #tpu.memory_space<hbm>>
      %dma_start3A_403 = tpu.memref_squeeze %dma_start3A_402 : memref<1x128xi32, #tpu.memory_space<hbm>> -> memref<128xi32, #tpu.memory_space<hbm>>
      tpu.enqueue_dma source(%dma_start3A_403 : memref<128xi32, #tpu.memory_space<hbm>>) target(%arg13 : memref<128xi32, #tpu.memory_space<vmem>>) target_semaphore(%arg21 : memref<!tpu.dma_semaphore, #tpu.memory_space<semaphore_mem>>)
    }
    %while3A_173 = arith.constant 1 : i32
    scf.for %while3A_227 = %while3A_171 to %while3A_167 step %while3A_173  : i32 {
      %mul3A_228 = arith.constant 4 : i32
      %mul3A_229 = arith.muli %mul3A_228, %while3A_227 : i32
      %add3A_230 = arith.constant 2 : i32
      %add3A_231 = arith.addi %add3A_230, %mul3A_229 : i32
      %dma_wait3A_232 = arith.constant 0 : i32
      %dma_wait3A_233 = arith.constant 0 : i32
      %dma_wait3A_234 = tpu.memref_slice %arg2[%dma_wait3A_232, %dma_wait3A_233] : memref<10000x128xf32, #tpu.memory_space<hbm>> -> memref<10000x128xf32, #tpu.memory_space<hbm>>
      tpu.wait_indirect_dma semaphore(%arg17 : memref<!tpu.dma_semaphore, #tpu.memory_space<semaphore_mem>>) src(%dma_wait3A_234 : memref<10000x128xf32, #tpu.memory_space<hbm>>) dst(%arg7 : memref<128x128xf32, #tpu.memory_space<vmem>>)
      %dma_start3A_235 = arith.constant 0 : i32
      %dma_start3A_236 = arith.constant 0 : i32
      %dma_start3A_237 = tpu.memref_slice %arg6[%dma_start3A_235, %dma_start3A_236] : memref<10240x128xf32, #tpu.memory_space<vmem_shared>> -> memref<10240x128xf32, #tpu.memory_space<vmem_shared>>
      tpu.enqueue_indirect_dma source(%arg7 : memref<128x128xf32, #tpu.memory_space<vmem>>) target(%dma_start3A_237 : memref<10240x128xf32, #tpu.memory_space<vmem_shared>>) offsets(%arg15 : memref<128xi32, #tpu.memory_space<vmem>>) semaphore(%arg19 : memref<!tpu.dma_semaphore, #tpu.memory_space<semaphore_mem>>) {add = true}
      %dma_wait3A_238 = arith.constant 0 : i32
      %dma_wait3A_239 = arith.constant 0 : i32
      %dma_wait3A_240 = tpu.memref_slice %arg3[%dma_wait3A_238, %dma_wait3A_239] : memref<2561x128xi32, #tpu.memory_space<hbm>> -> memref<1x128xi32, #tpu.memory_space<hbm>>
      %dma_wait3A_241 = tpu.memref_squeeze %dma_wait3A_240 : memref<1x128xi32, #tpu.memory_space<hbm>> -> memref<128xi32, #tpu.memory_space<hbm>>
      %dma_wait3A_242 = arith.constant 0 : i32
      %dma_wait3A_243 = tpu.memref_slice %arg3[%dma_wait3A_238, %dma_wait3A_242] : memref<2561x128xi32, #tpu.memory_space<hbm>> -> memref<1x128xi32, #tpu.memory_space<hbm>>
      %dma_wait3A_244 = tpu.memref_squeeze %dma_wait3A_243 : memref<1x128xi32, #tpu.memory_space<hbm>> -> memref<128xi32, #tpu.memory_space<hbm>>
      tpu.wait_dma2 semaphore(%arg24 : memref<!tpu.dma_semaphore, #tpu.memory_space<semaphore_mem>>) src(%dma_wait3A_244 : memref<128xi32, #tpu.memory_space<hbm>>) dst(%arg12 : memref<128xi32, #tpu.memory_space<vmem>>)
      %dma_wait3A_245 = arith.constant 0 : i32
      %dma_wait3A_246 = arith.constant 0 : i32
      %dma_wait3A_247 = tpu.memref_slice %arg4[%dma_wait3A_245, %dma_wait3A_246] : memref<2561x128xi32, #tpu.memory_space<hbm>> -> memref<1x128xi32, #tpu.memory_space<hbm>>
      %dma_wait3A_248 = tpu.memref_squeeze %dma_wait3A_247 : memref<1x128xi32, #tpu.memory_space<hbm>> -> memref<128xi32, #tpu.memory_space<hbm>>
      %dma_wait3A_249 = arith.constant 0 : i32
      %dma_wait3A_250 = tpu.memref_slice %arg4[%dma_wait3A_245, %dma_wait3A_249] : memref<2561x128xi32, #tpu.memory_space<hbm>> -> memref<1x128xi32, #tpu.memory_space<hbm>>
      %dma_wait3A_251 = tpu.memref_squeeze %dma_wait3A_250 : memref<1x128xi32, #tpu.memory_space<hbm>> -> memref<128xi32, #tpu.memory_space<hbm>>
      tpu.wait_dma2 semaphore(%arg24 : memref<!tpu.dma_semaphore, #tpu.memory_space<semaphore_mem>>) src(%dma_wait3A_251 : memref<128xi32, #tpu.memory_space<hbm>>) dst(%arg16 : memref<128xi32, #tpu.memory_space<vmem>>)
      %dma_wait3A_252 = arith.constant 0 : i32
      %dma_wait3A_253 = arith.constant 0 : i32
      %dma_wait3A_254 = tpu.memref_slice %arg6[%dma_wait3A_252, %dma_wait3A_253] : memref<10240x128xf32, #tpu.memory_space<vmem_shared>> -> memref<10240x128xf32, #tpu.memory_space<vmem_shared>>
      tpu.wait_indirect_dma semaphore(%arg20 : memref<!tpu.dma_semaphore, #tpu.memory_space<semaphore_mem>>) src(%arg8 : memref<128x128xf32, #tpu.memory_space<vmem>>) dst(%dma_wait3A_254 : memref<10240x128xf32, #tpu.memory_space<vmem_shared>>)
      %dma_start3A_255 = arith.constant 0 : i32
      %dma_start3A_256 = arith.constant 0 : i32
      %dma_start3A_257 = tpu.memref_slice %arg2[%dma_start3A_255, %dma_start3A_256] : memref<10000x128xf32, #tpu.memory_space<hbm>> -> memref<10000x128xf32, #tpu.memory_space<hbm>>
      tpu.enqueue_indirect_dma source(%dma_start3A_257 : memref<10000x128xf32, #tpu.memory_space<hbm>>) target(%arg8 : memref<128x128xf32, #tpu.memory_space<vmem>>) offsets(%arg12 : memref<128xi32, #tpu.memory_space<vmem>>) semaphore(%arg18 : memref<!tpu.dma_semaphore, #tpu.memory_space<semaphore_mem>>)
      %add3A_258 = arith.addi %select_n3A, %add3A_231 : i32
      %add3A_259 = arith.constant 0 : i32
      %add3A_260 = arith.addi %add3A_258, %add3A_259 : i32
      %add3A_261 = arith.constant 3 : i32
      %add3A_262 = arith.addi %add3A_260, %add3A_261 : i32
      %dma_start3A_263 = arith.constant 0 : i32
      %dma_start3A_264 = tpu.memref_slice %arg3[%add3A_262, %dma_start3A_263] : memref<2561x128xi32, #tpu.memory_space<hbm>> -> memref<1x128xi32, #tpu.memory_space<hbm>>
      %dma_start3A_265 = tpu.memref_squeeze %dma_start3A_264 : memref<1x128xi32, #tpu.memory_space<hbm>> -> memref<128xi32, #tpu.memory_space<hbm>>
      %dma_start3A_266 = arith.constant 0 : i32
      %dma_start3A_267 = tpu.memref_slice %arg3[%add3A_262, %dma_start3A_266] : memref<2561x128xi32, #tpu.memory_space<hbm>> -> memref<1x128xi32, #tpu.memory_space<hbm>>
      %dma_start3A_268 = tpu.memref_squeeze %dma_start3A_267 : memref<1x128xi32, #tpu.memory_space<hbm>> -> memref<128xi32, #tpu.memory_space<hbm>>
      tpu.enqueue_dma source(%dma_start3A_268 : memref<128xi32, #tpu.memory_space<hbm>>) target(%arg10 : memref<128xi32, #tpu.memory_space<vmem>>) target_semaphore(%arg22 : memref<!tpu.dma_semaphore, #tpu.memory_space<semaphore_mem>>)
      %dma_start3A_269 = arith.constant 0 : i32
      %dma_start3A_270 = tpu.memref_slice %arg4[%add3A_262, %dma_start3A_269] : memref<2561x128xi32, #tpu.memory_space<hbm>> -> memref<1x128xi32, #tpu.memory_space<hbm>>
      %dma_start3A_271 = tpu.memref_squeeze %dma_start3A_270 : memref<1x128xi32, #tpu.memory_space<hbm>> -> memref<128xi32, #tpu.memory_space<hbm>>
      %dma_start3A_272 = arith.constant 0 : i32
      %dma_start3A_273 = tpu.memref_slice %arg4[%add3A_262, %dma_start3A_272] : memref<2561x128xi32, #tpu.memory_space<hbm>> -> memref<1x128xi32, #tpu.memory_space<hbm>>
      %dma_start3A_274 = tpu.memref_squeeze %dma_start3A_273 : memref<1x128xi32, #tpu.memory_space<hbm>> -> memref<128xi32, #tpu.memory_space<hbm>>
      tpu.enqueue_dma source(%dma_start3A_274 : memref<128xi32, #tpu.memory_space<hbm>>) target(%arg14 : memref<128xi32, #tpu.memory_space<vmem>>) target_semaphore(%arg22 : memref<!tpu.dma_semaphore, #tpu.memory_space<semaphore_mem>>)
      %dma_wait3A_275 = arith.constant 0 : i32
      %dma_wait3A_276 = arith.constant 0 : i32
      %dma_wait3A_277 = tpu.memref_slice %arg2[%dma_wait3A_275, %dma_wait3A_276] : memref<10000x128xf32, #tpu.memory_space<hbm>> -> memref<10000x128xf32, #tpu.memory_space<hbm>>
      tpu.wait_indirect_dma semaphore(%arg18 : memref<!tpu.dma_semaphore, #tpu.memory_space<semaphore_mem>>) src(%dma_wait3A_277 : memref<10000x128xf32, #tpu.memory_space<hbm>>) dst(%arg8 : memref<128x128xf32, #tpu.memory_space<vmem>>)
      %dma_start3A_278 = arith.constant 0 : i32
      %dma_start3A_279 = arith.constant 0 : i32
      %dma_start3A_280 = tpu.memref_slice %arg6[%dma_start3A_278, %dma_start3A_279] : memref<10240x128xf32, #tpu.memory_space<vmem_shared>> -> memref<10240x128xf32, #tpu.memory_space<vmem_shared>>
      tpu.enqueue_indirect_dma source(%arg8 : memref<128x128xf32, #tpu.memory_space<vmem>>) target(%dma_start3A_280 : memref<10240x128xf32, #tpu.memory_space<vmem_shared>>) offsets(%arg16 : memref<128xi32, #tpu.memory_space<vmem>>) semaphore(%arg20 : memref<!tpu.dma_semaphore, #tpu.memory_space<semaphore_mem>>) {add = true}
      %dma_wait3A_281 = arith.constant 0 : i32
      %dma_wait3A_282 = arith.constant 0 : i32
      %dma_wait3A_283 = tpu.memref_slice %arg3[%dma_wait3A_281, %dma_wait3A_282] : memref<2561x128xi32, #tpu.memory_space<hbm>> -> memref<1x128xi32, #tpu.memory_space<hbm>>
      %dma_wait3A_284 = tpu.memref_squeeze %dma_wait3A_283 : memref<1x128xi32, #tpu.memory_space<hbm>> -> memref<128xi32, #tpu.memory_space<hbm>>
      %dma_wait3A_285 = arith.constant 0 : i32
      %dma_wait3A_286 = tpu.memref_slice %arg3[%dma_wait3A_281, %dma_wait3A_285] : memref<2561x128xi32, #tpu.memory_space<hbm>> -> memref<1x128xi32, #tpu.memory_space<hbm>>
      %dma_wait3A_287 = tpu.memref_squeeze %dma_wait3A_286 : memref<1x128xi32, #tpu.memory_space<hbm>> -> memref<128xi32, #tpu.memory_space<hbm>>
      tpu.wait_dma2 semaphore(%arg21 : memref<!tpu.dma_semaphore, #tpu.memory_space<semaphore_mem>>) src(%dma_wait3A_287 : memref<128xi32, #tpu.memory_space<hbm>>) dst(%arg9 : memref<128xi32, #tpu.memory_space<vmem>>)
      %dma_wait3A_288 = arith.constant 0 : i32
      %dma_wait3A_289 = arith.constant 0 : i32
      %dma_wait3A_290 = tpu.memref_slice %arg4[%dma_wait3A_288, %dma_wait3A_289] : memref<2561x128xi32, #tpu.memory_space<hbm>> -> memref<1x128xi32, #tpu.memory_space<hbm>>
      %dma_wait3A_291 = tpu.memref_squeeze %dma_wait3A_290 : memref<1x128xi32, #tpu.memory_space<hbm>> -> memref<128xi32, #tpu.memory_space<hbm>>
      %dma_wait3A_292 = arith.constant 0 : i32
      %dma_wait3A_293 = tpu.memref_slice %arg4[%dma_wait3A_288, %dma_wait3A_292] : memref<2561x128xi32, #tpu.memory_space<hbm>> -> memref<1x128xi32, #tpu.memory_space<hbm>>
      %dma_wait3A_294 = tpu.memref_squeeze %dma_wait3A_293 : memref<1x128xi32, #tpu.memory_space<hbm>> -> memref<128xi32, #tpu.memory_space<hbm>>
      tpu.wait_dma2 semaphore(%arg21 : memref<!tpu.dma_semaphore, #tpu.memory_space<semaphore_mem>>) src(%dma_wait3A_294 : memref<128xi32, #tpu.memory_space<hbm>>) dst(%arg13 : memref<128xi32, #tpu.memory_space<vmem>>)
      %dma_wait3A_295 = arith.constant 0 : i32
      %dma_wait3A_296 = arith.constant 0 : i32
      %dma_wait3A_297 = tpu.memref_slice %arg6[%dma_wait3A_295, %dma_wait3A_296] : memref<10240x128xf32, #tpu.memory_space<vmem_shared>> -> memref<10240x128xf32, #tpu.memory_space<vmem_shared>>
      tpu.wait_indirect_dma semaphore(%arg19 : memref<!tpu.dma_semaphore, #tpu.memory_space<semaphore_mem>>) src(%arg7 : memref<128x128xf32, #tpu.memory_space<vmem>>) dst(%dma_wait3A_297 : memref<10240x128xf32, #tpu.memory_space<vmem_shared>>)
      %dma_start3A_298 = arith.constant 0 : i32
      %dma_start3A_299 = arith.constant 0 : i32
      %dma_start3A_300 = tpu.memref_slice %arg2[%dma_start3A_298, %dma_start3A_299] : memref<10000x128xf32, #tpu.memory_space<hbm>> -> memref<10000x128xf32, #tpu.memory_space<hbm>>
      tpu.enqueue_indirect_dma source(%dma_start3A_300 : memref<10000x128xf32, #tpu.memory_space<hbm>>) target(%arg7 : memref<128x128xf32, #tpu.memory_space<vmem>>) offsets(%arg9 : memref<128xi32, #tpu.memory_space<vmem>>) semaphore(%arg17 : memref<!tpu.dma_semaphore, #tpu.memory_space<semaphore_mem>>)
      %add3A_301 = arith.addi %select_n3A, %add3A_231 : i32
      %add3A_302 = arith.constant 1 : i32
      %add3A_303 = arith.addi %add3A_301, %add3A_302 : i32
      %add3A_304 = arith.constant 3 : i32
      %add3A_305 = arith.addi %add3A_303, %add3A_304 : i32
      %dma_start3A_306 = arith.constant 0 : i32
      %dma_start3A_307 = tpu.memref_slice %arg3[%add3A_305, %dma_start3A_306] : memref<2561x128xi32, #tpu.memory_space<hbm>> -> memref<1x128xi32, #tpu.memory_space<hbm>>
      %dma_start3A_308 = tpu.memref_squeeze %dma_start3A_307 : memref<1x128xi32, #tpu.memory_space<hbm>> -> memref<128xi32, #tpu.memory_space<hbm>>
      %dma_start3A_309 = arith.constant 0 : i32
      %dma_start3A_310 = tpu.memref_slice %arg3[%add3A_305, %dma_start3A_309] : memref<2561x128xi32, #tpu.memory_space<hbm>> -> memref<1x128xi32, #tpu.memory_space<hbm>>
      %dma_start3A_311 = tpu.memref_squeeze %dma_start3A_310 : memref<1x128xi32, #tpu.memory_space<hbm>> -> memref<128xi32, #tpu.memory_space<hbm>>
      tpu.enqueue_dma source(%dma_start3A_311 : memref<128xi32, #tpu.memory_space<hbm>>) target(%arg11 : memref<128xi32, #tpu.memory_space<vmem>>) target_semaphore(%arg23 : memref<!tpu.dma_semaphore, #tpu.memory_space<semaphore_mem>>)
      %dma_start3A_312 = arith.constant 0 : i32
      %dma_start3A_313 = tpu.memref_slice %arg4[%add3A_305, %dma_start3A_312] : memref<2561x128xi32, #tpu.memory_space<hbm>> -> memref<1x128xi32, #tpu.memory_space<hbm>>
      %dma_start3A_314 = tpu.memref_squeeze %dma_start3A_313 : memref<1x128xi32, #tpu.memory_space<hbm>> -> memref<128xi32, #tpu.memory_space<hbm>>
      %dma_start3A_315 = arith.constant 0 : i32
      %dma_start3A_316 = tpu.memref_slice %arg4[%add3A_305, %dma_start3A_315] : memref<2561x128xi32, #tpu.memory_space<hbm>> -> memref<1x128xi32, #tpu.memory_space<hbm>>
      %dma_start3A_317 = tpu.memref_squeeze %dma_start3A_316 : memref<1x128xi32, #tpu.memory_space<hbm>> -> memref<128xi32, #tpu.memory_space<hbm>>
      tpu.enqueue_dma source(%dma_start3A_317 : memref<128xi32, #tpu.memory_space<hbm>>) target(%arg15 : memref<128xi32, #tpu.memory_space<vmem>>) target_semaphore(%arg23 : memref<!tpu.dma_semaphore, #tpu.memory_space<semaphore_mem>>)
      %dma_wait3A_318 = arith.constant 0 : i32
      %dma_wait3A_319 = arith.constant 0 : i32
      %dma_wait3A_320 = tpu.memref_slice %arg2[%dma_wait3A_318, %dma_wait3A_319] : memref<10000x128xf32, #tpu.memory_space<hbm>> -> memref<10000x128xf32, #tpu.memory_space<hbm>>
      tpu.wait_indirect_dma semaphore(%arg17 : memref<!tpu.dma_semaphore, #tpu.memory_space<semaphore_mem>>) src(%dma_wait3A_320 : memref<10000x128xf32, #tpu.memory_space<hbm>>) dst(%arg7 : memref<128x128xf32, #tpu.memory_space<vmem>>)
      %dma_start3A_321 = arith.constant 0 : i32
      %dma_start3A_322 = arith.constant 0 : i32
      %dma_start3A_323 = tpu.memref_slice %arg6[%dma_start3A_321, %dma_start3A_322] : memref<10240x128xf32, #tpu.memory_space<vmem_shared>> -> memref<10240x128xf32, #tpu.memory_space<vmem_shared>>
      tpu.enqueue_indirect_dma source(%arg7 : memref<128x128xf32, #tpu.memory_space<vmem>>) target(%dma_start3A_323 : memref<10240x128xf32, #tpu.memory_space<vmem_shared>>) offsets(%arg13 : memref<128xi32, #tpu.memory_space<vmem>>) semaphore(%arg19 : memref<!tpu.dma_semaphore, #tpu.memory_space<semaphore_mem>>) {add = true}
      %dma_wait3A_324 = arith.constant 0 : i32
      %dma_wait3A_325 = arith.constant 0 : i32
      %dma_wait3A_326 = tpu.memref_slice %arg3[%dma_wait3A_324, %dma_wait3A_325] : memref<2561x128xi32, #tpu.memory_space<hbm>> -> memref<1x128xi32, #tpu.memory_space<hbm>>
      %dma_wait3A_327 = tpu.memref_squeeze %dma_wait3A_326 : memref<1x128xi32, #tpu.memory_space<hbm>> -> memref<128xi32, #tpu.memory_space<hbm>>
      %dma_wait3A_328 = arith.constant 0 : i32
      %dma_wait3A_329 = tpu.memref_slice %arg3[%dma_wait3A_324, %dma_wait3A_328] : memref<2561x128xi32, #tpu.memory_space<hbm>> -> memref<1x128xi32, #tpu.memory_space<hbm>>
      %dma_wait3A_330 = tpu.memref_squeeze %dma_wait3A_329 : memref<1x128xi32, #tpu.memory_space<hbm>> -> memref<128xi32, #tpu.memory_space<hbm>>
      tpu.wait_dma2 semaphore(%arg22 : memref<!tpu.dma_semaphore, #tpu.memory_space<semaphore_mem>>) src(%dma_wait3A_330 : memref<128xi32, #tpu.memory_space<hbm>>) dst(%arg10 : memref<128xi32, #tpu.memory_space<vmem>>)
      %dma_wait3A_331 = arith.constant 0 : i32
      %dma_wait3A_332 = arith.constant 0 : i32
      %dma_wait3A_333 = tpu.memref_slice %arg4[%dma_wait3A_331, %dma_wait3A_332] : memref<2561x128xi32, #tpu.memory_space<hbm>> -> memref<1x128xi32, #tpu.memory_space<hbm>>
      %dma_wait3A_334 = tpu.memref_squeeze %dma_wait3A_333 : memref<1x128xi32, #tpu.memory_space<hbm>> -> memref<128xi32, #tpu.memory_space<hbm>>
      %dma_wait3A_335 = arith.constant 0 : i32
      %dma_wait3A_336 = tpu.memref_slice %arg4[%dma_wait3A_331, %dma_wait3A_335] : memref<2561x128xi32, #tpu.memory_space<hbm>> -> memref<1x128xi32, #tpu.memory_space<hbm>>
      %dma_wait3A_337 = tpu.memref_squeeze %dma_wait3A_336 : memref<1x128xi32, #tpu.memory_space<hbm>> -> memref<128xi32, #tpu.memory_space<hbm>>
      tpu.wait_dma2 semaphore(%arg22 : memref<!tpu.dma_semaphore, #tpu.memory_space<semaphore_mem>>) src(%dma_wait3A_337 : memref<128xi32, #tpu.memory_space<hbm>>) dst(%arg14 : memref<128xi32, #tpu.memory_space<vmem>>)
      %dma_wait3A_338 = arith.constant 0 : i32
      %dma_wait3A_339 = arith.constant 0 : i32
      %dma_wait3A_340 = tpu.memref_slice %arg6[%dma_wait3A_338, %dma_wait3A_339] : memref<10240x128xf32, #tpu.memory_space<vmem_shared>> -> memref<10240x128xf32, #tpu.memory_space<vmem_shared>>
      tpu.wait_indirect_dma semaphore(%arg20 : memref<!tpu.dma_semaphore, #tpu.memory_space<semaphore_mem>>) src(%arg8 : memref<128x128xf32, #tpu.memory_space<vmem>>) dst(%dma_wait3A_340 : memref<10240x128xf32, #tpu.memory_space<vmem_shared>>)
      %dma_start3A_341 = arith.constant 0 : i32
      %dma_start3A_342 = arith.constant 0 : i32
      %dma_start3A_343 = tpu.memref_slice %arg2[%dma_start3A_341, %dma_start3A_342] : memref<10000x128xf32, #tpu.memory_space<hbm>> -> memref<10000x128xf32, #tpu.memory_space<hbm>>
      tpu.enqueue_indirect_dma source(%dma_start3A_343 : memref<10000x128xf32, #tpu.memory_space<hbm>>) target(%arg8 : memref<128x128xf32, #tpu.memory_space<vmem>>) offsets(%arg10 : memref<128xi32, #tpu.memory_space<vmem>>) semaphore(%arg18 : memref<!tpu.dma_semaphore, #tpu.memory_space<semaphore_mem>>)
      %add3A_344 = arith.addi %select_n3A, %add3A_231 : i32
      %add3A_345 = arith.constant 2 : i32
      %add3A_346 = arith.addi %add3A_344, %add3A_345 : i32
      %add3A_347 = arith.constant 3 : i32
      %add3A_348 = arith.addi %add3A_346, %add3A_347 : i32
      %dma_start3A_349 = arith.constant 0 : i32
      %dma_start3A_350 = tpu.memref_slice %arg3[%add3A_348, %dma_start3A_349] : memref<2561x128xi32, #tpu.memory_space<hbm>> -> memref<1x128xi32, #tpu.memory_space<hbm>>
      %dma_start3A_351 = tpu.memref_squeeze %dma_start3A_350 : memref<1x128xi32, #tpu.memory_space<hbm>> -> memref<128xi32, #tpu.memory_space<hbm>>
      %dma_start3A_352 = arith.constant 0 : i32
      %dma_start3A_353 = tpu.memref_slice %arg3[%add3A_348, %dma_start3A_352] : memref<2561x128xi32, #tpu.memory_space<hbm>> -> memref<1x128xi32, #tpu.memory_space<hbm>>
      %dma_start3A_354 = tpu.memref_squeeze %dma_start3A_353 : memref<1x128xi32, #tpu.memory_space<hbm>> -> memref<128xi32, #tpu.memory_space<hbm>>
      tpu.enqueue_dma source(%dma_start3A_354 : memref<128xi32, #tpu.memory_space<hbm>>) target(%arg12 : memref<128xi32, #tpu.memory_space<vmem>>) target_semaphore(%arg24 : memref<!tpu.dma_semaphore, #tpu.memory_space<semaphore_mem>>)
      %dma_start3A_355 = arith.constant 0 : i32
      %dma_start3A_356 = tpu.memref_slice %arg4[%add3A_348, %dma_start3A_355] : memref<2561x128xi32, #tpu.memory_space<hbm>> -> memref<1x128xi32, #tpu.memory_space<hbm>>
      %dma_start3A_357 = tpu.memref_squeeze %dma_start3A_356 : memref<1x128xi32, #tpu.memory_space<hbm>> -> memref<128xi32, #tpu.memory_space<hbm>>
      %dma_start3A_358 = arith.constant 0 : i32
      %dma_start3A_359 = tpu.memref_slice %arg4[%add3A_348, %dma_start3A_358] : memref<2561x128xi32, #tpu.memory_space<hbm>> -> memref<1x128xi32, #tpu.memory_space<hbm>>
      %dma_start3A_360 = tpu.memref_squeeze %dma_start3A_359 : memref<1x128xi32, #tpu.memory_space<hbm>> -> memref<128xi32, #tpu.memory_space<hbm>>
      tpu.enqueue_dma source(%dma_start3A_360 : memref<128xi32, #tpu.memory_space<hbm>>) target(%arg16 : memref<128xi32, #tpu.memory_space<vmem>>) target_semaphore(%arg24 : memref<!tpu.dma_semaphore, #tpu.memory_space<semaphore_mem>>)
      %dma_wait3A_361 = arith.constant 0 : i32
      %dma_wait3A_362 = arith.constant 0 : i32
      %dma_wait3A_363 = tpu.memref_slice %arg2[%dma_wait3A_361, %dma_wait3A_362] : memref<10000x128xf32, #tpu.memory_space<hbm>> -> memref<10000x128xf32, #tpu.memory_space<hbm>>
      tpu.wait_indirect_dma semaphore(%arg18 : memref<!tpu.dma_semaphore, #tpu.memory_space<semaphore_mem>>) src(%dma_wait3A_363 : memref<10000x128xf32, #tpu.memory_space<hbm>>) dst(%arg8 : memref<128x128xf32, #tpu.memory_space<vmem>>)
      %dma_start3A_364 = arith.constant 0 : i32
      %dma_start3A_365 = arith.constant 0 : i32
      %dma_start3A_366 = tpu.memref_slice %arg6[%dma_start3A_364, %dma_start3A_365] : memref<10240x128xf32, #tpu.memory_space<vmem_shared>> -> memref<10240x128xf32, #tpu.memory_space<vmem_shared>>
      tpu.enqueue_indirect_dma source(%arg8 : memref<128x128xf32, #tpu.memory_space<vmem>>) target(%dma_start3A_366 : memref<10240x128xf32, #tpu.memory_space<vmem_shared>>) offsets(%arg14 : memref<128xi32, #tpu.memory_space<vmem>>) semaphore(%arg20 : memref<!tpu.dma_semaphore, #tpu.memory_space<semaphore_mem>>) {add = true}
      %dma_wait3A_367 = arith.constant 0 : i32
      %dma_wait3A_368 = arith.constant 0 : i32
      %dma_wait3A_369 = tpu.memref_slice %arg3[%dma_wait3A_367, %dma_wait3A_368] : memref<2561x128xi32, #tpu.memory_space<hbm>> -> memref<1x128xi32, #tpu.memory_space<hbm>>
      %dma_wait3A_370 = tpu.memref_squeeze %dma_wait3A_369 : memref<1x128xi32, #tpu.memory_space<hbm>> -> memref<128xi32, #tpu.memory_space<hbm>>
      %dma_wait3A_371 = arith.constant 0 : i32
      %dma_wait3A_372 = tpu.memref_slice %arg3[%dma_wait3A_367, %dma_wait3A_371] : memref<2561x128xi32, #tpu.memory_space<hbm>> -> memref<1x128xi32, #tpu.memory_space<hbm>>
      %dma_wait3A_373 = tpu.memref_squeeze %dma_wait3A_372 : memref<1x128xi32, #tpu.memory_space<hbm>> -> memref<128xi32, #tpu.memory_space<hbm>>
      tpu.wait_dma2 semaphore(%arg23 : memref<!tpu.dma_semaphore, #tpu.memory_space<semaphore_mem>>) src(%dma_wait3A_373 : memref<128xi32, #tpu.memory_space<hbm>>) dst(%arg11 : memref<128xi32, #tpu.memory_space<vmem>>)
      %dma_wait3A_374 = arith.constant 0 : i32
      %dma_wait3A_375 = arith.constant 0 : i32
      %dma_wait3A_376 = tpu.memref_slice %arg4[%dma_wait3A_374, %dma_wait3A_375] : memref<2561x128xi32, #tpu.memory_space<hbm>> -> memref<1x128xi32, #tpu.memory_space<hbm>>
      %dma_wait3A_377 = tpu.memref_squeeze %dma_wait3A_376 : memref<1x128xi32, #tpu.memory_space<hbm>> -> memref<128xi32, #tpu.memory_space<hbm>>
      %dma_wait3A_378 = arith.constant 0 : i32
      %dma_wait3A_379 = tpu.memref_slice %arg4[%dma_wait3A_374, %dma_wait3A_378] : memref<2561x128xi32, #tpu.memory_space<hbm>> -> memref<1x128xi32, #tpu.memory_space<hbm>>
      %dma_wait3A_380 = tpu.memref_squeeze %dma_wait3A_379 : memref<1x128xi32, #tpu.memory_space<hbm>> -> memref<128xi32, #tpu.memory_space<hbm>>
      tpu.wait_dma2 semaphore(%arg23 : memref<!tpu.dma_semaphore, #tpu.memory_space<semaphore_mem>>) src(%dma_wait3A_380 : memref<128xi32, #tpu.memory_space<hbm>>) dst(%arg15 : memref<128xi32, #tpu.memory_space<vmem>>)
      %dma_wait3A_381 = arith.constant 0 : i32
      %dma_wait3A_382 = arith.constant 0 : i32
      %dma_wait3A_383 = tpu.memref_slice %arg6[%dma_wait3A_381, %dma_wait3A_382] : memref<10240x128xf32, #tpu.memory_space<vmem_shared>> -> memref<10240x128xf32, #tpu.memory_space<vmem_shared>>
      tpu.wait_indirect_dma semaphore(%arg19 : memref<!tpu.dma_semaphore, #tpu.memory_space<semaphore_mem>>) src(%arg7 : memref<128x128xf32, #tpu.memory_space<vmem>>) dst(%dma_wait3A_383 : memref<10240x128xf32, #tpu.memory_space<vmem_shared>>)
      %dma_start3A_384 = arith.constant 0 : i32
      %dma_start3A_385 = arith.constant 0 : i32
      %dma_start3A_386 = tpu.memref_slice %arg2[%dma_start3A_384, %dma_start3A_385] : memref<10000x128xf32, #tpu.memory_space<hbm>> -> memref<10000x128xf32, #tpu.memory_space<hbm>>
      tpu.enqueue_indirect_dma source(%dma_start3A_386 : memref<10000x128xf32, #tpu.memory_space<hbm>>) target(%arg7 : memref<128x128xf32, #tpu.memory_space<vmem>>) offsets(%arg11 : memref<128xi32, #tpu.memory_space<vmem>>) semaphore(%arg17 : memref<!tpu.dma_semaphore, #tpu.memory_space<semaphore_mem>>)
      %add3A_387 = arith.addi %select_n3A, %add3A_231 : i32
      %add3A_388 = arith.constant 3 : i32
      %add3A_389 = arith.addi %add3A_387, %add3A_388 : i32
      %add3A_390 = arith.constant 3 : i32
      %add3A_391 = arith.addi %add3A_389, %add3A_390 : i32
      %dma_start3A_392 = arith.constant 0 : i32
      %dma_start3A_393 = tpu.memref_slice %arg3[%add3A_391, %dma_start3A_392] : memref<2561x128xi32, #tpu.memory_space<hbm>> -> memref<1x128xi32, #tpu.memory_space<hbm>>
      %dma_start3A_394 = tpu.memref_squeeze %dma_start3A_393 : memref<1x128xi32, #tpu.memory_space<hbm>> -> memref<128xi32, #tpu.memory_space<hbm>>
      %dma_start3A_395 = arith.constant 0 : i32
      %dma_start3A_396 = tpu.memref_slice %arg3[%add3A_391, %dma_start3A_395] : memref<2561x128xi32, #tpu.memory_space<hbm>> -> memref<1x128xi32, #tpu.memory_space<hbm>>
      %dma_start3A_397 = tpu.memref_squeeze %dma_start3A_396 : memref<1x128xi32, #tpu.memory_space<hbm>> -> memref<128xi32, #tpu.memory_space<hbm>>
      tpu.enqueue_dma source(%dma_start3A_397 : memref<128xi32, #tpu.memory_space<hbm>>) target(%arg9 : memref<128xi32, #tpu.memory_space<vmem>>) target_semaphore(%arg21 : memref<!tpu.dma_semaphore, #tpu.memory_space<semaphore_mem>>)
      %dma_start3A_398 = arith.constant 0 : i32
      %dma_start3A_399 = tpu.memref_slice %arg4[%add3A_391, %dma_start3A_398] : memref<2561x128xi32, #tpu.memory_space<hbm>> -> memref<1x128xi32, #tpu.memory_space<hbm>>
      %dma_start3A_400 = tpu.memref_squeeze %dma_start3A_399 : memref<1x128xi32, #tpu.memory_space<hbm>> -> memref<128xi32, #tpu.memory_space<hbm>>
      %dma_start3A_401 = arith.constant 0 : i32
      %dma_start3A_402 = tpu.memref_slice %arg4[%add3A_391, %dma_start3A_401] : memref<2561x128xi32, #tpu.memory_space<hbm>> -> memref<1x128xi32, #tpu.memory_space<hbm>>
      %dma_start3A_403 = tpu.memref_squeeze %dma_start3A_402 : memref<1x128xi32, #tpu.memory_space<hbm>> -> memref<128xi32, #tpu.memory_space<hbm>>
      tpu.enqueue_dma source(%dma_start3A_403 : memref<128xi32, #tpu.memory_space<hbm>>) target(%arg13 : memref<128xi32, #tpu.memory_space<vmem>>) target_semaphore(%arg21 : memref<!tpu.dma_semaphore, #tpu.memory_space<semaphore_mem>>)
    }
    %dma_wait3A_174 = arith.constant 0 : i32
    %dma_wait3A_175 = arith.constant 0 : i32
    %dma_wait3A_176 = tpu.memref_slice %arg2[%dma_wait3A_174, %dma_wait3A_175] : memref<10000x128xf32, #tpu.memory_space<hbm>> -> memref<10000x128xf32, #tpu.memory_space<hbm>>
    tpu.wait_indirect_dma semaphore(%arg17 : memref<!tpu.dma_semaphore, #tpu.memory_space<semaphore_mem>>) src(%dma_wait3A_176 : memref<10000x128xf32, #tpu.memory_space<hbm>>) dst(%arg7 : memref<128x128xf32, #tpu.memory_space<vmem>>)
    %dma_start3A_177 = arith.constant 0 : i32
    %dma_start3A_178 = arith.constant 0 : i32
    %dma_start3A_179 = tpu.memref_slice %arg6[%dma_start3A_177, %dma_start3A_178] : memref<10240x128xf32, #tpu.memory_space<vmem_shared>> -> memref<10240x128xf32, #tpu.memory_space<vmem_shared>>
    tpu.enqueue_indirect_dma source(%arg7 : memref<128x128xf32, #tpu.memory_space<vmem>>) target(%dma_start3A_179 : memref<10240x128xf32, #tpu.memory_space<vmem_shared>>) offsets(%arg15 : memref<128xi32, #tpu.memory_space<vmem>>) semaphore(%arg19 : memref<!tpu.dma_semaphore, #tpu.memory_space<semaphore_mem>>) {add = true}
    %dma_wait3A_180 = arith.constant 0 : i32
    %dma_wait3A_181 = arith.constant 0 : i32
    %dma_wait3A_182 = tpu.memref_slice %arg3[%dma_wait3A_180, %dma_wait3A_181] : memref<2561x128xi32, #tpu.memory_space<hbm>> -> memref<1x128xi32, #tpu.memory_space<hbm>>
    %dma_wait3A_183 = tpu.memref_squeeze %dma_wait3A_182 : memref<1x128xi32, #tpu.memory_space<hbm>> -> memref<128xi32, #tpu.memory_space<hbm>>
    %dma_wait3A_184 = arith.constant 0 : i32
    %dma_wait3A_185 = tpu.memref_slice %arg3[%dma_wait3A_180, %dma_wait3A_184] : memref<2561x128xi32, #tpu.memory_space<hbm>> -> memref<1x128xi32, #tpu.memory_space<hbm>>
    %dma_wait3A_186 = tpu.memref_squeeze %dma_wait3A_185 : memref<1x128xi32, #tpu.memory_space<hbm>> -> memref<128xi32, #tpu.memory_space<hbm>>
    tpu.wait_dma2 semaphore(%arg24 : memref<!tpu.dma_semaphore, #tpu.memory_space<semaphore_mem>>) src(%dma_wait3A_186 : memref<128xi32, #tpu.memory_space<hbm>>) dst(%arg12 : memref<128xi32, #tpu.memory_space<vmem>>)
    %dma_wait3A_187 = arith.constant 0 : i32
    %dma_wait3A_188 = arith.constant 0 : i32
    %dma_wait3A_189 = tpu.memref_slice %arg4[%dma_wait3A_187, %dma_wait3A_188] : memref<2561x128xi32, #tpu.memory_space<hbm>> -> memref<1x128xi32, #tpu.memory_space<hbm>>
    %dma_wait3A_190 = tpu.memref_squeeze %dma_wait3A_189 : memref<1x128xi32, #tpu.memory_space<hbm>> -> memref<128xi32, #tpu.memory_space<hbm>>
    %dma_wait3A_191 = arith.constant 0 : i32
    %dma_wait3A_192 = tpu.memref_slice %arg4[%dma_wait3A_187, %dma_wait3A_191] : memref<2561x128xi32, #tpu.memory_space<hbm>> -> memref<1x128xi32, #tpu.memory_space<hbm>>
    %dma_wait3A_193 = tpu.memref_squeeze %dma_wait3A_192 : memref<1x128xi32, #tpu.memory_space<hbm>> -> memref<128xi32, #tpu.memory_space<hbm>>
    tpu.wait_dma2 semaphore(%arg24 : memref<!tpu.dma_semaphore, #tpu.memory_space<semaphore_mem>>) src(%dma_wait3A_193 : memref<128xi32, #tpu.memory_space<hbm>>) dst(%arg16 : memref<128xi32, #tpu.memory_space<vmem>>)
    %dma_wait3A_194 = arith.constant 0 : i32
    %dma_wait3A_195 = arith.constant 0 : i32
    %dma_wait3A_196 = tpu.memref_slice %arg6[%dma_wait3A_194, %dma_wait3A_195] : memref<10240x128xf32, #tpu.memory_space<vmem_shared>> -> memref<10240x128xf32, #tpu.memory_space<vmem_shared>>
    tpu.wait_indirect_dma semaphore(%arg20 : memref<!tpu.dma_semaphore, #tpu.memory_space<semaphore_mem>>) src(%arg8 : memref<128x128xf32, #tpu.memory_space<vmem>>) dst(%dma_wait3A_196 : memref<10240x128xf32, #tpu.memory_space<vmem_shared>>)
    %dma_start3A_197 = arith.constant 0 : i32
    %dma_start3A_198 = arith.constant 0 : i32
    %dma_start3A_199 = tpu.memref_slice %arg2[%dma_start3A_197, %dma_start3A_198] : memref<10000x128xf32, #tpu.memory_space<hbm>> -> memref<10000x128xf32, #tpu.memory_space<hbm>>
    tpu.enqueue_indirect_dma source(%dma_start3A_199 : memref<10000x128xf32, #tpu.memory_space<hbm>>) target(%arg8 : memref<128x128xf32, #tpu.memory_space<vmem>>) offsets(%arg12 : memref<128xi32, #tpu.memory_space<vmem>>) semaphore(%arg18 : memref<!tpu.dma_semaphore, #tpu.memory_space<semaphore_mem>>)
    %dma_wait3A_200 = arith.constant 0 : i32
    %dma_wait3A_201 = arith.constant 0 : i32
    %dma_wait3A_202 = tpu.memref_slice %arg2[%dma_wait3A_200, %dma_wait3A_201] : memref<10000x128xf32, #tpu.memory_space<hbm>> -> memref<10000x128xf32, #tpu.memory_space<hbm>>
    tpu.wait_indirect_dma semaphore(%arg18 : memref<!tpu.dma_semaphore, #tpu.memory_space<semaphore_mem>>) src(%dma_wait3A_202 : memref<10000x128xf32, #tpu.memory_space<hbm>>) dst(%arg8 : memref<128x128xf32, #tpu.memory_space<vmem>>)
    %dma_start3A_203 = arith.constant 0 : i32
    %dma_start3A_204 = arith.constant 0 : i32
    %dma_start3A_205 = tpu.memref_slice %arg6[%dma_start3A_203, %dma_start3A_204] : memref<10240x128xf32, #tpu.memory_space<vmem_shared>> -> memref<10240x128xf32, #tpu.memory_space<vmem_shared>>
    tpu.enqueue_indirect_dma source(%arg8 : memref<128x128xf32, #tpu.memory_space<vmem>>) target(%dma_start3A_205 : memref<10240x128xf32, #tpu.memory_space<vmem_shared>>) offsets(%arg16 : memref<128xi32, #tpu.memory_space<vmem>>) semaphore(%arg20 : memref<!tpu.dma_semaphore, #tpu.memory_space<semaphore_mem>>) {add = true}
    %dma_wait3A_206 = arith.constant 0 : i32
    %dma_wait3A_207 = arith.constant 0 : i32
    %dma_wait3A_208 = tpu.memref_slice %arg6[%dma_wait3A_206, %dma_wait3A_207] : memref<10240x128xf32, #tpu.memory_space<vmem_shared>> -> memref<10240x128xf32, #tpu.memory_space<vmem_shared>>
    tpu.wait_indirect_dma semaphore(%arg19 : memref<!tpu.dma_semaphore, #tpu.memory_space<semaphore_mem>>) src(%arg7 : memref<128x128xf32, #tpu.memory_space<vmem>>) dst(%dma_wait3A_208 : memref<10240x128xf32, #tpu.memory_space<vmem_shared>>)
    %dma_wait3A_209 = arith.constant 0 : i32
    %dma_wait3A_210 = arith.constant 0 : i32
    %dma_wait3A_211 = tpu.memref_slice %arg6[%dma_wait3A_209, %dma_wait3A_210] : memref<10240x128xf32, #tpu.memory_space<vmem_shared>> -> memref<10240x128xf32, #tpu.memory_space<vmem_shared>>
    tpu.wait_indirect_dma semaphore(%arg20 : memref<!tpu.dma_semaphore, #tpu.memory_space<semaphore_mem>>) src(%arg8 : memref<128x128xf32, #tpu.memory_space<vmem>>) dst(%dma_wait3A_211 : memref<10240x128xf32, #tpu.memory_space<vmem_shared>>)
    %dma_wait3A_212 = arith.constant 0 : i32
    %dma_wait3A_213 = arith.constant 0 : i32
    %dma_wait3A_214 = tpu.memref_slice %arg3[%dma_wait3A_212, %dma_wait3A_213] : memref<2561x128xi32, #tpu.memory_space<hbm>> -> memref<1x128xi32, #tpu.memory_space<hbm>>
    %dma_wait3A_215 = tpu.memref_squeeze %dma_wait3A_214 : memref<1x128xi32, #tpu.memory_space<hbm>> -> memref<128xi32, #tpu.memory_space<hbm>>
    %dma_wait3A_216 = arith.constant 0 : i32
    %dma_wait3A_217 = tpu.memref_slice %arg3[%dma_wait3A_212, %dma_wait3A_216] : memref<2561x128xi32, #tpu.memory_space<hbm>> -> memref<1x128xi32, #tpu.memory_space<hbm>>
    %dma_wait3A_218 = tpu.memref_squeeze %dma_wait3A_217 : memref<1x128xi32, #tpu.memory_space<hbm>> -> memref<128xi32, #tpu.memory_space<hbm>>
    tpu.wait_dma2 semaphore(%arg21 : memref<!tpu.dma_semaphore, #tpu.memory_space<semaphore_mem>>) src(%dma_wait3A_218 : memref<128xi32, #tpu.memory_space<hbm>>) dst(%arg9 : memref<128xi32, #tpu.memory_space<vmem>>)
    %dma_wait3A_219 = arith.constant 0 : i32
    %dma_wait3A_220 = arith.constant 0 : i32
    %dma_wait3A_221 = tpu.memref_slice %arg4[%dma_wait3A_219, %dma_wait3A_220] : memref<2561x128xi32, #tpu.memory_space<hbm>> -> memref<1x128xi32, #tpu.memory_space<hbm>>
    %dma_wait3A_222 = tpu.memref_squeeze %dma_wait3A_221 : memref<1x128xi32, #tpu.memory_space<hbm>> -> memref<128xi32, #tpu.memory_space<hbm>>
    %dma_wait3A_223 = arith.constant 0 : i32
    %dma_wait3A_224 = tpu.memref_slice %arg4[%dma_wait3A_219, %dma_wait3A_223] : memref<2561x128xi32, #tpu.memory_space<hbm>> -> memref<1x128xi32, #tpu.memory_space<hbm>>
    %dma_wait3A_225 = tpu.memref_squeeze %dma_wait3A_224 : memref<1x128xi32, #tpu.memory_space<hbm>> -> memref<128xi32, #tpu.memory_space<hbm>>
    tpu.wait_dma2 semaphore(%arg21 : memref<!tpu.dma_semaphore, #tpu.memory_space<semaphore_mem>>) src(%dma_wait3A_225 : memref<128xi32, #tpu.memory_space<hbm>>) dst(%arg13 : memref<128xi32, #tpu.memory_space<vmem>>)
    %barrier3A_226 = arith.constant 0 : index
    tpu.barrier barrier_id(%barrier3A_226)
    "tpu.region"() ({
      %run_scoped3A = tpu.sem_alloc : memref<!tpu.dma_semaphore, #tpu.memory_space<semaphore_mem>>
      %dma_start3A_227 = arith.constant 0 : i32
      %dma_start3A_228 = tpu.memref_slice %arg5[%arg0, %mul3A_0, %dma_start3A_227] : memref<2x10240x128xf32, #tpu.memory_space<hbm>> -> memref<1x640x128xf32, #tpu.memory_space<hbm>>
      %dma_start3A_229 = tpu.memref_squeeze %dma_start3A_228 : memref<1x640x128xf32, #tpu.memory_space<hbm>> -> memref<640x128xf32, #tpu.memory_space<hbm>>
      %dma_start3A_230 = arith.constant 0 : i32
      %dma_start3A_231 = tpu.memref_slice %arg6[%mul3A_0, %dma_start3A_230] : memref<10240x128xf32, #tpu.memory_space<vmem_shared>> -> memref<640x128xf32, #tpu.memory_space<vmem_shared>>
      tpu.enqueue_dma source(%dma_start3A_231 : memref<640x128xf32, #tpu.memory_space<vmem_shared>>) target(%dma_start3A_229 : memref<640x128xf32, #tpu.memory_space<hbm>>) target_semaphore(%run_scoped3A : memref<!tpu.dma_semaphore, #tpu.memory_space<semaphore_mem>>)
      %dma_wait3A_232 = arith.constant 0 : i32
      %dma_wait3A_233 = tpu.memref_slice %arg5[%arg0, %mul3A_0, %dma_wait3A_232] : memref<2x10240x128xf32, #tpu.memory_space<hbm>> -> memref<1x640x128xf32, #tpu.memory_space<hbm>>
      %dma_wait3A_234 = tpu.memref_squeeze %dma_wait3A_233 : memref<1x640x128xf32, #tpu.memory_space<hbm>> -> memref<640x128xf32, #tpu.memory_space<hbm>>
      %dma_wait3A_235 = arith.constant 0 : i32
      %dma_wait3A_236 = tpu.memref_slice %arg6[%mul3A_0, %dma_wait3A_235] : memref<10240x128xf32, #tpu.memory_space<vmem_shared>> -> memref<640x128xf32, #tpu.memory_space<vmem_shared>>
      tpu.wait_dma2 semaphore(%run_scoped3A : memref<!tpu.dma_semaphore, #tpu.memory_space<semaphore_mem>>) src(%dma_wait3A_236 : memref<640x128xf32, #tpu.memory_space<vmem_shared>>) dst(%dma_wait3A_234 : memref<640x128xf32, #tpu.memory_space<hbm>>)
      tpu.yield
    }) : () -> ()
    return
  }
}

#map = affine_map<(d0, d1) -> (0, 0)>
#map1 = affine_map<(d0, d1) -> (0, 0, 0)>
module attributes {stable_mosaic.version = 14 : i64} {
  func.func @_seg_sum_body(%arg0: i32, %arg1: i32, %arg2: memref<10000x128xf32, #tpu.memory_space<hbm>>, %arg3: memref<2561x128xi32, #tpu.memory_space<hbm>>, %arg4: memref<2561x128xi32, #tpu.memory_space<hbm>>, %arg5: memref<2x10240x128xf32, #tpu.memory_space<hbm>>, %arg6: memref<2x10240xf32, #tpu.memory_space<hbm>>, %arg7: memref<10240x128xf32, #tpu.memory_space<vmem_shared>>, %arg8: memref<10240xf32, #tpu.memory_space<vmem_shared>>, %arg9: memref<128xf32, #tpu.memory_space<vmem>>, %arg10: memref<640xf32, #tpu.memory_space<vmem>>, %arg11: memref<128x128xf32, #tpu.memory_space<vmem>>, %arg12: memref<128x128xf32, #tpu.memory_space<vmem>>, %arg13: memref<128xi32, #tpu.memory_space<vmem>>, %arg14: memref<128xi32, #tpu.memory_space<vmem>>, %arg15: memref<128xi32, #tpu.memory_space<vmem>>, %arg16: memref<128xi32, #tpu.memory_space<vmem>>, %arg17: memref<128xi32, #tpu.memory_space<vmem>>, %arg18: memref<128xi32, #tpu.memory_space<vmem>>, %arg19: memref<128xi32, #tpu.memory_space<vmem>>, %arg20: memref<128xi32, #tpu.memory_space<vmem>>, %arg21: memref<!tpu.dma_semaphore, #tpu.memory_space<semaphore_mem>>, %arg22: memref<!tpu.dma_semaphore, #tpu.memory_space<semaphore_mem>>, %arg23: memref<!tpu.dma_semaphore, #tpu.memory_space<semaphore_mem>>, %arg24: memref<!tpu.dma_semaphore, #tpu.memory_space<semaphore_mem>>, %arg25: memref<!tpu.dma_semaphore, #tpu.memory_space<semaphore_mem>>, %arg26: memref<!tpu.dma_semaphore, #tpu.memory_space<semaphore_mem>>, %arg27: memref<!tpu.dma_semaphore, #tpu.memory_space<semaphore_mem>>, %arg28: memref<!tpu.dma_semaphore, #tpu.memory_space<semaphore_mem>>, %arg29: memref<!tpu.dma_semaphore, #tpu.memory_space<semaphore_mem>>, %arg30: memref<!tpu.dma_semaphore, #tpu.memory_space<semaphore_mem>>) attributes {dimension_semantics = [#tpu.dimension_semantics<core_parallel>, #tpu.dimension_semantics<subcore_parallel>], iteration_bounds = array<i64: 2, 16>, scalar_prefetch = 0 : i64, scratch_operands = 24 : i64, tpu.core_type = #tpu.core_type<sc_vector_subcore>, window_params = [{transform_indices = #map}, {transform_indices = #map}, {transform_indices = #map}, {transform_indices = #map1}, {transform_indices = #map}]} {
    %mul3A = arith.constant 640 : i32
    %mul3A_0 = arith.muli %arg1, %mul3A : i32
    %eq3A = arith.constant 0 : i32
    %eq3A_1 = arith.cmpi eq, %arg0, %eq3A : i32
    %mul3A_2 = arith.constant 80 : i32
    %mul3A_3 = arith.muli %arg1, %mul3A_2 : i32
    %mul3A_4 = arith.constant 80 : i32
    %mul3A_5 = arith.muli %arg1, %mul3A_4 : i32
    %add3A = arith.constant 1280 : i32
    %add3A_6 = arith.addi %add3A, %mul3A_5 : i32
    %select_n3A = arith.select %eq3A_1, %mul3A_3, %add3A_6 : i32
    %eq3A_7 = arith.constant 0 : i32
    %eq3A_8 = arith.cmpi eq, %arg0, %eq3A_7 : i32
    %jit3A = arith.constant 80 : i32
    %jit3A_9 = arith.constant 80 : i32
    %select_n3A_10 = arith.select %eq3A_8, %jit3A, %jit3A_9 : i32
    %eq3A_11 = arith.constant 0 : i32
    %eq3A_12 = arith.cmpi eq, %arg0, %eq3A_11 : i32
    %jit3A_13 = arith.constant 19 : i32
    %jit3A_14 = arith.constant 19 : i32
    %select_n3A_15 = arith.select %eq3A_12, %jit3A_13, %jit3A_14 : i32
    %scan3A = arith.constant 0 : i32
    %scan3A_16 = arith.constant 0 : i32
    %scan3A_17 = arith.constant 128 : i32
    %scan3A_18 = arith.addi %scan3A_16, %scan3A_17 : i32
    %scan3A_19 = arith.constant 1 : i32
    scf.for %scan3A_255 = %scan3A_16 to %scan3A_18 step %scan3A_19  : i32 {
      %broadcast_in_dim3A = arith.constant 0.000000e+00 : f32
      %broadcast_in_dim3A_256 = vector.broadcast %broadcast_in_dim3A : f32 to vector<16xf32>
      %swap3A = arith.index_cast %scan3A_255 : i32 to index
      %swap3A_257 = arith.constant 0 : index
      %swap3A_258 = tpu.vector_load %arg11[%swap3A, %swap3A_257] {strides = array<i32>} : memref<128x128xf32, #tpu.memory_space<vmem>>, vector<16xf32>,
      tpu.vector_store %arg11[%swap3A, %swap3A_257], %broadcast_in_dim3A_256 {strides = array<i32>} : memref<128x128xf32, #tpu.memory_space<vmem>>, vector<16xf32>,
      %broadcast_in_dim3A_259 = arith.constant 0.000000e+00 : f32
      %broadcast_in_dim3A_260 = vector.broadcast %broadcast_in_dim3A_259 : f32 to vector<16xf32>
      %swap3A_261 = arith.index_cast %scan3A_255 : i32 to index
      %swap3A_262 = arith.constant 16 : index
      %swap3A_263 = tpu.vector_load %arg11[%swap3A_261, %swap3A_262] {strides = array<i32>} : memref<128x128xf32, #tpu.memory_space<vmem>>, vector<16xf32>,
      tpu.vector_store %arg11[%swap3A_261, %swap3A_262], %broadcast_in_dim3A_260 {strides = array<i32>} : memref<128x128xf32, #tpu.memory_space<vmem>>, vector<16xf32>,
      %broadcast_in_dim3A_264 = arith.constant 0.000000e+00 : f32
      %broadcast_in_dim3A_265 = vector.broadcast %broadcast_in_dim3A_264 : f32 to vector<16xf32>
      %swap3A_266 = arith.index_cast %scan3A_255 : i32 to index
      %swap3A_267 = arith.constant 32 : index
      %swap3A_268 = tpu.vector_load %arg11[%swap3A_266, %swap3A_267] {strides = array<i32>} : memref<128x128xf32, #tpu.memory_space<vmem>>, vector<16xf32>,
      tpu.vector_store %arg11[%swap3A_266, %swap3A_267], %broadcast_in_dim3A_265 {strides = array<i32>} : memref<128x128xf32, #tpu.memory_space<vmem>>, vector<16xf32>,
      %broadcast_in_dim3A_269 = arith.constant 0.000000e+00 : f32
      %broadcast_in_dim3A_270 = vector.broadcast %broadcast_in_dim3A_269 : f32 to vector<16xf32>
      %swap3A_271 = arith.index_cast %scan3A_255 : i32 to index
      %swap3A_272 = arith.constant 48 : index
      %swap3A_273 = tpu.vector_load %arg11[%swap3A_271, %swap3A_272] {strides = array<i32>} : memref<128x128xf32, #tpu.memory_space<vmem>>, vector<16xf32>,
      tpu.vector_store %arg11[%swap3A_271, %swap3A_272], %broadcast_in_dim3A_270 {strides = array<i32>} : memref<128x128xf32, #tpu.memory_space<vmem>>, vector<16xf32>,
      %broadcast_in_dim3A_274 = arith.constant 0.000000e+00 : f32
      %broadcast_in_dim3A_275 = vector.broadcast %broadcast_in_dim3A_274 : f32 to vector<16xf32>
      %swap3A_276 = arith.index_cast %scan3A_255 : i32 to index
      %swap3A_277 = arith.constant 64 : index
      %swap3A_278 = tpu.vector_load %arg11[%swap3A_276, %swap3A_277] {strides = array<i32>} : memref<128x128xf32, #tpu.memory_space<vmem>>, vector<16xf32>,
      tpu.vector_store %arg11[%swap3A_276, %swap3A_277], %broadcast_in_dim3A_275 {strides = array<i32>} : memref<128x128xf32, #tpu.memory_space<vmem>>, vector<16xf32>,
      %broadcast_in_dim3A_279 = arith.constant 0.000000e+00 : f32
      %broadcast_in_dim3A_280 = vector.broadcast %broadcast_in_dim3A_279 : f32 to vector<16xf32>
      %swap3A_281 = arith.index_cast %scan3A_255 : i32 to index
      %swap3A_282 = arith.constant 80 : index
      %swap3A_283 = tpu.vector_load %arg11[%swap3A_281, %swap3A_282] {strides = array<i32>} : memref<128x128xf32, #tpu.memory_space<vmem>>, vector<16xf32>,
      tpu.vector_store %arg11[%swap3A_281, %swap3A_282], %broadcast_in_dim3A_280 {strides = array<i32>} : memref<128x128xf32, #tpu.memory_space<vmem>>, vector<16xf32>,
      %broadcast_in_dim3A_284 = arith.constant 0.000000e+00 : f32
      %broadcast_in_dim3A_285 = vector.broadcast %broadcast_in_dim3A_284 : f32 to vector<16xf32>
      %swap3A_286 = arith.index_cast %scan3A_255 : i32 to index
      %swap3A_287 = arith.constant 96 : index
      %swap3A_288 = tpu.vector_load %arg11[%swap3A_286, %swap3A_287] {strides = array<i32>} : memref<128x128xf32, #tpu.memory_space<vmem>>, vector<16xf32>,
      tpu.vector_store %arg11[%swap3A_286, %swap3A_287], %broadcast_in_dim3A_285 {strides = array<i32>} : memref<128x128xf32, #tpu.memory_space<vmem>>, vector<16xf32>,
      %broadcast_in_dim3A_289 = arith.constant 0.000000e+00 : f32
      %broadcast_in_dim3A_290 = vector.broadcast %broadcast_in_dim3A_289 : f32 to vector<16xf32>
      %swap3A_291 = arith.index_cast %scan3A_255 : i32 to index
      %swap3A_292 = arith.constant 112 : index
      %swap3A_293 = tpu.vector_load %arg11[%swap3A_291, %swap3A_292] {strides = array<i32>} : memref<128x128xf32, #tpu.memory_space<vmem>>, vector<16xf32>,
      tpu.vector_store %arg11[%swap3A_291, %swap3A_292], %broadcast_in_dim3A_290 {strides = array<i32>} : memref<128x128xf32, #tpu.memory_space<vmem>>, vector<16xf32>,
    }
    %scan3A_20 = arith.constant 128 : i32
    %add3A_21 = arith.constant 0 : i32
    %add3A_22 = arith.addi %mul3A_0, %add3A_21 : i32
    "tpu.region"() ({
      %run_scoped3A = tpu.sem_alloc : memref<!tpu.dma_semaphore, #tpu.memory_space<semaphore_mem>>
      %dma_start3A_255 = arith.constant 0 : i32
      %dma_start3A_256 = tpu.memref_slice %arg7[%add3A_22, %dma_start3A_255] : memref<10240x128xf32, #tpu.memory_space<vmem_shared>> -> memref<128x128xf32, #tpu.memory_space<vmem_shared>>
      %dma_start3A_257 = arith.constant 0 : i32
      %dma_start3A_258 = tpu.memref_slice %arg7[%add3A_22, %dma_start3A_257] : memref<10240x128xf32, #tpu.memory_space<vmem_shared>> -> memref<128x128xf32, #tpu.memory_space<vmem_shared>>
      tpu.enqueue_dma source(%arg11 : memref<128x128xf32, #tpu.memory_space<vmem>>) target(%dma_start3A_258 : memref<128x128xf32, #tpu.memory_space<vmem_shared>>) target_semaphore(%run_scoped3A : memref<!tpu.dma_semaphore, #tpu.memory_space<semaphore_mem>>)
      %dma_wait3A_259 = arith.constant 0 : i32
      %dma_wait3A_260 = tpu.memref_slice %arg7[%add3A_22, %dma_wait3A_259] : memref<10240x128xf32, #tpu.memory_space<vmem_shared>> -> memref<128x128xf32, #tpu.memory_space<vmem_shared>>
      %dma_wait3A_261 = arith.constant 0 : i32
      %dma_wait3A_262 = tpu.memref_slice %arg7[%add3A_22, %dma_wait3A_261] : memref<10240x128xf32, #tpu.memory_space<vmem_shared>> -> memref<128x128xf32, #tpu.memory_space<vmem_shared>>
      tpu.wait_dma2 semaphore(%run_scoped3A : memref<!tpu.dma_semaphore, #tpu.memory_space<semaphore_mem>>) src(%arg11 : memref<128x128xf32, #tpu.memory_space<vmem>>) dst(%dma_wait3A_262 : memref<128x128xf32, #tpu.memory_space<vmem_shared>>)
      tpu.yield
    }) : () -> ()
    %add3A_23 = arith.constant 128 : i32
    %add3A_24 = arith.addi %mul3A_0, %add3A_23 : i32
    "tpu.region"() ({
      %run_scoped3A = tpu.sem_alloc : memref<!tpu.dma_semaphore, #tpu.memory_space<semaphore_mem>>
      %dma_start3A_255 = arith.constant 0 : i32
      %dma_start3A_256 = tpu.memref_slice %arg7[%add3A_24, %dma_start3A_255] : memref<10240x128xf32, #tpu.memory_space<vmem_shared>> -> memref<128x128xf32, #tpu.memory_space<vmem_shared>>
      %dma_start3A_257 = arith.constant 0 : i32
      %dma_start3A_258 = tpu.memref_slice %arg7[%add3A_24, %dma_start3A_257] : memref<10240x128xf32, #tpu.memory_space<vmem_shared>> -> memref<128x128xf32, #tpu.memory_space<vmem_shared>>
      tpu.enqueue_dma source(%arg11 : memref<128x128xf32, #tpu.memory_space<vmem>>) target(%dma_start3A_258 : memref<128x128xf32, #tpu.memory_space<vmem_shared>>) target_semaphore(%run_scoped3A : memref<!tpu.dma_semaphore, #tpu.memory_space<semaphore_mem>>)
      %dma_wait3A_259 = arith.constant 0 : i32
      %dma_wait3A_260 = tpu.memref_slice %arg7[%add3A_24, %dma_wait3A_259] : memref<10240x128xf32, #tpu.memory_space<vmem_shared>> -> memref<128x128xf32, #tpu.memory_space<vmem_shared>>
      %dma_wait3A_261 = arith.constant 0 : i32
      %dma_wait3A_262 = tpu.memref_slice %arg7[%add3A_24, %dma_wait3A_261] : memref<10240x128xf32, #tpu.memory_space<vmem_shared>> -> memref<128x128xf32, #tpu.memory_space<vmem_shared>>
      tpu.wait_dma2 semaphore(%run_scoped3A : memref<!tpu.dma_semaphore, #tpu.memory_space<semaphore_mem>>) src(%arg11 : memref<128x128xf32, #tpu.memory_space<vmem>>) dst(%dma_wait3A_262 : memref<128x128xf32, #tpu.memory_space<vmem_shared>>)
      tpu.yield
    }) : () -> ()
    %add3A_25 = arith.constant 256 : i32
    %add3A_26 = arith.addi %mul3A_0, %add3A_25 : i32
    "tpu.region"() ({
      %run_scoped3A = tpu.sem_alloc : memref<!tpu.dma_semaphore, #tpu.memory_space<semaphore_mem>>
      %dma_start3A_255 = arith.constant 0 : i32
      %dma_start3A_256 = tpu.memref_slice %arg7[%add3A_26, %dma_start3A_255] : memref<10240x128xf32, #tpu.memory_space<vmem_shared>> -> memref<128x128xf32, #tpu.memory_space<vmem_shared>>
      %dma_start3A_257 = arith.constant 0 : i32
      %dma_start3A_258 = tpu.memref_slice %arg7[%add3A_26, %dma_start3A_257] : memref<10240x128xf32, #tpu.memory_space<vmem_shared>> -> memref<128x128xf32, #tpu.memory_space<vmem_shared>>
      tpu.enqueue_dma source(%arg11 : memref<128x128xf32, #tpu.memory_space<vmem>>) target(%dma_start3A_258 : memref<128x128xf32, #tpu.memory_space<vmem_shared>>) target_semaphore(%run_scoped3A : memref<!tpu.dma_semaphore, #tpu.memory_space<semaphore_mem>>)
      %dma_wait3A_259 = arith.constant 0 : i32
      %dma_wait3A_260 = tpu.memref_slice %arg7[%add3A_26, %dma_wait3A_259] : memref<10240x128xf32, #tpu.memory_space<vmem_shared>> -> memref<128x128xf32, #tpu.memory_space<vmem_shared>>
      %dma_wait3A_261 = arith.constant 0 : i32
      %dma_wait3A_262 = tpu.memref_slice %arg7[%add3A_26, %dma_wait3A_261] : memref<10240x128xf32, #tpu.memory_space<vmem_shared>> -> memref<128x128xf32, #tpu.memory_space<vmem_shared>>
      tpu.wait_dma2 semaphore(%run_scoped3A : memref<!tpu.dma_semaphore, #tpu.memory_space<semaphore_mem>>) src(%arg11 : memref<128x128xf32, #tpu.memory_space<vmem>>) dst(%dma_wait3A_262 : memref<128x128xf32, #tpu.memory_space<vmem_shared>>)
      tpu.yield
    }) : () -> ()
    %add3A_27 = arith.constant 384 : i32
    %add3A_28 = arith.addi %mul3A_0, %add3A_27 : i32
    "tpu.region"() ({
      %run_scoped3A = tpu.sem_alloc : memref<!tpu.dma_semaphore, #tpu.memory_space<semaphore_mem>>
      %dma_start3A_255 = arith.constant 0 : i32
      %dma_start3A_256 = tpu.memref_slice %arg7[%add3A_28, %dma_start3A_255] : memref<10240x128xf32, #tpu.memory_space<vmem_shared>> -> memref<128x128xf32, #tpu.memory_space<vmem_shared>>
      %dma_start3A_257 = arith.constant 0 : i32
      %dma_start3A_258 = tpu.memref_slice %arg7[%add3A_28, %dma_start3A_257] : memref<10240x128xf32, #tpu.memory_space<vmem_shared>> -> memref<128x128xf32, #tpu.memory_space<vmem_shared>>
      tpu.enqueue_dma source(%arg11 : memref<128x128xf32, #tpu.memory_space<vmem>>) target(%dma_start3A_258 : memref<128x128xf32, #tpu.memory_space<vmem_shared>>) target_semaphore(%run_scoped3A : memref<!tpu.dma_semaphore, #tpu.memory_space<semaphore_mem>>)
      %dma_wait3A_259 = arith.constant 0 : i32
      %dma_wait3A_260 = tpu.memref_slice %arg7[%add3A_28, %dma_wait3A_259] : memref<10240x128xf32, #tpu.memory_space<vmem_shared>> -> memref<128x128xf32, #tpu.memory_space<vmem_shared>>
      %dma_wait3A_261 = arith.constant 0 : i32
      %dma_wait3A_262 = tpu.memref_slice %arg7[%add3A_28, %dma_wait3A_261] : memref<10240x128xf32, #tpu.memory_space<vmem_shared>> -> memref<128x128xf32, #tpu.memory_space<vmem_shared>>
      tpu.wait_dma2 semaphore(%run_scoped3A : memref<!tpu.dma_semaphore, #tpu.memory_space<semaphore_mem>>) src(%arg11 : memref<128x128xf32, #tpu.memory_space<vmem>>) dst(%dma_wait3A_262 : memref<128x128xf32, #tpu.memory_space<vmem_shared>>)
      tpu.yield
    }) : () -> ()
    %add3A_29 = arith.constant 512 : i32
    %add3A_30 = arith.addi %mul3A_0, %add3A_29 : i32
    "tpu.region"() ({
      %run_scoped3A = tpu.sem_alloc : memref<!tpu.dma_semaphore, #tpu.memory_space<semaphore_mem>>
      %dma_start3A_255 = arith.constant 0 : i32
      %dma_start3A_256 = tpu.memref_slice %arg7[%add3A_30, %dma_start3A_255] : memref<10240x128xf32, #tpu.memory_space<vmem_shared>> -> memref<128x128xf32, #tpu.memory_space<vmem_shared>>
      %dma_start3A_257 = arith.constant 0 : i32
      %dma_start3A_258 = tpu.memref_slice %arg7[%add3A_30, %dma_start3A_257] : memref<10240x128xf32, #tpu.memory_space<vmem_shared>> -> memref<128x128xf32, #tpu.memory_space<vmem_shared>>
      tpu.enqueue_dma source(%arg11 : memref<128x128xf32, #tpu.memory_space<vmem>>) target(%dma_start3A_258 : memref<128x128xf32, #tpu.memory_space<vmem_shared>>) target_semaphore(%run_scoped3A : memref<!tpu.dma_semaphore, #tpu.memory_space<semaphore_mem>>)
      %dma_wait3A_259 = arith.constant 0 : i32
      %dma_wait3A_260 = tpu.memref_slice %arg7[%add3A_30, %dma_wait3A_259] : memref<10240x128xf32, #tpu.memory_space<vmem_shared>> -> memref<128x128xf32, #tpu.memory_space<vmem_shared>>
      %dma_wait3A_261 = arith.constant 0 : i32
      %dma_wait3A_262 = tpu.memref_slice %arg7[%add3A_30, %dma_wait3A_261] : memref<10240x128xf32, #tpu.memory_space<vmem_shared>> -> memref<128x128xf32, #tpu.memory_space<vmem_shared>>
      tpu.wait_dma2 semaphore(%run_scoped3A : memref<!tpu.dma_semaphore, #tpu.memory_space<semaphore_mem>>) src(%arg11 : memref<128x128xf32, #tpu.memory_space<vmem>>) dst(%dma_wait3A_262 : memref<128x128xf32, #tpu.memory_space<vmem_shared>>)
      tpu.yield
    }) : () -> ()
    %scan3A_31 = arith.constant 0 : i32
    %scan3A_32 = arith.constant 0 : i32
    %scan3A_33 = arith.constant 8 : i32
    %scan3A_34 = arith.addi %scan3A_32, %scan3A_33 : i32
    %scan3A_35 = arith.constant 1 : i32
    scf.for %scan3A_255 = %scan3A_32 to %scan3A_34 step %scan3A_35  : i32 {
      %broadcast_in_dim3A = arith.constant 1.000000e+00 : f32
      %broadcast_in_dim3A_256 = vector.broadcast %broadcast_in_dim3A : f32 to vector<16xf32>
      %mul3A_257 = arith.constant 16 : i32
      %mul3A_258 = arith.muli %scan3A_255, %mul3A_257 : i32
      %swap3A = arith.index_cast %mul3A_258 : i32 to index
      %swap3A_259 = tpu.vector_load %arg9[%swap3A] {strides = array<i32>} : memref<128xf32, #tpu.memory_space<vmem>>, vector<16xf32>,
      tpu.vector_store %arg9[%swap3A], %broadcast_in_dim3A_256 {strides = array<i32>} : memref<128xf32, #tpu.memory_space<vmem>>, vector<16xf32>,
    }
    %scan3A_36 = arith.constant 8 : i32
    %scan3A_37 = arith.constant 0 : i32
    %scan3A_38 = arith.constant 0 : i32
    %scan3A_39 = arith.constant 40 : i32
    %scan3A_40 = arith.addi %scan3A_38, %scan3A_39 : i32
    %scan3A_41 = arith.constant 1 : i32
    scf.for %scan3A_255 = %scan3A_38 to %scan3A_40 step %scan3A_41  : i32 {
      %broadcast_in_dim3A = arith.constant 0.000000e+00 : f32
      %broadcast_in_dim3A_256 = vector.broadcast %broadcast_in_dim3A : f32 to vector<16xf32>
      %mul3A_257 = arith.constant 16 : i32
      %mul3A_258 = arith.muli %scan3A_255, %mul3A_257 : i32
      %swap3A = arith.index_cast %mul3A_258 : i32 to index
      %swap3A_259 = tpu.vector_load %arg10[%swap3A] {strides = array<i32>} : memref<640xf32, #tpu.memory_space<vmem>>, vector<16xf32>,
      tpu.vector_store %arg10[%swap3A], %broadcast_in_dim3A_256 {strides = array<i32>} : memref<640xf32, #tpu.memory_space<vmem>>, vector<16xf32>,
    }
    %scan3A_42 = arith.constant 40 : i32
    "tpu.region"() ({
      %run_scoped3A = tpu.sem_alloc : memref<!tpu.dma_semaphore, #tpu.memory_space<semaphore_mem>>
      %dma_start3A_255 = tpu.memref_slice %arg8[%mul3A_0] : memref<10240xf32, #tpu.memory_space<vmem_shared>> -> memref<640xf32, #tpu.memory_space<vmem_shared>>
      %dma_start3A_256 = tpu.memref_slice %arg8[%mul3A_0] : memref<10240xf32, #tpu.memory_space<vmem_shared>> -> memref<640xf32, #tpu.memory_space<vmem_shared>>
      tpu.enqueue_dma source(%arg10 : memref<640xf32, #tpu.memory_space<vmem>>) target(%dma_start3A_256 : memref<640xf32, #tpu.memory_space<vmem_shared>>) target_semaphore(%run_scoped3A : memref<!tpu.dma_semaphore, #tpu.memory_space<semaphore_mem>>)
      %dma_wait3A_257 = tpu.memref_slice %arg8[%mul3A_0] : memref<10240xf32, #tpu.memory_space<vmem_shared>> -> memref<640xf32, #tpu.memory_space<vmem_shared>>
      %dma_wait3A_258 = tpu.memref_slice %arg8[%mul3A_0] : memref<10240xf32, #tpu.memory_space<vmem_shared>> -> memref<640xf32, #tpu.memory_space<vmem_shared>>
      tpu.wait_dma2 semaphore(%run_scoped3A : memref<!tpu.dma_semaphore, #tpu.memory_space<semaphore_mem>>) src(%arg10 : memref<640xf32, #tpu.memory_space<vmem>>) dst(%dma_wait3A_258 : memref<640xf32, #tpu.memory_space<vmem_shared>>)
      tpu.yield
    }) : () -> ()
    %barrier3A = arith.constant 0 : index
    tpu.barrier barrier_id(%barrier3A)
    %add3A_43 = arith.constant 0 : i32
    %add3A_44 = arith.addi %select_n3A, %add3A_43 : i32
    %dma_start3A = arith.constant 0 : i32
    %dma_start3A_45 = tpu.memref_slice %arg3[%add3A_44, %dma_start3A] : memref<2561x128xi32, #tpu.memory_space<hbm>> -> memref<1x128xi32, #tpu.memory_space<hbm>>
    %dma_start3A_46 = tpu.memref_squeeze %dma_start3A_45 : memref<1x128xi32, #tpu.memory_space<hbm>> -> memref<128xi32, #tpu.memory_space<hbm>>
    %dma_start3A_47 = arith.constant 0 : i32
    %dma_start3A_48 = tpu.memref_slice %arg3[%add3A_44, %dma_start3A_47] : memref<2561x128xi32, #tpu.memory_space<hbm>> -> memref<1x128xi32, #tpu.memory_space<hbm>>
    %dma_start3A_49 = tpu.memref_squeeze %dma_start3A_48 : memref<1x128xi32, #tpu.memory_space<hbm>> -> memref<128xi32, #tpu.memory_space<hbm>>
    tpu.enqueue_dma source(%dma_start3A_49 : memref<128xi32, #tpu.memory_space<hbm>>) target(%arg13 : memref<128xi32, #tpu.memory_space<vmem>>) target_semaphore(%arg25 : memref<!tpu.dma_semaphore, #tpu.memory_space<semaphore_mem>>)
    %dma_start3A_50 = arith.constant 0 : i32
    %dma_start3A_51 = tpu.memref_slice %arg4[%add3A_44, %dma_start3A_50] : memref<2561x128xi32, #tpu.memory_space<hbm>> -> memref<1x128xi32, #tpu.memory_space<hbm>>
    %dma_start3A_52 = tpu.memref_squeeze %dma_start3A_51 : memref<1x128xi32, #tpu.memory_space<hbm>> -> memref<128xi32, #tpu.memory_space<hbm>>
    %dma_start3A_53 = arith.constant 0 : i32
    %dma_start3A_54 = tpu.memref_slice %arg4[%add3A_44, %dma_start3A_53] : memref<2561x128xi32, #tpu.memory_space<hbm>> -> memref<1x128xi32, #tpu.memory_space<hbm>>
    %dma_start3A_55 = tpu.memref_squeeze %dma_start3A_54 : memref<1x128xi32, #tpu.memory_space<hbm>> -> memref<128xi32, #tpu.memory_space<hbm>>
    tpu.enqueue_dma source(%dma_start3A_55 : memref<128xi32, #tpu.memory_space<hbm>>) target(%arg17 : memref<128xi32, #tpu.memory_space<vmem>>) target_semaphore(%arg25 : memref<!tpu.dma_semaphore, #tpu.memory_space<semaphore_mem>>)
    %add3A_56 = arith.constant 1 : i32
    %add3A_57 = arith.addi %select_n3A, %add3A_56 : i32
    %dma_start3A_58 = arith.constant 0 : i32
    %dma_start3A_59 = tpu.memref_slice %arg3[%add3A_57, %dma_start3A_58] : memref<2561x128xi32, #tpu.memory_space<hbm>> -> memref<1x128xi32, #tpu.memory_space<hbm>>
    %dma_start3A_60 = tpu.memref_squeeze %dma_start3A_59 : memref<1x128xi32, #tpu.memory_space<hbm>> -> memref<128xi32, #tpu.memory_space<hbm>>
    %dma_start3A_61 = arith.constant 0 : i32
    %dma_start3A_62 = tpu.memref_slice %arg3[%add3A_57, %dma_start3A_61] : memref<2561x128xi32, #tpu.memory_space<hbm>> -> memref<1x128xi32, #tpu.memory_space<hbm>>
    %dma_start3A_63 = tpu.memref_squeeze %dma_start3A_62 : memref<1x128xi32, #tpu.memory_space<hbm>> -> memref<128xi32, #tpu.memory_space<hbm>>
    tpu.enqueue_dma source(%dma_start3A_63 : memref<128xi32, #tpu.memory_space<hbm>>) target(%arg14 : memref<128xi32, #tpu.memory_space<vmem>>) target_semaphore(%arg26 : memref<!tpu.dma_semaphore, #tpu.memory_space<semaphore_mem>>)
    %dma_start3A_64 = arith.constant 0 : i32
    %dma_start3A_65 = tpu.memref_slice %arg4[%add3A_57, %dma_start3A_64] : memref<2561x128xi32, #tpu.memory_space<hbm>> -> memref<1x128xi32, #tpu.memory_space<hbm>>
    %dma_start3A_66 = tpu.memref_squeeze %dma_start3A_65 : memref<1x128xi32, #tpu.memory_space<hbm>> -> memref<128xi32, #tpu.memory_space<hbm>>
    %dma_start3A_67 = arith.constant 0 : i32
    %dma_start3A_68 = tpu.memref_slice %arg4[%add3A_57, %dma_start3A_67] : memref<2561x128xi32, #tpu.memory_space<hbm>> -> memref<1x128xi32, #tpu.memory_space<hbm>>
    %dma_start3A_69 = tpu.memref_squeeze %dma_start3A_68 : memref<1x128xi32, #tpu.memory_space<hbm>> -> memref<128xi32, #tpu.memory_space<hbm>>
    tpu.enqueue_dma source(%dma_start3A_69 : memref<128xi32, #tpu.memory_space<hbm>>) target(%arg18 : memref<128xi32, #tpu.memory_space<vmem>>) target_semaphore(%arg26 : memref<!tpu.dma_semaphore, #tpu.memory_space<semaphore_mem>>)
    %add3A_70 = arith.constant 2 : i32
    %add3A_71 = arith.addi %select_n3A, %add3A_70 : i32
    %dma_start3A_72 = arith.constant 0 : i32
    %dma_start3A_73 = tpu.memref_slice %arg3[%add3A_71, %dma_start3A_72] : memref<2561x128xi32, #tpu.memory_space<hbm>> -> memref<1x128xi32, #tpu.memory_space<hbm>>
    %dma_start3A_74 = tpu.memref_squeeze %dma_start3A_73 : memref<1x128xi32, #tpu.memory_space<hbm>> -> memref<128xi32, #tpu.memory_space<hbm>>
    %dma_start3A_75 = arith.constant 0 : i32
    %dma_start3A_76 = tpu.memref_slice %arg3[%add3A_71, %dma_start3A_75] : memref<2561x128xi32, #tpu.memory_space<hbm>> -> memref<1x128xi32, #tpu.memory_space<hbm>>
    %dma_start3A_77 = tpu.memref_squeeze %dma_start3A_76 : memref<1x128xi32, #tpu.memory_space<hbm>> -> memref<128xi32, #tpu.memory_space<hbm>>
    tpu.enqueue_dma source(%dma_start3A_77 : memref<128xi32, #tpu.memory_space<hbm>>) target(%arg15 : memref<128xi32, #tpu.memory_space<vmem>>) target_semaphore(%arg27 : memref<!tpu.dma_semaphore, #tpu.memory_space<semaphore_mem>>)
    %dma_start3A_78 = arith.constant 0 : i32
    %dma_start3A_79 = tpu.memref_slice %arg4[%add3A_71, %dma_start3A_78] : memref<2561x128xi32, #tpu.memory_space<hbm>> -> memref<1x128xi32, #tpu.memory_space<hbm>>
    %dma_start3A_80 = tpu.memref_squeeze %dma_start3A_79 : memref<1x128xi32, #tpu.memory_space<hbm>> -> memref<128xi32, #tpu.memory_space<hbm>>
    %dma_start3A_81 = arith.constant 0 : i32
    %dma_start3A_82 = tpu.memref_slice %arg4[%add3A_71, %dma_start3A_81] : memref<2561x128xi32, #tpu.memory_space<hbm>> -> memref<1x128xi32, #tpu.memory_space<hbm>>
    %dma_start3A_83 = tpu.memref_squeeze %dma_start3A_82 : memref<1x128xi32, #tpu.memory_space<hbm>> -> memref<128xi32, #tpu.memory_space<hbm>>
    tpu.enqueue_dma source(%dma_start3A_83 : memref<128xi32, #tpu.memory_space<hbm>>) target(%arg19 : memref<128xi32, #tpu.memory_space<vmem>>) target_semaphore(%arg27 : memref<!tpu.dma_semaphore, #tpu.memory_space<semaphore_mem>>)
    %dma_wait3A = arith.constant 0 : i32
    %dma_wait3A_84 = arith.constant 0 : i32
    %dma_wait3A_85 = tpu.memref_slice %arg3[%dma_wait3A, %dma_wait3A_84] : memref<2561x128xi32, #tpu.memory_space<hbm>> -> memref<1x128xi32, #tpu.memory_space<hbm>>
    %dma_wait3A_86 = tpu.memref_squeeze %dma_wait3A_85 : memref<1x128xi32, #tpu.memory_space<hbm>> -> memref<128xi32, #tpu.memory_space<hbm>>
    %dma_wait3A_87 = arith.constant 0 : i32
    %dma_wait3A_88 = tpu.memref_slice %arg3[%dma_wait3A, %dma_wait3A_87] : memref<2561x128xi32, #tpu.memory_space<hbm>> -> memref<1x128xi32, #tpu.memory_space<hbm>>
    %dma_wait3A_89 = tpu.memref_squeeze %dma_wait3A_88 : memref<1x128xi32, #tpu.memory_space<hbm>> -> memref<128xi32, #tpu.memory_space<hbm>>
    tpu.wait_dma2 semaphore(%arg25 : memref<!tpu.dma_semaphore, #tpu.memory_space<semaphore_mem>>) src(%dma_wait3A_89 : memref<128xi32, #tpu.memory_space<hbm>>) dst(%arg13 : memref<128xi32, #tpu.memory_space<vmem>>)
    %dma_wait3A_90 = arith.constant 0 : i32
    %dma_wait3A_91 = arith.constant 0 : i32
    %dma_wait3A_92 = tpu.memref_slice %arg4[%dma_wait3A_90, %dma_wait3A_91] : memref<2561x128xi32, #tpu.memory_space<hbm>> -> memref<1x128xi32, #tpu.memory_space<hbm>>
    %dma_wait3A_93 = tpu.memref_squeeze %dma_wait3A_92 : memref<1x128xi32, #tpu.memory_space<hbm>> -> memref<128xi32, #tpu.memory_space<hbm>>
    %dma_wait3A_94 = arith.constant 0 : i32
    %dma_wait3A_95 = tpu.memref_slice %arg4[%dma_wait3A_90, %dma_wait3A_94] : memref<2561x128xi32, #tpu.memory_space<hbm>> -> memref<1x128xi32, #tpu.memory_space<hbm>>
    %dma_wait3A_96 = tpu.memref_squeeze %dma_wait3A_95 : memref<1x128xi32, #tpu.memory_space<hbm>> -> memref<128xi32, #tpu.memory_space<hbm>>
    tpu.wait_dma2 semaphore(%arg25 : memref<!tpu.dma_semaphore, #tpu.memory_space<semaphore_mem>>) src(%dma_wait3A_96 : memref<128xi32, #tpu.memory_space<hbm>>) dst(%arg17 : memref<128xi32, #tpu.memory_space<vmem>>)
    %dma_start3A_97 = arith.constant 0 : i32
    %dma_start3A_98 = arith.constant 0 : i32
    %dma_start3A_99 = tpu.memref_slice %arg2[%dma_start3A_97, %dma_start3A_98] : memref<10000x128xf32, #tpu.memory_space<hbm>> -> memref<10000x128xf32, #tpu.memory_space<hbm>>
    tpu.enqueue_indirect_dma source(%dma_start3A_99 : memref<10000x128xf32, #tpu.memory_space<hbm>>) target(%arg11 : memref<128x128xf32, #tpu.memory_space<vmem>>) offsets(%arg13 : memref<128xi32, #tpu.memory_space<vmem>>) semaphore(%arg21 : memref<!tpu.dma_semaphore, #tpu.memory_space<semaphore_mem>>)
    %dma_wait3A_100 = arith.constant 0 : i32
    %dma_wait3A_101 = arith.constant 0 : i32
    %dma_wait3A_102 = tpu.memref_slice %arg2[%dma_wait3A_100, %dma_wait3A_101] : memref<10000x128xf32, #tpu.memory_space<hbm>> -> memref<10000x128xf32, #tpu.memory_space<hbm>>
    tpu.wait_indirect_dma semaphore(%arg21 : memref<!tpu.dma_semaphore, #tpu.memory_space<semaphore_mem>>) src(%dma_wait3A_102 : memref<10000x128xf32, #tpu.memory_space<hbm>>) dst(%arg11 : memref<128x128xf32, #tpu.memory_space<vmem>>)
    %dma_start3A_103 = arith.constant 0 : i32
    %dma_start3A_104 = arith.constant 0 : i32
    %dma_start3A_105 = tpu.memref_slice %arg7[%dma_start3A_103, %dma_start3A_104] : memref<10240x128xf32, #tpu.memory_space<vmem_shared>> -> memref<10240x128xf32, #tpu.memory_space<vmem_shared>>
    tpu.enqueue_indirect_dma source(%arg11 : memref<128x128xf32, #tpu.memory_space<vmem>>) target(%dma_start3A_105 : memref<10240x128xf32, #tpu.memory_space<vmem_shared>>) offsets(%arg17 : memref<128xi32, #tpu.memory_space<vmem>>) semaphore(%arg23 : memref<!tpu.dma_semaphore, #tpu.memory_space<semaphore_mem>>) {add = true}
    %dma_start3A_106 = arith.constant 0 : i32
    %dma_start3A_107 = tpu.memref_slice %arg8[%dma_start3A_106] : memref<10240xf32, #tpu.memory_space<vmem_shared>> -> memref<10240xf32, #tpu.memory_space<vmem_shared>>
    tpu.enqueue_indirect_dma source(%arg9 : memref<128xf32, #tpu.memory_space<vmem>>) target(%dma_start3A_107 : memref<10240xf32, #tpu.memory_space<vmem_shared>>) offsets(%arg17 : memref<128xi32, #tpu.memory_space<vmem>>) semaphore(%arg29 : memref<!tpu.dma_semaphore, #tpu.memory_space<semaphore_mem>>) {add = true}
    %dma_wait3A_108 = arith.constant 0 : i32
    %dma_wait3A_109 = arith.constant 0 : i32
    %dma_wait3A_110 = tpu.memref_slice %arg3[%dma_wait3A_108, %dma_wait3A_109] : memref<2561x128xi32, #tpu.memory_space<hbm>> -> memref<1x128xi32, #tpu.memory_space<hbm>>
    %dma_wait3A_111 = tpu.memref_squeeze %dma_wait3A_110 : memref<1x128xi32, #tpu.memory_space<hbm>> -> memref<128xi32, #tpu.memory_space<hbm>>
    %dma_wait3A_112 = arith.constant 0 : i32
    %dma_wait3A_113 = tpu.memref_slice %arg3[%dma_wait3A_108, %dma_wait3A_112] : memref<2561x128xi32, #tpu.memory_space<hbm>> -> memref<1x128xi32, #tpu.memory_space<hbm>>
    %dma_wait3A_114 = tpu.memref_squeeze %dma_wait3A_113 : memref<1x128xi32, #tpu.memory_space<hbm>> -> memref<128xi32, #tpu.memory_space<hbm>>
    tpu.wait_dma2 semaphore(%arg26 : memref<!tpu.dma_semaphore, #tpu.memory_space<semaphore_mem>>) src(%dma_wait3A_114 : memref<128xi32, #tpu.memory_space<hbm>>) dst(%arg14 : memref<128xi32, #tpu.memory_space<vmem>>)
    %dma_wait3A_115 = arith.constant 0 : i32
    %dma_wait3A_116 = arith.constant 0 : i32
    %dma_wait3A_117 = tpu.memref_slice %arg4[%dma_wait3A_115, %dma_wait3A_116] : memref<2561x128xi32, #tpu.memory_space<hbm>> -> memref<1x128xi32, #tpu.memory_space<hbm>>
    %dma_wait3A_118 = tpu.memref_squeeze %dma_wait3A_117 : memref<1x128xi32, #tpu.memory_space<hbm>> -> memref<128xi32, #tpu.memory_space<hbm>>
    %dma_wait3A_119 = arith.constant 0 : i32
    %dma_wait3A_120 = tpu.memref_slice %arg4[%dma_wait3A_115, %dma_wait3A_119] : memref<2561x128xi32, #tpu.memory_space<hbm>> -> memref<1x128xi32, #tpu.memory_space<hbm>>
    %dma_wait3A_121 = tpu.memref_squeeze %dma_wait3A_120 : memref<1x128xi32, #tpu.memory_space<hbm>> -> memref<128xi32, #tpu.memory_space<hbm>>
    tpu.wait_dma2 semaphore(%arg26 : memref<!tpu.dma_semaphore, #tpu.memory_space<semaphore_mem>>) src(%dma_wait3A_121 : memref<128xi32, #tpu.memory_space<hbm>>) dst(%arg18 : memref<128xi32, #tpu.memory_space<vmem>>)
    %dma_start3A_122 = arith.constant 0 : i32
    %dma_start3A_123 = arith.constant 0 : i32
    %dma_start3A_124 = tpu.memref_slice %arg2[%dma_start3A_122, %dma_start3A_123] : memref<10000x128xf32, #tpu.memory_space<hbm>> -> memref<10000x128xf32, #tpu.memory_space<hbm>>
    tpu.enqueue_indirect_dma source(%dma_start3A_124 : memref<10000x128xf32, #tpu.memory_space<hbm>>) target(%arg12 : memref<128x128xf32, #tpu.memory_space<vmem>>) offsets(%arg14 : memref<128xi32, #tpu.memory_space<vmem>>) semaphore(%arg22 : memref<!tpu.dma_semaphore, #tpu.memory_space<semaphore_mem>>)
    %add3A_125 = arith.constant 3 : i32
    %add3A_126 = arith.addi %select_n3A, %add3A_125 : i32
    %dma_start3A_127 = arith.constant 0 : i32
    %dma_start3A_128 = tpu.memref_slice %arg3[%add3A_126, %dma_start3A_127] : memref<2561x128xi32, #tpu.memory_space<hbm>> -> memref<1x128xi32, #tpu.memory_space<hbm>>
    %dma_start3A_129 = tpu.memref_squeeze %dma_start3A_128 : memref<1x128xi32, #tpu.memory_space<hbm>> -> memref<128xi32, #tpu.memory_space<hbm>>
    %dma_start3A_130 = arith.constant 0 : i32
    %dma_start3A_131 = tpu.memref_slice %arg3[%add3A_126, %dma_start3A_130] : memref<2561x128xi32, #tpu.memory_space<hbm>> -> memref<1x128xi32, #tpu.memory_space<hbm>>
    %dma_start3A_132 = tpu.memref_squeeze %dma_start3A_131 : memref<1x128xi32, #tpu.memory_space<hbm>> -> memref<128xi32, #tpu.memory_space<hbm>>
    tpu.enqueue_dma source(%dma_start3A_132 : memref<128xi32, #tpu.memory_space<hbm>>) target(%arg16 : memref<128xi32, #tpu.memory_space<vmem>>) target_semaphore(%arg28 : memref<!tpu.dma_semaphore, #tpu.memory_space<semaphore_mem>>)
    %dma_start3A_133 = arith.constant 0 : i32
    %dma_start3A_134 = tpu.memref_slice %arg4[%add3A_126, %dma_start3A_133] : memref<2561x128xi32, #tpu.memory_space<hbm>> -> memref<1x128xi32, #tpu.memory_space<hbm>>
    %dma_start3A_135 = tpu.memref_squeeze %dma_start3A_134 : memref<1x128xi32, #tpu.memory_space<hbm>> -> memref<128xi32, #tpu.memory_space<hbm>>
    %dma_start3A_136 = arith.constant 0 : i32
    %dma_start3A_137 = tpu.memref_slice %arg4[%add3A_126, %dma_start3A_136] : memref<2561x128xi32, #tpu.memory_space<hbm>> -> memref<1x128xi32, #tpu.memory_space<hbm>>
    %dma_start3A_138 = tpu.memref_squeeze %dma_start3A_137 : memref<1x128xi32, #tpu.memory_space<hbm>> -> memref<128xi32, #tpu.memory_space<hbm>>
    tpu.enqueue_dma source(%dma_start3A_138 : memref<128xi32, #tpu.memory_space<hbm>>) target(%arg20 : memref<128xi32, #tpu.memory_space<vmem>>) target_semaphore(%arg28 : memref<!tpu.dma_semaphore, #tpu.memory_space<semaphore_mem>>)
    %dma_wait3A_139 = arith.constant 0 : i32
    %dma_wait3A_140 = arith.constant 0 : i32
    %dma_wait3A_141 = tpu.memref_slice %arg2[%dma_wait3A_139, %dma_wait3A_140] : memref<10000x128xf32, #tpu.memory_space<hbm>> -> memref<10000x128xf32, #tpu.memory_space<hbm>>
    tpu.wait_indirect_dma semaphore(%arg22 : memref<!tpu.dma_semaphore, #tpu.memory_space<semaphore_mem>>) src(%dma_wait3A_141 : memref<10000x128xf32, #tpu.memory_space<hbm>>) dst(%arg12 : memref<128x128xf32, #tpu.memory_space<vmem>>)
    %dma_start3A_142 = arith.constant 0 : i32
    %dma_start3A_143 = arith.constant 0 : i32
    %dma_start3A_144 = tpu.memref_slice %arg7[%dma_start3A_142, %dma_start3A_143] : memref<10240x128xf32, #tpu.memory_space<vmem_shared>> -> memref<10240x128xf32, #tpu.memory_space<vmem_shared>>
    tpu.enqueue_indirect_dma source(%arg12 : memref<128x128xf32, #tpu.memory_space<vmem>>) target(%dma_start3A_144 : memref<10240x128xf32, #tpu.memory_space<vmem_shared>>) offsets(%arg18 : memref<128xi32, #tpu.memory_space<vmem>>) semaphore(%arg24 : memref<!tpu.dma_semaphore, #tpu.memory_space<semaphore_mem>>) {add = true}
    %dma_start3A_145 = arith.constant 0 : i32
    %dma_start3A_146 = tpu.memref_slice %arg8[%dma_start3A_145] : memref<10240xf32, #tpu.memory_space<vmem_shared>> -> memref<10240xf32, #tpu.memory_space<vmem_shared>>
    tpu.enqueue_indirect_dma source(%arg9 : memref<128xf32, #tpu.memory_space<vmem>>) target(%dma_start3A_146 : memref<10240xf32, #tpu.memory_space<vmem_shared>>) offsets(%arg18 : memref<128xi32, #tpu.memory_space<vmem>>) semaphore(%arg30 : memref<!tpu.dma_semaphore, #tpu.memory_space<semaphore_mem>>) {add = true}
    %dma_wait3A_147 = arith.constant 0 : i32
    %dma_wait3A_148 = arith.constant 0 : i32
    %dma_wait3A_149 = tpu.memref_slice %arg3[%dma_wait3A_147, %dma_wait3A_148] : memref<2561x128xi32, #tpu.memory_space<hbm>> -> memref<1x128xi32, #tpu.memory_space<hbm>>
    %dma_wait3A_150 = tpu.memref_squeeze %dma_wait3A_149 : memref<1x128xi32, #tpu.memory_space<hbm>> -> memref<128xi32, #tpu.memory_space<hbm>>
    %dma_wait3A_151 = arith.constant 0 : i32
    %dma_wait3A_152 = tpu.memref_slice %arg3[%dma_wait3A_147, %dma_wait3A_151] : memref<2561x128xi32, #tpu.memory_space<hbm>> -> memref<1x128xi32, #tpu.memory_space<hbm>>
    %dma_wait3A_153 = tpu.memref_squeeze %dma_wait3A_152 : memref<1x128xi32, #tpu.memory_space<hbm>> -> memref<128xi32, #tpu.memory_space<hbm>>
    tpu.wait_dma2 semaphore(%arg27 : memref<!tpu.dma_semaphore, #tpu.memory_space<semaphore_mem>>) src(%dma_wait3A_153 : memref<128xi32, #tpu.memory_space<hbm>>) dst(%arg15 : memref<128xi32, #tpu.memory_space<vmem>>)
    %dma_wait3A_154 = arith.constant 0 : i32
    %dma_wait3A_155 = arith.constant 0 : i32
    %dma_wait3A_156 = tpu.memref_slice %arg4[%dma_wait3A_154, %dma_wait3A_155] : memref<2561x128xi32, #tpu.memory_space<hbm>> -> memref<1x128xi32, #tpu.memory_space<hbm>>
    %dma_wait3A_157 = tpu.memref_squeeze %dma_wait3A_156 : memref<1x128xi32, #tpu.memory_space<hbm>> -> memref<128xi32, #tpu.memory_space<hbm>>
    %dma_wait3A_158 = arith.constant 0 : i32
    %dma_wait3A_159 = tpu.memref_slice %arg4[%dma_wait3A_154, %dma_wait3A_158] : memref<2561x128xi32, #tpu.memory_space<hbm>> -> memref<1x128xi32, #tpu.memory_space<hbm>>
    %dma_wait3A_160 = tpu.memref_squeeze %dma_wait3A_159 : memref<1x128xi32, #tpu.memory_space<hbm>> -> memref<128xi32, #tpu.memory_space<hbm>>
    tpu.wait_dma2 semaphore(%arg27 : memref<!tpu.dma_semaphore, #tpu.memory_space<semaphore_mem>>) src(%dma_wait3A_160 : memref<128xi32, #tpu.memory_space<hbm>>) dst(%arg19 : memref<128xi32, #tpu.memory_space<vmem>>)
    %dma_wait3A_161 = arith.constant 0 : i32
    %dma_wait3A_162 = arith.constant 0 : i32
    %dma_wait3A_163 = tpu.memref_slice %arg7[%dma_wait3A_161, %dma_wait3A_162] : memref<10240x128xf32, #tpu.memory_space<vmem_shared>> -> memref<10240x128xf32, #tpu.memory_space<vmem_shared>>
    tpu.wait_indirect_dma semaphore(%arg23 : memref<!tpu.dma_semaphore, #tpu.memory_space<semaphore_mem>>) src(%arg11 : memref<128x128xf32, #tpu.memory_space<vmem>>) dst(%dma_wait3A_163 : memref<10240x128xf32, #tpu.memory_space<vmem_shared>>)
    %dma_wait3A_164 = arith.constant 0 : i32
    %dma_wait3A_165 = tpu.memref_slice %arg8[%dma_wait3A_164] : memref<10240xf32, #tpu.memory_space<vmem_shared>> -> memref<10240xf32, #tpu.memory_space<vmem_shared>>
    tpu.wait_indirect_dma semaphore(%arg29 : memref<!tpu.dma_semaphore, #tpu.memory_space<semaphore_mem>>) src(%arg9 : memref<128xf32, #tpu.memory_space<vmem>>) dst(%dma_wait3A_165 : memref<10240xf32, #tpu.memory_space<vmem_shared>>)
    %dma_start3A_166 = arith.constant 0 : i32
    %dma_start3A_167 = arith.constant 0 : i32
    %dma_start3A_168 = tpu.memref_slice %arg2[%dma_start3A_166, %dma_start3A_167] : memref<10000x128xf32, #tpu.memory_space<hbm>> -> memref<10000x128xf32, #tpu.memory_space<hbm>>
    tpu.enqueue_indirect_dma source(%dma_start3A_168 : memref<10000x128xf32, #tpu.memory_space<hbm>>) target(%arg11 : memref<128x128xf32, #tpu.memory_space<vmem>>) offsets(%arg15 : memref<128xi32, #tpu.memory_space<vmem>>) semaphore(%arg21 : memref<!tpu.dma_semaphore, #tpu.memory_space<semaphore_mem>>)
    %add3A_169 = arith.constant 4 : i32
    %add3A_170 = arith.addi %select_n3A, %add3A_169 : i32
    %dma_start3A_171 = arith.constant 0 : i32
    %dma_start3A_172 = tpu.memref_slice %arg3[%add3A_170, %dma_start3A_171] : memref<2561x128xi32, #tpu.memory_space<hbm>> -> memref<1x128xi32, #tpu.memory_space<hbm>>
    %dma_start3A_173 = tpu.memref_squeeze %dma_start3A_172 : memref<1x128xi32, #tpu.memory_space<hbm>> -> memref<128xi32, #tpu.memory_space<hbm>>
    %dma_start3A_174 = arith.constant 0 : i32
    %dma_start3A_175 = tpu.memref_slice %arg3[%add3A_170, %dma_start3A_174] : memref<2561x128xi32, #tpu.memory_space<hbm>> -> memref<1x128xi32, #tpu.memory_space<hbm>>
    %dma_start3A_176 = tpu.memref_squeeze %dma_start3A_175 : memref<1x128xi32, #tpu.memory_space<hbm>> -> memref<128xi32, #tpu.memory_space<hbm>>
    tpu.enqueue_dma source(%dma_start3A_176 : memref<128xi32, #tpu.memory_space<hbm>>) target(%arg13 : memref<128xi32, #tpu.memory_space<vmem>>) target_semaphore(%arg25 : memref<!tpu.dma_semaphore, #tpu.memory_space<semaphore_mem>>)
    %dma_start3A_177 = arith.constant 0 : i32
    %dma_start3A_178 = tpu.memref_slice %arg4[%add3A_170, %dma_start3A_177] : memref<2561x128xi32, #tpu.memory_space<hbm>> -> memref<1x128xi32, #tpu.memory_space<hbm>>
    %dma_start3A_179 = tpu.memref_squeeze %dma_start3A_178 : memref<1x128xi32, #tpu.memory_space<hbm>> -> memref<128xi32, #tpu.memory_space<hbm>>
    %dma_start3A_180 = arith.constant 0 : i32
    %dma_start3A_181 = tpu.memref_slice %arg4[%add3A_170, %dma_start3A_180] : memref<2561x128xi32, #tpu.memory_space<hbm>> -> memref<1x128xi32, #tpu.memory_space<hbm>>
    %dma_start3A_182 = tpu.memref_squeeze %dma_start3A_181 : memref<1x128xi32, #tpu.memory_space<hbm>> -> memref<128xi32, #tpu.memory_space<hbm>>
    tpu.enqueue_dma source(%dma_start3A_182 : memref<128xi32, #tpu.memory_space<hbm>>) target(%arg17 : memref<128xi32, #tpu.memory_space<vmem>>) target_semaphore(%arg25 : memref<!tpu.dma_semaphore, #tpu.memory_space<semaphore_mem>>)
    %while3A = arith.constant 0 : i32
    %while3A_183 = arith.constant 0 : i32
    %while3A_184 = arith.subi %select_n3A_15, %while3A_183 : i32
    %while3A_185 = arith.addi %while3A_183, %while3A_184 : i32
    %while3A_186 = arith.constant 1 : i32
    %while3A_187 = arith.divsi %while3A_184, %while3A_186 : i32
    %while3A_188 = arith.muli %while3A_187, %while3A_186 : i32
    %while3A_189 = arith.addi %while3A_183, %while3A_188 : i32
    %while3A_190 = arith.constant 1 : i32
    scf.for %while3A_255 = %while3A_183 to %while3A_189 step %while3A_190  : i32 {
      %mul3A_256 = arith.constant 4 : i32
      %mul3A_257 = arith.muli %mul3A_256, %while3A_255 : i32
      %add3A_258 = arith.constant 2 : i32
      %add3A_259 = arith.addi %add3A_258, %mul3A_257 : i32
      %dma_wait3A_260 = arith.constant 0 : i32
      %dma_wait3A_261 = arith.constant 0 : i32
      %dma_wait3A_262 = tpu.memref_slice %arg2[%dma_wait3A_260, %dma_wait3A_261] : memref<10000x128xf32, #tpu.memory_space<hbm>> -> memref<10000x128xf32, #tpu.memory_space<hbm>>
      tpu.wait_indirect_dma semaphore(%arg21 : memref<!tpu.dma_semaphore, #tpu.memory_space<semaphore_mem>>) src(%dma_wait3A_262 : memref<10000x128xf32, #tpu.memory_space<hbm>>) dst(%arg11 : memref<128x128xf32, #tpu.memory_space<vmem>>)
      %dma_start3A_263 = arith.constant 0 : i32
      %dma_start3A_264 = arith.constant 0 : i32
      %dma_start3A_265 = tpu.memref_slice %arg7[%dma_start3A_263, %dma_start3A_264] : memref<10240x128xf32, #tpu.memory_space<vmem_shared>> -> memref<10240x128xf32, #tpu.memory_space<vmem_shared>>
      tpu.enqueue_indirect_dma source(%arg11 : memref<128x128xf32, #tpu.memory_space<vmem>>) target(%dma_start3A_265 : memref<10240x128xf32, #tpu.memory_space<vmem_shared>>) offsets(%arg19 : memref<128xi32, #tpu.memory_space<vmem>>) semaphore(%arg23 : memref<!tpu.dma_semaphore, #tpu.memory_space<semaphore_mem>>) {add = true}
      %dma_start3A_266 = arith.constant 0 : i32
      %dma_start3A_267 = tpu.memref_slice %arg8[%dma_start3A_266] : memref<10240xf32, #tpu.memory_space<vmem_shared>> -> memref<10240xf32, #tpu.memory_space<vmem_shared>>
      tpu.enqueue_indirect_dma source(%arg9 : memref<128xf32, #tpu.memory_space<vmem>>) target(%dma_start3A_267 : memref<10240xf32, #tpu.memory_space<vmem_shared>>) offsets(%arg19 : memref<128xi32, #tpu.memory_space<vmem>>) semaphore(%arg29 : memref<!tpu.dma_semaphore, #tpu.memory_space<semaphore_mem>>) {add = true}
      %dma_wait3A_268 = arith.constant 0 : i32
      %dma_wait3A_269 = arith.constant 0 : i32
      %dma_wait3A_270 = tpu.memref_slice %arg3[%dma_wait3A_268, %dma_wait3A_269] : memref<2561x128xi32, #tpu.memory_space<hbm>> -> memref<1x128xi32, #tpu.memory_space<hbm>>
      %dma_wait3A_271 = tpu.memref_squeeze %dma_wait3A_270 : memref<1x128xi32, #tpu.memory_space<hbm>> -> memref<128xi32, #tpu.memory_space<hbm>>
      %dma_wait3A_272 = arith.constant 0 : i32
      %dma_wait3A_273 = tpu.memref_slice %arg3[%dma_wait3A_268, %dma_wait3A_272] : memref<2561x128xi32, #tpu.memory_space<hbm>> -> memref<1x128xi32, #tpu.memory_space<hbm>>
      %dma_wait3A_274 = tpu.memref_squeeze %dma_wait3A_273 : memref<1x128xi32, #tpu.memory_space<hbm>> -> memref<128xi32, #tpu.memory_space<hbm>>
      tpu.wait_dma2 semaphore(%arg28 : memref<!tpu.dma_semaphore, #tpu.memory_space<semaphore_mem>>) src(%dma_wait3A_274 : memref<128xi32, #tpu.memory_space<hbm>>) dst(%arg16 : memref<128xi32, #tpu.memory_space<vmem>>)
      %dma_wait3A_275 = arith.constant 0 : i32
      %dma_wait3A_276 = arith.constant 0 : i32
      %dma_wait3A_277 = tpu.memref_slice %arg4[%dma_wait3A_275, %dma_wait3A_276] : memref<2561x128xi32, #tpu.memory_space<hbm>> -> memref<1x128xi32, #tpu.memory_space<hbm>>
      %dma_wait3A_278 = tpu.memref_squeeze %dma_wait3A_277 : memref<1x128xi32, #tpu.memory_space<hbm>> -> memref<128xi32, #tpu.memory_space<hbm>>
      %dma_wait3A_279 = arith.constant 0 : i32
      %dma_wait3A_280 = tpu.memref_slice %arg4[%dma_wait3A_275, %dma_wait3A_279] : memref<2561x128xi32, #tpu.memory_space<hbm>> -> memref<1x128xi32, #tpu.memory_space<hbm>>
      %dma_wait3A_281 = tpu.memref_squeeze %dma_wait3A_280 : memref<1x128xi32, #tpu.memory_space<hbm>> -> memref<128xi32, #tpu.memory_space<hbm>>
      tpu.wait_dma2 semaphore(%arg28 : memref<!tpu.dma_semaphore, #tpu.memory_space<semaphore_mem>>) src(%dma_wait3A_281 : memref<128xi32, #tpu.memory_space<hbm>>) dst(%arg20 : memref<128xi32, #tpu.memory_space<vmem>>)
      %dma_wait3A_282 = arith.constant 0 : i32
      %dma_wait3A_283 = arith.constant 0 : i32
      %dma_wait3A_284 = tpu.memref_slice %arg7[%dma_wait3A_282, %dma_wait3A_283] : memref<10240x128xf32, #tpu.memory_space<vmem_shared>> -> memref<10240x128xf32, #tpu.memory_space<vmem_shared>>
      tpu.wait_indirect_dma semaphore(%arg24 : memref<!tpu.dma_semaphore, #tpu.memory_space<semaphore_mem>>) src(%arg12 : memref<128x128xf32, #tpu.memory_space<vmem>>) dst(%dma_wait3A_284 : memref<10240x128xf32, #tpu.memory_space<vmem_shared>>)
      %dma_wait3A_285 = arith.constant 0 : i32
      %dma_wait3A_286 = tpu.memref_slice %arg8[%dma_wait3A_285] : memref<10240xf32, #tpu.memory_space<vmem_shared>> -> memref<10240xf32, #tpu.memory_space<vmem_shared>>
      tpu.wait_indirect_dma semaphore(%arg30 : memref<!tpu.dma_semaphore, #tpu.memory_space<semaphore_mem>>) src(%arg9 : memref<128xf32, #tpu.memory_space<vmem>>) dst(%dma_wait3A_286 : memref<10240xf32, #tpu.memory_space<vmem_shared>>)
      %dma_start3A_287 = arith.constant 0 : i32
      %dma_start3A_288 = arith.constant 0 : i32
      %dma_start3A_289 = tpu.memref_slice %arg2[%dma_start3A_287, %dma_start3A_288] : memref<10000x128xf32, #tpu.memory_space<hbm>> -> memref<10000x128xf32, #tpu.memory_space<hbm>>
      tpu.enqueue_indirect_dma source(%dma_start3A_289 : memref<10000x128xf32, #tpu.memory_space<hbm>>) target(%arg12 : memref<128x128xf32, #tpu.memory_space<vmem>>) offsets(%arg16 : memref<128xi32, #tpu.memory_space<vmem>>) semaphore(%arg22 : memref<!tpu.dma_semaphore, #tpu.memory_space<semaphore_mem>>)
      %add3A_290 = arith.addi %select_n3A, %add3A_259 : i32
      %add3A_291 = arith.constant 0 : i32
      %add3A_292 = arith.addi %add3A_290, %add3A_291 : i32
      %add3A_293 = arith.constant 3 : i32
      %add3A_294 = arith.addi %add3A_292, %add3A_293 : i32
      %dma_start3A_295 = arith.constant 0 : i32
      %dma_start3A_296 = tpu.memref_slice %arg3[%add3A_294, %dma_start3A_295] : memref<2561x128xi32, #tpu.memory_space<hbm>> -> memref<1x128xi32, #tpu.memory_space<hbm>>
      %dma_start3A_297 = tpu.memref_squeeze %dma_start3A_296 : memref<1x128xi32, #tpu.memory_space<hbm>> -> memref<128xi32, #tpu.memory_space<hbm>>
      %dma_start3A_298 = arith.constant 0 : i32
      %dma_start3A_299 = tpu.memref_slice %arg3[%add3A_294, %dma_start3A_298] : memref<2561x128xi32, #tpu.memory_space<hbm>> -> memref<1x128xi32, #tpu.memory_space<hbm>>
      %dma_start3A_300 = tpu.memref_squeeze %dma_start3A_299 : memref<1x128xi32, #tpu.memory_space<hbm>> -> memref<128xi32, #tpu.memory_space<hbm>>
      tpu.enqueue_dma source(%dma_start3A_300 : memref<128xi32, #tpu.memory_space<hbm>>) target(%arg14 : memref<128xi32, #tpu.memory_space<vmem>>) target_semaphore(%arg26 : memref<!tpu.dma_semaphore, #tpu.memory_space<semaphore_mem>>)
      %dma_start3A_301 = arith.constant 0 : i32
      %dma_start3A_302 = tpu.memref_slice %arg4[%add3A_294, %dma_start3A_301] : memref<2561x128xi32, #tpu.memory_space<hbm>> -> memref<1x128xi32, #tpu.memory_space<hbm>>
      %dma_start3A_303 = tpu.memref_squeeze %dma_start3A_302 : memref<1x128xi32, #tpu.memory_space<hbm>> -> memref<128xi32, #tpu.memory_space<hbm>>
      %dma_start3A_304 = arith.constant 0 : i32
      %dma_start3A_305 = tpu.memref_slice %arg4[%add3A_294, %dma_start3A_304] : memref<2561x128xi32, #tpu.memory_space<hbm>> -> memref<1x128xi32, #tpu.memory_space<hbm>>
      %dma_start3A_306 = tpu.memref_squeeze %dma_start3A_305 : memref<1x128xi32, #tpu.memory_space<hbm>> -> memref<128xi32, #tpu.memory_space<hbm>>
      tpu.enqueue_dma source(%dma_start3A_306 : memref<128xi32, #tpu.memory_space<hbm>>) target(%arg18 : memref<128xi32, #tpu.memory_space<vmem>>) target_semaphore(%arg26 : memref<!tpu.dma_semaphore, #tpu.memory_space<semaphore_mem>>)
      %dma_wait3A_307 = arith.constant 0 : i32
      %dma_wait3A_308 = arith.constant 0 : i32
      %dma_wait3A_309 = tpu.memref_slice %arg2[%dma_wait3A_307, %dma_wait3A_308] : memref<10000x128xf32, #tpu.memory_space<hbm>> -> memref<10000x128xf32, #tpu.memory_space<hbm>>
      tpu.wait_indirect_dma semaphore(%arg22 : memref<!tpu.dma_semaphore, #tpu.memory_space<semaphore_mem>>) src(%dma_wait3A_309 : memref<10000x128xf32, #tpu.memory_space<hbm>>) dst(%arg12 : memref<128x128xf32, #tpu.memory_space<vmem>>)
      %dma_start3A_310 = arith.constant 0 : i32
      %dma_start3A_311 = arith.constant 0 : i32
      %dma_start3A_312 = tpu.memref_slice %arg7[%dma_start3A_310, %dma_start3A_311] : memref<10240x128xf32, #tpu.memory_space<vmem_shared>> -> memref<10240x128xf32, #tpu.memory_space<vmem_shared>>
      tpu.enqueue_indirect_dma source(%arg12 : memref<128x128xf32, #tpu.memory_space<vmem>>) target(%dma_start3A_312 : memref<10240x128xf32, #tpu.memory_space<vmem_shared>>) offsets(%arg20 : memref<128xi32, #tpu.memory_space<vmem>>) semaphore(%arg24 : memref<!tpu.dma_semaphore, #tpu.memory_space<semaphore_mem>>) {add = true}
      %dma_start3A_313 = arith.constant 0 : i32
      %dma_start3A_314 = tpu.memref_slice %arg8[%dma_start3A_313] : memref<10240xf32, #tpu.memory_space<vmem_shared>> -> memref<10240xf32, #tpu.memory_space<vmem_shared>>
      tpu.enqueue_indirect_dma source(%arg9 : memref<128xf32, #tpu.memory_space<vmem>>) target(%dma_start3A_314 : memref<10240xf32, #tpu.memory_space<vmem_shared>>) offsets(%arg20 : memref<128xi32, #tpu.memory_space<vmem>>) semaphore(%arg30 : memref<!tpu.dma_semaphore, #tpu.memory_space<semaphore_mem>>) {add = true}
      %dma_wait3A_315 = arith.constant 0 : i32
      %dma_wait3A_316 = arith.constant 0 : i32
      %dma_wait3A_317 = tpu.memref_slice %arg3[%dma_wait3A_315, %dma_wait3A_316] : memref<2561x128xi32, #tpu.memory_space<hbm>> -> memref<1x128xi32, #tpu.memory_space<hbm>>
      %dma_wait3A_318 = tpu.memref_squeeze %dma_wait3A_317 : memref<1x128xi32, #tpu.memory_space<hbm>> -> memref<128xi32, #tpu.memory_space<hbm>>
      %dma_wait3A_319 = arith.constant 0 : i32
      %dma_wait3A_320 = tpu.memref_slice %arg3[%dma_wait3A_315, %dma_wait3A_319] : memref<2561x128xi32, #tpu.memory_space<hbm>> -> memref<1x128xi32, #tpu.memory_space<hbm>>
      %dma_wait3A_321 = tpu.memref_squeeze %dma_wait3A_320 : memref<1x128xi32, #tpu.memory_space<hbm>> -> memref<128xi32, #tpu.memory_space<hbm>>
      tpu.wait_dma2 semaphore(%arg25 : memref<!tpu.dma_semaphore, #tpu.memory_space<semaphore_mem>>) src(%dma_wait3A_321 : memref<128xi32, #tpu.memory_space<hbm>>) dst(%arg13 : memref<128xi32, #tpu.memory_space<vmem>>)
      %dma_wait3A_322 = arith.constant 0 : i32
      %dma_wait3A_323 = arith.constant 0 : i32
      %dma_wait3A_324 = tpu.memref_slice %arg4[%dma_wait3A_322, %dma_wait3A_323] : memref<2561x128xi32, #tpu.memory_space<hbm>> -> memref<1x128xi32, #tpu.memory_space<hbm>>
      %dma_wait3A_325 = tpu.memref_squeeze %dma_wait3A_324 : memref<1x128xi32, #tpu.memory_space<hbm>> -> memref<128xi32, #tpu.memory_space<hbm>>
      %dma_wait3A_326 = arith.constant 0 : i32
      %dma_wait3A_327 = tpu.memref_slice %arg4[%dma_wait3A_322, %dma_wait3A_326] : memref<2561x128xi32, #tpu.memory_space<hbm>> -> memref<1x128xi32, #tpu.memory_space<hbm>>
      %dma_wait3A_328 = tpu.memref_squeeze %dma_wait3A_327 : memref<1x128xi32, #tpu.memory_space<hbm>> -> memref<128xi32, #tpu.memory_space<hbm>>
      tpu.wait_dma2 semaphore(%arg25 : memref<!tpu.dma_semaphore, #tpu.memory_space<semaphore_mem>>) src(%dma_wait3A_328 : memref<128xi32, #tpu.memory_space<hbm>>) dst(%arg17 : memref<128xi32, #tpu.memory_space<vmem>>)
      %dma_wait3A_329 = arith.constant 0 : i32
      %dma_wait3A_330 = arith.constant 0 : i32
      %dma_wait3A_331 = tpu.memref_slice %arg7[%dma_wait3A_329, %dma_wait3A_330] : memref<10240x128xf32, #tpu.memory_space<vmem_shared>> -> memref<10240x128xf32, #tpu.memory_space<vmem_shared>>
      tpu.wait_indirect_dma semaphore(%arg23 : memref<!tpu.dma_semaphore, #tpu.memory_space<semaphore_mem>>) src(%arg11 : memref<128x128xf32, #tpu.memory_space<vmem>>) dst(%dma_wait3A_331 : memref<10240x128xf32, #tpu.memory_space<vmem_shared>>)
      %dma_wait3A_332 = arith.constant 0 : i32
      %dma_wait3A_333 = tpu.memref_slice %arg8[%dma_wait3A_332] : memref<10240xf32, #tpu.memory_space<vmem_shared>> -> memref<10240xf32, #tpu.memory_space<vmem_shared>>
      tpu.wait_indirect_dma semaphore(%arg29 : memref<!tpu.dma_semaphore, #tpu.memory_space<semaphore_mem>>) src(%arg9 : memref<128xf32, #tpu.memory_space<vmem>>) dst(%dma_wait3A_333 : memref<10240xf32, #tpu.memory_space<vmem_shared>>)
      %dma_start3A_334 = arith.constant 0 : i32
      %dma_start3A_335 = arith.constant 0 : i32
      %dma_start3A_336 = tpu.memref_slice %arg2[%dma_start3A_334, %dma_start3A_335] : memref<10000x128xf32, #tpu.memory_space<hbm>> -> memref<10000x128xf32, #tpu.memory_space<hbm>>
      tpu.enqueue_indirect_dma source(%dma_start3A_336 : memref<10000x128xf32, #tpu.memory_space<hbm>>) target(%arg11 : memref<128x128xf32, #tpu.memory_space<vmem>>) offsets(%arg13 : memref<128xi32, #tpu.memory_space<vmem>>) semaphore(%arg21 : memref<!tpu.dma_semaphore, #tpu.memory_space<semaphore_mem>>)
      %add3A_337 = arith.addi %select_n3A, %add3A_259 : i32
      %add3A_338 = arith.constant 1 : i32
      %add3A_339 = arith.addi %add3A_337, %add3A_338 : i32
      %add3A_340 = arith.constant 3 : i32
      %add3A_341 = arith.addi %add3A_339, %add3A_340 : i32
      %dma_start3A_342 = arith.constant 0 : i32
      %dma_start3A_343 = tpu.memref_slice %arg3[%add3A_341, %dma_start3A_342] : memref<2561x128xi32, #tpu.memory_space<hbm>> -> memref<1x128xi32, #tpu.memory_space<hbm>>
      %dma_start3A_344 = tpu.memref_squeeze %dma_start3A_343 : memref<1x128xi32, #tpu.memory_space<hbm>> -> memref<128xi32, #tpu.memory_space<hbm>>
      %dma_start3A_345 = arith.constant 0 : i32
      %dma_start3A_346 = tpu.memref_slice %arg3[%add3A_341, %dma_start3A_345] : memref<2561x128xi32, #tpu.memory_space<hbm>> -> memref<1x128xi32, #tpu.memory_space<hbm>>
      %dma_start3A_347 = tpu.memref_squeeze %dma_start3A_346 : memref<1x128xi32, #tpu.memory_space<hbm>> -> memref<128xi32, #tpu.memory_space<hbm>>
      tpu.enqueue_dma source(%dma_start3A_347 : memref<128xi32, #tpu.memory_space<hbm>>) target(%arg15 : memref<128xi32, #tpu.memory_space<vmem>>) target_semaphore(%arg27 : memref<!tpu.dma_semaphore, #tpu.memory_space<semaphore_mem>>)
      %dma_start3A_348 = arith.constant 0 : i32
      %dma_start3A_349 = tpu.memref_slice %arg4[%add3A_341, %dma_start3A_348] : memref<2561x128xi32, #tpu.memory_space<hbm>> -> memref<1x128xi32, #tpu.memory_space<hbm>>
      %dma_start3A_350 = tpu.memref_squeeze %dma_start3A_349 : memref<1x128xi32, #tpu.memory_space<hbm>> -> memref<128xi32, #tpu.memory_space<hbm>>
      %dma_start3A_351 = arith.constant 0 : i32
      %dma_start3A_352 = tpu.memref_slice %arg4[%add3A_341, %dma_start3A_351] : memref<2561x128xi32, #tpu.memory_space<hbm>> -> memref<1x128xi32, #tpu.memory_space<hbm>>
      %dma_start3A_353 = tpu.memref_squeeze %dma_start3A_352 : memref<1x128xi32, #tpu.memory_space<hbm>> -> memref<128xi32, #tpu.memory_space<hbm>>
      tpu.enqueue_dma source(%dma_start3A_353 : memref<128xi32, #tpu.memory_space<hbm>>) target(%arg19 : memref<128xi32, #tpu.memory_space<vmem>>) target_semaphore(%arg27 : memref<!tpu.dma_semaphore, #tpu.memory_space<semaphore_mem>>)
      %dma_wait3A_354 = arith.constant 0 : i32
      %dma_wait3A_355 = arith.constant 0 : i32
      %dma_wait3A_356 = tpu.memref_slice %arg2[%dma_wait3A_354, %dma_wait3A_355] : memref<10000x128xf32, #tpu.memory_space<hbm>> -> memref<10000x128xf32, #tpu.memory_space<hbm>>
      tpu.wait_indirect_dma semaphore(%arg21 : memref<!tpu.dma_semaphore, #tpu.memory_space<semaphore_mem>>) src(%dma_wait3A_356 : memref<10000x128xf32, #tpu.memory_space<hbm>>) dst(%arg11 : memref<128x128xf32, #tpu.memory_space<vmem>>)
      %dma_start3A_357 = arith.constant 0 : i32
      %dma_start3A_358 = arith.constant 0 : i32
      %dma_start3A_359 = tpu.memref_slice %arg7[%dma_start3A_357, %dma_start3A_358] : memref<10240x128xf32, #tpu.memory_space<vmem_shared>> -> memref<10240x128xf32, #tpu.memory_space<vmem_shared>>
      tpu.enqueue_indirect_dma source(%arg11 : memref<128x128xf32, #tpu.memory_space<vmem>>) target(%dma_start3A_359 : memref<10240x128xf32, #tpu.memory_space<vmem_shared>>) offsets(%arg17 : memref<128xi32, #tpu.memory_space<vmem>>) semaphore(%arg23 : memref<!tpu.dma_semaphore, #tpu.memory_space<semaphore_mem>>) {add = true}
      %dma_start3A_360 = arith.constant 0 : i32
      %dma_start3A_361 = tpu.memref_slice %arg8[%dma_start3A_360] : memref<10240xf32, #tpu.memory_space<vmem_shared>> -> memref<10240xf32, #tpu.memory_space<vmem_shared>>
      tpu.enqueue_indirect_dma source(%arg9 : memref<128xf32, #tpu.memory_space<vmem>>) target(%dma_start3A_361 : memref<10240xf32, #tpu.memory_space<vmem_shared>>) offsets(%arg17 : memref<128xi32, #tpu.memory_space<vmem>>) semaphore(%arg29 : memref<!tpu.dma_semaphore, #tpu.memory_space<semaphore_mem>>) {add = true}
      %dma_wait3A_362 = arith.constant 0 : i32
      %dma_wait3A_363 = arith.constant 0 : i32
      %dma_wait3A_364 = tpu.memref_slice %arg3[%dma_wait3A_362, %dma_wait3A_363] : memref<2561x128xi32, #tpu.memory_space<hbm>> -> memref<1x128xi32, #tpu.memory_space<hbm>>
      %dma_wait3A_365 = tpu.memref_squeeze %dma_wait3A_364 : memref<1x128xi32, #tpu.memory_space<hbm>> -> memref<128xi32, #tpu.memory_space<hbm>>
      %dma_wait3A_366 = arith.constant 0 : i32
      %dma_wait3A_367 = tpu.memref_slice %arg3[%dma_wait3A_362, %dma_wait3A_366] : memref<2561x128xi32, #tpu.memory_space<hbm>> -> memref<1x128xi32, #tpu.memory_space<hbm>>
      %dma_wait3A_368 = tpu.memref_squeeze %dma_wait3A_367 : memref<1x128xi32, #tpu.memory_space<hbm>> -> memref<128xi32, #tpu.memory_space<hbm>>
      tpu.wait_dma2 semaphore(%arg26 : memref<!tpu.dma_semaphore, #tpu.memory_space<semaphore_mem>>) src(%dma_wait3A_368 : memref<128xi32, #tpu.memory_space<hbm>>) dst(%arg14 : memref<128xi32, #tpu.memory_space<vmem>>)
      %dma_wait3A_369 = arith.constant 0 : i32
      %dma_wait3A_370 = arith.constant 0 : i32
      %dma_wait3A_371 = tpu.memref_slice %arg4[%dma_wait3A_369, %dma_wait3A_370] : memref<2561x128xi32, #tpu.memory_space<hbm>> -> memref<1x128xi32, #tpu.memory_space<hbm>>
      %dma_wait3A_372 = tpu.memref_squeeze %dma_wait3A_371 : memref<1x128xi32, #tpu.memory_space<hbm>> -> memref<128xi32, #tpu.memory_space<hbm>>
      %dma_wait3A_373 = arith.constant 0 : i32
      %dma_wait3A_374 = tpu.memref_slice %arg4[%dma_wait3A_369, %dma_wait3A_373] : memref<2561x128xi32, #tpu.memory_space<hbm>> -> memref<1x128xi32, #tpu.memory_space<hbm>>
      %dma_wait3A_375 = tpu.memref_squeeze %dma_wait3A_374 : memref<1x128xi32, #tpu.memory_space<hbm>> -> memref<128xi32, #tpu.memory_space<hbm>>
      tpu.wait_dma2 semaphore(%arg26 : memref<!tpu.dma_semaphore, #tpu.memory_space<semaphore_mem>>) src(%dma_wait3A_375 : memref<128xi32, #tpu.memory_space<hbm>>) dst(%arg18 : memref<128xi32, #tpu.memory_space<vmem>>)
      %dma_wait3A_376 = arith.constant 0 : i32
      %dma_wait3A_377 = arith.constant 0 : i32
      %dma_wait3A_378 = tpu.memref_slice %arg7[%dma_wait3A_376, %dma_wait3A_377] : memref<10240x128xf32, #tpu.memory_space<vmem_shared>> -> memref<10240x128xf32, #tpu.memory_space<vmem_shared>>
      tpu.wait_indirect_dma semaphore(%arg24 : memref<!tpu.dma_semaphore, #tpu.memory_space<semaphore_mem>>) src(%arg12 : memref<128x128xf32, #tpu.memory_space<vmem>>) dst(%dma_wait3A_378 : memref<10240x128xf32, #tpu.memory_space<vmem_shared>>)
      %dma_wait3A_379 = arith.constant 0 : i32
      %dma_wait3A_380 = tpu.memref_slice %arg8[%dma_wait3A_379] : memref<10240xf32, #tpu.memory_space<vmem_shared>> -> memref<10240xf32, #tpu.memory_space<vmem_shared>>
      tpu.wait_indirect_dma semaphore(%arg30 : memref<!tpu.dma_semaphore, #tpu.memory_space<semaphore_mem>>) src(%arg9 : memref<128xf32, #tpu.memory_space<vmem>>) dst(%dma_wait3A_380 : memref<10240xf32, #tpu.memory_space<vmem_shared>>)
      %dma_start3A_381 = arith.constant 0 : i32
      %dma_start3A_382 = arith.constant 0 : i32
      %dma_start3A_383 = tpu.memref_slice %arg2[%dma_start3A_381, %dma_start3A_382] : memref<10000x128xf32, #tpu.memory_space<hbm>> -> memref<10000x128xf32, #tpu.memory_space<hbm>>
      tpu.enqueue_indirect_dma source(%dma_start3A_383 : memref<10000x128xf32, #tpu.memory_space<hbm>>) target(%arg12 : memref<128x128xf32, #tpu.memory_space<vmem>>) offsets(%arg14 : memref<128xi32, #tpu.memory_space<vmem>>) semaphore(%arg22 : memref<!tpu.dma_semaphore, #tpu.memory_space<semaphore_mem>>)
      %add3A_384 = arith.addi %select_n3A, %add3A_259 : i32
      %add3A_385 = arith.constant 2 : i32
      %add3A_386 = arith.addi %add3A_384, %add3A_385 : i32
      %add3A_387 = arith.constant 3 : i32
      %add3A_388 = arith.addi %add3A_386, %add3A_387 : i32
      %dma_start3A_389 = arith.constant 0 : i32
      %dma_start3A_390 = tpu.memref_slice %arg3[%add3A_388, %dma_start3A_389] : memref<2561x128xi32, #tpu.memory_space<hbm>> -> memref<1x128xi32, #tpu.memory_space<hbm>>
      %dma_start3A_391 = tpu.memref_squeeze %dma_start3A_390 : memref<1x128xi32, #tpu.memory_space<hbm>> -> memref<128xi32, #tpu.memory_space<hbm>>
      %dma_start3A_392 = arith.constant 0 : i32
      %dma_start3A_393 = tpu.memref_slice %arg3[%add3A_388, %dma_start3A_392] : memref<2561x128xi32, #tpu.memory_space<hbm>> -> memref<1x128xi32, #tpu.memory_space<hbm>>
      %dma_start3A_394 = tpu.memref_squeeze %dma_start3A_393 : memref<1x128xi32, #tpu.memory_space<hbm>> -> memref<128xi32, #tpu.memory_space<hbm>>
      tpu.enqueue_dma source(%dma_start3A_394 : memref<128xi32, #tpu.memory_space<hbm>>) target(%arg16 : memref<128xi32, #tpu.memory_space<vmem>>) target_semaphore(%arg28 : memref<!tpu.dma_semaphore, #tpu.memory_space<semaphore_mem>>)
      %dma_start3A_395 = arith.constant 0 : i32
      %dma_start3A_396 = tpu.memref_slice %arg4[%add3A_388, %dma_start3A_395] : memref<2561x128xi32, #tpu.memory_space<hbm>> -> memref<1x128xi32, #tpu.memory_space<hbm>>
      %dma_start3A_397 = tpu.memref_squeeze %dma_start3A_396 : memref<1x128xi32, #tpu.memory_space<hbm>> -> memref<128xi32, #tpu.memory_space<hbm>>
      %dma_start3A_398 = arith.constant 0 : i32
      %dma_start3A_399 = tpu.memref_slice %arg4[%add3A_388, %dma_start3A_398] : memref<2561x128xi32, #tpu.memory_space<hbm>> -> memref<1x128xi32, #tpu.memory_space<hbm>>
      %dma_start3A_400 = tpu.memref_squeeze %dma_start3A_399 : memref<1x128xi32, #tpu.memory_space<hbm>> -> memref<128xi32, #tpu.memory_space<hbm>>
      tpu.enqueue_dma source(%dma_start3A_400 : memref<128xi32, #tpu.memory_space<hbm>>) target(%arg20 : memref<128xi32, #tpu.memory_space<vmem>>) target_semaphore(%arg28 : memref<!tpu.dma_semaphore, #tpu.memory_space<semaphore_mem>>)
      %dma_wait3A_401 = arith.constant 0 : i32
      %dma_wait3A_402 = arith.constant 0 : i32
      %dma_wait3A_403 = tpu.memref_slice %arg2[%dma_wait3A_401, %dma_wait3A_402] : memref<10000x128xf32, #tpu.memory_space<hbm>> -> memref<10000x128xf32, #tpu.memory_space<hbm>>
      tpu.wait_indirect_dma semaphore(%arg22 : memref<!tpu.dma_semaphore, #tpu.memory_space<semaphore_mem>>) src(%dma_wait3A_403 : memref<10000x128xf32, #tpu.memory_space<hbm>>) dst(%arg12 : memref<128x128xf32, #tpu.memory_space<vmem>>)
      %dma_start3A_404 = arith.constant 0 : i32
      %dma_start3A_405 = arith.constant 0 : i32
      %dma_start3A_406 = tpu.memref_slice %arg7[%dma_start3A_404, %dma_start3A_405] : memref<10240x128xf32, #tpu.memory_space<vmem_shared>> -> memref<10240x128xf32, #tpu.memory_space<vmem_shared>>
      tpu.enqueue_indirect_dma source(%arg12 : memref<128x128xf32, #tpu.memory_space<vmem>>) target(%dma_start3A_406 : memref<10240x128xf32, #tpu.memory_space<vmem_shared>>) offsets(%arg18 : memref<128xi32, #tpu.memory_space<vmem>>) semaphore(%arg24 : memref<!tpu.dma_semaphore, #tpu.memory_space<semaphore_mem>>) {add = true}
      %dma_start3A_407 = arith.constant 0 : i32
      %dma_start3A_408 = tpu.memref_slice %arg8[%dma_start3A_407] : memref<10240xf32, #tpu.memory_space<vmem_shared>> -> memref<10240xf32, #tpu.memory_space<vmem_shared>>
      tpu.enqueue_indirect_dma source(%arg9 : memref<128xf32, #tpu.memory_space<vmem>>) target(%dma_start3A_408 : memref<10240xf32, #tpu.memory_space<vmem_shared>>) offsets(%arg18 : memref<128xi32, #tpu.memory_space<vmem>>) semaphore(%arg30 : memref<!tpu.dma_semaphore, #tpu.memory_space<semaphore_mem>>) {add = true}
      %dma_wait3A_409 = arith.constant 0 : i32
      %dma_wait3A_410 = arith.constant 0 : i32
      %dma_wait3A_411 = tpu.memref_slice %arg3[%dma_wait3A_409, %dma_wait3A_410] : memref<2561x128xi32, #tpu.memory_space<hbm>> -> memref<1x128xi32, #tpu.memory_space<hbm>>
      %dma_wait3A_412 = tpu.memref_squeeze %dma_wait3A_411 : memref<1x128xi32, #tpu.memory_space<hbm>> -> memref<128xi32, #tpu.memory_space<hbm>>
      %dma_wait3A_413 = arith.constant 0 : i32
      %dma_wait3A_414 = tpu.memref_slice %arg3[%dma_wait3A_409, %dma_wait3A_413] : memref<2561x128xi32, #tpu.memory_space<hbm>> -> memref<1x128xi32, #tpu.memory_space<hbm>>
      %dma_wait3A_415 = tpu.memref_squeeze %dma_wait3A_414 : memref<1x128xi32, #tpu.memory_space<hbm>> -> memref<128xi32, #tpu.memory_space<hbm>>
      tpu.wait_dma2 semaphore(%arg27 : memref<!tpu.dma_semaphore, #tpu.memory_space<semaphore_mem>>) src(%dma_wait3A_415 : memref<128xi32, #tpu.memory_space<hbm>>) dst(%arg15 : memref<128xi32, #tpu.memory_space<vmem>>)
      %dma_wait3A_416 = arith.constant 0 : i32
      %dma_wait3A_417 = arith.constant 0 : i32
      %dma_wait3A_418 = tpu.memref_slice %arg4[%dma_wait3A_416, %dma_wait3A_417] : memref<2561x128xi32, #tpu.memory_space<hbm>> -> memref<1x128xi32, #tpu.memory_space<hbm>>
      %dma_wait3A_419 = tpu.memref_squeeze %dma_wait3A_418 : memref<1x128xi32, #tpu.memory_space<hbm>> -> memref<128xi32, #tpu.memory_space<hbm>>
      %dma_wait3A_420 = arith.constant 0 : i32
      %dma_wait3A_421 = tpu.memref_slice %arg4[%dma_wait3A_416, %dma_wait3A_420] : memref<2561x128xi32, #tpu.memory_space<hbm>> -> memref<1x128xi32, #tpu.memory_space<hbm>>
      %dma_wait3A_422 = tpu.memref_squeeze %dma_wait3A_421 : memref<1x128xi32, #tpu.memory_space<hbm>> -> memref<128xi32, #tpu.memory_space<hbm>>
      tpu.wait_dma2 semaphore(%arg27 : memref<!tpu.dma_semaphore, #tpu.memory_space<semaphore_mem>>) src(%dma_wait3A_422 : memref<128xi32, #tpu.memory_space<hbm>>) dst(%arg19 : memref<128xi32, #tpu.memory_space<vmem>>)
      %dma_wait3A_423 = arith.constant 0 : i32
      %dma_wait3A_424 = arith.constant 0 : i32
      %dma_wait3A_425 = tpu.memref_slice %arg7[%dma_wait3A_423, %dma_wait3A_424] : memref<10240x128xf32, #tpu.memory_space<vmem_shared>> -> memref<10240x128xf32, #tpu.memory_space<vmem_shared>>
      tpu.wait_indirect_dma semaphore(%arg23 : memref<!tpu.dma_semaphore, #tpu.memory_space<semaphore_mem>>) src(%arg11 : memref<128x128xf32, #tpu.memory_space<vmem>>) dst(%dma_wait3A_425 : memref<10240x128xf32, #tpu.memory_space<vmem_shared>>)
      %dma_wait3A_426 = arith.constant 0 : i32
      %dma_wait3A_427 = tpu.memref_slice %arg8[%dma_wait3A_426] : memref<10240xf32, #tpu.memory_space<vmem_shared>> -> memref<10240xf32, #tpu.memory_space<vmem_shared>>
      tpu.wait_indirect_dma semaphore(%arg29 : memref<!tpu.dma_semaphore, #tpu.memory_space<semaphore_mem>>) src(%arg9 : memref<128xf32, #tpu.memory_space<vmem>>) dst(%dma_wait3A_427 : memref<10240xf32, #tpu.memory_space<vmem_shared>>)
      %dma_start3A_428 = arith.constant 0 : i32
      %dma_start3A_429 = arith.constant 0 : i32
      %dma_start3A_430 = tpu.memref_slice %arg2[%dma_start3A_428, %dma_start3A_429] : memref<10000x128xf32, #tpu.memory_space<hbm>> -> memref<10000x128xf32, #tpu.memory_space<hbm>>
      tpu.enqueue_indirect_dma source(%dma_start3A_430 : memref<10000x128xf32, #tpu.memory_space<hbm>>) target(%arg11 : memref<128x128xf32, #tpu.memory_space<vmem>>) offsets(%arg15 : memref<128xi32, #tpu.memory_space<vmem>>) semaphore(%arg21 : memref<!tpu.dma_semaphore, #tpu.memory_space<semaphore_mem>>)
      %add3A_431 = arith.addi %select_n3A, %add3A_259 : i32
      %add3A_432 = arith.constant 3 : i32
      %add3A_433 = arith.addi %add3A_431, %add3A_432 : i32
      %add3A_434 = arith.constant 3 : i32
      %add3A_435 = arith.addi %add3A_433, %add3A_434 : i32
      %dma_start3A_436 = arith.constant 0 : i32
      %dma_start3A_437 = tpu.memref_slice %arg3[%add3A_435, %dma_start3A_436] : memref<2561x128xi32, #tpu.memory_space<hbm>> -> memref<1x128xi32, #tpu.memory_space<hbm>>
      %dma_start3A_438 = tpu.memref_squeeze %dma_start3A_437 : memref<1x128xi32, #tpu.memory_space<hbm>> -> memref<128xi32, #tpu.memory_space<hbm>>
      %dma_start3A_439 = arith.constant 0 : i32
      %dma_start3A_440 = tpu.memref_slice %arg3[%add3A_435, %dma_start3A_439] : memref<2561x128xi32, #tpu.memory_space<hbm>> -> memref<1x128xi32, #tpu.memory_space<hbm>>
      %dma_start3A_441 = tpu.memref_squeeze %dma_start3A_440 : memref<1x128xi32, #tpu.memory_space<hbm>> -> memref<128xi32, #tpu.memory_space<hbm>>
      tpu.enqueue_dma source(%dma_start3A_441 : memref<128xi32, #tpu.memory_space<hbm>>) target(%arg13 : memref<128xi32, #tpu.memory_space<vmem>>) target_semaphore(%arg25 : memref<!tpu.dma_semaphore, #tpu.memory_space<semaphore_mem>>)
      %dma_start3A_442 = arith.constant 0 : i32
      %dma_start3A_443 = tpu.memref_slice %arg4[%add3A_435, %dma_start3A_442] : memref<2561x128xi32, #tpu.memory_space<hbm>> -> memref<1x128xi32, #tpu.memory_space<hbm>>
      %dma_start3A_444 = tpu.memref_squeeze %dma_start3A_443 : memref<1x128xi32, #tpu.memory_space<hbm>> -> memref<128xi32, #tpu.memory_space<hbm>>
      %dma_start3A_445 = arith.constant 0 : i32
      %dma_start3A_446 = tpu.memref_slice %arg4[%add3A_435, %dma_start3A_445] : memref<2561x128xi32, #tpu.memory_space<hbm>> -> memref<1x128xi32, #tpu.memory_space<hbm>>
      %dma_start3A_447 = tpu.memref_squeeze %dma_start3A_446 : memref<1x128xi32, #tpu.memory_space<hbm>> -> memref<128xi32, #tpu.memory_space<hbm>>
      tpu.enqueue_dma source(%dma_start3A_447 : memref<128xi32, #tpu.memory_space<hbm>>) target(%arg17 : memref<128xi32, #tpu.memory_space<vmem>>) target_semaphore(%arg25 : memref<!tpu.dma_semaphore, #tpu.memory_space<semaphore_mem>>)
    }
    %while3A_191 = arith.constant 1 : i32
    scf.for %while3A_255 = %while3A_189 to %while3A_185 step %while3A_191  : i32 {
      %mul3A_256 = arith.constant 4 : i32
      %mul3A_257 = arith.muli %mul3A_256, %while3A_255 : i32
      %add3A_258 = arith.constant 2 : i32
      %add3A_259 = arith.addi %add3A_258, %mul3A_257 : i32
      %dma_wait3A_260 = arith.constant 0 : i32
      %dma_wait3A_261 = arith.constant 0 : i32
      %dma_wait3A_262 = tpu.memref_slice %arg2[%dma_wait3A_260, %dma_wait3A_261] : memref<10000x128xf32, #tpu.memory_space<hbm>> -> memref<10000x128xf32, #tpu.memory_space<hbm>>
      tpu.wait_indirect_dma semaphore(%arg21 : memref<!tpu.dma_semaphore, #tpu.memory_space<semaphore_mem>>) src(%dma_wait3A_262 : memref<10000x128xf32, #tpu.memory_space<hbm>>) dst(%arg11 : memref<128x128xf32, #tpu.memory_space<vmem>>)
      %dma_start3A_263 = arith.constant 0 : i32
      %dma_start3A_264 = arith.constant 0 : i32
      %dma_start3A_265 = tpu.memref_slice %arg7[%dma_start3A_263, %dma_start3A_264] : memref<10240x128xf32, #tpu.memory_space<vmem_shared>> -> memref<10240x128xf32, #tpu.memory_space<vmem_shared>>
      tpu.enqueue_indirect_dma source(%arg11 : memref<128x128xf32, #tpu.memory_space<vmem>>) target(%dma_start3A_265 : memref<10240x128xf32, #tpu.memory_space<vmem_shared>>) offsets(%arg19 : memref<128xi32, #tpu.memory_space<vmem>>) semaphore(%arg23 : memref<!tpu.dma_semaphore, #tpu.memory_space<semaphore_mem>>) {add = true}
      %dma_start3A_266 = arith.constant 0 : i32
      %dma_start3A_267 = tpu.memref_slice %arg8[%dma_start3A_266] : memref<10240xf32, #tpu.memory_space<vmem_shared>> -> memref<10240xf32, #tpu.memory_space<vmem_shared>>
      tpu.enqueue_indirect_dma source(%arg9 : memref<128xf32, #tpu.memory_space<vmem>>) target(%dma_start3A_267 : memref<10240xf32, #tpu.memory_space<vmem_shared>>) offsets(%arg19 : memref<128xi32, #tpu.memory_space<vmem>>) semaphore(%arg29 : memref<!tpu.dma_semaphore, #tpu.memory_space<semaphore_mem>>) {add = true}
      %dma_wait3A_268 = arith.constant 0 : i32
      %dma_wait3A_269 = arith.constant 0 : i32
      %dma_wait3A_270 = tpu.memref_slice %arg3[%dma_wait3A_268, %dma_wait3A_269] : memref<2561x128xi32, #tpu.memory_space<hbm>> -> memref<1x128xi32, #tpu.memory_space<hbm>>
      %dma_wait3A_271 = tpu.memref_squeeze %dma_wait3A_270 : memref<1x128xi32, #tpu.memory_space<hbm>> -> memref<128xi32, #tpu.memory_space<hbm>>
      %dma_wait3A_272 = arith.constant 0 : i32
      %dma_wait3A_273 = tpu.memref_slice %arg3[%dma_wait3A_268, %dma_wait3A_272] : memref<2561x128xi32, #tpu.memory_space<hbm>> -> memref<1x128xi32, #tpu.memory_space<hbm>>
      %dma_wait3A_274 = tpu.memref_squeeze %dma_wait3A_273 : memref<1x128xi32, #tpu.memory_space<hbm>> -> memref<128xi32, #tpu.memory_space<hbm>>
      tpu.wait_dma2 semaphore(%arg28 : memref<!tpu.dma_semaphore, #tpu.memory_space<semaphore_mem>>) src(%dma_wait3A_274 : memref<128xi32, #tpu.memory_space<hbm>>) dst(%arg16 : memref<128xi32, #tpu.memory_space<vmem>>)
      %dma_wait3A_275 = arith.constant 0 : i32
      %dma_wait3A_276 = arith.constant 0 : i32
      %dma_wait3A_277 = tpu.memref_slice %arg4[%dma_wait3A_275, %dma_wait3A_276] : memref<2561x128xi32, #tpu.memory_space<hbm>> -> memref<1x128xi32, #tpu.memory_space<hbm>>
      %dma_wait3A_278 = tpu.memref_squeeze %dma_wait3A_277 : memref<1x128xi32, #tpu.memory_space<hbm>> -> memref<128xi32, #tpu.memory_space<hbm>>
      %dma_wait3A_279 = arith.constant 0 : i32
      %dma_wait3A_280 = tpu.memref_slice %arg4[%dma_wait3A_275, %dma_wait3A_279] : memref<2561x128xi32, #tpu.memory_space<hbm>> -> memref<1x128xi32, #tpu.memory_space<hbm>>
      %dma_wait3A_281 = tpu.memref_squeeze %dma_wait3A_280 : memref<1x128xi32, #tpu.memory_space<hbm>> -> memref<128xi32, #tpu.memory_space<hbm>>
      tpu.wait_dma2 semaphore(%arg28 : memref<!tpu.dma_semaphore, #tpu.memory_space<semaphore_mem>>) src(%dma_wait3A_281 : memref<128xi32, #tpu.memory_space<hbm>>) dst(%arg20 : memref<128xi32, #tpu.memory_space<vmem>>)
      %dma_wait3A_282 = arith.constant 0 : i32
      %dma_wait3A_283 = arith.constant 0 : i32
      %dma_wait3A_284 = tpu.memref_slice %arg7[%dma_wait3A_282, %dma_wait3A_283] : memref<10240x128xf32, #tpu.memory_space<vmem_shared>> -> memref<10240x128xf32, #tpu.memory_space<vmem_shared>>
      tpu.wait_indirect_dma semaphore(%arg24 : memref<!tpu.dma_semaphore, #tpu.memory_space<semaphore_mem>>) src(%arg12 : memref<128x128xf32, #tpu.memory_space<vmem>>) dst(%dma_wait3A_284 : memref<10240x128xf32, #tpu.memory_space<vmem_shared>>)
      %dma_wait3A_285 = arith.constant 0 : i32
      %dma_wait3A_286 = tpu.memref_slice %arg8[%dma_wait3A_285] : memref<10240xf32, #tpu.memory_space<vmem_shared>> -> memref<10240xf32, #tpu.memory_space<vmem_shared>>
      tpu.wait_indirect_dma semaphore(%arg30 : memref<!tpu.dma_semaphore, #tpu.memory_space<semaphore_mem>>) src(%arg9 : memref<128xf32, #tpu.memory_space<vmem>>) dst(%dma_wait3A_286 : memref<10240xf32, #tpu.memory_space<vmem_shared>>)
      %dma_start3A_287 = arith.constant 0 : i32
      %dma_start3A_288 = arith.constant 0 : i32
      %dma_start3A_289 = tpu.memref_slice %arg2[%dma_start3A_287, %dma_start3A_288] : memref<10000x128xf32, #tpu.memory_space<hbm>> -> memref<10000x128xf32, #tpu.memory_space<hbm>>
      tpu.enqueue_indirect_dma source(%dma_start3A_289 : memref<10000x128xf32, #tpu.memory_space<hbm>>) target(%arg12 : memref<128x128xf32, #tpu.memory_space<vmem>>) offsets(%arg16 : memref<128xi32, #tpu.memory_space<vmem>>) semaphore(%arg22 : memref<!tpu.dma_semaphore, #tpu.memory_space<semaphore_mem>>)
      %add3A_290 = arith.addi %select_n3A, %add3A_259 : i32
      %add3A_291 = arith.constant 0 : i32
      %add3A_292 = arith.addi %add3A_290, %add3A_291 : i32
      %add3A_293 = arith.constant 3 : i32
      %add3A_294 = arith.addi %add3A_292, %add3A_293 : i32
      %dma_start3A_295 = arith.constant 0 : i32
      %dma_start3A_296 = tpu.memref_slice %arg3[%add3A_294, %dma_start3A_295] : memref<2561x128xi32, #tpu.memory_space<hbm>> -> memref<1x128xi32, #tpu.memory_space<hbm>>
      %dma_start3A_297 = tpu.memref_squeeze %dma_start3A_296 : memref<1x128xi32, #tpu.memory_space<hbm>> -> memref<128xi32, #tpu.memory_space<hbm>>
      %dma_start3A_298 = arith.constant 0 : i32
      %dma_start3A_299 = tpu.memref_slice %arg3[%add3A_294, %dma_start3A_298] : memref<2561x128xi32, #tpu.memory_space<hbm>> -> memref<1x128xi32, #tpu.memory_space<hbm>>
      %dma_start3A_300 = tpu.memref_squeeze %dma_start3A_299 : memref<1x128xi32, #tpu.memory_space<hbm>> -> memref<128xi32, #tpu.memory_space<hbm>>
      tpu.enqueue_dma source(%dma_start3A_300 : memref<128xi32, #tpu.memory_space<hbm>>) target(%arg14 : memref<128xi32, #tpu.memory_space<vmem>>) target_semaphore(%arg26 : memref<!tpu.dma_semaphore, #tpu.memory_space<semaphore_mem>>)
      %dma_start3A_301 = arith.constant 0 : i32
      %dma_start3A_302 = tpu.memref_slice %arg4[%add3A_294, %dma_start3A_301] : memref<2561x128xi32, #tpu.memory_space<hbm>> -> memref<1x128xi32, #tpu.memory_space<hbm>>
      %dma_start3A_303 = tpu.memref_squeeze %dma_start3A_302 : memref<1x128xi32, #tpu.memory_space<hbm>> -> memref<128xi32, #tpu.memory_space<hbm>>
      %dma_start3A_304 = arith.constant 0 : i32
      %dma_start3A_305 = tpu.memref_slice %arg4[%add3A_294, %dma_start3A_304] : memref<2561x128xi32, #tpu.memory_space<hbm>> -> memref<1x128xi32, #tpu.memory_space<hbm>>
      %dma_start3A_306 = tpu.memref_squeeze %dma_start3A_305 : memref<1x128xi32, #tpu.memory_space<hbm>> -> memref<128xi32, #tpu.memory_space<hbm>>
      tpu.enqueue_dma source(%dma_start3A_306 : memref<128xi32, #tpu.memory_space<hbm>>) target(%arg18 : memref<128xi32, #tpu.memory_space<vmem>>) target_semaphore(%arg26 : memref<!tpu.dma_semaphore, #tpu.memory_space<semaphore_mem>>)
      %dma_wait3A_307 = arith.constant 0 : i32
      %dma_wait3A_308 = arith.constant 0 : i32
      %dma_wait3A_309 = tpu.memref_slice %arg2[%dma_wait3A_307, %dma_wait3A_308] : memref<10000x128xf32, #tpu.memory_space<hbm>> -> memref<10000x128xf32, #tpu.memory_space<hbm>>
      tpu.wait_indirect_dma semaphore(%arg22 : memref<!tpu.dma_semaphore, #tpu.memory_space<semaphore_mem>>) src(%dma_wait3A_309 : memref<10000x128xf32, #tpu.memory_space<hbm>>) dst(%arg12 : memref<128x128xf32, #tpu.memory_space<vmem>>)
      %dma_start3A_310 = arith.constant 0 : i32
      %dma_start3A_311 = arith.constant 0 : i32
      %dma_start3A_312 = tpu.memref_slice %arg7[%dma_start3A_310, %dma_start3A_311] : memref<10240x128xf32, #tpu.memory_space<vmem_shared>> -> memref<10240x128xf32, #tpu.memory_space<vmem_shared>>
      tpu.enqueue_indirect_dma source(%arg12 : memref<128x128xf32, #tpu.memory_space<vmem>>) target(%dma_start3A_312 : memref<10240x128xf32, #tpu.memory_space<vmem_shared>>) offsets(%arg20 : memref<128xi32, #tpu.memory_space<vmem>>) semaphore(%arg24 : memref<!tpu.dma_semaphore, #tpu.memory_space<semaphore_mem>>) {add = true}
      %dma_start3A_313 = arith.constant 0 : i32
      %dma_start3A_314 = tpu.memref_slice %arg8[%dma_start3A_313] : memref<10240xf32, #tpu.memory_space<vmem_shared>> -> memref<10240xf32, #tpu.memory_space<vmem_shared>>
      tpu.enqueue_indirect_dma source(%arg9 : memref<128xf32, #tpu.memory_space<vmem>>) target(%dma_start3A_314 : memref<10240xf32, #tpu.memory_space<vmem_shared>>) offsets(%arg20 : memref<128xi32, #tpu.memory_space<vmem>>) semaphore(%arg30 : memref<!tpu.dma_semaphore, #tpu.memory_space<semaphore_mem>>) {add = true}
      %dma_wait3A_315 = arith.constant 0 : i32
      %dma_wait3A_316 = arith.constant 0 : i32
      %dma_wait3A_317 = tpu.memref_slice %arg3[%dma_wait3A_315, %dma_wait3A_316] : memref<2561x128xi32, #tpu.memory_space<hbm>> -> memref<1x128xi32, #tpu.memory_space<hbm>>
      %dma_wait3A_318 = tpu.memref_squeeze %dma_wait3A_317 : memref<1x128xi32, #tpu.memory_space<hbm>> -> memref<128xi32, #tpu.memory_space<hbm>>
      %dma_wait3A_319 = arith.constant 0 : i32
      %dma_wait3A_320 = tpu.memref_slice %arg3[%dma_wait3A_315, %dma_wait3A_319] : memref<2561x128xi32, #tpu.memory_space<hbm>> -> memref<1x128xi32, #tpu.memory_space<hbm>>
      %dma_wait3A_321 = tpu.memref_squeeze %dma_wait3A_320 : memref<1x128xi32, #tpu.memory_space<hbm>> -> memref<128xi32, #tpu.memory_space<hbm>>
      tpu.wait_dma2 semaphore(%arg25 : memref<!tpu.dma_semaphore, #tpu.memory_space<semaphore_mem>>) src(%dma_wait3A_321 : memref<128xi32, #tpu.memory_space<hbm>>) dst(%arg13 : memref<128xi32, #tpu.memory_space<vmem>>)
      %dma_wait3A_322 = arith.constant 0 : i32
      %dma_wait3A_323 = arith.constant 0 : i32
      %dma_wait3A_324 = tpu.memref_slice %arg4[%dma_wait3A_322, %dma_wait3A_323] : memref<2561x128xi32, #tpu.memory_space<hbm>> -> memref<1x128xi32, #tpu.memory_space<hbm>>
      %dma_wait3A_325 = tpu.memref_squeeze %dma_wait3A_324 : memref<1x128xi32, #tpu.memory_space<hbm>> -> memref<128xi32, #tpu.memory_space<hbm>>
      %dma_wait3A_326 = arith.constant 0 : i32
      %dma_wait3A_327 = tpu.memref_slice %arg4[%dma_wait3A_322, %dma_wait3A_326] : memref<2561x128xi32, #tpu.memory_space<hbm>> -> memref<1x128xi32, #tpu.memory_space<hbm>>
      %dma_wait3A_328 = tpu.memref_squeeze %dma_wait3A_327 : memref<1x128xi32, #tpu.memory_space<hbm>> -> memref<128xi32, #tpu.memory_space<hbm>>
      tpu.wait_dma2 semaphore(%arg25 : memref<!tpu.dma_semaphore, #tpu.memory_space<semaphore_mem>>) src(%dma_wait3A_328 : memref<128xi32, #tpu.memory_space<hbm>>) dst(%arg17 : memref<128xi32, #tpu.memory_space<vmem>>)
      %dma_wait3A_329 = arith.constant 0 : i32
      %dma_wait3A_330 = arith.constant 0 : i32
      %dma_wait3A_331 = tpu.memref_slice %arg7[%dma_wait3A_329, %dma_wait3A_330] : memref<10240x128xf32, #tpu.memory_space<vmem_shared>> -> memref<10240x128xf32, #tpu.memory_space<vmem_shared>>
      tpu.wait_indirect_dma semaphore(%arg23 : memref<!tpu.dma_semaphore, #tpu.memory_space<semaphore_mem>>) src(%arg11 : memref<128x128xf32, #tpu.memory_space<vmem>>) dst(%dma_wait3A_331 : memref<10240x128xf32, #tpu.memory_space<vmem_shared>>)
      %dma_wait3A_332 = arith.constant 0 : i32
      %dma_wait3A_333 = tpu.memref_slice %arg8[%dma_wait3A_332] : memref<10240xf32, #tpu.memory_space<vmem_shared>> -> memref<10240xf32, #tpu.memory_space<vmem_shared>>
      tpu.wait_indirect_dma semaphore(%arg29 : memref<!tpu.dma_semaphore, #tpu.memory_space<semaphore_mem>>) src(%arg9 : memref<128xf32, #tpu.memory_space<vmem>>) dst(%dma_wait3A_333 : memref<10240xf32, #tpu.memory_space<vmem_shared>>)
      %dma_start3A_334 = arith.constant 0 : i32
      %dma_start3A_335 = arith.constant 0 : i32
      %dma_start3A_336 = tpu.memref_slice %arg2[%dma_start3A_334, %dma_start3A_335] : memref<10000x128xf32, #tpu.memory_space<hbm>> -> memref<10000x128xf32, #tpu.memory_space<hbm>>
      tpu.enqueue_indirect_dma source(%dma_start3A_336 : memref<10000x128xf32, #tpu.memory_space<hbm>>) target(%arg11 : memref<128x128xf32, #tpu.memory_space<vmem>>) offsets(%arg13 : memref<128xi32, #tpu.memory_space<vmem>>) semaphore(%arg21 : memref<!tpu.dma_semaphore, #tpu.memory_space<semaphore_mem>>)
      %add3A_337 = arith.addi %select_n3A, %add3A_259 : i32
      %add3A_338 = arith.constant 1 : i32
      %add3A_339 = arith.addi %add3A_337, %add3A_338 : i32
      %add3A_340 = arith.constant 3 : i32
      %add3A_341 = arith.addi %add3A_339, %add3A_340 : i32
      %dma_start3A_342 = arith.constant 0 : i32
      %dma_start3A_343 = tpu.memref_slice %arg3[%add3A_341, %dma_start3A_342] : memref<2561x128xi32, #tpu.memory_space<hbm>> -> memref<1x128xi32, #tpu.memory_space<hbm>>
      %dma_start3A_344 = tpu.memref_squeeze %dma_start3A_343 : memref<1x128xi32, #tpu.memory_space<hbm>> -> memref<128xi32, #tpu.memory_space<hbm>>
      %dma_start3A_345 = arith.constant 0 : i32
      %dma_start3A_346 = tpu.memref_slice %arg3[%add3A_341, %dma_start3A_345] : memref<2561x128xi32, #tpu.memory_space<hbm>> -> memref<1x128xi32, #tpu.memory_space<hbm>>
      %dma_start3A_347 = tpu.memref_squeeze %dma_start3A_346 : memref<1x128xi32, #tpu.memory_space<hbm>> -> memref<128xi32, #tpu.memory_space<hbm>>
      tpu.enqueue_dma source(%dma_start3A_347 : memref<128xi32, #tpu.memory_space<hbm>>) target(%arg15 : memref<128xi32, #tpu.memory_space<vmem>>) target_semaphore(%arg27 : memref<!tpu.dma_semaphore, #tpu.memory_space<semaphore_mem>>)
      %dma_start3A_348 = arith.constant 0 : i32
      %dma_start3A_349 = tpu.memref_slice %arg4[%add3A_341, %dma_start3A_348] : memref<2561x128xi32, #tpu.memory_space<hbm>> -> memref<1x128xi32, #tpu.memory_space<hbm>>
      %dma_start3A_350 = tpu.memref_squeeze %dma_start3A_349 : memref<1x128xi32, #tpu.memory_space<hbm>> -> memref<128xi32, #tpu.memory_space<hbm>>
      %dma_start3A_351 = arith.constant 0 : i32
      %dma_start3A_352 = tpu.memref_slice %arg4[%add3A_341, %dma_start3A_351] : memref<2561x128xi32, #tpu.memory_space<hbm>> -> memref<1x128xi32, #tpu.memory_space<hbm>>
      %dma_start3A_353 = tpu.memref_squeeze %dma_start3A_352 : memref<1x128xi32, #tpu.memory_space<hbm>> -> memref<128xi32, #tpu.memory_space<hbm>>
      tpu.enqueue_dma source(%dma_start3A_353 : memref<128xi32, #tpu.memory_space<hbm>>) target(%arg19 : memref<128xi32, #tpu.memory_space<vmem>>) target_semaphore(%arg27 : memref<!tpu.dma_semaphore, #tpu.memory_space<semaphore_mem>>)
      %dma_wait3A_354 = arith.constant 0 : i32
      %dma_wait3A_355 = arith.constant 0 : i32
      %dma_wait3A_356 = tpu.memref_slice %arg2[%dma_wait3A_354, %dma_wait3A_355] : memref<10000x128xf32, #tpu.memory_space<hbm>> -> memref<10000x128xf32, #tpu.memory_space<hbm>>
      tpu.wait_indirect_dma semaphore(%arg21 : memref<!tpu.dma_semaphore, #tpu.memory_space<semaphore_mem>>) src(%dma_wait3A_356 : memref<10000x128xf32, #tpu.memory_space<hbm>>) dst(%arg11 : memref<128x128xf32, #tpu.memory_space<vmem>>)
      %dma_start3A_357 = arith.constant 0 : i32
      %dma_start3A_358 = arith.constant 0 : i32
      %dma_start3A_359 = tpu.memref_slice %arg7[%dma_start3A_357, %dma_start3A_358] : memref<10240x128xf32, #tpu.memory_space<vmem_shared>> -> memref<10240x128xf32, #tpu.memory_space<vmem_shared>>
      tpu.enqueue_indirect_dma source(%arg11 : memref<128x128xf32, #tpu.memory_space<vmem>>) target(%dma_start3A_359 : memref<10240x128xf32, #tpu.memory_space<vmem_shared>>) offsets(%arg17 : memref<128xi32, #tpu.memory_space<vmem>>) semaphore(%arg23 : memref<!tpu.dma_semaphore, #tpu.memory_space<semaphore_mem>>) {add = true}
      %dma_start3A_360 = arith.constant 0 : i32
      %dma_start3A_361 = tpu.memref_slice %arg8[%dma_start3A_360] : memref<10240xf32, #tpu.memory_space<vmem_shared>> -> memref<10240xf32, #tpu.memory_space<vmem_shared>>
      tpu.enqueue_indirect_dma source(%arg9 : memref<128xf32, #tpu.memory_space<vmem>>) target(%dma_start3A_361 : memref<10240xf32, #tpu.memory_space<vmem_shared>>) offsets(%arg17 : memref<128xi32, #tpu.memory_space<vmem>>) semaphore(%arg29 : memref<!tpu.dma_semaphore, #tpu.memory_space<semaphore_mem>>) {add = true}
      %dma_wait3A_362 = arith.constant 0 : i32
      %dma_wait3A_363 = arith.constant 0 : i32
      %dma_wait3A_364 = tpu.memref_slice %arg3[%dma_wait3A_362, %dma_wait3A_363] : memref<2561x128xi32, #tpu.memory_space<hbm>> -> memref<1x128xi32, #tpu.memory_space<hbm>>
      %dma_wait3A_365 = tpu.memref_squeeze %dma_wait3A_364 : memref<1x128xi32, #tpu.memory_space<hbm>> -> memref<128xi32, #tpu.memory_space<hbm>>
      %dma_wait3A_366 = arith.constant 0 : i32
      %dma_wait3A_367 = tpu.memref_slice %arg3[%dma_wait3A_362, %dma_wait3A_366] : memref<2561x128xi32, #tpu.memory_space<hbm>> -> memref<1x128xi32, #tpu.memory_space<hbm>>
      %dma_wait3A_368 = tpu.memref_squeeze %dma_wait3A_367 : memref<1x128xi32, #tpu.memory_space<hbm>> -> memref<128xi32, #tpu.memory_space<hbm>>
      tpu.wait_dma2 semaphore(%arg26 : memref<!tpu.dma_semaphore, #tpu.memory_space<semaphore_mem>>) src(%dma_wait3A_368 : memref<128xi32, #tpu.memory_space<hbm>>) dst(%arg14 : memref<128xi32, #tpu.memory_space<vmem>>)
      %dma_wait3A_369 = arith.constant 0 : i32
      %dma_wait3A_370 = arith.constant 0 : i32
      %dma_wait3A_371 = tpu.memref_slice %arg4[%dma_wait3A_369, %dma_wait3A_370] : memref<2561x128xi32, #tpu.memory_space<hbm>> -> memref<1x128xi32, #tpu.memory_space<hbm>>
      %dma_wait3A_372 = tpu.memref_squeeze %dma_wait3A_371 : memref<1x128xi32, #tpu.memory_space<hbm>> -> memref<128xi32, #tpu.memory_space<hbm>>
      %dma_wait3A_373 = arith.constant 0 : i32
      %dma_wait3A_374 = tpu.memref_slice %arg4[%dma_wait3A_369, %dma_wait3A_373] : memref<2561x128xi32, #tpu.memory_space<hbm>> -> memref<1x128xi32, #tpu.memory_space<hbm>>
      %dma_wait3A_375 = tpu.memref_squeeze %dma_wait3A_374 : memref<1x128xi32, #tpu.memory_space<hbm>> -> memref<128xi32, #tpu.memory_space<hbm>>
      tpu.wait_dma2 semaphore(%arg26 : memref<!tpu.dma_semaphore, #tpu.memory_space<semaphore_mem>>) src(%dma_wait3A_375 : memref<128xi32, #tpu.memory_space<hbm>>) dst(%arg18 : memref<128xi32, #tpu.memory_space<vmem>>)
      %dma_wait3A_376 = arith.constant 0 : i32
      %dma_wait3A_377 = arith.constant 0 : i32
      %dma_wait3A_378 = tpu.memref_slice %arg7[%dma_wait3A_376, %dma_wait3A_377] : memref<10240x128xf32, #tpu.memory_space<vmem_shared>> -> memref<10240x128xf32, #tpu.memory_space<vmem_shared>>
      tpu.wait_indirect_dma semaphore(%arg24 : memref<!tpu.dma_semaphore, #tpu.memory_space<semaphore_mem>>) src(%arg12 : memref<128x128xf32, #tpu.memory_space<vmem>>) dst(%dma_wait3A_378 : memref<10240x128xf32, #tpu.memory_space<vmem_shared>>)
      %dma_wait3A_379 = arith.constant 0 : i32
      %dma_wait3A_380 = tpu.memref_slice %arg8[%dma_wait3A_379] : memref<10240xf32, #tpu.memory_space<vmem_shared>> -> memref<10240xf32, #tpu.memory_space<vmem_shared>>
      tpu.wait_indirect_dma semaphore(%arg30 : memref<!tpu.dma_semaphore, #tpu.memory_space<semaphore_mem>>) src(%arg9 : memref<128xf32, #tpu.memory_space<vmem>>) dst(%dma_wait3A_380 : memref<10240xf32, #tpu.memory_space<vmem_shared>>)
      %dma_start3A_381 = arith.constant 0 : i32
      %dma_start3A_382 = arith.constant 0 : i32
      %dma_start3A_383 = tpu.memref_slice %arg2[%dma_start3A_381, %dma_start3A_382] : memref<10000x128xf32, #tpu.memory_space<hbm>> -> memref<10000x128xf32, #tpu.memory_space<hbm>>
      tpu.enqueue_indirect_dma source(%dma_start3A_383 : memref<10000x128xf32, #tpu.memory_space<hbm>>) target(%arg12 : memref<128x128xf32, #tpu.memory_space<vmem>>) offsets(%arg14 : memref<128xi32, #tpu.memory_space<vmem>>) semaphore(%arg22 : memref<!tpu.dma_semaphore, #tpu.memory_space<semaphore_mem>>)
      %add3A_384 = arith.addi %select_n3A, %add3A_259 : i32
      %add3A_385 = arith.constant 2 : i32
      %add3A_386 = arith.addi %add3A_384, %add3A_385 : i32
      %add3A_387 = arith.constant 3 : i32
      %add3A_388 = arith.addi %add3A_386, %add3A_387 : i32
      %dma_start3A_389 = arith.constant 0 : i32
      %dma_start3A_390 = tpu.memref_slice %arg3[%add3A_388, %dma_start3A_389] : memref<2561x128xi32, #tpu.memory_space<hbm>> -> memref<1x128xi32, #tpu.memory_space<hbm>>
      %dma_start3A_391 = tpu.memref_squeeze %dma_start3A_390 : memref<1x128xi32, #tpu.memory_space<hbm>> -> memref<128xi32, #tpu.memory_space<hbm>>
      %dma_start3A_392 = arith.constant 0 : i32
      %dma_start3A_393 = tpu.memref_slice %arg3[%add3A_388, %dma_start3A_392] : memref<2561x128xi32, #tpu.memory_space<hbm>> -> memref<1x128xi32, #tpu.memory_space<hbm>>
      %dma_start3A_394 = tpu.memref_squeeze %dma_start3A_393 : memref<1x128xi32, #tpu.memory_space<hbm>> -> memref<128xi32, #tpu.memory_space<hbm>>
      tpu.enqueue_dma source(%dma_start3A_394 : memref<128xi32, #tpu.memory_space<hbm>>) target(%arg16 : memref<128xi32, #tpu.memory_space<vmem>>) target_semaphore(%arg28 : memref<!tpu.dma_semaphore, #tpu.memory_space<semaphore_mem>>)
      %dma_start3A_395 = arith.constant 0 : i32
      %dma_start3A_396 = tpu.memref_slice %arg4[%add3A_388, %dma_start3A_395] : memref<2561x128xi32, #tpu.memory_space<hbm>> -> memref<1x128xi32, #tpu.memory_space<hbm>>
      %dma_start3A_397 = tpu.memref_squeeze %dma_start3A_396 : memref<1x128xi32, #tpu.memory_space<hbm>> -> memref<128xi32, #tpu.memory_space<hbm>>
      %dma_start3A_398 = arith.constant 0 : i32
      %dma_start3A_399 = tpu.memref_slice %arg4[%add3A_388, %dma_start3A_398] : memref<2561x128xi32, #tpu.memory_space<hbm>> -> memref<1x128xi32, #tpu.memory_space<hbm>>
      %dma_start3A_400 = tpu.memref_squeeze %dma_start3A_399 : memref<1x128xi32, #tpu.memory_space<hbm>> -> memref<128xi32, #tpu.memory_space<hbm>>
      tpu.enqueue_dma source(%dma_start3A_400 : memref<128xi32, #tpu.memory_space<hbm>>) target(%arg20 : memref<128xi32, #tpu.memory_space<vmem>>) target_semaphore(%arg28 : memref<!tpu.dma_semaphore, #tpu.memory_space<semaphore_mem>>)
      %dma_wait3A_401 = arith.constant 0 : i32
      %dma_wait3A_402 = arith.constant 0 : i32
      %dma_wait3A_403 = tpu.memref_slice %arg2[%dma_wait3A_401, %dma_wait3A_402] : memref<10000x128xf32, #tpu.memory_space<hbm>> -> memref<10000x128xf32, #tpu.memory_space<hbm>>
      tpu.wait_indirect_dma semaphore(%arg22 : memref<!tpu.dma_semaphore, #tpu.memory_space<semaphore_mem>>) src(%dma_wait3A_403 : memref<10000x128xf32, #tpu.memory_space<hbm>>) dst(%arg12 : memref<128x128xf32, #tpu.memory_space<vmem>>)
      %dma_start3A_404 = arith.constant 0 : i32
      %dma_start3A_405 = arith.constant 0 : i32
      %dma_start3A_406 = tpu.memref_slice %arg7[%dma_start3A_404, %dma_start3A_405] : memref<10240x128xf32, #tpu.memory_space<vmem_shared>> -> memref<10240x128xf32, #tpu.memory_space<vmem_shared>>
      tpu.enqueue_indirect_dma source(%arg12 : memref<128x128xf32, #tpu.memory_space<vmem>>) target(%dma_start3A_406 : memref<10240x128xf32, #tpu.memory_space<vmem_shared>>) offsets(%arg18 : memref<128xi32, #tpu.memory_space<vmem>>) semaphore(%arg24 : memref<!tpu.dma_semaphore, #tpu.memory_space<semaphore_mem>>) {add = true}
      %dma_start3A_407 = arith.constant 0 : i32
      %dma_start3A_408 = tpu.memref_slice %arg8[%dma_start3A_407] : memref<10240xf32, #tpu.memory_space<vmem_shared>> -> memref<10240xf32, #tpu.memory_space<vmem_shared>>
      tpu.enqueue_indirect_dma source(%arg9 : memref<128xf32, #tpu.memory_space<vmem>>) target(%dma_start3A_408 : memref<10240xf32, #tpu.memory_space<vmem_shared>>) offsets(%arg18 : memref<128xi32, #tpu.memory_space<vmem>>) semaphore(%arg30 : memref<!tpu.dma_semaphore, #tpu.memory_space<semaphore_mem>>) {add = true}
      %dma_wait3A_409 = arith.constant 0 : i32
      %dma_wait3A_410 = arith.constant 0 : i32
      %dma_wait3A_411 = tpu.memref_slice %arg3[%dma_wait3A_409, %dma_wait3A_410] : memref<2561x128xi32, #tpu.memory_space<hbm>> -> memref<1x128xi32, #tpu.memory_space<hbm>>
      %dma_wait3A_412 = tpu.memref_squeeze %dma_wait3A_411 : memref<1x128xi32, #tpu.memory_space<hbm>> -> memref<128xi32, #tpu.memory_space<hbm>>
      %dma_wait3A_413 = arith.constant 0 : i32
      %dma_wait3A_414 = tpu.memref_slice %arg3[%dma_wait3A_409, %dma_wait3A_413] : memref<2561x128xi32, #tpu.memory_space<hbm>> -> memref<1x128xi32, #tpu.memory_space<hbm>>
      %dma_wait3A_415 = tpu.memref_squeeze %dma_wait3A_414 : memref<1x128xi32, #tpu.memory_space<hbm>> -> memref<128xi32, #tpu.memory_space<hbm>>
      tpu.wait_dma2 semaphore(%arg27 : memref<!tpu.dma_semaphore, #tpu.memory_space<semaphore_mem>>) src(%dma_wait3A_415 : memref<128xi32, #tpu.memory_space<hbm>>) dst(%arg15 : memref<128xi32, #tpu.memory_space<vmem>>)
      %dma_wait3A_416 = arith.constant 0 : i32
      %dma_wait3A_417 = arith.constant 0 : i32
      %dma_wait3A_418 = tpu.memref_slice %arg4[%dma_wait3A_416, %dma_wait3A_417] : memref<2561x128xi32, #tpu.memory_space<hbm>> -> memref<1x128xi32, #tpu.memory_space<hbm>>
      %dma_wait3A_419 = tpu.memref_squeeze %dma_wait3A_418 : memref<1x128xi32, #tpu.memory_space<hbm>> -> memref<128xi32, #tpu.memory_space<hbm>>
      %dma_wait3A_420 = arith.constant 0 : i32
      %dma_wait3A_421 = tpu.memref_slice %arg4[%dma_wait3A_416, %dma_wait3A_420] : memref<2561x128xi32, #tpu.memory_space<hbm>> -> memref<1x128xi32, #tpu.memory_space<hbm>>
      %dma_wait3A_422 = tpu.memref_squeeze %dma_wait3A_421 : memref<1x128xi32, #tpu.memory_space<hbm>> -> memref<128xi32, #tpu.memory_space<hbm>>
      tpu.wait_dma2 semaphore(%arg27 : memref<!tpu.dma_semaphore, #tpu.memory_space<semaphore_mem>>) src(%dma_wait3A_422 : memref<128xi32, #tpu.memory_space<hbm>>) dst(%arg19 : memref<128xi32, #tpu.memory_space<vmem>>)
      %dma_wait3A_423 = arith.constant 0 : i32
      %dma_wait3A_424 = arith.constant 0 : i32
      %dma_wait3A_425 = tpu.memref_slice %arg7[%dma_wait3A_423, %dma_wait3A_424] : memref<10240x128xf32, #tpu.memory_space<vmem_shared>> -> memref<10240x128xf32, #tpu.memory_space<vmem_shared>>
      tpu.wait_indirect_dma semaphore(%arg23 : memref<!tpu.dma_semaphore, #tpu.memory_space<semaphore_mem>>) src(%arg11 : memref<128x128xf32, #tpu.memory_space<vmem>>) dst(%dma_wait3A_425 : memref<10240x128xf32, #tpu.memory_space<vmem_shared>>)
      %dma_wait3A_426 = arith.constant 0 : i32
      %dma_wait3A_427 = tpu.memref_slice %arg8[%dma_wait3A_426] : memref<10240xf32, #tpu.memory_space<vmem_shared>> -> memref<10240xf32, #tpu.memory_space<vmem_shared>>
      tpu.wait_indirect_dma semaphore(%arg29 : memref<!tpu.dma_semaphore, #tpu.memory_space<semaphore_mem>>) src(%arg9 : memref<128xf32, #tpu.memory_space<vmem>>) dst(%dma_wait3A_427 : memref<10240xf32, #tpu.memory_space<vmem_shared>>)
      %dma_start3A_428 = arith.constant 0 : i32
      %dma_start3A_429 = arith.constant 0 : i32
      %dma_start3A_430 = tpu.memref_slice %arg2[%dma_start3A_428, %dma_start3A_429] : memref<10000x128xf32, #tpu.memory_space<hbm>> -> memref<10000x128xf32, #tpu.memory_space<hbm>>
      tpu.enqueue_indirect_dma source(%dma_start3A_430 : memref<10000x128xf32, #tpu.memory_space<hbm>>) target(%arg11 : memref<128x128xf32, #tpu.memory_space<vmem>>) offsets(%arg15 : memref<128xi32, #tpu.memory_space<vmem>>) semaphore(%arg21 : memref<!tpu.dma_semaphore, #tpu.memory_space<semaphore_mem>>)
      %add3A_431 = arith.addi %select_n3A, %add3A_259 : i32
      %add3A_432 = arith.constant 3 : i32
      %add3A_433 = arith.addi %add3A_431, %add3A_432 : i32
      %add3A_434 = arith.constant 3 : i32
      %add3A_435 = arith.addi %add3A_433, %add3A_434 : i32
      %dma_start3A_436 = arith.constant 0 : i32
      %dma_start3A_437 = tpu.memref_slice %arg3[%add3A_435, %dma_start3A_436] : memref<2561x128xi32, #tpu.memory_space<hbm>> -> memref<1x128xi32, #tpu.memory_space<hbm>>
      %dma_start3A_438 = tpu.memref_squeeze %dma_start3A_437 : memref<1x128xi32, #tpu.memory_space<hbm>> -> memref<128xi32, #tpu.memory_space<hbm>>
      %dma_start3A_439 = arith.constant 0 : i32
      %dma_start3A_440 = tpu.memref_slice %arg3[%add3A_435, %dma_start3A_439] : memref<2561x128xi32, #tpu.memory_space<hbm>> -> memref<1x128xi32, #tpu.memory_space<hbm>>
      %dma_start3A_441 = tpu.memref_squeeze %dma_start3A_440 : memref<1x128xi32, #tpu.memory_space<hbm>> -> memref<128xi32, #tpu.memory_space<hbm>>
      tpu.enqueue_dma source(%dma_start3A_441 : memref<128xi32, #tpu.memory_space<hbm>>) target(%arg13 : memref<128xi32, #tpu.memory_space<vmem>>) target_semaphore(%arg25 : memref<!tpu.dma_semaphore, #tpu.memory_space<semaphore_mem>>)
      %dma_start3A_442 = arith.constant 0 : i32
      %dma_start3A_443 = tpu.memref_slice %arg4[%add3A_435, %dma_start3A_442] : memref<2561x128xi32, #tpu.memory_space<hbm>> -> memref<1x128xi32, #tpu.memory_space<hbm>>
      %dma_start3A_444 = tpu.memref_squeeze %dma_start3A_443 : memref<1x128xi32, #tpu.memory_space<hbm>> -> memref<128xi32, #tpu.memory_space<hbm>>
      %dma_start3A_445 = arith.constant 0 : i32
      %dma_start3A_446 = tpu.memref_slice %arg4[%add3A_435, %dma_start3A_445] : memref<2561x128xi32, #tpu.memory_space<hbm>> -> memref<1x128xi32, #tpu.memory_space<hbm>>
      %dma_start3A_447 = tpu.memref_squeeze %dma_start3A_446 : memref<1x128xi32, #tpu.memory_space<hbm>> -> memref<128xi32, #tpu.memory_space<hbm>>
      tpu.enqueue_dma source(%dma_start3A_447 : memref<128xi32, #tpu.memory_space<hbm>>) target(%arg17 : memref<128xi32, #tpu.memory_space<vmem>>) target_semaphore(%arg25 : memref<!tpu.dma_semaphore, #tpu.memory_space<semaphore_mem>>)
    }
    %dma_wait3A_192 = arith.constant 0 : i32
    %dma_wait3A_193 = arith.constant 0 : i32
    %dma_wait3A_194 = tpu.memref_slice %arg2[%dma_wait3A_192, %dma_wait3A_193] : memref<10000x128xf32, #tpu.memory_space<hbm>> -> memref<10000x128xf32, #tpu.memory_space<hbm>>
    tpu.wait_indirect_dma semaphore(%arg21 : memref<!tpu.dma_semaphore, #tpu.memory_space<semaphore_mem>>) src(%dma_wait3A_194 : memref<10000x128xf32, #tpu.memory_space<hbm>>) dst(%arg11 : memref<128x128xf32, #tpu.memory_space<vmem>>)
    %dma_start3A_195 = arith.constant 0 : i32
    %dma_start3A_196 = arith.constant 0 : i32
    %dma_start3A_197 = tpu.memref_slice %arg7[%dma_start3A_195, %dma_start3A_196] : memref<10240x128xf32, #tpu.memory_space<vmem_shared>> -> memref<10240x128xf32, #tpu.memory_space<vmem_shared>>
    tpu.enqueue_indirect_dma source(%arg11 : memref<128x128xf32, #tpu.memory_space<vmem>>) target(%dma_start3A_197 : memref<10240x128xf32, #tpu.memory_space<vmem_shared>>) offsets(%arg19 : memref<128xi32, #tpu.memory_space<vmem>>) semaphore(%arg23 : memref<!tpu.dma_semaphore, #tpu.memory_space<semaphore_mem>>) {add = true}
    %dma_start3A_198 = arith.constant 0 : i32
    %dma_start3A_199 = tpu.memref_slice %arg8[%dma_start3A_198] : memref<10240xf32, #tpu.memory_space<vmem_shared>> -> memref<10240xf32, #tpu.memory_space<vmem_shared>>
    tpu.enqueue_indirect_dma source(%arg9 : memref<128xf32, #tpu.memory_space<vmem>>) target(%dma_start3A_199 : memref<10240xf32, #tpu.memory_space<vmem_shared>>) offsets(%arg19 : memref<128xi32, #tpu.memory_space<vmem>>) semaphore(%arg29 : memref<!tpu.dma_semaphore, #tpu.memory_space<semaphore_mem>>) {add = true}
    %dma_wait3A_200 = arith.constant 0 : i32
    %dma_wait3A_201 = arith.constant 0 : i32
    %dma_wait3A_202 = tpu.memref_slice %arg3[%dma_wait3A_200, %dma_wait3A_201] : memref<2561x128xi32, #tpu.memory_space<hbm>> -> memref<1x128xi32, #tpu.memory_space<hbm>>
    %dma_wait3A_203 = tpu.memref_squeeze %dma_wait3A_202 : memref<1x128xi32, #tpu.memory_space<hbm>> -> memref<128xi32, #tpu.memory_space<hbm>>
    %dma_wait3A_204 = arith.constant 0 : i32
    %dma_wait3A_205 = tpu.memref_slice %arg3[%dma_wait3A_200, %dma_wait3A_204] : memref<2561x128xi32, #tpu.memory_space<hbm>> -> memref<1x128xi32, #tpu.memory_space<hbm>>
    %dma_wait3A_206 = tpu.memref_squeeze %dma_wait3A_205 : memref<1x128xi32, #tpu.memory_space<hbm>> -> memref<128xi32, #tpu.memory_space<hbm>>
    tpu.wait_dma2 semaphore(%arg28 : memref<!tpu.dma_semaphore, #tpu.memory_space<semaphore_mem>>) src(%dma_wait3A_206 : memref<128xi32, #tpu.memory_space<hbm>>) dst(%arg16 : memref<128xi32, #tpu.memory_space<vmem>>)
    %dma_wait3A_207 = arith.constant 0 : i32
    %dma_wait3A_208 = arith.constant 0 : i32
    %dma_wait3A_209 = tpu.memref_slice %arg4[%dma_wait3A_207, %dma_wait3A_208] : memref<2561x128xi32, #tpu.memory_space<hbm>> -> memref<1x128xi32, #tpu.memory_space<hbm>>
    %dma_wait3A_210 = tpu.memref_squeeze %dma_wait3A_209 : memref<1x128xi32, #tpu.memory_space<hbm>> -> memref<128xi32, #tpu.memory_space<hbm>>
    %dma_wait3A_211 = arith.constant 0 : i32
    %dma_wait3A_212 = tpu.memref_slice %arg4[%dma_wait3A_207, %dma_wait3A_211] : memref<2561x128xi32, #tpu.memory_space<hbm>> -> memref<1x128xi32, #tpu.memory_space<hbm>>
    %dma_wait3A_213 = tpu.memref_squeeze %dma_wait3A_212 : memref<1x128xi32, #tpu.memory_space<hbm>> -> memref<128xi32, #tpu.memory_space<hbm>>
    tpu.wait_dma2 semaphore(%arg28 : memref<!tpu.dma_semaphore, #tpu.memory_space<semaphore_mem>>) src(%dma_wait3A_213 : memref<128xi32, #tpu.memory_space<hbm>>) dst(%arg20 : memref<128xi32, #tpu.memory_space<vmem>>)
    %dma_wait3A_214 = arith.constant 0 : i32
    %dma_wait3A_215 = arith.constant 0 : i32
    %dma_wait3A_216 = tpu.memref_slice %arg7[%dma_wait3A_214, %dma_wait3A_215] : memref<10240x128xf32, #tpu.memory_space<vmem_shared>> -> memref<10240x128xf32, #tpu.memory_space<vmem_shared>>
    tpu.wait_indirect_dma semaphore(%arg24 : memref<!tpu.dma_semaphore, #tpu.memory_space<semaphore_mem>>) src(%arg12 : memref<128x128xf32, #tpu.memory_space<vmem>>) dst(%dma_wait3A_216 : memref<10240x128xf32, #tpu.memory_space<vmem_shared>>)
    %dma_wait3A_217 = arith.constant 0 : i32
    %dma_wait3A_218 = tpu.memref_slice %arg8[%dma_wait3A_217] : memref<10240xf32, #tpu.memory_space<vmem_shared>> -> memref<10240xf32, #tpu.memory_space<vmem_shared>>
    tpu.wait_indirect_dma semaphore(%arg30 : memref<!tpu.dma_semaphore, #tpu.memory_space<semaphore_mem>>) src(%arg9 : memref<128xf32, #tpu.memory_space<vmem>>) dst(%dma_wait3A_218 : memref<10240xf32, #tpu.memory_space<vmem_shared>>)
    %dma_start3A_219 = arith.constant 0 : i32
    %dma_start3A_220 = arith.constant 0 : i32
    %dma_start3A_221 = tpu.memref_slice %arg2[%dma_start3A_219, %dma_start3A_220] : memref<10000x128xf32, #tpu.memory_space<hbm>> -> memref<10000x128xf32, #tpu.memory_space<hbm>>
    tpu.enqueue_indirect_dma source(%dma_start3A_221 : memref<10000x128xf32, #tpu.memory_space<hbm>>) target(%arg12 : memref<128x128xf32, #tpu.memory_space<vmem>>) offsets(%arg16 : memref<128xi32, #tpu.memory_space<vmem>>) semaphore(%arg22 : memref<!tpu.dma_semaphore, #tpu.memory_space<semaphore_mem>>)
    %dma_wait3A_222 = arith.constant 0 : i32
    %dma_wait3A_223 = arith.constant 0 : i32
    %dma_wait3A_224 = tpu.memref_slice %arg2[%dma_wait3A_222, %dma_wait3A_223] : memref<10000x128xf32, #tpu.memory_space<hbm>> -> memref<10000x128xf32, #tpu.memory_space<hbm>>
    tpu.wait_indirect_dma semaphore(%arg22 : memref<!tpu.dma_semaphore, #tpu.memory_space<semaphore_mem>>) src(%dma_wait3A_224 : memref<10000x128xf32, #tpu.memory_space<hbm>>) dst(%arg12 : memref<128x128xf32, #tpu.memory_space<vmem>>)
    %dma_start3A_225 = arith.constant 0 : i32
    %dma_start3A_226 = arith.constant 0 : i32
    %dma_start3A_227 = tpu.memref_slice %arg7[%dma_start3A_225, %dma_start3A_226] : memref<10240x128xf32, #tpu.memory_space<vmem_shared>> -> memref<10240x128xf32, #tpu.memory_space<vmem_shared>>
    tpu.enqueue_indirect_dma source(%arg12 : memref<128x128xf32, #tpu.memory_space<vmem>>) target(%dma_start3A_227 : memref<10240x128xf32, #tpu.memory_space<vmem_shared>>) offsets(%arg20 : memref<128xi32, #tpu.memory_space<vmem>>) semaphore(%arg24 : memref<!tpu.dma_semaphore, #tpu.memory_space<semaphore_mem>>) {add = true}
    %dma_start3A_228 = arith.constant 0 : i32
    %dma_start3A_229 = tpu.memref_slice %arg8[%dma_start3A_228] : memref<10240xf32, #tpu.memory_space<vmem_shared>> -> memref<10240xf32, #tpu.memory_space<vmem_shared>>
    tpu.enqueue_indirect_dma source(%arg9 : memref<128xf32, #tpu.memory_space<vmem>>) target(%dma_start3A_229 : memref<10240xf32, #tpu.memory_space<vmem_shared>>) offsets(%arg20 : memref<128xi32, #tpu.memory_space<vmem>>) semaphore(%arg30 : memref<!tpu.dma_semaphore, #tpu.memory_space<semaphore_mem>>) {add = true}
    %dma_wait3A_230 = arith.constant 0 : i32
    %dma_wait3A_231 = arith.constant 0 : i32
    %dma_wait3A_232 = tpu.memref_slice %arg7[%dma_wait3A_230, %dma_wait3A_231] : memref<10240x128xf32, #tpu.memory_space<vmem_shared>> -> memref<10240x128xf32, #tpu.memory_space<vmem_shared>>
    tpu.wait_indirect_dma semaphore(%arg23 : memref<!tpu.dma_semaphore, #tpu.memory_space<semaphore_mem>>) src(%arg11 : memref<128x128xf32, #tpu.memory_space<vmem>>) dst(%dma_wait3A_232 : memref<10240x128xf32, #tpu.memory_space<vmem_shared>>)
    %dma_wait3A_233 = arith.constant 0 : i32
    %dma_wait3A_234 = tpu.memref_slice %arg8[%dma_wait3A_233] : memref<10240xf32, #tpu.memory_space<vmem_shared>> -> memref<10240xf32, #tpu.memory_space<vmem_shared>>
    tpu.wait_indirect_dma semaphore(%arg29 : memref<!tpu.dma_semaphore, #tpu.memory_space<semaphore_mem>>) src(%arg9 : memref<128xf32, #tpu.memory_space<vmem>>) dst(%dma_wait3A_234 : memref<10240xf32, #tpu.memory_space<vmem_shared>>)
    %dma_wait3A_235 = arith.constant 0 : i32
    %dma_wait3A_236 = arith.constant 0 : i32
    %dma_wait3A_237 = tpu.memref_slice %arg7[%dma_wait3A_235, %dma_wait3A_236] : memref<10240x128xf32, #tpu.memory_space<vmem_shared>> -> memref<10240x128xf32, #tpu.memory_space<vmem_shared>>
    tpu.wait_indirect_dma semaphore(%arg24 : memref<!tpu.dma_semaphore, #tpu.memory_space<semaphore_mem>>) src(%arg12 : memref<128x128xf32, #tpu.memory_space<vmem>>) dst(%dma_wait3A_237 : memref<10240x128xf32, #tpu.memory_space<vmem_shared>>)
    %dma_wait3A_238 = arith.constant 0 : i32
    %dma_wait3A_239 = tpu.memref_slice %arg8[%dma_wait3A_238] : memref<10240xf32, #tpu.memory_space<vmem_shared>> -> memref<10240xf32, #tpu.memory_space<vmem_shared>>
    tpu.wait_indirect_dma semaphore(%arg30 : memref<!tpu.dma_semaphore, #tpu.memory_space<semaphore_mem>>) src(%arg9 : memref<128xf32, #tpu.memory_space<vmem>>) dst(%dma_wait3A_239 : memref<10240xf32, #tpu.memory_space<vmem_shared>>)
    %dma_wait3A_240 = arith.constant 0 : i32
    %dma_wait3A_241 = arith.constant 0 : i32
    %dma_wait3A_242 = tpu.memref_slice %arg3[%dma_wait3A_240, %dma_wait3A_241] : memref<2561x128xi32, #tpu.memory_space<hbm>> -> memref<1x128xi32, #tpu.memory_space<hbm>>
    %dma_wait3A_243 = tpu.memref_squeeze %dma_wait3A_242 : memref<1x128xi32, #tpu.memory_space<hbm>> -> memref<128xi32, #tpu.memory_space<hbm>>
    %dma_wait3A_244 = arith.constant 0 : i32
    %dma_wait3A_245 = tpu.memref_slice %arg3[%dma_wait3A_240, %dma_wait3A_244] : memref<2561x128xi32, #tpu.memory_space<hbm>> -> memref<1x128xi32, #tpu.memory_space<hbm>>
    %dma_wait3A_246 = tpu.memref_squeeze %dma_wait3A_245 : memref<1x128xi32, #tpu.memory_space<hbm>> -> memref<128xi32, #tpu.memory_space<hbm>>
    tpu.wait_dma2 semaphore(%arg25 : memref<!tpu.dma_semaphore, #tpu.memory_space<semaphore_mem>>) src(%dma_wait3A_246 : memref<128xi32, #tpu.memory_space<hbm>>) dst(%arg13 : memref<128xi32, #tpu.memory_space<vmem>>)
    %dma_wait3A_247 = arith.constant 0 : i32
    %dma_wait3A_248 = arith.constant 0 : i32
    %dma_wait3A_249 = tpu.memref_slice %arg4[%dma_wait3A_247, %dma_wait3A_248] : memref<2561x128xi32, #tpu.memory_space<hbm>> -> memref<1x128xi32, #tpu.memory_space<hbm>>
    %dma_wait3A_250 = tpu.memref_squeeze %dma_wait3A_249 : memref<1x128xi32, #tpu.memory_space<hbm>> -> memref<128xi32, #tpu.memory_space<hbm>>
    %dma_wait3A_251 = arith.constant 0 : i32
    %dma_wait3A_252 = tpu.memref_slice %arg4[%dma_wait3A_247, %dma_wait3A_251] : memref<2561x128xi32, #tpu.memory_space<hbm>> -> memref<1x128xi32, #tpu.memory_space<hbm>>
    %dma_wait3A_253 = tpu.memref_squeeze %dma_wait3A_252 : memref<1x128xi32, #tpu.memory_space<hbm>> -> memref<128xi32, #tpu.memory_space<hbm>>
    tpu.wait_dma2 semaphore(%arg25 : memref<!tpu.dma_semaphore, #tpu.memory_space<semaphore_mem>>) src(%dma_wait3A_253 : memref<128xi32, #tpu.memory_space<hbm>>) dst(%arg17 : memref<128xi32, #tpu.memory_space<vmem>>)
    %barrier3A_254 = arith.constant 0 : index
    tpu.barrier barrier_id(%barrier3A_254)
    "tpu.region"() ({
      %run_scoped3A = tpu.sem_alloc : memref<!tpu.dma_semaphore, #tpu.memory_space<semaphore_mem>>
      %dma_start3A_255 = arith.constant 0 : i32
      %dma_start3A_256 = tpu.memref_slice %arg5[%arg0, %mul3A_0, %dma_start3A_255] : memref<2x10240x128xf32, #tpu.memory_space<hbm>> -> memref<1x640x128xf32, #tpu.memory_space<hbm>>
      %dma_start3A_257 = tpu.memref_squeeze %dma_start3A_256 : memref<1x640x128xf32, #tpu.memory_space<hbm>> -> memref<640x128xf32, #tpu.memory_space<hbm>>
      %dma_start3A_258 = arith.constant 0 : i32
      %dma_start3A_259 = tpu.memref_slice %arg7[%mul3A_0, %dma_start3A_258] : memref<10240x128xf32, #tpu.memory_space<vmem_shared>> -> memref<640x128xf32, #tpu.memory_space<vmem_shared>>
      tpu.enqueue_dma source(%dma_start3A_259 : memref<640x128xf32, #tpu.memory_space<vmem_shared>>) target(%dma_start3A_257 : memref<640x128xf32, #tpu.memory_space<hbm>>) target_semaphore(%run_scoped3A : memref<!tpu.dma_semaphore, #tpu.memory_space<semaphore_mem>>)
      %dma_wait3A_260 = arith.constant 0 : i32
      %dma_wait3A_261 = tpu.memref_slice %arg5[%arg0, %mul3A_0, %dma_wait3A_260] : memref<2x10240x128xf32, #tpu.memory_space<hbm>> -> memref<1x640x128xf32, #tpu.memory_space<hbm>>
      %dma_wait3A_262 = tpu.memref_squeeze %dma_wait3A_261 : memref<1x640x128xf32, #tpu.memory_space<hbm>> -> memref<640x128xf32, #tpu.memory_space<hbm>>
      %dma_wait3A_263 = arith.constant 0 : i32
      %dma_wait3A_264 = tpu.memref_slice %arg7[%mul3A_0, %dma_wait3A_263] : memref<10240x128xf32, #tpu.memory_space<vmem_shared>> -> memref<640x128xf32, #tpu.memory_space<vmem_shared>>
      tpu.wait_dma2 semaphore(%run_scoped3A : memref<!tpu.dma_semaphore, #tpu.memory_space<semaphore_mem>>) src(%dma_wait3A_264 : memref<640x128xf32, #tpu.memory_space<vmem_shared>>) dst(%dma_wait3A_262 : memref<640x128xf32, #tpu.memory_space<hbm>>)
      tpu.yield
    }) : () -> ()
    "tpu.region"() ({
      %run_scoped3A = tpu.sem_alloc : memref<!tpu.dma_semaphore, #tpu.memory_space<semaphore_mem>>
      %dma_start3A_255 = tpu.memref_slice %arg6[%arg0, %mul3A_0] : memref<2x10240xf32, #tpu.memory_space<hbm>> -> memref<1x640xf32, #tpu.memory_space<hbm>>
      %dma_start3A_256 = tpu.memref_squeeze %dma_start3A_255 : memref<1x640xf32, #tpu.memory_space<hbm>> -> memref<640xf32, #tpu.memory_space<hbm>>
      %dma_start3A_257 = tpu.memref_slice %arg8[%mul3A_0] : memref<10240xf32, #tpu.memory_space<vmem_shared>> -> memref<640xf32, #tpu.memory_space<vmem_shared>>
      tpu.enqueue_dma source(%dma_start3A_257 : memref<640xf32, #tpu.memory_space<vmem_shared>>) target(%dma_start3A_256 : memref<640xf32, #tpu.memory_space<hbm>>) target_semaphore(%run_scoped3A : memref<!tpu.dma_semaphore, #tpu.memory_space<semaphore_mem>>)
      %dma_wait3A_258 = tpu.memref_slice %arg6[%arg0, %mul3A_0] : memref<2x10240xf32, #tpu.memory_space<hbm>> -> memref<1x640xf32, #tpu.memory_space<hbm>>
      %dma_wait3A_259 = tpu.memref_squeeze %dma_wait3A_258 : memref<1x640xf32, #tpu.memory_space<hbm>> -> memref<640xf32, #tpu.memory_space<hbm>>
      %dma_wait3A_260 = tpu.memref_slice %arg8[%mul3A_0] : memref<10240xf32, #tpu.memory_space<vmem_shared>> -> memref<640xf32, #tpu.memory_space<vmem_shared>>
      tpu.wait_dma2 semaphore(%run_scoped3A : memref<!tpu.dma_semaphore, #tpu.memory_space<semaphore_mem>>) src(%dma_wait3A_260 : memref<640xf32, #tpu.memory_space<vmem_shared>>) dst(%dma_wait3A_259 : memref<640xf32, #tpu.memory_space<hbm>>)
      tpu.yield
    }) : () -> ()
    return
  }
}

module attributes {stable_mosaic.version = 14 : i64} {
  func.func @_tc1_body(%arg0: i32, %arg1: memref<2x1000x128xf32, #tpu.memory_space<vmem>>, %arg2: memref<2x1000x1xf32, #tpu.memory_space<vmem>>, %arg3: memref<1000x128xf32, #tpu.memory_space<vmem>>, %arg4: memref<128x256xf32, #tpu.memory_space<vmem>>, %arg5: memref<128x256xf32, #tpu.memory_space<vmem>>, %arg6: memref<1x256xf32, #tpu.memory_space<vmem>>, %arg7: memref<256x128xf32, #tpu.memory_space<vmem>>, %arg8: memref<256x128xf32, #tpu.memory_space<vmem>>, %arg9: memref<1000x128xf32, #tpu.memory_space<vmem>>, %arg10: memref<1000x128xf32, #tpu.memory_space<vmem>>) attributes {dimension_semantics = [#tpu.dimension_semantics<arbitrary>], iteration_bounds = array<i64: 10>, scalar_prefetch = 0 : i64, scratch_operands = 0 : i64, tpu.core_type = #tpu.core_type<tc>, window_params = [{transform_indices = @transform_0, window_bounds = array<i64: 2, 1000, 128>}, {transform_indices = @transform_1, window_bounds = array<i64: 2, 1000, 1>}, {transform_indices = @transform_2, window_bounds = array<i64: 1000, 128>}, {pipeline_mode = #tpu.pipeline_mode<synchronous>, transform_indices = @transform_3, window_bounds = array<i64: 128, 256>}, {pipeline_mode = #tpu.pipeline_mode<synchronous>, transform_indices = @transform_4, window_bounds = array<i64: 128, 256>}, {pipeline_mode = #tpu.pipeline_mode<synchronous>, transform_indices = @transform_5, window_bounds = array<i64: 1, 256>}, {pipeline_mode = #tpu.pipeline_mode<synchronous>, transform_indices = @transform_6, window_bounds = array<i64: 256, 128>}, {pipeline_mode = #tpu.pipeline_mode<synchronous>, transform_indices = @transform_7, window_bounds = array<i64: 256, 128>}, {transform_indices = @transform_8, window_bounds = array<i64: 1000, 128>}, {transform_indices = @transform_9, window_bounds = array<i64: 1000, 128>}]} {
    %get3A = arith.constant 0 : index
    %get3A_0 = arith.constant 0 : index
    %get3A_1 = arith.constant 0 : index
    %get3A_2 = vector.load %arg1[%get3A, %get3A_0, %get3A_1] : memref<2x1000x128xf32, #tpu.memory_space<vmem>>, vector<1x1000x128xf32>
    %get3A_3 = vector.shape_cast %get3A_2 : vector<1x1000x128xf32> to vector<1000x128xf32>
    %get3A_4 = arith.constant 1 : index
    %get3A_5 = arith.constant 0 : index
    %get3A_6 = arith.constant 0 : index
    %get3A_7 = vector.load %arg1[%get3A_4, %get3A_5, %get3A_6] : memref<2x1000x128xf32, #tpu.memory_space<vmem>>, vector<1x1000x128xf32>
    %get3A_8 = vector.shape_cast %get3A_7 : vector<1x1000x128xf32> to vector<1000x128xf32>
    %add3A = arith.addf %get3A_3, %get3A_8 : vector<1000x128xf32>
    %get3A_9 = arith.constant 0 : index
    %get3A_10 = arith.constant 0 : index
    %get3A_11 = arith.constant 0 : index
    %get3A_12 = vector.load %arg2[%get3A_9, %get3A_10, %get3A_11] : memref<2x1000x1xf32, #tpu.memory_space<vmem>>, vector<1x1000x1xf32>
    %get3A_13 = vector.shape_cast %get3A_12 : vector<1x1000x1xf32> to vector<1000x1xf32>
    %get3A_14 = arith.constant 1 : index
    %get3A_15 = arith.constant 0 : index
    %get3A_16 = arith.constant 0 : index
    %get3A_17 = vector.load %arg2[%get3A_14, %get3A_15, %get3A_16] : memref<2x1000x1xf32, #tpu.memory_space<vmem>>, vector<1x1000x1xf32>
    %get3A_18 = vector.shape_cast %get3A_17 : vector<1x1000x1xf32> to vector<1000x1xf32>
    %add3A_19 = arith.addf %get3A_13, %get3A_18 : vector<1000x1xf32>
    %max3A = arith.constant 1.000000e+00 : f32
    %max3A_20 = vector.broadcast %max3A : f32 to vector<1000x1xf32>
    %max3A_21 = arith.maximumf %add3A_19, %max3A_20 : vector<1000x1xf32>
    %div3A = vector.broadcast %max3A_21 : vector<1000x1xf32> to vector<1000x128xf32>
    %div3A_22 = arith.divf %add3A, %div3A : vector<1000x128xf32>
    %get3A_23 = arith.constant 0 : index
    %get3A_24 = arith.constant 0 : index
    %get3A_25 = vector.load %arg4[%get3A_23, %get3A_24] : memref<128x256xf32, #tpu.memory_space<vmem>>, vector<128x256xf32>
    %dot_general3A = arith.constant dense<0.000000e+00> : vector<1000x256xf32>
    %dot_general3A_26 = tpu.matmul %div3A_22, %get3A_25, %dot_general3A {dimension_numbers = #tpu.dot_dimension_numbers<[1], [0], [0], [1], [0, 0, 1, 1], [], []>, transpose_lhs_hint = false} : vector<1000x128xf32>, vector<128x256xf32>, vector<1000x256xf32> -> vector<1000x256xf32>
    %get3A_27 = arith.constant 0 : index
    %get3A_28 = arith.constant 0 : index
    %get3A_29 = vector.load %arg3[%get3A_27, %get3A_28] : memref<1000x128xf32, #tpu.memory_space<vmem>>, vector<1000x128xf32>
    %get3A_30 = arith.constant 0 : index
    %get3A_31 = arith.constant 0 : index
    %get3A_32 = vector.load %arg5[%get3A_30, %get3A_31] : memref<128x256xf32, #tpu.memory_space<vmem>>, vector<128x256xf32>
    %dot_general3A_33 = arith.constant dense<0.000000e+00> : vector<1000x256xf32>
    %dot_general3A_34 = tpu.matmul %get3A_29, %get3A_32, %dot_general3A_33 {dimension_numbers = #tpu.dot_dimension_numbers<[1], [0], [0], [1], [0, 0, 1, 1], [], []>, transpose_lhs_hint = false} : vector<1000x128xf32>, vector<128x256xf32>, vector<1000x256xf32> -> vector<1000x256xf32>
    %add3A_35 = arith.addf %dot_general3A_26, %dot_general3A_34 : vector<1000x256xf32>
    %get3A_36 = arith.constant 0 : index
    %get3A_37 = arith.constant 0 : index
    %get3A_38 = vector.load %arg6[%get3A_36, %get3A_37] : memref<1x256xf32, #tpu.memory_space<vmem>>, vector<1x256xf32>
    %add3A_39 = vector.broadcast %get3A_38 : vector<1x256xf32> to vector<1000x256xf32>
    %add3A_40 = arith.addf %add3A_35, %add3A_39 : vector<1000x256xf32>
    %max3A_41 = arith.constant 0.000000e+00 : f32
    %max3A_42 = vector.broadcast %max3A_41 : f32 to vector<1000x256xf32>
    %max3A_43 = arith.maximumf %add3A_40, %max3A_42 : vector<1000x256xf32>
    %get3A_44 = arith.constant 0 : index
    %get3A_45 = arith.constant 0 : index
    %get3A_46 = vector.load %arg7[%get3A_44, %get3A_45] : memref<256x128xf32, #tpu.memory_space<vmem>>, vector<256x128xf32>
    %dot_general3A_47 = arith.constant dense<0.000000e+00> : vector<1000x128xf32>
    %dot_general3A_48 = tpu.matmul %max3A_43, %get3A_46, %dot_general3A_47 {dimension_numbers = #tpu.dot_dimension_numbers<[1], [0], [0], [1], [0, 0, 1, 1], [], []>, transpose_lhs_hint = false} : vector<1000x256xf32>, vector<256x128xf32>, vector<1000x128xf32> -> vector<1000x128xf32>
    %swap3A = arith.constant 0 : index
    %swap3A_49 = arith.constant 0 : index
    %swap3A_50 = vector.load %arg9[%swap3A, %swap3A_49] : memref<1000x128xf32, #tpu.memory_space<vmem>>, vector<1000x128xf32>
    tpu.vector_store %arg9[%swap3A, %swap3A_49], %dot_general3A_48 {strides = array<i32>} : memref<1000x128xf32, #tpu.memory_space<vmem>>, vector<1000x128xf32>,
    %get3A_51 = arith.constant 0 : index
    %get3A_52 = arith.constant 0 : index
    %get3A_53 = vector.load %arg8[%get3A_51, %get3A_52] : memref<256x128xf32, #tpu.memory_space<vmem>>, vector<256x128xf32>
    %dot_general3A_54 = arith.constant dense<0.000000e+00> : vector<1000x128xf32>
    %dot_general3A_55 = tpu.matmul %max3A_43, %get3A_53, %dot_general3A_54 {dimension_numbers = #tpu.dot_dimension_numbers<[1], [0], [0], [1], [0, 0, 1, 1], [], []>, transpose_lhs_hint = false} : vector<1000x256xf32>, vector<256x128xf32>, vector<1000x128xf32> -> vector<1000x128xf32>
    %swap3A_56 = arith.constant 0 : index
    %swap3A_57 = arith.constant 0 : index
    %swap3A_58 = vector.load %arg10[%swap3A_56, %swap3A_57] : memref<1000x128xf32, #tpu.memory_space<vmem>>, vector<1000x128xf32>
    tpu.vector_store %arg10[%swap3A_56, %swap3A_57], %dot_general3A_55 {strides = array<i32>} : memref<1000x128xf32, #tpu.memory_space<vmem>>, vector<1000x128xf32>,
    return
  }
  func.func @transform_0(%arg0: i32) -> (i32, i32, i32) {
    %c0_i32 = arith.constant 0 : i32
    %c0_i32_0 = arith.constant 0 : i32
    %c0_i32_1 = arith.constant 0 : i32
    return %c0_i32, %arg0, %c0_i32_0 : i32, i32, i32
  }
  func.func @transform_1(%arg0: i32) -> (i32, i32, i32) {
    %c0_i32 = arith.constant 0 : i32
    %c0_i32_0 = arith.constant 0 : i32
    %c0_i32_1 = arith.constant 0 : i32
    return %c0_i32, %arg0, %c0_i32_0 : i32, i32, i32
  }
  func.func @transform_2(%arg0: i32) -> (i32, i32) {
    %c0_i32 = arith.constant 0 : i32
    %c0_i32_0 = arith.constant 0 : i32
    return %arg0, %c0_i32 : i32, i32
  }
  func.func @transform_3(%arg0: i32) -> (i32, i32) {
    %c0_i32 = arith.constant 0 : i32
    %c0_i32_0 = arith.constant 0 : i32
    %c0_i32_1 = arith.constant 0 : i32
    return %c0_i32, %c0_i32_0 : i32, i32
  }
  func.func @transform_4(%arg0: i32) -> (i32, i32) {
    %c0_i32 = arith.constant 0 : i32
    %c0_i32_0 = arith.constant 0 : i32
    %c0_i32_1 = arith.constant 0 : i32
    return %c0_i32, %c0_i32_0 : i32, i32
  }
  func.func @transform_5(%arg0: i32) -> (i32, i32) {
    %c0_i32 = arith.constant 0 : i32
    %c0_i32_0 = arith.constant 0 : i32
    %c0_i32_1 = arith.constant 0 : i32
    return %c0_i32, %c0_i32_0 : i32, i32
  }
  func.func @transform_6(%arg0: i32) -> (i32, i32) {
    %c0_i32 = arith.constant 0 : i32
    %c0_i32_0 = arith.constant 0 : i32
    %c0_i32_1 = arith.constant 0 : i32
    return %c0_i32, %c0_i32_0 : i32, i32
  }
  func.func @transform_7(%arg0: i32) -> (i32, i32) {
    %c0_i32 = arith.constant 0 : i32
    %c0_i32_0 = arith.constant 0 : i32
    %c0_i32_1 = arith.constant 0 : i32
    return %c0_i32, %c0_i32_0 : i32, i32
  }
  func.func @transform_8(%arg0: i32) -> (i32, i32) {
    %c0_i32 = arith.constant 0 : i32
    %c0_i32_0 = arith.constant 0 : i32
    return %arg0, %c0_i32 : i32, i32
  }
  func.func @transform_9(%arg0: i32) -> (i32, i32) {
    %c0_i32 = arith.constant 0 : i32
    %c0_i32_0 = arith.constant 0 : i32
    return %arg0, %c0_i32 : i32, i32
  }
}

module attributes {stable_mosaic.version = 14 : i64} {
  func.func @_tc2_body(%arg0: i32, %arg1: memref<2x1000x128xf32, #tpu.memory_space<vmem>>, %arg2: memref<2x1000x1xf32, #tpu.memory_space<vmem>>, %arg3: memref<1000x128xf32, #tpu.memory_space<vmem>>, %arg4: memref<1x128xf32, #tpu.memory_space<vmem>>, %arg5: memref<1000x128xf32, #tpu.memory_space<vmem>>) attributes {dimension_semantics = [#tpu.dimension_semantics<arbitrary>], iteration_bounds = array<i64: 10>, scalar_prefetch = 0 : i64, scratch_operands = 0 : i64, tpu.core_type = #tpu.core_type<tc>, window_params = [{transform_indices = @transform_0, window_bounds = array<i64: 2, 1000, 128>}, {transform_indices = @transform_1, window_bounds = array<i64: 2, 1000, 1>}, {transform_indices = @transform_2, window_bounds = array<i64: 1000, 128>}, {pipeline_mode = #tpu.pipeline_mode<synchronous>, transform_indices = @transform_3, window_bounds = array<i64: 1, 128>}, {transform_indices = @transform_4, window_bounds = array<i64: 1000, 128>}]} {
    %get3A = arith.constant 0 : index
    %get3A_0 = arith.constant 0 : index
    %get3A_1 = arith.constant 0 : index
    %get3A_2 = vector.load %arg1[%get3A, %get3A_0, %get3A_1] : memref<2x1000x128xf32, #tpu.memory_space<vmem>>, vector<1x1000x128xf32>
    %get3A_3 = vector.shape_cast %get3A_2 : vector<1x1000x128xf32> to vector<1000x128xf32>
    %get3A_4 = arith.constant 1 : index
    %get3A_5 = arith.constant 0 : index
    %get3A_6 = arith.constant 0 : index
    %get3A_7 = vector.load %arg1[%get3A_4, %get3A_5, %get3A_6] : memref<2x1000x128xf32, #tpu.memory_space<vmem>>, vector<1x1000x128xf32>
    %get3A_8 = vector.shape_cast %get3A_7 : vector<1x1000x128xf32> to vector<1000x128xf32>
    %add3A = arith.addf %get3A_3, %get3A_8 : vector<1000x128xf32>
    %get3A_9 = arith.constant 0 : index
    %get3A_10 = arith.constant 0 : index
    %get3A_11 = arith.constant 0 : index
    %get3A_12 = vector.load %arg2[%get3A_9, %get3A_10, %get3A_11] : memref<2x1000x1xf32, #tpu.memory_space<vmem>>, vector<1x1000x1xf32>
    %get3A_13 = vector.shape_cast %get3A_12 : vector<1x1000x1xf32> to vector<1000x1xf32>
    %get3A_14 = arith.constant 1 : index
    %get3A_15 = arith.constant 0 : index
    %get3A_16 = arith.constant 0 : index
    %get3A_17 = vector.load %arg2[%get3A_14, %get3A_15, %get3A_16] : memref<2x1000x1xf32, #tpu.memory_space<vmem>>, vector<1x1000x1xf32>
    %get3A_18 = vector.shape_cast %get3A_17 : vector<1x1000x1xf32> to vector<1000x1xf32>
    %add3A_19 = arith.addf %get3A_13, %get3A_18 : vector<1000x1xf32>
    %max3A = arith.constant 1.000000e+00 : f32
    %max3A_20 = vector.broadcast %max3A : f32 to vector<1000x1xf32>
    %max3A_21 = arith.maximumf %add3A_19, %max3A_20 : vector<1000x1xf32>
    %div3A = vector.broadcast %max3A_21 : vector<1000x1xf32> to vector<1000x128xf32>
    %div3A_22 = arith.divf %add3A, %div3A : vector<1000x128xf32>
    %get3A_23 = arith.constant 0 : index
    %get3A_24 = arith.constant 0 : index
    %get3A_25 = vector.load %arg4[%get3A_23, %get3A_24] : memref<1x128xf32, #tpu.memory_space<vmem>>, vector<1x128xf32>
    %add3A_26 = vector.broadcast %get3A_25 : vector<1x128xf32> to vector<1000x128xf32>
    %add3A_27 = arith.addf %div3A_22, %add3A_26 : vector<1000x128xf32>
    %get3A_28 = arith.constant 0 : index
    %get3A_29 = arith.constant 0 : index
    %get3A_30 = vector.load %arg3[%get3A_28, %get3A_29] : memref<1000x128xf32, #tpu.memory_space<vmem>>, vector<1000x128xf32>
    %add3A_31 = arith.addf %add3A_27, %get3A_30 : vector<1000x128xf32>
    %swap3A = arith.constant 0 : index
    %swap3A_32 = arith.constant 0 : index
    %swap3A_33 = vector.load %arg5[%swap3A, %swap3A_32] : memref<1000x128xf32, #tpu.memory_space<vmem>>, vector<1000x128xf32>
    tpu.vector_store %arg5[%swap3A, %swap3A_32], %add3A_31 {strides = array<i32>} : memref<1000x128xf32, #tpu.memory_space<vmem>>, vector<1000x128xf32>,
    return
  }
  func.func @transform_0(%arg0: i32) -> (i32, i32, i32) {
    %c0_i32 = arith.constant 0 : i32
    %c0_i32_0 = arith.constant 0 : i32
    %c0_i32_1 = arith.constant 0 : i32
    return %c0_i32, %arg0, %c0_i32_0 : i32, i32, i32
  }
  func.func @transform_1(%arg0: i32) -> (i32, i32, i32) {
    %c0_i32 = arith.constant 0 : i32
    %c0_i32_0 = arith.constant 0 : i32
    %c0_i32_1 = arith.constant 0 : i32
    return %c0_i32, %arg0, %c0_i32_0 : i32, i32, i32
  }
  func.func @transform_2(%arg0: i32) -> (i32, i32) {
    %c0_i32 = arith.constant 0 : i32
    %c0_i32_0 = arith.constant 0 : i32
    return %arg0, %c0_i32 : i32, i32
  }
  func.func @transform_3(%arg0: i32) -> (i32, i32) {
    %c0_i32 = arith.constant 0 : i32
    %c0_i32_0 = arith.constant 0 : i32
    %c0_i32_1 = arith.constant 0 : i32
    return %c0_i32, %c0_i32_0 : i32, i32
  }
  func.func @transform_4(%arg0: i32) -> (i32, i32) {
    %c0_i32 = arith.constant 0 : i32
    %c0_i32_0 = arith.constant 0 : i32
    return %arg0, %c0_i32 : i32, i32
  }
}

</mosaic_0001>

<sc_bundles>
// kernel: kernel.6.cloned.1.call-start
scs
__scs_entry_jumppad:
0x0: {  	(pc) =	sbr.rel $0x88, $3  }
0x1: {  	(tag) =	ssettag $0x0;
	lr =	simm.s32 $0x1  }
0x2: {  	[smem:$0x3F99] =	sst lr;
	_ =	strace $0xD0000000  }
0x3: {  	_ = 	snop  }
0x4: {  	_ = 	snop  }
0x5: {  	_ = 	snop  }
0x6: {  	_ = 	snop  }
0x7: {  	_ = 	snop  }
__scs_overlays_trampoline_lowered:
0x8: {  	[smem:$0x3FA8] =	sst s0  }
0x9: {  	[smem:$0x3FA9] =	sst s1  }
0xa: {  	[smem:$0x3FAA] =	sst s2  }
0xb: {  	[smem:$0x3FAB] =	sst s3  }
0xc: {  	[smem:$0x3FAC] =	sst s4  }
0xd: {  	[smem:$0x3FAD] =	sst s5  }
0xe: {  	[smem:$0x3FAE] =	sst s6  }
0xf: {  	[smem:$0x3FAF] =	sst s7  }
0x10: {  	[smem:$0x3FB0] =	sst s8  }
0x11: {  	[smem:$0x3FB1] =	sst s9;
	s0 =	simm.s32 @!p0 $0x0  }
0x12: {  	s1 =	sld [smem:$0x3F97];
	s0 =	simm.s32 @p0 $0x1  }
0x13: {  	[smem:$0x3FB2] =	sst s0;
	s0 =	simm.s32 @!p1 $0x0  }
0x14: {  	s2 =	sld [smem:$0x3F96];
	s0 =	simm.s32 @p1 $0x1  }
0x15: {  	[smem:$0x3FB3] =	sst s0;
	s0 =	simm.s32 @!p2 $0x0  }
0x16: {  	s3 =	sld [smem:$0x3FDB];
	s0 =	simm.s32 @p2 $0x1  }
0x17: {  	s4 =	simm.s32 $0x1BF5;
	[smem:$0x3FB5] =	sst s0  }
0x18: {  	s0 =	sld [smem:$0x3F98];
	_ =	swait.ge [sflag:s4], $0x0  }
0x19: {  	s7 =	sld [smem:$0x3F99]  }
0x1a: {  	s8 =	sadd.s32 $0xFFFFE003, lr  }
0x1b: {  	s9 =	sadd.s32 $0xFFFFFEF7, lr;
	s5 =	simm.s32 $0xFFFFFFFF;
	p2 =	slt.u32 s8, $0xFFFFF086  }
0x1c: {  	p1 =	slt.u32 s9, $0xF7A;
	s5 =	simm.s32 @!p2 $0x0  }
0x1d: {  	s5 =	simm.s32 @p1 $0x1;
	p0 =	seq.s32 s7, s2  }
0x1e: {  	s7 =	smul.u32 @!p0 $0xF7A, s2;
	p2 =	seq.s32 @!p0 s5, $0x0  }
0x1f: {  	s9 =	smul.u32 $0xF7A, s1;
	s8 =	simm.s32 @!p0 $0x1BF5;
	p2 =	por !p2, p0  }
0x20: {  	[sflag:s8] =	ssyncset.s32 @!p0 $0xFFFFF086;
	s6 =	sadd.s32 @!p0 s3, s7;
	s7 =	simm.s32 @!p0 $0x108  }
0x21: {  	s3 =	sadd.s32 s3, s9;
	s6 =	sadd.s32 @!p0 $0x88, s6;
	s7 =	simm.s32 @p2 $0x1082  }
0x22: {  	[simem:s7], [sflag:s8] =	dma.local @!p0 [hbm:s6], $0xF7A  }
0x23: {  	s9 =	sor.u32 $0xD0000000, s2;
	s6 =	simm.s32 $0x108;
	_ =	swait.ge @!p0 [sflag:s8], $0x0  }
0x24: {  	s3 =	sadd.s32 $0x88, s3;
	s6 =	simm.s32 @!p1 $0x1082;
	[sflag:s4] =	ssyncset.s32 $0xFFFFF086  }
0x25: {  	[simem:s6], [sflag:s4] =	dma.local [hbm:s3], $0xF7A  }
0x26: {  	[smem:$0x3F99] =	sst s1;
	(tag) =	ssettag s2;
	_ =	strace s9  }
0x27: {  	s1 =	sld [smem:$0x3FA9]  }
0x28: {  	s2 =	sld [smem:$0x3FAA]  }
0x29: {  	s4 =	sld [smem:$0x3FAC]  }
0x2a: {  	p0 =	seq.s32 s5, $0x0;
	s5 =	sld [smem:$0x3FAD]  }
0x2b: {  	s6 =	sld [smem:$0x3FAE]  }
0x2c: {  	s7 =	sld [smem:$0x3FAF]  }
0x2d: {  	s3 =	simm.s32 $0x108;
	s8 =	sld [smem:$0x3FB0]  }
0x2e: {  	s3 =	simm.s32 @!p0 $0x1082;
	s9 =	sld [smem:$0x3FB1]  }
0x2f: {  	lr =	sadd.s32 s0, s3;
	s0 =	sld [smem:$0x3FA8]  }
0x30: {  	s3 =	sld [smem:$0x3FAB]  }
0x31: {  	[smem:$0x3FB4] =	sst s10  }
0x32: {  	s10 =	sld [smem:$0x3FB2];
	_ =	sdelay $0x3  }
0x33: {  	p0 =	seq.s32 s10, $0x1;
	s10 =	sld [smem:$0x3FB4];
	_ =	sdelay $0x3  }
0x34: {  	[smem:$0x3FB4] =	sst s10  }
0x35: {  	s10 =	sld [smem:$0x3FB3];
	_ =	sdelay $0x3  }
0x36: {  	p1 =	seq.s32 s10, $0x1;
	s10 =	sld [smem:$0x3FB4];
	_ =	sdelay $0x3  }
0x37: {  	[smem:$0x3FB4] =	sst s10  }
0x38: {  	s10 =	sld [smem:$0x3FB5]  }
0x39: {  	_ = 	snop;
	(pc) =	sbr.ind lr, $3  }
0x3a: {  	_ = 	snop  }
0x3b: {  	_ = 	snop  }
0x3c: {  	p2 =	seq.s32 s10, $0x1;
	s10 =	sld [smem:$0x3FB4]  }
0x3d: {  	_ =	shalt  }
0x3e: {  	_ =	shalt  }
0x3f: {  	_ =	shalt  }
0x40: {  	_ =	shalt  }
0x41: {  	_ =	shalt  }
0x42: {  	_ =	shalt  }
0x43: {  	_ =	shalt  }
0x44: {  	_ =	shalt  }
0x45: {  	_ =	shalt  }
0x46: {  	_ =	shalt  }
0x47: {  	_ =	shalt  }
0x48: {  	_ =	shalt  }
0x49: {  	_ =	shalt  }
0x4a: {  	_ =	shalt  }
0x4b: {  	_ =	shalt  }
0x4c: {  	_ =	shalt  }
0x4d: {  	_ =	shalt  }
0x4e: {  	_ =	shalt  }
0x4f: {  	_ =	shalt  }
0x50: {  	_ =	shalt  }
0x51: {  	_ =	shalt  }
0x52: {  	_ =	shalt  }
0x53: {  	_ =	shalt  }
0x54: {  	_ =	shalt  }
0x55: {  	_ =	shalt  }
0x56: {  	_ =	shalt  }
0x57: {  	_ =	shalt  }
0x58: {  	_ =	shalt  }
0x59: {  	_ =	shalt  }
0x5a: {  	_ =	shalt  }
0x5b: {  	_ =	shalt  }
0x5c: {  	_ =	shalt  }
0x5d: {  	_ =	shalt  }
0x5e: {  	_ =	shalt  }
0x5f: {  	_ =	shalt  }
0x60: {  	_ =	shalt  }
0x61: {  	_ =	shalt  }
0x62: {  	_ =	shalt  }
0x63: {  	_ =	shalt  }
0x64: {  	_ =	shalt  }
0x65: {  	_ =	shalt  }
0x66: {  	_ =	shalt  }
0x67: {  	_ =	shalt  }
0x68: {  	_ =	shalt  }
0x69: {  	_ =	shalt  }
0x6a: {  	_ =	shalt  }
0x6b: {  	_ =	shalt  }
0x6c: {  	_ =	shalt  }
0x6d: {  	_ =	shalt  }
0x6e: {  	_ =	shalt  }
0x6f: {  	_ =	shalt  }
0x70: {  	_ =	shalt  }
0x71: {  	_ =	shalt  }
0x72: {  	_ =	shalt  }
0x73: {  	_ =	shalt  }
0x74: {  	_ =	shalt  }
0x75: {  	_ =	shalt  }
0x76: {  	_ =	shalt  }
0x77: {  	_ =	shalt  }
0x78: {  	_ =	shalt  }
0x79: {  	_ =	shalt  }
0x7a: {  	_ =	shalt  }
0x7b: {  	_ =	shalt  }
0x7c: {  	_ =	shalt  }
0x7d: {  	_ =	shalt  }
0x7e: {  	_ =	shalt  }
0x7f: {  	_ =	shalt  }
0x80: {  	_ =	shalt  }
0x81: {  	_ =	shalt  }
0x82: {  	_ =	shalt  }
0x83: {  	_ =	shalt  }
0x84: {  	_ =	shalt  }
0x85: {  	_ =	shalt  }
0x86: {  	_ =	shalt  }
0x87: {  	_ =	shalt  }
.Lfunc_end0:
.L_simem_size_0:
called_computation_lowered:
.L_overlay_start_0:
0x88: {  	s2 =	sld [smem:$0x3FD9]  }
0x89: {  	s3 =	sld [smem:$0x3FFE];
	_ =	sdelay $0x1  }
0x8a: {  	s1 =	srdreg.scid  }
0x8b: {  	s0 =	sand.u32 $0x1, s1  }
0x8c: {  	s17 =	sshll.u32 s0, $0xA;
	s2 =	sadd.s32 s3, s2  }
0x8d: {  	s2 =	sadd.s32 s2, s17  }
0x8e: {  	[smem:$0x3FC0] =	sst s2  }
0x8f: {  	_ = 	snop  }
0x90: {  	s2 =	sld [smem:$0x3FC9]  }
0x91: {  	s18 =	sld [smem:$0x3FD0];
	(tm) =	ssettm $0x1  }
0x92: {  	s4 =	sld [smem:$0x3FFB];
	_ =	sdelay $0x3  }
0x93: {  	_ =	strace s4  }
0x94: {  	s4 =	sld [smem:$0x3FFC];
	_ =	sdelay $0x3  }
0x95: {  	_ =	strace s4  }
0x96: {  	s4 =	sld [smem:$0x3FFD];
	_ =	sdelay $0x3  }
0x97: {  	_ =	strace s4  }
0x98: {  	_ =	strace $0x8FFFFFFF  }
0x99: {  	s19 =	sld [smem:$0x3FDB];
	_ =	sdelay $0x1  }
0x9a: {  	s5 =	simm.s32 $_scs_section_size  }
0x9b: {  	s6 =	simm.s32 $_size__tile_overlayer_lowered;
	s7 =	simm.s32 $_tile_overlayer_lowered  }
0x9c: {  	s22 =	simm.s32 $0x1BFF;
	s21 =	sshll.u32 s7, $0x1;
	s4 =	sadd.s32 s5, s19  }
0x9d: {  	s8 =	simm.s32 $0x0;
	s20 =	sshll.u32 s6, $0x1;
	s6 =	sadd.s32 s21, s4  }
0x9e: {  	[timem:s8], [sflag:s22] =	dma.local [hbm:s6], s20  }
0x9f: {  	_ =	swait.ge [sflag:s22], s20  }
0xa0: {  	s5 =	ssub.s32 $0x0, s20;
	[sflag:s22] =	ssyncset.done $0x0  }
0xa1: {  	[sflag:s22] =	ssyncadd.s32 s5;
	_ =	sdelay $0x1  }
0xa2: {  	s23 =	simm.s32 $0x1B8B  }
0xa3: {  	_ =	swait.ge [sflag:s23], $0x1  }
0xa4: {  	[sflag:s23] =	ssyncset.done $0x0  }
0xa5: {  	s25 =	simm.s32 $0x1B8E;
	s24 =	sld [smem:$0x3FFE];
	[sflag:s23] =	ssyncadd.s32 $0xFFFFFFFF  }
0xa6: {  	s26 =	simm.s32 $execute0_lowered;
	[smem:$0x3FD2] =	sst s25  }
0xa7: {  	s6 =	sshll.u32 s26, $0x1;
	_ =	strace $0x80000046;
	[dreg:$0x1] =	wrdreg $0xFFFFFFFF  }
0xa8: {  	s28 =	simm.s32 $_size_execute0_lowered;
	s4 =	sadd.s32 s4, s6;
	[dreg:$0x0] =	wrdreg $0x0  }
0xa9: {  	s6 =	sshll.u32 s28, $0x1;
	[dreg:$0x2] =	wrdreg s4  }
0xaa: {  	[dreg:$0x3] =	wrdreg s6  }
0xab: {  	[dreg:$0x4] =	wrdreg $0xC0  }
0xac: {  	_ =	task [dreg:s8], $0x5FFFF  }
0xad: {  	[dreg:$0x1] =	wrdreg $0xFFFFFFFF  }
0xae: {  	[dreg:$0x0] =	wrdreg $0x60  }
0xaf: {  	[dreg:$0x2] =	wrdreg s2  }
0xb0: {  	[dreg:$0x3] =	wrdreg s24  }
0xb1: {  	[dreg:$0x4] =	wrdreg s18  }
0xb2: {  	[dreg:$0x5] =	wrdreg $0x0  }
0xb3: {  	[dreg:$0x6] =	wrdreg $0x140000  }
0xb4: {  	[dreg:$0x7] =	wrdreg $0x9  }
0xb5: {  	_ =	task.clear_ibuf [dreg:s8], $0x8FFFF;
	_ =	strace $0x90000046  }
0xb6: {  	s29 =	simm.s32 $0x9;
	_ =	strace $0x80000048  }
0xb7: {  	_ =	swait.ge [sflag:s29], $0x1  }
0xb8: {  	[sflag:s29] =	ssyncadd.s32 $0xFFFFFFFF  }
0xb9: {  	_ =	strace $0x90000048  }
0xba: {  	_ =	sfence  }
0xbb: {  	s30 =	sld [smem:$0x0];
	_ =	sdelay $0x2  }
0xbc: {  	s31 =	sshll.u32 s1, $0xD;
	s1 =	sshrl.u32 s1, $0x2  }
0xbd: {  	s3 =	sand.u32 $0x4000, s31;
	s1 =	sadd.s32 s1, s30  }
0xbe: {  	s0 =	sor.u32 s3, s0;
	s1 =	sshll.u32 s1, $0x11  }
0xbf: {  	s0 =	sor.u32 s1, s0  }
0xc0: {  	s0 =	sadd.s32 $0x8F2B, s0  }
0xc1: {  	[sflag:s0] =	ssyncadd.remote.s32 $0x1  }
0xc2: {  	_ =	sfence.sel $0xFFFF  }
0xc3: {  	[dreg:$0x0] =	wrdreg $0xFFFFFFFF;
	(pc) =	sbr.abs _section_cstart, $3  }
0xc4: {  	[dreg:$0x1] =	wrdreg $0xFFFFFFFF  }
0xc5: {  	_ =	task.clear_ibuf [dreg:s8], $0x2FFFF;
	_ =	strace $0x9FFFFFFF  }
0xc6: {  	(tm) =	ssettm $0x7FFFFFFF  }
0xc7: {  	_ =	shalt  }
tec
execute0_lowered:
.L_overlay_start_1:
0x0: {  	(tag) =	ssettag $0x1  }
0x1: {  	s2 =	rddreg [dreg:$0x0]  }
0x2: {  	s0 =	rddreg [dreg:$0x1]  }
0x3: {  	s4 =	rddreg [dreg:$0x2]  }
0x4: {  	s3 =	rddreg [dreg:$0x3]  }
0x5: {  	s1 =	rddreg [dreg:$0x4];
	s14 =	stileid.u32  }
0x6: {  	s5 =	srdreg.scid;
	s31 =	simm.s32 $0x1C600;
	s8 =	smul.u32 $0x14000, s14  }
0x7: {  	s30 =	simm.s32 $0x1C800;
	s28 =	simm.s32 $0x1C680;
	s25 =	smul.u32 $0x50000, s14  }
0x8: {  	s6 =	sand.u32 $0x1, s5;
	s5 =	simm.s32 $0x0;
	s13 =	smul.u32 $0x500, s14  }
0x9: {  	s11 =	sadd.s32 $0x2000, s0;
	s12 =	sadd.s32 $0xC200, s0;
	s14 =	smul.u32 $0xA00, s14  }
0xa: {  	s7 =	smul.u32 $0x140000, s6;
	[smem:$0x7FF] =	sst s5;
	s9 =	ssub.s32 $0x2, s6  }
0xb: {  	p0 =	seq.s32 s6, $0x0;
	s6 =	sshll.u32 s6, $0x7;
	_ =	strace $0x80000047  }
0xc: {  	s10 =	sshrl.u32 s9, $0x1;
	s23 =	sshrl.u32 s14, $0x2;
	s6 =	sor.u32 s6, s13  }
0xd: {  	s14 =	simm.s32 $0x18580;
	s7 =	sadd.s32 s8, s7;
	s6 =	sshrl.u32 s6, $0x3  }
0xe: {  	s8 =	sshrl.u32 s25, $0x2;
	s26 =	ssub.s32 s9, s10;
	s25 =	sadd.s32 s4, s6  }
0xf: {  	s7 =	sshrl.u32 s7, $0x3;
	s26 =	smax.u32 s26, $0x1;
	[dreg:$0x17] =	wrdreg s25  }
0x10: {  	s29 =	sadd.s32 s8, s3;
	s4 =	simm.s32 $0x1C880;
	[dreg:$0x18] =	wrdreg s26  }
0x11: {  	s0 =	sadd.s32 s7, s0;
	s8 =	sadd.s32 $0x4000, s29;
	[dreg:$0x8] =	wrdreg s29  }
0x12: {  	s17 =	sadd.s32 $0x8000, s29;
	s22 =	sadd.s32 $0xC000, s29;
	[dreg:$0x9] =	wrdreg s8  }
0x13: {  	s24 =	sadd.s32 $0x10000, s29;
	s25 =	simm.s32 $0x1C580;
	[dreg:$0xa] =	wrdreg s17  }
0x14: {  	s7 =	simm.s32 $0x5;
	s8 =	sadd.s32 $0x5000, s13;
	[dreg:$0x13] =	wrdreg s22  }
0x15: {  	[dreg:$0x14] =	wrdreg s24;
	s0 =	sadd.s32 $0x16400, s0;
	s8 =	smov.u32 @p0 s13  }
0x16: {  	s17 =	simm.s32 $0x2;
	[dreg:$0x16] =	wrdreg s0;
	s10 =	sadd.s32 s12, s8  }
0x17: {  	s9 =	sadd.s32 s11, s8;
	s15 =	sor.u32 $0x10, s8;
	[dreg:$0x6] =	wrdreg s10  }
0x18: {  	s22 =	simm.s32 $0x8;
	s16 =	sadd.s32 s11, s15;
	[dreg:$0x7] =	wrdreg s9  }
0x19: {  	s18 =	sor.u32 $0x20, s8;
	s15 =	sadd.s32 s12, s15;
	[dreg:$0xb] =	wrdreg s16  }
0x1a: {  	s20 =	sor.u32 $0x30, s8;
	s19 =	sadd.s32 s11, s18;
	[dreg:$0xc] =	wrdreg s15  }
0x1b: {  	s8 =	sor.u32 $0x40, s8;
	s21 =	sadd.s32 s11, s20;
	[dreg:$0xd] =	wrdreg s19  }
0x1c: {  	s24 =	simm.s32 $0xA;
	s11 =	sadd.s32 s11, s8;
	[dreg:$0xf] =	wrdreg s21  }
0x1d: {  	s0 =	simm.s32 $0x14580;
	s8 =	sadd.s32 s12, s8;
	[dreg:$0x11] =	wrdreg s11  }
0x1e: {  	s13 =	simm.s32 $0x6;
	s15 =	sadd.s32 s12, s18;
	[dreg:$0x12] =	wrdreg s8  }
0x1f: {  	s8 =	sadd.s32 s23, s1;
	s11 =	simm.s32 $0x1;
	s16 =	simm.s32 $0x1C900  }
0x20: {  	s18 =	simm.s32 $0x7;
	s19 =	simm.s32 $0x3;
	s23 =	simm.s32 $0x4  }
0x21: {  	s21 =	simm.s32 $0x0;
	[dreg:$0xe] =	wrdreg s15;
	s15 =	sadd.s32 s12, s20  }
0x22: {  	[dreg:$0x15] =	wrdreg s8;
	s8 =	simm.s32 $0x80;
	s12 =	simm.s32 $0x14280  }
0x23: {  	v0 =	vimm.f32 $0.0e+00;
	v1 =	vimm.f32 $1.000000000e+00;
	s20 =	simm.s32 $0x9;
	[dreg:$0x10] =	wrdreg s15;
	s15 =	simm.s32 $0x1C700  }
.LBB2_1:
0x24: {  	[dreg:$0x19] =	wrdreg s21;
	s6 =	simm.s32 $0x0;
	s21 =	simm.s32 $0x200  }
.LBB2_2:
0x25: {  	p0 =	sne.s32 s21, $0xFE00;
	[tilespmem:s6+$0x145F0] =	vst v0  }
0x26: {  	[tilespmem:s6+$0x14580] =	vst v0  }
0x27: {  	[tilespmem:s6+$0x14590] =	vst v0  }
.Ltmp0:
0x28: {  	[tilespmem:s6+$0x145A0] =	vst v0;
	(pc) =	sbr.rel @p0 .LBB2_2-.Ltmp0, $4  }
0x29: {  	[tilespmem:s6+$0x145B0] =	vst v0  }
0x2a: {  	[tilespmem:s6+$0x145C0] =	vst v0  }
0x2b: {  	[tilespmem:s6+$0x145D0] =	vst v0  }
0x2c: {  	[tilespmem:s6+$0x145E0] =	vst v0;
	s6 =	sshra.s32 s21, $0x2;
	s21 =	sadd.s32 $0x200, s21  }
0x2d: {  	[tilespmem:s6+$0x145F0] =	vst v0  }
0x2e: {  	[tilespmem:s6+$0x14580] =	vst v0  }
0x2f: {  	[tilespmem:s6+$0x14590] =	vst v0  }
0x30: {  	[tilespmem:s6+$0x145A0] =	vst v0  }
0x31: {  	[tilespmem:s6+$0x145B0] =	vst v0  }
0x32: {  	[tilespmem:s6+$0x145C0] =	vst v0  }
0x33: {  	[tilespmem:s6+$0x145D0] =	vst v0  }
0x34: {  	[tilespmem:s6+$0x145E0] =	vst v0;
	s21 =	simm.s32 $0xB  }
0x35: {  	[spmem:s29] =	stream.linear.scatter [tilespmem:s0], [sflag:$0xB], $0x4000, $0x38;
	[tilespmem:$0x1C980] =	vst v63  }
0x36: {  	_ =	swait.ge [sflag:s21], $0x4000  }
0x37: {  	[sflag:s21] =	ssyncset.done $0x0  }
0x38: {  	s26 =	rddreg [dreg:$0x9];
	[sflag:s21] =	ssyncadd.s32 $0xFFFFC000  }
0x39: {  	[spmem:s26] =	stream.linear.scatter [tilespmem:s0], [sflag:$0xB], $0x4000, $0x38;
	[tilespmem:$0x1C980] =	vst v63  }
0x3a: {  	_ =	swait.ge [sflag:s21], $0x4000  }
0x3b: {  	[sflag:s21] =	ssyncset.done $0x0  }
0x3c: {  	s26 =	rddreg [dreg:$0xa];
	[sflag:s21] =	ssyncadd.s32 $0xFFFFC000  }
0x3d: {  	[spmem:s26] =	stream.linear.scatter [tilespmem:s0], [sflag:$0xB], $0x4000, $0x38;
	[tilespmem:$0x1C980] =	vst v63  }
0x3e: {  	_ =	swait.ge [sflag:s21], $0x4000  }
0x3f: {  	[sflag:s21] =	ssyncset.done $0x0  }
0x40: {  	s26 =	rddreg [dreg:$0x13];
	[sflag:s21] =	ssyncadd.s32 $0xFFFFC000  }
0x41: {  	[spmem:s26] =	stream.linear.scatter [tilespmem:s0], [sflag:$0xB], $0x4000, $0x38;
	[tilespmem:$0x1C980] =	vst v63  }
0x42: {  	_ =	swait.ge [sflag:s21], $0x4000  }
0x43: {  	[sflag:s21] =	ssyncset.done $0x0  }
0x44: {  	s26 =	rddreg [dreg:$0x14];
	[sflag:s21] =	ssyncadd.s32 $0xFFFFC000  }
0x45: {  	[spmem:s26] =	stream.linear.scatter [tilespmem:s0], [sflag:$0xB], $0x4000, $0x38;
	[tilespmem:$0x1C980] =	vst v63  }
0x46: {  	_ =	swait.ge [sflag:s21], $0x4000  }
0x47: {  	[sflag:s21] =	ssyncset.done $0x0  }
0x48: {  	[sflag:s21] =	ssyncadd.s32 $0xFFFFC000  }
0x49: {  	[tilespmem:$0x14280] =	vst v1  }
0x4a: {  	[tilespmem:$0x14290] =	vst v1  }
0x4b: {  	[tilespmem:$0x142A0] =	vst v1  }
0x4c: {  	[tilespmem:$0x142B0] =	vst v1  }
0x4d: {  	[tilespmem:$0x142C0] =	vst v1  }
0x4e: {  	[tilespmem:$0x142D0] =	vst v1  }
0x4f: {  	[tilespmem:$0x142E0] =	vst v1  }
0x50: {  	[tilespmem:$0x142F0] =	vst v1  }
0x51: {  	[tilespmem:$0x14300] =	vst v0  }
0x52: {  	[tilespmem:$0x14310] =	vst v0  }
0x53: {  	[tilespmem:$0x14320] =	vst v0  }
0x54: {  	[tilespmem:$0x14330] =	vst v0  }
0x55: {  	[tilespmem:$0x14340] =	vst v0  }
0x56: {  	[tilespmem:$0x14350] =	vst v0  }
0x57: {  	[tilespmem:$0x14360] =	vst v0  }
0x58: {  	[tilespmem:$0x14370] =	vst v0  }
0x59: {  	[tilespmem:$0x14380] =	vst v0  }
0x5a: {  	[tilespmem:$0x14390] =	vst v0  }
0x5b: {  	[tilespmem:$0x143A0] =	vst v0  }
0x5c: {  	[tilespmem:$0x143B0] =	vst v0  }
0x5d: {  	[tilespmem:$0x143C0] =	vst v0  }
0x5e: {  	[tilespmem:$0x143D0] =	vst v0  }
0x5f: {  	[tilespmem:$0x143E0] =	vst v0  }
0x60: {  	[tilespmem:$0x143F0] =	vst v0  }
0x61: {  	[tilespmem:$0x14400] =	vst v0  }
0x62: {  	[tilespmem:$0x14410] =	vst v0  }
0x63: {  	[tilespmem:$0x14420] =	vst v0  }
0x64: {  	[tilespmem:$0x14430] =	vst v0  }
0x65: {  	[tilespmem:$0x14440] =	vst v0  }
0x66: {  	[tilespmem:$0x14450] =	vst v0  }
0x67: {  	[tilespmem:$0x14460] =	vst v0  }
0x68: {  	[tilespmem:$0x14470] =	vst v0  }
0x69: {  	[tilespmem:$0x14480] =	vst v0  }
0x6a: {  	[tilespmem:$0x14490] =	vst v0  }
0x6b: {  	[tilespmem:$0x144A0] =	vst v0  }
0x6c: {  	[tilespmem:$0x144B0] =	vst v0  }
0x6d: {  	[tilespmem:$0x144C0] =	vst v0  }
0x6e: {  	[tilespmem:$0x144D0] =	vst v0  }
0x6f: {  	[tilespmem:$0x144E0] =	vst v0  }
0x70: {  	[tilespmem:$0x144F0] =	vst v0  }
0x71: {  	[tilespmem:$0x14500] =	vst v0  }
0x72: {  	[tilespmem:$0x14510] =	vst v0  }
0x73: {  	[tilespmem:$0x14520] =	vst v0  }
0x74: {  	[tilespmem:$0x14530] =	vst v0  }
0x75: {  	[tilespmem:$0x14540] =	vst v0  }
0x76: {  	[tilespmem:$0x14550] =	vst v0  }
0x77: {  	[tilespmem:$0x14560] =	vst v0  }
0x78: {  	s26 =	simm.s32 $0x14300;
	s0 =	rddreg [dreg:$0x15];
	[tilespmem:$0x14570] =	vst v0  }
0x79: {  	[spmem:s0] =	stream.linear.scatter [tilespmem:s26], [sflag:$0xB], $0x280, $0x38;
	[tilespmem:$0x1C980] =	vst v63  }
0x7a: {  	_ =	swait.ge [sflag:s21], $0x280  }
0x7b: {  	[sflag:s21] =	ssyncset.done $0x0  }
0x7c: {  	[sflag:s21] =	ssyncadd.s32 $0xFFFFFD80  }
0x7d: {  	s6 =	simm.s32 $0x0;
	[bflag:$0x0] =	sbarrier.arrive $0xFFFF  }
0x7e: {  	[tilespmem:s25], [sflag:$0x5] =	stream.linear.gather [hbm4b:s9+s6], $0x80, $0x38;
	[tilespmem:$0x1C980] =	vst v63  }
0x7f: {  	s0 =	simm.s32 $0x1C780  }
0x80: {  	[tilespmem:s0], [sflag:$0x5] =	stream.linear.gather [hbm4b:s10+s6], $0x80, $0x38;
	[tilespmem:$0x1C980] =	vst v63  }
0x81: {  	s26 =	rddreg [dreg:$0xb]  }
0x82: {  	[tilespmem:s31], [sflag:$0x6] =	stream.linear.gather [hbm4b:s26+s6], $0x80, $0x38;
	[tilespmem:$0x1C980] =	vst v63  }
0x83: {  	s26 =	rddreg [dreg:$0xc]  }
0x84: {  	[tilespmem:s30], [sflag:$0x6] =	stream.linear.gather [hbm4b:s26+s6], $0x80, $0x38;
	[tilespmem:$0x1C980] =	vst v63  }
0x85: {  	s26 =	rddreg [dreg:$0xd]  }
0x86: {  	[tilespmem:s28], [sflag:$0x7] =	stream.linear.gather [hbm4b:s26+s6], $0x80, $0x38;
	[tilespmem:$0x1C980] =	vst v63  }
0x87: {  	s26 =	rddreg [dreg:$0xe]  }
0x88: {  	[tilespmem:s4], [sflag:$0x7] =	stream.linear.gather [hbm4b:s26+s6], $0x80, $0x38;
	[tilespmem:$0x1C980] =	vst v63  }
0x89: {  	_ =	swait.ge [sflag:s7], $0x80  }
0x8a: {  	[sflag:s7] =	ssyncset.done $0x0  }
0x8b: {  	[sflag:s7] =	ssyncadd.s32 $0xFFFFFF80  }
0x8c: {  	_ =	swait.ge [sflag:s7], $0x80  }
0x8d: {  	[sflag:s7] =	ssyncset.done $0x0  }
0x8e: {  	s29 =	simm.s32 $0x14580;
	[sflag:s7] =	ssyncadd.s32 $0xFFFFFF80  }
0x8f: {  	[tilespmem:s29], [sflag:$0x1] =	stream.indirect.gather [hbm4b:s2+s8], $0x80, s25, s8, $0xb8;
	[tilespmem:$0x1C980] =	vst v63  }
0x90: {  	_ =	swait.ge [sflag:s11], $0x4000  }
0x91: {  	[sflag:s11] =	ssyncset.done $0x0  }
0x92: {  	[sflag:s11] =	ssyncadd.s32 $0xFFFFC000  }
0x93: {  	[spmem:s3] =	stream.indirect.scatter.add.f32 [tilespmem:s29], [sflag:$0x3], $0x80, s0, s8, $0xb8;
	[tilespmem:$0x1C980] =	vst v63  }
0x94: {  	_ = 	snop  }
0x95: {  	[spmem:s1] =	stream.indirect.scatter.add.f32 [tilespmem:s12], [sflag:$0x9], $0x1, s0, s8, $0xb8;
	[tilespmem:$0x1C980] =	vst v63  }
0x96: {  	_ =	swait.ge [sflag:s13], $0x80  }
0x97: {  	[sflag:s13] =	ssyncset.done $0x0  }
0x98: {  	[sflag:s13] =	ssyncadd.s32 $0xFFFFFF80  }
0x99: {  	_ =	swait.ge [sflag:s13], $0x80  }
0x9a: {  	[sflag:s13] =	ssyncset.done $0x0  }
0x9b: {  	[sflag:s13] =	ssyncadd.s32 $0xFFFFFF80  }
0x9c: {  	[tilespmem:s14], [sflag:$0x2] =	stream.indirect.gather [hbm4b:s2+s8], $0x80, s31, s8, $0xb8;
	[tilespmem:$0x1C980] =	vst v63  }
0x9d: {  	s26 =	rddreg [dreg:$0xf]  }
0x9e: {  	[tilespmem:s15], [sflag:$0x8] =	stream.linear.gather [hbm4b:s26+s6], $0x80, $0x38;
	[tilespmem:$0x1C980] =	vst v63  }
0x9f: {  	s26 =	rddreg [dreg:$0x10]  }
0xa0: {  	[tilespmem:s16], [sflag:$0x8] =	stream.linear.gather [hbm4b:s26+s6], $0x80, $0x38;
	[tilespmem:$0x1C980] =	vst v63  }
0xa1: {  	_ =	swait.ge [sflag:s17], $0x4000  }
0xa2: {  	[sflag:s17] =	ssyncset.done $0x0  }
0xa3: {  	[sflag:s17] =	ssyncadd.s32 $0xFFFFC000  }
0xa4: {  	[spmem:s3] =	stream.indirect.scatter.add.f32 [tilespmem:s14], [sflag:$0x4], $0x80, s30, s8, $0xb8;
	[tilespmem:$0x1C980] =	vst v63  }
0xa5: {  	_ = 	snop  }
0xa6: {  	[spmem:s1] =	stream.indirect.scatter.add.f32 [tilespmem:s12], [sflag:$0xA], $0x1, s30, s8, $0xb8;
	[tilespmem:$0x1C980] =	vst v63  }
0xa7: {  	_ =	swait.ge [sflag:s18], $0x80  }
0xa8: {  	[sflag:s18] =	ssyncset.done $0x0  }
0xa9: {  	[sflag:s18] =	ssyncadd.s32 $0xFFFFFF80  }
0xaa: {  	_ =	swait.ge [sflag:s18], $0x80  }
0xab: {  	[sflag:s18] =	ssyncset.done $0x0  }
0xac: {  	[sflag:s18] =	ssyncadd.s32 $0xFFFFFF80  }
0xad: {  	_ =	swait.ge [sflag:s19], $0x4000  }
0xae: {  	[sflag:s19] =	ssyncset.done $0x0  }
0xaf: {  	[sflag:s19] =	ssyncadd.s32 $0xFFFFC000  }
0xb0: {  	_ =	swait.ge [sflag:s20], $0x80  }
0xb1: {  	[sflag:s20] =	ssyncset.done $0x0  }
0xb2: {  	[sflag:s20] =	ssyncadd.s32 $0xFFFFFF80  }
0xb3: {  	[tilespmem:s29], [sflag:$0x1] =	stream.indirect.gather [hbm4b:s2+s8], $0x80, s28, s8, $0xb8;
	[tilespmem:$0x1C980] =	vst v63  }
0xb4: {  	s26 =	rddreg [dreg:$0x11]  }
0xb5: {  	[tilespmem:s25], [sflag:$0x5] =	stream.linear.gather [hbm4b:s26+s6], $0x80, $0x38;
	[tilespmem:$0x1C980] =	vst v63  }
0xb6: {  	s26 =	rddreg [dreg:$0x12]  }
0xb7: {  	[tilespmem:s0], [sflag:$0x5] =	stream.linear.gather [hbm4b:s26+s6], $0x80, $0x38;
	[tilespmem:$0x1C980] =	vst v63  }
0xb8: {  	_ =	swait.ge [sflag:s11], $0x4000  }
0xb9: {  	[sflag:s11] =	ssyncset.done $0x0  }
0xba: {  	[sflag:s11] =	ssyncadd.s32 $0xFFFFC000  }
0xbb: {  	[spmem:s3] =	stream.indirect.scatter.add.f32 [tilespmem:s29], [sflag:$0x3], $0x80, s4, s8, $0xb8;
	[tilespmem:$0x1C980] =	vst v63  }
0xbc: {  	_ = 	snop  }
0xbd: {  	[spmem:s1] =	stream.indirect.scatter.add.f32 [tilespmem:s12], [sflag:$0x9], $0x1, s4, s8, $0xb8;
	[tilespmem:$0x1C980] =	vst v63  }
0xbe: {  	_ =	swait.ge [sflag:s22], $0x80  }
0xbf: {  	[sflag:s22] =	ssyncset.done $0x0  }
0xc0: {  	[sflag:s22] =	ssyncadd.s32 $0xFFFFFF80  }
0xc1: {  	_ =	swait.ge [sflag:s22], $0x80  }
0xc2: {  	[sflag:s22] =	ssyncset.done $0x0  }
0xc3: {  	[sflag:s22] =	ssyncadd.s32 $0xFFFFFF80  }
0xc4: {  	_ =	swait.ge [sflag:s23], $0x4000  }
0xc5: {  	[sflag:s23] =	ssyncset.done $0x0  }
0xc6: {  	[sflag:s23] =	ssyncadd.s32 $0xFFFFC000  }
0xc7: {  	_ =	swait.ge [sflag:s24], $0x80  }
0xc8: {  	[sflag:s24] =	ssyncset.done $0x0  }
0xc9: {  	s6 =	sadd.s32 $0x0, s9;
	[sflag:s24] =	ssyncadd.s32 $0xFFFFFF80  }
0xca: {  	[tilespmem:s14], [sflag:$0x2] =	stream.indirect.gather [hbm4b:s2+s8], $0x80, s15, s8, $0xb8;
	[tilespmem:$0x1C980] =	vst v63  }
0xcb: {  	s21 =	sadd.s32 $0x0, s10;
	s9 =	sadd.s32 $0x50, s6  }
0xcc: {  	[tilespmem:s31], [sflag:$0x6] =	stream.linear.gather [hbm4b:s9+s5], $0x80, $0x38;
	[tilespmem:$0x1C980] =	vst v63  }
0xcd: {  	s9 =	sadd.s32 $0x50, s21  }
0xce: {  	[tilespmem:s30], [sflag:$0x6] =	stream.linear.gather [hbm4b:s9+s5], $0x80, $0x38;
	[tilespmem:$0x1C980] =	vst v63  }
0xcf: {  	_ =	swait.ge [sflag:s17], $0x4000  }
0xd0: {  	[sflag:s17] =	ssyncset.done $0x0  }
0xd1: {  	[sflag:s17] =	ssyncadd.s32 $0xFFFFC000  }
0xd2: {  	[spmem:s3] =	stream.indirect.scatter.add.f32 [tilespmem:s14], [sflag:$0x4], $0x80, s16, s8, $0xb8;
	[tilespmem:$0x1C980] =	vst v63  }
0xd3: {  	_ = 	snop  }
0xd4: {  	[spmem:s1] =	stream.indirect.scatter.add.f32 [tilespmem:s12], [sflag:$0xA], $0x1, s16, s8, $0xb8;
	[tilespmem:$0x1C980] =	vst v63  }
0xd5: {  	_ =	swait.ge [sflag:s7], $0x80  }
0xd6: {  	[sflag:s7] =	ssyncset.done $0x0  }
0xd7: {  	[sflag:s7] =	ssyncadd.s32 $0xFFFFFF80  }
0xd8: {  	_ =	swait.ge [sflag:s7], $0x80  }
0xd9: {  	[sflag:s7] =	ssyncset.done $0x0  }
0xda: {  	[sflag:s7] =	ssyncadd.s32 $0xFFFFFF80  }
0xdb: {  	_ =	swait.ge [sflag:s19], $0x4000  }
0xdc: {  	[sflag:s19] =	ssyncset.done $0x0  }
0xdd: {  	[sflag:s19] =	ssyncadd.s32 $0xFFFFC000  }
0xde: {  	_ =	swait.ge [sflag:s20], $0x80  }
0xdf: {  	[sflag:s20] =	ssyncset.done $0x0  }
0xe0: {  	[sflag:s20] =	ssyncadd.s32 $0xFFFFFF80  }
0xe1: {  	[tilespmem:s29], [sflag:$0x1] =	stream.indirect.gather [hbm4b:s2+s8], $0x80, s25, s8, $0xb8;
	[tilespmem:$0x1C980] =	vst v63  }
0xe2: {  	s10 =	sadd.s32 $0x60, s6  }
0xe3: {  	[tilespmem:s28], [sflag:$0x7] =	stream.linear.gather [hbm4b:s10+s5], $0x80, $0x38;
	[tilespmem:$0x1C980] =	vst v63  }
0xe4: {  	s9 =	sadd.s32 $0x60, s21  }
0xe5: {  	[tilespmem:s4], [sflag:$0x7] =	stream.linear.gather [hbm4b:s9+s5], $0x80, $0x38;
	[tilespmem:$0x1C980] =	vst v63  }
0xe6: {  	_ =	swait.ge [sflag:s11], $0x4000  }
0xe7: {  	[sflag:s11] =	ssyncset.done $0x0  }
0xe8: {  	[sflag:s11] =	ssyncadd.s32 $0xFFFFC000  }
0xe9: {  	[spmem:s3] =	stream.indirect.scatter.add.f32 [tilespmem:s29], [sflag:$0x3], $0x80, s0, s8, $0xb8;
	[tilespmem:$0x1C980] =	vst v63  }
0xea: {  	_ = 	snop  }
0xeb: {  	[spmem:s1] =	stream.indirect.scatter.add.f32 [tilespmem:s12], [sflag:$0x9], $0x1, s0, s8, $0xb8;
	[tilespmem:$0x1C980] =	vst v63  }
0xec: {  	_ =	swait.ge [sflag:s13], $0x80  }
0xed: {  	[sflag:s13] =	ssyncset.done $0x0  }
0xee: {  	[sflag:s13] =	ssyncadd.s32 $0xFFFFFF80  }
0xef: {  	_ =	swait.ge [sflag:s13], $0x80  }
0xf0: {  	[sflag:s13] =	ssyncset.done $0x0  }
0xf1: {  	[sflag:s13] =	ssyncadd.s32 $0xFFFFFF80  }
0xf2: {  	_ =	swait.ge [sflag:s23], $0x4000  }
0xf3: {  	[sflag:s23] =	ssyncset.done $0x0  }
0xf4: {  	[sflag:s23] =	ssyncadd.s32 $0xFFFFC000  }
0xf5: {  	_ =	swait.ge [sflag:s24], $0x80  }
0xf6: {  	[sflag:s24] =	ssyncset.done $0x0  }
0xf7: {  	[sflag:s24] =	ssyncadd.s32 $0xFFFFFF80  }
0xf8: {  	[tilespmem:s14], [sflag:$0x2] =	stream.indirect.gather [hbm4b:s2+s8], $0x80, s31, s8, $0xb8;
	[tilespmem:$0x1C980] =	vst v63  }
0xf9: {  	s10 =	sadd.s32 $0x70, s6  }
0xfa: {  	[tilespmem:s15], [sflag:$0x8] =	stream.linear.gather [hbm4b:s10+s5], $0x80, $0x38;
	[tilespmem:$0x1C980] =	vst v63  }
0xfb: {  	s15 =	sadd.s32 $0x70, s21  }
0xfc: {  	[tilespmem:s16], [sflag:$0x8] =	stream.linear.gather [hbm4b:s15+s5], $0x80, $0x38;
	[tilespmem:$0x1C980] =	vst v63  }
0xfd: {  	_ =	swait.ge [sflag:s17], $0x4000  }
0xfe: {  	[sflag:s17] =	ssyncset.done $0x0  }
0xff: {  	[sflag:s17] =	ssyncadd.s32 $0xFFFFC000  }
0x100: {  	[spmem:s3] =	stream.indirect.scatter.add.f32 [tilespmem:s14], [sflag:$0x4], $0x80, s30, s8, $0xb8;
	[tilespmem:$0x1C980] =	vst v63  }
0x101: {  	_ = 	snop  }
0x102: {  	[spmem:s1] =	stream.indirect.scatter.add.f32 [tilespmem:s12], [sflag:$0xA], $0x1, s30, s8, $0xb8;
	[tilespmem:$0x1C980] =	vst v63  }
0x103: {  	_ =	swait.ge [sflag:s18], $0x80  }
0x104: {  	[sflag:s18] =	ssyncset.done $0x0  }
0x105: {  	[sflag:s18] =	ssyncadd.s32 $0xFFFFFF80  }
0x106: {  	_ =	swait.ge [sflag:s18], $0x80  }
0x107: {  	[sflag:s18] =	ssyncset.done $0x0  }
0x108: {  	[sflag:s18] =	ssyncadd.s32 $0xFFFFFF80  }
0x109: {  	_ =	swait.ge [sflag:s19], $0x4000  }
0x10a: {  	[sflag:s19] =	ssyncset.done $0x0  }
0x10b: {  	[sflag:s19] =	ssyncadd.s32 $0xFFFFC000  }
0x10c: {  	_ =	swait.ge [sflag:s20], $0x80  }
0x10d: {  	s6 =	sadd.s32 $0x80, s6;
	s4 =	simm.s32 $0x1C800;
	[sflag:s20] =	ssyncset.done $0x0  }
0x10e: {  	s31 =	simm.s32 $0x1C580;
	s21 =	sadd.s32 $0x80, s21;
	[sflag:s20] =	ssyncadd.s32 $0xFFFFFF80  }
0x10f: {  	[tilespmem:s29], [sflag:$0x1] =	stream.indirect.gather [hbm4b:s2+s8], $0x80, s28, s8, $0xb8;
	[tilespmem:$0x1C980] =	vst v63  }
0x110: {  	s16 =	simm.s32 $0x1C880;
	s15 =	simm.s32 $0x1C680;
	s30 =	simm.s32 $0x1C700  }
0x111: {  	[tilespmem:s25], [sflag:$0x5] =	stream.linear.gather [hbm4b:s6+s5], $0x80, $0x38;
	[tilespmem:$0x1C980] =	vst v63  }
0x112: {  	s28 =	simm.s32 $0x1C600;
	s6 =	simm.s32 $0x40;
	s25 =	simm.s32 $0x1C900  }
.LBB2_4:
0x113: {  	[tilespmem:s0], [sflag:$0x5] =	stream.linear.gather [hbm4b:s21+s5], $0x80, $0x38;
	[tilespmem:$0x1C980] =	vst v63  }
0x114: {  	_ =	swait.ge [sflag:s11], $0x4000  }
0x115: {  	[sflag:s11] =	ssyncset.done $0x0  }
0x116: {  	[sflag:s11] =	ssyncadd.s32 $0xFFFFC000  }
0x117: {  	[spmem:s3] =	stream.indirect.scatter.add.f32 [tilespmem:s29], [sflag:$0x3], $0x80, s16, s8, $0xb8;
	[tilespmem:$0x1C980] =	vst v63  }
0x118: {  	_ = 	snop  }
0x119: {  	[spmem:s1] =	stream.indirect.scatter.add.f32 [tilespmem:s12], [sflag:$0x9], $0x1, s16, s8, $0xb8;
	[tilespmem:$0x1C980] =	vst v63  }
0x11a: {  	_ =	swait.ge [sflag:s22], $0x80  }
0x11b: {  	[sflag:s22] =	ssyncset.done $0x0  }
0x11c: {  	[sflag:s22] =	ssyncadd.s32 $0xFFFFFF80  }
0x11d: {  	_ =	swait.ge [sflag:s22], $0x80  }
0x11e: {  	[sflag:s22] =	ssyncset.done $0x0  }
0x11f: {  	[sflag:s22] =	ssyncadd.s32 $0xFFFFFF80  }
0x120: {  	_ =	swait.ge [sflag:s23], $0x4000  }
0x121: {  	[sflag:s23] =	ssyncset.done $0x0  }
0x122: {  	[sflag:s23] =	ssyncadd.s32 $0xFFFFC000  }
0x123: {  	_ =	swait.ge [sflag:s24], $0x80  }
0x124: {  	s26 =	smov.u32 s6;
	[sflag:s24] =	ssyncset.done $0x0;
	s9 =	rddreg [dreg:$0x7]  }
0x125: {  	s10 =	rddreg [dreg:$0x6];
	[sflag:s24] =	ssyncadd.s32 $0xFFFFFF80;
	s21 =	sadd.s32 s26, s9  }
0x126: {  	[tilespmem:s14], [sflag:$0x2] =	stream.indirect.gather [hbm4b:s2+s8], $0x80, s30, s8, $0xb8;
	[tilespmem:$0x1C980] =	vst v63  }
0x127: {  	s26 =	sadd.s32 s26, s10;
	s9 =	sadd.s32 $0x50, s21  }
0x128: {  	[tilespmem:s28], [sflag:$0x6] =	stream.linear.gather [hbm4b:s9+s5], $0x80, $0x38;
	[tilespmem:$0x1C980] =	vst v63  }
0x129: {  	s10 =	sadd.s32 $0x50, s26  }
0x12a: {  	[tilespmem:s4], [sflag:$0x6] =	stream.linear.gather [hbm4b:s10+s5], $0x80, $0x38;
	[tilespmem:$0x1C980] =	vst v63  }
0x12b: {  	_ =	swait.ge [sflag:s17], $0x4000  }
0x12c: {  	[sflag:s17] =	ssyncset.done $0x0  }
0x12d: {  	[sflag:s17] =	ssyncadd.s32 $0xFFFFC000  }
0x12e: {  	[spmem:s3] =	stream.indirect.scatter.add.f32 [tilespmem:s14], [sflag:$0x4], $0x80, s25, s8, $0xb8;
	[tilespmem:$0x1C980] =	vst v63  }
0x12f: {  	_ = 	snop  }
0x130: {  	[spmem:s1] =	stream.indirect.scatter.add.f32 [tilespmem:s12], [sflag:$0xA], $0x1, s25, s8, $0xb8;
	[tilespmem:$0x1C980] =	vst v63  }
0x131: {  	_ =	swait.ge [sflag:s7], $0x80  }
0x132: {  	[sflag:s7] =	ssyncset.done $0x0  }
0x133: {  	[sflag:s7] =	ssyncadd.s32 $0xFFFFFF80  }
0x134: {  	_ =	swait.ge [sflag:s7], $0x80  }
0x135: {  	[sflag:s7] =	ssyncset.done $0x0  }
0x136: {  	[sflag:s7] =	ssyncadd.s32 $0xFFFFFF80  }
0x137: {  	_ =	swait.ge [sflag:s19], $0x4000  }
0x138: {  	[sflag:s19] =	ssyncset.done $0x0  }
0x139: {  	[sflag:s19] =	ssyncadd.s32 $0xFFFFC000  }
0x13a: {  	_ =	swait.ge [sflag:s20], $0x80  }
0x13b: {  	[sflag:s20] =	ssyncset.done $0x0  }
0x13c: {  	[sflag:s20] =	ssyncadd.s32 $0xFFFFFF80  }
0x13d: {  	[tilespmem:s29], [sflag:$0x1] =	stream.indirect.gather [hbm4b:s2+s8], $0x80, s31, s8, $0xb8;
	[tilespmem:$0x1C980] =	vst v63  }
0x13e: {  	s10 =	sadd.s32 $0x60, s21  }
0x13f: {  	[tilespmem:s15], [sflag:$0x7] =	stream.linear.gather [hbm4b:s10+s5], $0x80, $0x38;
	[tilespmem:$0x1C980] =	vst v63  }
0x140: {  	s10 =	sadd.s32 $0x60, s26  }
0x141: {  	[tilespmem:s16], [sflag:$0x7] =	stream.linear.gather [hbm4b:s10+s5], $0x80, $0x38;
	[tilespmem:$0x1C980] =	vst v63  }
0x142: {  	_ =	swait.ge [sflag:s11], $0x4000  }
0x143: {  	[sflag:s11] =	ssyncset.done $0x0  }
0x144: {  	[sflag:s11] =	ssyncadd.s32 $0xFFFFC000  }
0x145: {  	[spmem:s3] =	stream.indirect.scatter.add.f32 [tilespmem:s29], [sflag:$0x3], $0x80, s0, s8, $0xb8;
	[tilespmem:$0x1C980] =	vst v63  }
0x146: {  	_ = 	snop  }
0x147: {  	[spmem:s1] =	stream.indirect.scatter.add.f32 [tilespmem:s12], [sflag:$0x9], $0x1, s0, s8, $0xb8;
	[tilespmem:$0x1C980] =	vst v63  }
0x148: {  	_ =	swait.ge [sflag:s13], $0x80  }
0x149: {  	[sflag:s13] =	ssyncset.done $0x0  }
0x14a: {  	[sflag:s13] =	ssyncadd.s32 $0xFFFFFF80  }
0x14b: {  	_ =	swait.ge [sflag:s13], $0x80  }
0x14c: {  	[sflag:s13] =	ssyncset.done $0x0  }
0x14d: {  	[sflag:s13] =	ssyncadd.s32 $0xFFFFFF80  }
0x14e: {  	_ =	swait.ge [sflag:s23], $0x4000  }
0x14f: {  	[sflag:s23] =	ssyncset.done $0x0  }
0x150: {  	[sflag:s23] =	ssyncadd.s32 $0xFFFFC000  }
0x151: {  	_ =	swait.ge [sflag:s24], $0x80  }
0x152: {  	[sflag:s24] =	ssyncset.done $0x0  }
0x153: {  	[sflag:s24] =	ssyncadd.s32 $0xFFFFFF80  }
0x154: {  	[tilespmem:s14], [sflag:$0x2] =	stream.indirect.gather [hbm4b:s2+s8], $0x80, s28, s8, $0xb8;
	[tilespmem:$0x1C980] =	vst v63  }
0x155: {  	s10 =	sadd.s32 $0x70, s21  }
0x156: {  	[tilespmem:s30], [sflag:$0x8] =	stream.linear.gather [hbm4b:s10+s5], $0x80, $0x38;
	[tilespmem:$0x1C980] =	vst v63  }
0x157: {  	s10 =	sadd.s32 $0x70, s26  }
0x158: {  	[tilespmem:s25], [sflag:$0x8] =	stream.linear.gather [hbm4b:s10+s5], $0x80, $0x38;
	[tilespmem:$0x1C980] =	vst v63  }
0x159: {  	_ =	swait.ge [sflag:s17], $0x4000  }
0x15a: {  	[sflag:s17] =	ssyncset.done $0x0  }
0x15b: {  	[sflag:s17] =	ssyncadd.s32 $0xFFFFC000  }
0x15c: {  	[spmem:s3] =	stream.indirect.scatter.add.f32 [tilespmem:s14], [sflag:$0x4], $0x80, s4, s8, $0xb8;
	[tilespmem:$0x1C980] =	vst v63  }
0x15d: {  	_ = 	snop  }
0x15e: {  	[spmem:s1] =	stream.indirect.scatter.add.f32 [tilespmem:s12], [sflag:$0xA], $0x1, s4, s8, $0xb8;
	[tilespmem:$0x1C980] =	vst v63  }
0x15f: {  	_ =	swait.ge [sflag:s18], $0x80  }
0x160: {  	[sflag:s18] =	ssyncset.done $0x0  }
0x161: {  	[sflag:s18] =	ssyncadd.s32 $0xFFFFFF80  }
0x162: {  	_ =	swait.ge [sflag:s18], $0x80  }
0x163: {  	[sflag:s18] =	ssyncset.done $0x0  }
0x164: {  	[sflag:s18] =	ssyncadd.s32 $0xFFFFFF80  }
0x165: {  	_ =	swait.ge [sflag:s19], $0x4000  }
0x166: {  	[sflag:s19] =	ssyncset.done $0x0  }
0x167: {  	[sflag:s19] =	ssyncadd.s32 $0xFFFFC000  }
0x168: {  	_ =	swait.ge [sflag:s20], $0x80  }
0x169: {  	p0 =	sne.s32 s6, $0x480;
	[sflag:s20] =	ssyncset.done $0x0  }
.Ltmp1:
0x16a: {  	[sflag:s20] =	ssyncadd.s32 $0xFFFFFF80;
	(pc) =	sbr.rel @p0 .LBB2_4-.Ltmp1, $4  }
0x16b: {  	[tilespmem:s29], [sflag:$0x1] =	stream.indirect.gather [hbm4b:s2+s8], $0x80, s15, s8, $0xb8;
	[tilespmem:$0x1C980] =	vst v63  }
0x16c: {  	s21 =	sadd.s32 $0x80, s21  }
0x16d: {  	[tilespmem:s31], [sflag:$0x5] =	stream.linear.gather [hbm4b:s21+s5], $0x80, $0x38;
	[tilespmem:$0x1C980] =	vst v63  }
0x16e: {  	s6 =	sadd.s32 $0x40, s6;
	s21 =	sadd.s32 $0x80, s26  }
0x16f: {  	[tilespmem:s0], [sflag:$0x5] =	stream.linear.gather [hbm4b:s21+s5], $0x80, $0x38;
	[tilespmem:$0x1C980] =	vst v63  }
0x170: {  	_ =	swait.ge [sflag:s11], $0x4000  }
0x171: {  	[sflag:s11] =	ssyncset.done $0x0  }
0x172: {  	[sflag:s11] =	ssyncadd.s32 $0xFFFFC000  }
0x173: {  	[spmem:s3] =	stream.indirect.scatter.add.f32 [tilespmem:s29], [sflag:$0x3], $0x80, s16, s8, $0xb8;
	[tilespmem:$0x1C980] =	vst v63  }
0x174: {  	_ = 	snop  }
0x175: {  	[spmem:s1] =	stream.indirect.scatter.add.f32 [tilespmem:s12], [sflag:$0x9], $0x1, s16, s8, $0xb8;
	[tilespmem:$0x1C980] =	vst v63  }
0x176: {  	_ =	swait.ge [sflag:s22], $0x80  }
0x177: {  	[sflag:s22] =	ssyncset.done $0x0  }
0x178: {  	[sflag:s22] =	ssyncadd.s32 $0xFFFFFF80  }
0x179: {  	_ =	swait.ge [sflag:s22], $0x80  }
0x17a: {  	[sflag:s22] =	ssyncset.done $0x0  }
0x17b: {  	[sflag:s22] =	ssyncadd.s32 $0xFFFFFF80  }
0x17c: {  	_ =	swait.ge [sflag:s23], $0x4000  }
0x17d: {  	[sflag:s23] =	ssyncset.done $0x0  }
0x17e: {  	[sflag:s23] =	ssyncadd.s32 $0xFFFFC000  }
0x17f: {  	_ =	swait.ge [sflag:s24], $0x80  }
0x180: {  	[sflag:s24] =	ssyncset.done $0x0  }
0x181: {  	[sflag:s24] =	ssyncadd.s32 $0xFFFFFF80  }
0x182: {  	[tilespmem:s14], [sflag:$0x2] =	stream.indirect.gather [hbm4b:s2+s8], $0x80, s30, s8, $0xb8;
	[tilespmem:$0x1C980] =	vst v63  }
0x183: {  	_ =	swait.ge [sflag:s17], $0x4000  }
0x184: {  	[sflag:s17] =	ssyncset.done $0x0  }
0x185: {  	[sflag:s17] =	ssyncadd.s32 $0xFFFFC000  }
0x186: {  	[spmem:s3] =	stream.indirect.scatter.add.f32 [tilespmem:s14], [sflag:$0x4], $0x80, s25, s8, $0xb8;
	[tilespmem:$0x1C980] =	vst v63  }
0x187: {  	_ = 	snop  }
0x188: {  	[spmem:s1] =	stream.indirect.scatter.add.f32 [tilespmem:s12], [sflag:$0xA], $0x1, s25, s8, $0xb8;
	[tilespmem:$0x1C980] =	vst v63  }
0x189: {  	_ =	swait.ge [sflag:s19], $0x4000  }
0x18a: {  	[sflag:s19] =	ssyncset.done $0x0  }
0x18b: {  	[sflag:s19] =	ssyncadd.s32 $0xFFFFC000  }
0x18c: {  	_ =	swait.ge [sflag:s20], $0x80  }
0x18d: {  	[sflag:s20] =	ssyncset.done $0x0  }
0x18e: {  	[sflag:s20] =	ssyncadd.s32 $0xFFFFFF80  }
0x18f: {  	_ =	swait.ge [sflag:s23], $0x4000  }
0x190: {  	[sflag:s23] =	ssyncset.done $0x0  }
0x191: {  	[sflag:s23] =	ssyncadd.s32 $0xFFFFC000  }
0x192: {  	_ =	swait.ge [sflag:s24], $0x80  }
0x193: {  	[sflag:s24] =	ssyncset.done $0x0  }
0x194: {  	[sflag:s24] =	ssyncadd.s32 $0xFFFFFF80  }
0x195: {  	_ =	swait.ge [sflag:s7], $0x80  }
0x196: {  	[sflag:s7] =	ssyncset.done $0x0  }
0x197: {  	[sflag:s7] =	ssyncadd.s32 $0xFFFFFF80  }
0x198: {  	_ =	swait.ge [sflag:s7], $0x80  }
0x199: {  	[sflag:s7] =	ssyncset.done $0x0  }
0x19a: {  	[sflag:s7] =	ssyncadd.s32 $0xFFFFFF80  }
0x19b: {  	s6 =	stileid.u32;
	[bflag:$0x0] =	sbarrier.arrive $0xFFFF  }
0x19c: {  	s26 =	simm.s32 $0xB;
	s6 =	sshll.u32 s6, $0x6;
	s29 =	rddreg [dreg:$0x8]  }
0x19d: {  	s6 =	sor.u32 $0x1C0B, s6;
	s0 =	rddreg [dreg:$0x16];
	s9 =	sshrl.u32 s29, $0x3  }
0x19e: {  	[hbm:s0], [sflag:s6] =	dma.local [spmem:s9], $0x2800  }
0x19f: {  	_ =	swait.ge [sflag:s26], $0x2800  }
0x1a0: {  	s4 =	rddreg [dreg:$0x15]  }
0x1a1: {  	s15 =	simm.s32 $0x20;
	[sflag:s26] =	ssyncset.done $0x0;
	s10 =	rddreg [dreg:$0x17]  }
0x1a2: {  	[sflag:s26] =	ssyncadd.s32 $0xFFFFD800;
	s9 =	sshrl.u32 s4, $0x3;
	s4 =	simm.s32 $0x10  }
0x1a3: {  	[hbm:s10@s15], [sflag:s6] =	dma.strided [spmem:s9@s4], $0x50, s11, $0x10   }
0x1a4: {  	_ =	swait.ge [sflag:s26], $0x50  }
0x1a5: {  	s16 =	rddreg [dreg:$0x19]  }
0x1a6: {  	s25 =	rddreg [dreg:$0x18];
	s21 =	sadd.s32 $0x1, s16  }
0x1a7: {  	p0 =	sne.s32 s21, s25  }
.Ltmp2:
0x1a8: {  	_ = 	snop;
	(pc) =	sbr.rel @p0 .LBB2_1-.Ltmp2, $4  }
0x1a9: {  	s31 =	simm.s32 $0x1C600;
	s28 =	simm.s32 $0x1C680;
	s30 =	simm.s32 $0x1C800  }
0x1aa: {  	s0 =	simm.s32 $0x14580;
	s15 =	simm.s32 $0x1C700;
	s9 =	rddreg [dreg:$0x7]  }
0x1ab: {  	s4 =	simm.s32 $0x1C880;
	[sflag:s26] =	ssyncset.done $0x0;
	s10 =	rddreg [dreg:$0x6]  }
0x1ac: {  	[sflag:s26] =	ssyncadd.s32 $0xFFFFFFB0;
	s16 =	simm.s32 $0x1C900;
	s25 =	simm.s32 $0x1C580  }
0x1ad: {  	_ =	sfence.sel $0x180000  }
0x1ae: {  	[bflag:$0x0] =	sbarrier.arrive $0xFFFF  }
0x1af: {  	_ =	strace $0x90000047  }
0x1b0: {  	s0 =	stileid.u32;
	[bflag:$0x2] =	sbarrier.arrive $0xFFFF  }
0x1b1: {  	p0 =	sne.s32 s0, $0x0;
	s0 =	rddreg [dreg:$0x5]  }
0x1b2: {  	s0 =	sadd.s32 @!p0 $0x100000, s0  }
0x1b3: {  	[sflag:s0] =	ssyncadd.tile.s32 @!p0 $0x1;
	_ =	shalt  }
.Lfunc_end2:
_tile_overlayer_lowered:
.L_overlay_start_2:
0x1b4: {  	(tag) =	ssettag $0x2  }
0x1b5: {  	s0 =	rddreg [dreg:$0x0];
	s2 =	stileid.u32  }
0x1b6: {  	s1 =	rddreg [dreg:$0x1];
	p0 =	sne.s32 s2, $0x0  }
0x1b7: {  	s3 =	rddreg [dreg:$0x2];
	[bflag:$0x3] =	sbarrier.arrive $0xFFFF;
	s2 =	simm.s32 @!p0 $0x1C0B  }
0x1b8: {  	[timem:s3], [sflag:s2] =	dma.local @!p0 [hbm:s0], s1  }
0x1b9: {  	s0 =	simm.s32 @!p0 $0xB  }
0x1ba: {  	_ =	swait.ge @!p0 [sflag:s0], s1  }
0x1bb: {  	s1 =	ssub.s32 @!p0 $0x0, s1;
	[sflag:s0] =	ssyncset.done @!p0 $0x0  }
0x1bc: {  	[sflag:s0] =	ssyncadd.s32 @!p0 s1  }
0x1bd: {  	[bflag:$0x3] =	sbarrier.arrive $0xFFFF  }
0x1be: {  	_ =	shalt  }

// kernel: kernel.9.cloned.1.call-start
scs
__scs_entry_jumppad:
0x0: {  	(pc) =	sbr.rel $0x88, $3  }
0x1: {  	(tag) =	ssettag $0x0;
	lr =	simm.s32 $0x1  }
0x2: {  	[smem:$0x3F99] =	sst lr;
	_ =	strace $0xD0000000  }
0x3: {  	_ = 	snop  }
0x4: {  	_ = 	snop  }
0x5: {  	_ = 	snop  }
0x6: {  	_ = 	snop  }
0x7: {  	_ = 	snop  }
__scs_overlays_trampoline_lowered:
0x8: {  	[smem:$0x3FA8] =	sst s0  }
0x9: {  	[smem:$0x3FA9] =	sst s1  }
0xa: {  	[smem:$0x3FAA] =	sst s2  }
0xb: {  	[smem:$0x3FAB] =	sst s3  }
0xc: {  	[smem:$0x3FAC] =	sst s4  }
0xd: {  	[smem:$0x3FAD] =	sst s5  }
0xe: {  	[smem:$0x3FAE] =	sst s6  }
0xf: {  	[smem:$0x3FAF] =	sst s7  }
0x10: {  	[smem:$0x3FB0] =	sst s8  }
0x11: {  	[smem:$0x3FB1] =	sst s9;
	s0 =	simm.s32 @!p0 $0x0  }
0x12: {  	s1 =	sld [smem:$0x3F97];
	s0 =	simm.s32 @p0 $0x1  }
0x13: {  	[smem:$0x3FB2] =	sst s0;
	s0 =	simm.s32 @!p1 $0x0  }
0x14: {  	s2 =	sld [smem:$0x3F96];
	s0 =	simm.s32 @p1 $0x1  }
0x15: {  	[smem:$0x3FB3] =	sst s0;
	s0 =	simm.s32 @!p2 $0x0  }
0x16: {  	s3 =	sld [smem:$0x3FDB];
	s0 =	simm.s32 @p2 $0x1  }
0x17: {  	s4 =	simm.s32 $0x1BF5;
	[smem:$0x3FB5] =	sst s0  }
0x18: {  	s0 =	sld [smem:$0x3F98];
	_ =	swait.ge [sflag:s4], $0x0  }
0x19: {  	s7 =	sld [smem:$0x3F99]  }
0x1a: {  	s8 =	sadd.s32 $0xFFFFE003, lr  }
0x1b: {  	s9 =	sadd.s32 $0xFFFFFEF7, lr;
	s5 =	simm.s32 $0xFFFFFFFF;
	p2 =	slt.u32 s8, $0xFFFFF086  }
0x1c: {  	p1 =	slt.u32 s9, $0xF7A;
	s5 =	simm.s32 @!p2 $0x0  }
0x1d: {  	s5 =	simm.s32 @p1 $0x1;
	p0 =	seq.s32 s7, s2  }
0x1e: {  	s7 =	smul.u32 @!p0 $0xF7A, s2;
	p2 =	seq.s32 @!p0 s5, $0x0  }
0x1f: {  	s9 =	smul.u32 $0xF7A, s1;
	s8 =	simm.s32 @!p0 $0x1BF5;
	p2 =	por !p2, p0  }
0x20: {  	[sflag:s8] =	ssyncset.s32 @!p0 $0xFFFFF086;
	s6 =	sadd.s32 @!p0 s3, s7;
	s7 =	simm.s32 @!p0 $0x108  }
0x21: {  	s3 =	sadd.s32 s3, s9;
	s6 =	sadd.s32 @!p0 $0x88, s6;
	s7 =	simm.s32 @p2 $0x1082  }
0x22: {  	[simem:s7], [sflag:s8] =	dma.local @!p0 [hbm:s6], $0xF7A  }
0x23: {  	s9 =	sor.u32 $0xD0000000, s2;
	s6 =	simm.s32 $0x108;
	_ =	swait.ge @!p0 [sflag:s8], $0x0  }
0x24: {  	s3 =	sadd.s32 $0x88, s3;
	s6 =	simm.s32 @!p1 $0x1082;
	[sflag:s4] =	ssyncset.s32 $0xFFFFF086  }
0x25: {  	[simem:s6], [sflag:s4] =	dma.local [hbm:s3], $0xF7A  }
0x26: {  	[smem:$0x3F99] =	sst s1;
	(tag) =	ssettag s2;
	_ =	strace s9  }
0x27: {  	s1 =	sld [smem:$0x3FA9]  }
0x28: {  	s2 =	sld [smem:$0x3FAA]  }
0x29: {  	s4 =	sld [smem:$0x3FAC]  }
0x2a: {  	p0 =	seq.s32 s5, $0x0;
	s5 =	sld [smem:$0x3FAD]  }
0x2b: {  	s6 =	sld [smem:$0x3FAE]  }
0x2c: {  	s7 =	sld [smem:$0x3FAF]  }
0x2d: {  	s3 =	simm.s32 $0x108;
	s8 =	sld [smem:$0x3FB0]  }
0x2e: {  	s3 =	simm.s32 @!p0 $0x1082;
	s9 =	sld [smem:$0x3FB1]  }
0x2f: {  	lr =	sadd.s32 s0, s3;
	s0 =	sld [smem:$0x3FA8]  }
0x30: {  	s3 =	sld [smem:$0x3FAB]  }
0x31: {  	[smem:$0x3FB4] =	sst s10  }
0x32: {  	s10 =	sld [smem:$0x3FB2];
	_ =	sdelay $0x3  }
0x33: {  	p0 =	seq.s32 s10, $0x1;
	s10 =	sld [smem:$0x3FB4];
	_ =	sdelay $0x3  }
0x34: {  	[smem:$0x3FB4] =	sst s10  }
0x35: {  	s10 =	sld [smem:$0x3FB3];
	_ =	sdelay $0x3  }
0x36: {  	p1 =	seq.s32 s10, $0x1;
	s10 =	sld [smem:$0x3FB4];
	_ =	sdelay $0x3  }
0x37: {  	[smem:$0x3FB4] =	sst s10  }
0x38: {  	s10 =	sld [smem:$0x3FB5]  }
0x39: {  	_ = 	snop;
	(pc) =	sbr.ind lr, $3  }
0x3a: {  	_ = 	snop  }
0x3b: {  	_ = 	snop  }
0x3c: {  	p2 =	seq.s32 s10, $0x1;
	s10 =	sld [smem:$0x3FB4]  }
0x3d: {  	_ =	shalt  }
0x3e: {  	_ =	shalt  }
0x3f: {  	_ =	shalt  }
0x40: {  	_ =	shalt  }
0x41: {  	_ =	shalt  }
0x42: {  	_ =	shalt  }
0x43: {  	_ =	shalt  }
0x44: {  	_ =	shalt  }
0x45: {  	_ =	shalt  }
0x46: {  	_ =	shalt  }
0x47: {  	_ =	shalt  }
0x48: {  	_ =	shalt  }
0x49: {  	_ =	shalt  }
0x4a: {  	_ =	shalt  }
0x4b: {  	_ =	shalt  }
0x4c: {  	_ =	shalt  }
0x4d: {  	_ =	shalt  }
0x4e: {  	_ =	shalt  }
0x4f: {  	_ =	shalt  }
0x50: {  	_ =	shalt  }
0x51: {  	_ =	shalt  }
0x52: {  	_ =	shalt  }
0x53: {  	_ =	shalt  }
0x54: {  	_ =	shalt  }
0x55: {  	_ =	shalt  }
0x56: {  	_ =	shalt  }
0x57: {  	_ =	shalt  }
0x58: {  	_ =	shalt  }
0x59: {  	_ =	shalt  }
0x5a: {  	_ =	shalt  }
0x5b: {  	_ =	shalt  }
0x5c: {  	_ =	shalt  }
0x5d: {  	_ =	shalt  }
0x5e: {  	_ =	shalt  }
0x5f: {  	_ =	shalt  }
0x60: {  	_ =	shalt  }
0x61: {  	_ =	shalt  }
0x62: {  	_ =	shalt  }
0x63: {  	_ =	shalt  }
0x64: {  	_ =	shalt  }
0x65: {  	_ =	shalt  }
0x66: {  	_ =	shalt  }
0x67: {  	_ =	shalt  }
0x68: {  	_ =	shalt  }
0x69: {  	_ =	shalt  }
0x6a: {  	_ =	shalt  }
0x6b: {  	_ =	shalt  }
0x6c: {  	_ =	shalt  }
0x6d: {  	_ =	shalt  }
0x6e: {  	_ =	shalt  }
0x6f: {  	_ =	shalt  }
0x70: {  	_ =	shalt  }
0x71: {  	_ =	shalt  }
0x72: {  	_ =	shalt  }
0x73: {  	_ =	shalt  }
0x74: {  	_ =	shalt  }
0x75: {  	_ =	shalt  }
0x76: {  	_ =	shalt  }
0x77: {  	_ =	shalt  }
0x78: {  	_ =	shalt  }
0x79: {  	_ =	shalt  }
0x7a: {  	_ =	shalt  }
0x7b: {  	_ =	shalt  }
0x7c: {  	_ =	shalt  }
0x7d: {  	_ =	shalt  }
0x7e: {  	_ =	shalt  }
0x7f: {  	_ =	shalt  }
0x80: {  	_ =	shalt  }
0x81: {  	_ =	shalt  }
0x82: {  	_ =	shalt  }
0x83: {  	_ =	shalt  }
0x84: {  	_ =	shalt  }
0x85: {  	_ =	shalt  }
0x86: {  	_ =	shalt  }
0x87: {  	_ =	shalt  }
.Lfunc_end0:
.L_simem_size_0:
called_computation.1_lowered:
.L_overlay_start_0:
0x88: {  	s2 =	sld [smem:$0x3FD9]  }
0x89: {  	s3 =	sld [smem:$0x3FFE];
	_ =	sdelay $0x1  }
0x8a: {  	s1 =	srdreg.scid  }
0x8b: {  	s0 =	sand.u32 $0x1, s1  }
0x8c: {  	s17 =	sshll.u32 s0, $0xA;
	s2 =	sadd.s32 s3, s2  }
0x8d: {  	s2 =	sadd.s32 s2, s17  }
0x8e: {  	[smem:$0x3FC0] =	sst s2  }
0x8f: {  	_ = 	snop  }
0x90: {  	s2 =	sld [smem:$0x3FD0];
	(tm) =	ssettm $0x1  }
0x91: {  	s18 =	sld [smem:$0x3FFB];
	_ =	sdelay $0x3  }
0x92: {  	_ =	strace s18  }
0x93: {  	s3 =	sld [smem:$0x3FFC];
	_ =	sdelay $0x3  }
0x94: {  	_ =	strace s3  }
0x95: {  	s3 =	sld [smem:$0x3FFD];
	_ =	sdelay $0x3  }
0x96: {  	_ =	strace s3  }
0x97: {  	_ =	strace $0x8FFFFFFF  }
0x98: {  	s19 =	sld [smem:$0x3FDB];
	_ =	sdelay $0x1  }
0x99: {  	s4 =	simm.s32 $_scs_section_size  }
0x9a: {  	s5 =	simm.s32 $_size__tile_overlayer_lowered;
	s6 =	simm.s32 $_tile_overlayer_lowered  }
0x9b: {  	s22 =	simm.s32 $0x1BFF;
	s21 =	sshll.u32 s6, $0x1;
	s3 =	sadd.s32 s4, s19  }
0x9c: {  	s7 =	simm.s32 $0x0;
	s20 =	sshll.u32 s5, $0x1;
	s5 =	sadd.s32 s21, s3  }
0x9d: {  	[timem:s7], [sflag:s22] =	dma.local [hbm:s5], s20  }
0x9e: {  	_ =	swait.ge [sflag:s22], s20  }
0x9f: {  	s4 =	ssub.s32 $0x0, s20;
	[sflag:s22] =	ssyncset.done $0x0  }
0xa0: {  	[sflag:s22] =	ssyncadd.s32 s4;
	_ =	sdelay $0x1  }
0xa1: {  	s23 =	simm.s32 $0x1B8B  }
0xa2: {  	_ =	swait.ge [sflag:s23], $0x1  }
0xa3: {  	[sflag:s23] =	ssyncset.done $0x0  }
0xa4: {  	s25 =	simm.s32 $0x1B8E;
	s24 =	sld [smem:$0x3FFE];
	[sflag:s23] =	ssyncadd.s32 $0xFFFFFFFF  }
0xa5: {  	s26 =	simm.s32 $execute0_lowered;
	[smem:$0x3FD2] =	sst s25  }
0xa6: {  	s5 =	sshll.u32 s26, $0x1;
	_ =	strace $0x80000049;
	[dreg:$0x1] =	wrdreg $0xFFFFFFFF  }
0xa7: {  	s28 =	simm.s32 $_size_execute0_lowered;
	s3 =	sadd.s32 s3, s5;
	[dreg:$0x0] =	wrdreg $0x0  }
0xa8: {  	s5 =	sshll.u32 s28, $0x1;
	[dreg:$0x2] =	wrdreg s3  }
0xa9: {  	[dreg:$0x3] =	wrdreg s5  }
0xaa: {  	[dreg:$0x4] =	wrdreg $0xC0  }
0xab: {  	_ =	task [dreg:s7], $0x5FFFF  }
0xac: {  	[dreg:$0x1] =	wrdreg $0xFFFFFFFF  }
0xad: {  	[dreg:$0x0] =	wrdreg $0x60  }
0xae: {  	[dreg:$0x2] =	wrdreg s2  }
0xaf: {  	[dreg:$0x3] =	wrdreg s24  }
0xb0: {  	[dreg:$0x4] =	wrdreg $0x0  }
0xb1: {  	[dreg:$0x5] =	wrdreg $0x9  }
0xb2: {  	_ =	task.clear_ibuf [dreg:s7], $0x6FFFF;
	_ =	strace $0x90000049  }
0xb3: {  	s29 =	simm.s32 $0x9;
	_ =	strace $0x8000004B  }
0xb4: {  	_ =	swait.ge [sflag:s29], $0x1  }
0xb5: {  	[sflag:s29] =	ssyncadd.s32 $0xFFFFFFFF  }
0xb6: {  	_ =	strace $0x9000004B  }
0xb7: {  	_ =	sfence  }
0xb8: {  	s30 =	sld [smem:$0x0];
	_ =	sdelay $0x2  }
0xb9: {  	s31 =	sshll.u32 s1, $0xD;
	s1 =	sshrl.u32 s1, $0x2  }
0xba: {  	s3 =	sand.u32 $0x4000, s31;
	s1 =	sadd.s32 s1, s30  }
0xbb: {  	s0 =	sor.u32 s3, s0;
	s1 =	sshll.u32 s1, $0x11  }
0xbc: {  	s0 =	sor.u32 s1, s0  }
0xbd: {  	s0 =	sadd.s32 $0x8F2B, s0  }
0xbe: {  	[sflag:s0] =	ssyncadd.remote.s32 $0x1  }
0xbf: {  	_ =	sfence.sel $0xFFFF  }
0xc0: {  	[dreg:$0x0] =	wrdreg $0xFFFFFFFF;
	(pc) =	sbr.abs _section_cstart, $3  }
0xc1: {  	[dreg:$0x1] =	wrdreg $0xFFFFFFFF  }
0xc2: {  	_ =	task.clear_ibuf [dreg:s7], $0x2FFFF;
	_ =	strace $0x9FFFFFFF  }
0xc3: {  	(tm) =	ssettm $0x7FFFFFFF  }
tec
execute0_lowered:
.L_overlay_start_1:
0x0: {  	(tag) =	ssettag $0x1  }
0x1: {  	s1 =	rddreg [dreg:$0x0]  }
0x2: {  	s0 =	rddreg [dreg:$0x1]  }
0x3: {  	s2 =	rddreg [dreg:$0x2]  }
0x4: {  	s3 =	srdreg.scid;
	s4 =	simm.s32 $0x0;
	s11 =	stileid.u32  }
0x5: {  	s28 =	simm.s32 $0x1C280;
	s29 =	simm.s32 $0x1C100;
	s30 =	simm.s32 $0x1C300  }
0x6: {  	s31 =	simm.s32 $0x5;
	s14 =	simm.s32 $0x3;
	s6 =	smul.u32 $0x14000, s11  }
0x7: {  	s3 =	sand.u32 $0x1, s3;
	[smem:$0x7FF] =	sst s4;
	s9 =	smul.u32 $0x50000, s11  }
0x8: {  	s7 =	sadd.s32 $0x2000, s0;
	s8 =	sadd.s32 $0xC200, s0;
	s11 =	smul.u32 $0x500, s11  }
0x9: {  	s5 =	smul.u32 $0x140000, s3;
	_ =	strace $0x8000004A;
	s15 =	ssub.s32 $0x2, s3  }
0xa: {  	p0 =	seq.s32 s3, $0x0;
	s10 =	sshrl.u32 s15, $0x1;
	s16 =	sshrl.u32 s9, $0x2  }
0xb: {  	s3 =	sadd.s32 $0x5000, s11;
	s5 =	sadd.s32 s6, s5;
	s6 =	ssub.s32 s15, s10  }
0xc: {  	s3 =	smov.u32 @p0 s11;
	s15 =	simm.s32 $0x8;
	s5 =	sshrl.u32 s5, $0x3  }
0xd: {  	s10 =	sadd.s32 s7, s3;
	s11 =	sadd.s32 s8, s3;
	s21 =	sor.u32 $0x10, s3  }
0xe: {  	s12 =	sor.u32 $0x20, s3;
	s24 =	sor.u32 $0x30, s3;
	s26 =	smax.u32 s6, $0x1  }
0xf: {  	s3 =	sor.u32 $0x40, s3;
	s13 =	sadd.s32 s7, s21;
	[dreg:$0x11] =	wrdreg s26  }
0x10: {  	s6 =	simm.s32 $0x6;
	s9 =	sadd.s32 s8, s21;
	[dreg:$0x8] =	wrdreg s13  }
0x11: {  	s0 =	sadd.s32 s5, s0;
	s22 =	sadd.s32 s7, s12;
	[dreg:$0x9] =	wrdreg s9  }
0x12: {  	s5 =	sadd.s32 s16, s2;
	s23 =	sadd.s32 s8, s12;
	[dreg:$0xa] =	wrdreg s22  }
0x13: {  	s25 =	sadd.s32 s7, s24;
	s7 =	sadd.s32 s7, s3;
	[dreg:$0xb] =	wrdreg s23  }
0x14: {  	s3 =	sadd.s32 s8, s3;
	s26 =	simm.s32 $0x1C080;
	[dreg:$0xc] =	wrdreg s25  }
0x15: {  	s12 =	simm.s32 $0x2;
	s16 =	simm.s32 $0x4;
	[dreg:$0xe] =	wrdreg s7  }
0x16: {  	s17 =	sadd.s32 $0x4000, s5;
	s18 =	sadd.s32 $0x8000, s5;
	[dreg:$0xf] =	wrdreg s3  }
0x17: {  	s19 =	sadd.s32 $0xC000, s5;
	s20 =	sadd.s32 $0x10000, s5;
	[dreg:$0x4] =	wrdreg s17  }
0x18: {  	s9 =	sadd.s32 s8, s24;
	s0 =	sadd.s32 $0x16400, s0;
	[dreg:$0x5] =	wrdreg s18  }
0x19: {  	s22 =	simm.s32 $0x14000;
	s23 =	simm.s32 $0x9;
	[dreg:$0x6] =	wrdreg s19  }
0x1a: {  	s24 =	simm.s32 $0x1C000;
	s25 =	simm.s32 $0x1C200;
	[dreg:$0x7] =	wrdreg s20  }
0x1b: {  	s3 =	simm.s32 $0x1;
	s7 =	simm.s32 $0x18000;
	[dreg:$0xd] =	wrdreg s9  }
0x1c: {  	s8 =	simm.s32 $0x1C180;
	s13 =	simm.s32 $0x7;
	[dreg:$0x10] =	wrdreg s0  }
0x1d: {  	v0 =	vimm.f32 $0.0e+00;
	s0 =	simm.s32 $0x80;
	s9 =	simm.s32 $0x1C380;
	s17 =	simm.s32 $0x0  }
.LBB2_1:
0x1e: {  	s18 =	simm.s32 $0x0;
	s19 =	simm.s32 $0x200  }
.LBB2_2:
0x1f: {  	p0 =	sne.s32 s19, $0xFE00;
	[tilespmem:s18+$0x14070] =	vst v0  }
0x20: {  	[tilespmem:s18+$0x14000] =	vst v0  }
0x21: {  	[tilespmem:s18+$0x14010] =	vst v0  }
.Ltmp0:
0x22: {  	[tilespmem:s18+$0x14020] =	vst v0;
	(pc) =	sbr.rel @p0 .LBB2_2-.Ltmp0, $4  }
0x23: {  	[tilespmem:s18+$0x14030] =	vst v0  }
0x24: {  	[tilespmem:s18+$0x14040] =	vst v0  }
0x25: {  	[tilespmem:s18+$0x14050] =	vst v0  }
0x26: {  	[tilespmem:s18+$0x14060] =	vst v0;
	s18 =	sshra.s32 s19, $0x2;
	s19 =	sadd.s32 $0x200, s19  }
0x27: {  	[tilespmem:s18+$0x14070] =	vst v0  }
0x28: {  	[tilespmem:s18+$0x14000] =	vst v0  }
0x29: {  	[tilespmem:s18+$0x14010] =	vst v0  }
0x2a: {  	[tilespmem:s18+$0x14020] =	vst v0  }
0x2b: {  	[tilespmem:s18+$0x14030] =	vst v0  }
0x2c: {  	[tilespmem:s18+$0x14040] =	vst v0  }
0x2d: {  	[tilespmem:s18+$0x14050] =	vst v0  }
0x2e: {  	[tilespmem:s18+$0x14060] =	vst v0  }
0x2f: {  	[spmem:s5] =	stream.linear.scatter [tilespmem:s22], [sflag:$0x9], $0x4000, $0x38;
	[tilespmem:$0x1C400] =	vst v63  }
0x30: {  	_ =	swait.ge [sflag:s23], $0x4000  }
0x31: {  	[sflag:s23] =	ssyncset.done $0x0  }
0x32: {  	s19 =	rddreg [dreg:$0x4];
	[sflag:s23] =	ssyncadd.s32 $0xFFFFC000  }
0x33: {  	[spmem:s19] =	stream.linear.scatter [tilespmem:s22], [sflag:$0x9], $0x4000, $0x38;
	[tilespmem:$0x1C400] =	vst v63  }
0x34: {  	_ =	swait.ge [sflag:s23], $0x4000  }
0x35: {  	[sflag:s23] =	ssyncset.done $0x0  }
0x36: {  	s20 =	rddreg [dreg:$0x5];
	[sflag:s23] =	ssyncadd.s32 $0xFFFFC000  }
0x37: {  	[spmem:s20] =	stream.linear.scatter [tilespmem:s22], [sflag:$0x9], $0x4000, $0x38;
	[tilespmem:$0x1C400] =	vst v63  }
0x38: {  	_ =	swait.ge [sflag:s23], $0x4000  }
0x39: {  	[sflag:s23] =	ssyncset.done $0x0  }
0x3a: {  	s21 =	rddreg [dreg:$0x6];
	[sflag:s23] =	ssyncadd.s32 $0xFFFFC000  }
0x3b: {  	[spmem:s21] =	stream.linear.scatter [tilespmem:s22], [sflag:$0x9], $0x4000, $0x38;
	[tilespmem:$0x1C400] =	vst v63  }
0x3c: {  	_ =	swait.ge [sflag:s23], $0x4000  }
0x3d: {  	[sflag:s23] =	ssyncset.done $0x0  }
0x3e: {  	s19 =	rddreg [dreg:$0x7];
	[sflag:s23] =	ssyncadd.s32 $0xFFFFC000  }
0x3f: {  	[spmem:s19] =	stream.linear.scatter [tilespmem:s22], [sflag:$0x9], $0x4000, $0x38;
	[tilespmem:$0x1C400] =	vst v63  }
0x40: {  	_ =	swait.ge [sflag:s23], $0x4000  }
0x41: {  	[sflag:s23] =	ssyncset.done $0x0  }
0x42: {  	[sflag:s23] =	ssyncadd.s32 $0xFFFFC000  }
0x43: {  	s18 =	simm.s32 $0x0;
	[bflag:$0x0] =	sbarrier.arrive $0xFFFF  }
0x44: {  	[tilespmem:s24], [sflag:$0x5] =	stream.linear.gather [hbm4b:s10+s18], $0x80, $0x38;
	[tilespmem:$0x1C400] =	vst v63  }
0x45: {  	_ = 	snop  }
0x46: {  	[tilespmem:s25], [sflag:$0x5] =	stream.linear.gather [hbm4b:s11+s18], $0x80, $0x38;
	[tilespmem:$0x1C400] =	vst v63  }
0x47: {  	s19 =	rddreg [dreg:$0x8]  }
0x48: {  	[tilespmem:s26], [sflag:$0x6] =	stream.linear.gather [hbm4b:s19+s18], $0x80, $0x38;
	[tilespmem:$0x1C400] =	vst v63  }
0x49: {  	s20 =	rddreg [dreg:$0x9]  }
0x4a: {  	[tilespmem:s28], [sflag:$0x6] =	stream.linear.gather [hbm4b:s20+s18], $0x80, $0x38;
	[tilespmem:$0x1C400] =	vst v63  }
0x4b: {  	s21 =	rddreg [dreg:$0xa]  }
0x4c: {  	[tilespmem:s29], [sflag:$0x7] =	stream.linear.gather [hbm4b:s21+s18], $0x80, $0x38;
	[tilespmem:$0x1C400] =	vst v63  }
0x4d: {  	s20 =	rddreg [dreg:$0xb]  }
0x4e: {  	[tilespmem:s30], [sflag:$0x7] =	stream.linear.gather [hbm4b:s20+s18], $0x80, $0x38;
	[tilespmem:$0x1C400] =	vst v63  }
0x4f: {  	_ =	swait.ge [sflag:s31], $0x80  }
0x50: {  	[sflag:s31] =	ssyncset.done $0x0  }
0x51: {  	[sflag:s31] =	ssyncadd.s32 $0xFFFFFF80  }
0x52: {  	_ =	swait.ge [sflag:s31], $0x80  }
0x53: {  	[sflag:s31] =	ssyncset.done $0x0  }
0x54: {  	[sflag:s31] =	ssyncadd.s32 $0xFFFFFF80  }
0x55: {  	[tilespmem:s22], [sflag:$0x1] =	stream.indirect.gather [hbm4b:s1+s0], $0x80, s24, s0, $0xb8;
	[tilespmem:$0x1C400] =	vst v63  }
0x56: {  	_ =	swait.ge [sflag:s3], $0x4000  }
0x57: {  	[sflag:s3] =	ssyncset.done $0x0  }
0x58: {  	[sflag:s3] =	ssyncadd.s32 $0xFFFFC000  }
0x59: {  	[spmem:s2] =	stream.indirect.scatter.add.f32 [tilespmem:s22], [sflag:$0x3], $0x80, s25, s0, $0xb8;
	[tilespmem:$0x1C400] =	vst v63  }
0x5a: {  	_ =	swait.ge [sflag:s6], $0x80  }
0x5b: {  	[sflag:s6] =	ssyncset.done $0x0  }
0x5c: {  	[sflag:s6] =	ssyncadd.s32 $0xFFFFFF80  }
0x5d: {  	_ =	swait.ge [sflag:s6], $0x80  }
0x5e: {  	[sflag:s6] =	ssyncset.done $0x0  }
0x5f: {  	[sflag:s6] =	ssyncadd.s32 $0xFFFFFF80  }
0x60: {  	[tilespmem:s7], [sflag:$0x2] =	stream.indirect.gather [hbm4b:s1+s0], $0x80, s26, s0, $0xb8;
	[tilespmem:$0x1C400] =	vst v63  }
0x61: {  	s21 =	rddreg [dreg:$0xc]  }
0x62: {  	[tilespmem:s8], [sflag:$0x8] =	stream.linear.gather [hbm4b:s21+s18], $0x80, $0x38;
	[tilespmem:$0x1C400] =	vst v63  }
0x63: {  	s20 =	rddreg [dreg:$0xd]  }
0x64: {  	[tilespmem:s9], [sflag:$0x8] =	stream.linear.gather [hbm4b:s20+s18], $0x80, $0x38;
	[tilespmem:$0x1C400] =	vst v63  }
0x65: {  	_ =	swait.ge [sflag:s12], $0x4000  }
0x66: {  	[sflag:s12] =	ssyncset.done $0x0  }
0x67: {  	[sflag:s12] =	ssyncadd.s32 $0xFFFFC000  }
0x68: {  	[spmem:s2] =	stream.indirect.scatter.add.f32 [tilespmem:s7], [sflag:$0x4], $0x80, s28, s0, $0xb8;
	[tilespmem:$0x1C400] =	vst v63  }
0x69: {  	_ =	swait.ge [sflag:s13], $0x80  }
0x6a: {  	[sflag:s13] =	ssyncset.done $0x0  }
0x6b: {  	[sflag:s13] =	ssyncadd.s32 $0xFFFFFF80  }
0x6c: {  	_ =	swait.ge [sflag:s13], $0x80  }
0x6d: {  	[sflag:s13] =	ssyncset.done $0x0  }
0x6e: {  	[sflag:s13] =	ssyncadd.s32 $0xFFFFFF80  }
0x6f: {  	_ =	swait.ge [sflag:s14], $0x4000  }
0x70: {  	[sflag:s14] =	ssyncset.done $0x0  }
0x71: {  	[sflag:s14] =	ssyncadd.s32 $0xFFFFC000  }
0x72: {  	[tilespmem:s22], [sflag:$0x1] =	stream.indirect.gather [hbm4b:s1+s0], $0x80, s29, s0, $0xb8;
	[tilespmem:$0x1C400] =	vst v63  }
0x73: {  	s21 =	rddreg [dreg:$0xe]  }
0x74: {  	[tilespmem:s24], [sflag:$0x5] =	stream.linear.gather [hbm4b:s21+s18], $0x80, $0x38;
	[tilespmem:$0x1C400] =	vst v63  }
0x75: {  	s20 =	rddreg [dreg:$0xf]  }
0x76: {  	[tilespmem:s25], [sflag:$0x5] =	stream.linear.gather [hbm4b:s20+s18], $0x80, $0x38;
	[tilespmem:$0x1C400] =	vst v63  }
0x77: {  	_ =	swait.ge [sflag:s3], $0x4000  }
0x78: {  	[sflag:s3] =	ssyncset.done $0x0  }
0x79: {  	[sflag:s3] =	ssyncadd.s32 $0xFFFFC000  }
0x7a: {  	[spmem:s2] =	stream.indirect.scatter.add.f32 [tilespmem:s22], [sflag:$0x3], $0x80, s30, s0, $0xb8;
	[tilespmem:$0x1C400] =	vst v63  }
0x7b: {  	_ =	swait.ge [sflag:s15], $0x80  }
0x7c: {  	[sflag:s15] =	ssyncset.done $0x0  }
0x7d: {  	[sflag:s15] =	ssyncadd.s32 $0xFFFFFF80  }
0x7e: {  	_ =	swait.ge [sflag:s15], $0x80  }
0x7f: {  	[sflag:s15] =	ssyncset.done $0x0  }
0x80: {  	[sflag:s15] =	ssyncadd.s32 $0xFFFFFF80  }
0x81: {  	_ =	swait.ge [sflag:s16], $0x4000  }
0x82: {  	[sflag:s16] =	ssyncset.done $0x0  }
0x83: {  	s18 =	sadd.s32 $0x0, s10;
	[sflag:s16] =	ssyncadd.s32 $0xFFFFC000  }
0x84: {  	[tilespmem:s7], [sflag:$0x2] =	stream.indirect.gather [hbm4b:s1+s0], $0x80, s8, s0, $0xb8;
	[tilespmem:$0x1C400] =	vst v63  }
0x85: {  	s20 =	sadd.s32 $0x0, s11;
	s21 =	sadd.s32 $0x50, s18  }
0x86: {  	[tilespmem:s26], [sflag:$0x6] =	stream.linear.gather [hbm4b:s21+s4], $0x80, $0x38;
	[tilespmem:$0x1C400] =	vst v63  }
0x87: {  	s21 =	sadd.s32 $0x50, s20  }
0x88: {  	[tilespmem:s28], [sflag:$0x6] =	stream.linear.gather [hbm4b:s21+s4], $0x80, $0x38;
	[tilespmem:$0x1C400] =	vst v63  }
0x89: {  	_ =	swait.ge [sflag:s12], $0x4000  }
0x8a: {  	[sflag:s12] =	ssyncset.done $0x0  }
0x8b: {  	[sflag:s12] =	ssyncadd.s32 $0xFFFFC000  }
0x8c: {  	[spmem:s2] =	stream.indirect.scatter.add.f32 [tilespmem:s7], [sflag:$0x4], $0x80, s9, s0, $0xb8;
	[tilespmem:$0x1C400] =	vst v63  }
0x8d: {  	_ =	swait.ge [sflag:s31], $0x80  }
0x8e: {  	[sflag:s31] =	ssyncset.done $0x0  }
0x8f: {  	[sflag:s31] =	ssyncadd.s32 $0xFFFFFF80  }
0x90: {  	_ =	swait.ge [sflag:s31], $0x80  }
0x91: {  	[sflag:s31] =	ssyncset.done $0x0  }
0x92: {  	[sflag:s31] =	ssyncadd.s32 $0xFFFFFF80  }
0x93: {  	_ =	swait.ge [sflag:s14], $0x4000  }
0x94: {  	[sflag:s14] =	ssyncset.done $0x0  }
0x95: {  	[sflag:s14] =	ssyncadd.s32 $0xFFFFC000  }
0x96: {  	[tilespmem:s22], [sflag:$0x1] =	stream.indirect.gather [hbm4b:s1+s0], $0x80, s24, s0, $0xb8;
	[tilespmem:$0x1C400] =	vst v63  }
0x97: {  	s21 =	sadd.s32 $0x60, s18  }
0x98: {  	[tilespmem:s29], [sflag:$0x7] =	stream.linear.gather [hbm4b:s21+s4], $0x80, $0x38;
	[tilespmem:$0x1C400] =	vst v63  }
0x99: {  	s21 =	sadd.s32 $0x60, s20  }
0x9a: {  	[tilespmem:s30], [sflag:$0x7] =	stream.linear.gather [hbm4b:s21+s4], $0x80, $0x38;
	[tilespmem:$0x1C400] =	vst v63  }
0x9b: {  	_ =	swait.ge [sflag:s3], $0x4000  }
0x9c: {  	[sflag:s3] =	ssyncset.done $0x0  }
0x9d: {  	[sflag:s3] =	ssyncadd.s32 $0xFFFFC000  }
0x9e: {  	[spmem:s2] =	stream.indirect.scatter.add.f32 [tilespmem:s22], [sflag:$0x3], $0x80, s25, s0, $0xb8;
	[tilespmem:$0x1C400] =	vst v63  }
0x9f: {  	_ =	swait.ge [sflag:s6], $0x80  }
0xa0: {  	[sflag:s6] =	ssyncset.done $0x0  }
0xa1: {  	[sflag:s6] =	ssyncadd.s32 $0xFFFFFF80  }
0xa2: {  	_ =	swait.ge [sflag:s6], $0x80  }
0xa3: {  	[sflag:s6] =	ssyncset.done $0x0  }
0xa4: {  	[sflag:s6] =	ssyncadd.s32 $0xFFFFFF80  }
0xa5: {  	_ =	swait.ge [sflag:s16], $0x4000  }
0xa6: {  	[sflag:s16] =	ssyncset.done $0x0  }
0xa7: {  	[sflag:s16] =	ssyncadd.s32 $0xFFFFC000  }
0xa8: {  	[tilespmem:s7], [sflag:$0x2] =	stream.indirect.gather [hbm4b:s1+s0], $0x80, s26, s0, $0xb8;
	[tilespmem:$0x1C400] =	vst v63  }
0xa9: {  	s21 =	sadd.s32 $0x70, s18  }
0xaa: {  	[tilespmem:s8], [sflag:$0x8] =	stream.linear.gather [hbm4b:s21+s4], $0x80, $0x38;
	[tilespmem:$0x1C400] =	vst v63  }
0xab: {  	s21 =	sadd.s32 $0x70, s20  }
0xac: {  	[tilespmem:s9], [sflag:$0x8] =	stream.linear.gather [hbm4b:s21+s4], $0x80, $0x38;
	[tilespmem:$0x1C400] =	vst v63  }
0xad: {  	_ =	swait.ge [sflag:s12], $0x4000  }
0xae: {  	[sflag:s12] =	ssyncset.done $0x0  }
0xaf: {  	[sflag:s12] =	ssyncadd.s32 $0xFFFFC000  }
0xb0: {  	[spmem:s2] =	stream.indirect.scatter.add.f32 [tilespmem:s7], [sflag:$0x4], $0x80, s28, s0, $0xb8;
	[tilespmem:$0x1C400] =	vst v63  }
0xb1: {  	_ =	swait.ge [sflag:s13], $0x80  }
0xb2: {  	[sflag:s13] =	ssyncset.done $0x0  }
0xb3: {  	[sflag:s13] =	ssyncadd.s32 $0xFFFFFF80  }
0xb4: {  	_ =	swait.ge [sflag:s13], $0x80  }
0xb5: {  	[sflag:s13] =	ssyncset.done $0x0  }
0xb6: {  	[sflag:s13] =	ssyncadd.s32 $0xFFFFFF80  }
0xb7: {  	_ =	swait.ge [sflag:s14], $0x4000  }
0xb8: {  	[sflag:s14] =	ssyncset.done $0x0  }
0xb9: {  	[sflag:s14] =	ssyncadd.s32 $0xFFFFC000  }
0xba: {  	[tilespmem:s22], [sflag:$0x1] =	stream.indirect.gather [hbm4b:s1+s0], $0x80, s29, s0, $0xb8;
	[tilespmem:$0x1C400] =	vst v63  }
0xbb: {  	s18 =	sadd.s32 $0x80, s18  }
0xbc: {  	[tilespmem:s24], [sflag:$0x5] =	stream.linear.gather [hbm4b:s18+s4], $0x80, $0x38;
	[tilespmem:$0x1C400] =	vst v63  }
0xbd: {  	s19 =	sadd.s32 $0x80, s20;
	s18 =	simm.s32 $0x40  }
.LBB2_4:
0xbe: {  	[tilespmem:s25], [sflag:$0x5] =	stream.linear.gather [hbm4b:s19+s4], $0x80, $0x38;
	[tilespmem:$0x1C400] =	vst v63  }
0xbf: {  	s20 =	smov.u32 s18  }
0xc0: {  	p0 =	sne.s32 s18, $0x480;
	s18 =	sadd.s32 $0x40, s18;
	_ =	swait.ge [sflag:s3], $0x4000  }
0xc1: {  	[sflag:s3] =	ssyncset.done $0x0  }
0xc2: {  	[sflag:s3] =	ssyncadd.s32 $0xFFFFC000  }
0xc3: {  	[spmem:s2] =	stream.indirect.scatter.add.f32 [tilespmem:s22], [sflag:$0x3], $0x80, s30, s0, $0xb8;
	[tilespmem:$0x1C400] =	vst v63  }
0xc4: {  	_ =	swait.ge [sflag:s15], $0x80  }
0xc5: {  	[sflag:s15] =	ssyncset.done $0x0  }
0xc6: {  	[sflag:s15] =	ssyncadd.s32 $0xFFFFFF80  }
0xc7: {  	_ =	swait.ge [sflag:s15], $0x80  }
0xc8: {  	[sflag:s15] =	ssyncset.done $0x0  }
0xc9: {  	[sflag:s15] =	ssyncadd.s32 $0xFFFFFF80  }
0xca: {  	_ =	swait.ge [sflag:s16], $0x4000  }
0xcb: {  	[sflag:s16] =	ssyncset.done $0x0  }
0xcc: {  	s19 =	sadd.s32 s20, s10;
	[sflag:s16] =	ssyncadd.s32 $0xFFFFC000  }
0xcd: {  	[tilespmem:s7], [sflag:$0x2] =	stream.indirect.gather [hbm4b:s1+s0], $0x80, s8, s0, $0xb8;
	[tilespmem:$0x1C400] =	vst v63  }
0xce: {  	s20 =	sadd.s32 s20, s11;
	s21 =	sadd.s32 $0x50, s19  }
0xcf: {  	[tilespmem:s26], [sflag:$0x6] =	stream.linear.gather [hbm4b:s21+s4], $0x80, $0x38;
	[tilespmem:$0x1C400] =	vst v63  }
0xd0: {  	s21 =	sadd.s32 $0x50, s20  }
0xd1: {  	[tilespmem:s28], [sflag:$0x6] =	stream.linear.gather [hbm4b:s21+s4], $0x80, $0x38;
	[tilespmem:$0x1C400] =	vst v63  }
0xd2: {  	_ =	swait.ge [sflag:s12], $0x4000  }
0xd3: {  	[sflag:s12] =	ssyncset.done $0x0  }
0xd4: {  	[sflag:s12] =	ssyncadd.s32 $0xFFFFC000  }
0xd5: {  	[spmem:s2] =	stream.indirect.scatter.add.f32 [tilespmem:s7], [sflag:$0x4], $0x80, s9, s0, $0xb8;
	[tilespmem:$0x1C400] =	vst v63  }
0xd6: {  	_ =	swait.ge [sflag:s31], $0x80  }
0xd7: {  	[sflag:s31] =	ssyncset.done $0x0  }
0xd8: {  	[sflag:s31] =	ssyncadd.s32 $0xFFFFFF80  }
0xd9: {  	_ =	swait.ge [sflag:s31], $0x80  }
0xda: {  	[sflag:s31] =	ssyncset.done $0x0  }
0xdb: {  	[sflag:s31] =	ssyncadd.s32 $0xFFFFFF80  }
0xdc: {  	_ =	swait.ge [sflag:s14], $0x4000  }
0xdd: {  	[sflag:s14] =	ssyncset.done $0x0  }
0xde: {  	[sflag:s14] =	ssyncadd.s32 $0xFFFFC000  }
0xdf: {  	[tilespmem:s22], [sflag:$0x1] =	stream.indirect.gather [hbm4b:s1+s0], $0x80, s24, s0, $0xb8;
	[tilespmem:$0x1C400] =	vst v63  }
0xe0: {  	s21 =	sadd.s32 $0x60, s19  }
0xe1: {  	[tilespmem:s29], [sflag:$0x7] =	stream.linear.gather [hbm4b:s21+s4], $0x80, $0x38;
	[tilespmem:$0x1C400] =	vst v63  }
0xe2: {  	s21 =	sadd.s32 $0x60, s20  }
0xe3: {  	[tilespmem:s30], [sflag:$0x7] =	stream.linear.gather [hbm4b:s21+s4], $0x80, $0x38;
	[tilespmem:$0x1C400] =	vst v63  }
0xe4: {  	_ =	swait.ge [sflag:s3], $0x4000  }
0xe5: {  	[sflag:s3] =	ssyncset.done $0x0  }
0xe6: {  	[sflag:s3] =	ssyncadd.s32 $0xFFFFC000  }
0xe7: {  	[spmem:s2] =	stream.indirect.scatter.add.f32 [tilespmem:s22], [sflag:$0x3], $0x80, s25, s0, $0xb8;
	[tilespmem:$0x1C400] =	vst v63  }
0xe8: {  	_ =	swait.ge [sflag:s6], $0x80  }
0xe9: {  	[sflag:s6] =	ssyncset.done $0x0  }
0xea: {  	[sflag:s6] =	ssyncadd.s32 $0xFFFFFF80  }
0xeb: {  	_ =	swait.ge [sflag:s6], $0x80  }
0xec: {  	[sflag:s6] =	ssyncset.done $0x0  }
0xed: {  	[sflag:s6] =	ssyncadd.s32 $0xFFFFFF80  }
0xee: {  	_ =	swait.ge [sflag:s16], $0x4000  }
0xef: {  	[sflag:s16] =	ssyncset.done $0x0  }
0xf0: {  	[sflag:s16] =	ssyncadd.s32 $0xFFFFC000  }
0xf1: {  	[tilespmem:s7], [sflag:$0x2] =	stream.indirect.gather [hbm4b:s1+s0], $0x80, s26, s0, $0xb8;
	[tilespmem:$0x1C400] =	vst v63  }
0xf2: {  	s21 =	sadd.s32 $0x70, s19  }
0xf3: {  	[tilespmem:s8], [sflag:$0x8] =	stream.linear.gather [hbm4b:s21+s4], $0x80, $0x38;
	[tilespmem:$0x1C400] =	vst v63  }
0xf4: {  	s21 =	sadd.s32 $0x70, s20  }
0xf5: {  	[tilespmem:s9], [sflag:$0x8] =	stream.linear.gather [hbm4b:s21+s4], $0x80, $0x38;
	[tilespmem:$0x1C400] =	vst v63  }
0xf6: {  	_ =	swait.ge [sflag:s12], $0x4000  }
0xf7: {  	[sflag:s12] =	ssyncset.done $0x0  }
0xf8: {  	[sflag:s12] =	ssyncadd.s32 $0xFFFFC000  }
0xf9: {  	[spmem:s2] =	stream.indirect.scatter.add.f32 [tilespmem:s7], [sflag:$0x4], $0x80, s28, s0, $0xb8;
	[tilespmem:$0x1C400] =	vst v63  }
0xfa: {  	_ =	swait.ge [sflag:s13], $0x80  }
0xfb: {  	[sflag:s13] =	ssyncset.done $0x0  }
0xfc: {  	[sflag:s13] =	ssyncadd.s32 $0xFFFFFF80  }
0xfd: {  	_ =	swait.ge [sflag:s13], $0x80  }
0xfe: {  	[sflag:s13] =	ssyncset.done $0x0  }
0xff: {  	[sflag:s13] =	ssyncadd.s32 $0xFFFFFF80  }
0x100: {  	_ =	swait.ge [sflag:s14], $0x4000  }
0x101: {  	[sflag:s14] =	ssyncset.done $0x0  }
.Ltmp1:
0x102: {  	[sflag:s14] =	ssyncadd.s32 $0xFFFFC000;
	(pc) =	sbr.rel @p0 .LBB2_4-.Ltmp1, $4  }
0x103: {  	[tilespmem:s22], [sflag:$0x1] =	stream.indirect.gather [hbm4b:s1+s0], $0x80, s29, s0, $0xb8;
	[tilespmem:$0x1C400] =	vst v63  }
0x104: {  	s19 =	sadd.s32 $0x80, s19  }
0x105: {  	[tilespmem:s24], [sflag:$0x5] =	stream.linear.gather [hbm4b:s19+s4], $0x80, $0x38;
	[tilespmem:$0x1C400] =	vst v63  }
0x106: {  	s19 =	sadd.s32 $0x80, s20  }
0x107: {  	[tilespmem:s25], [sflag:$0x5] =	stream.linear.gather [hbm4b:s19+s4], $0x80, $0x38;
	[tilespmem:$0x1C400] =	vst v63  }
0x108: {  	_ =	swait.ge [sflag:s3], $0x4000  }
0x109: {  	[sflag:s3] =	ssyncset.done $0x0  }
0x10a: {  	[sflag:s3] =	ssyncadd.s32 $0xFFFFC000  }
0x10b: {  	[spmem:s2] =	stream.indirect.scatter.add.f32 [tilespmem:s22], [sflag:$0x3], $0x80, s30, s0, $0xb8;
	[tilespmem:$0x1C400] =	vst v63  }
0x10c: {  	_ =	swait.ge [sflag:s15], $0x80  }
0x10d: {  	[sflag:s15] =	ssyncset.done $0x0  }
0x10e: {  	[sflag:s15] =	ssyncadd.s32 $0xFFFFFF80  }
0x10f: {  	_ =	swait.ge [sflag:s15], $0x80  }
0x110: {  	[sflag:s15] =	ssyncset.done $0x0  }
0x111: {  	[sflag:s15] =	ssyncadd.s32 $0xFFFFFF80  }
0x112: {  	_ =	swait.ge [sflag:s16], $0x4000  }
0x113: {  	[sflag:s16] =	ssyncset.done $0x0  }
0x114: {  	[sflag:s16] =	ssyncadd.s32 $0xFFFFC000  }
0x115: {  	[tilespmem:s7], [sflag:$0x2] =	stream.indirect.gather [hbm4b:s1+s0], $0x80, s8, s0, $0xb8;
	[tilespmem:$0x1C400] =	vst v63  }
0x116: {  	_ =	swait.ge [sflag:s12], $0x4000  }
0x117: {  	[sflag:s12] =	ssyncset.done $0x0  }
0x118: {  	[sflag:s12] =	ssyncadd.s32 $0xFFFFC000  }
0x119: {  	[spmem:s2] =	stream.indirect.scatter.add.f32 [tilespmem:s7], [sflag:$0x4], $0x80, s9, s0, $0xb8;
	[tilespmem:$0x1C400] =	vst v63  }
0x11a: {  	_ =	swait.ge [sflag:s14], $0x4000  }
0x11b: {  	[sflag:s14] =	ssyncset.done $0x0  }
0x11c: {  	[sflag:s14] =	ssyncadd.s32 $0xFFFFC000  }
0x11d: {  	_ =	swait.ge [sflag:s16], $0x4000  }
0x11e: {  	[sflag:s16] =	ssyncset.done $0x0  }
0x11f: {  	[sflag:s16] =	ssyncadd.s32 $0xFFFFC000  }
0x120: {  	_ =	swait.ge [sflag:s31], $0x80  }
0x121: {  	[sflag:s31] =	ssyncset.done $0x0  }
0x122: {  	[sflag:s31] =	ssyncadd.s32 $0xFFFFFF80  }
0x123: {  	_ =	swait.ge [sflag:s31], $0x80  }
0x124: {  	[sflag:s31] =	ssyncset.done $0x0  }
0x125: {  	s18 =	stileid.u32;
	[sflag:s31] =	ssyncadd.s32 $0xFFFFFF80  }
0x126: {  	s18 =	sshll.u32 s18, $0x6;
	[bflag:$0x0] =	sbarrier.arrive $0xFFFF  }
0x127: {  	s21 =	sshrl.u32 s5, $0x3;
	s18 =	sor.u32 $0x1C09, s18;
	s20 =	rddreg [dreg:$0x10]  }
0x128: {  	[hbm:s20], [sflag:s18] =	dma.local [spmem:s21], $0x2800  }
0x129: {  	_ =	swait.ge [sflag:s23], $0x2800  }
0x12a: {  	s17 =	sadd.s32 $0x1, s17;
	s21 =	rddreg [dreg:$0x11]  }
0x12b: {  	p0 =	sne.s32 s17, s21  }
.Ltmp2:
0x12c: {  	_ = 	snop;
	(pc) =	sbr.rel @p0 .LBB2_1-.Ltmp2, $3  }
0x12d: {  	_ =	sdelay $0x1  }
0x12e: {  	[sflag:s23] =	ssyncset.done $0x0  }
0x12f: {  	[sflag:s23] =	ssyncadd.s32 $0xFFFFD800  }
0x130: {  	_ =	sfence.sel $0x180000  }
0x131: {  	[bflag:$0x0] =	sbarrier.arrive $0xFFFF  }
0x132: {  	_ =	strace $0x9000004A  }
0x133: {  	s0 =	stileid.u32;
	[bflag:$0x2] =	sbarrier.arrive $0xFFFF  }
0x134: {  	p0 =	sne.s32 s0, $0x0;
	s0 =	rddreg [dreg:$0x3]  }
0x135: {  	s0 =	sadd.s32 @!p0 $0x100000, s0  }
0x136: {  	[sflag:s0] =	ssyncadd.tile.s32 @!p0 $0x1;
	_ =	shalt  }
.Lfunc_end2:
_tile_overlayer_lowered:
.L_overlay_start_2:
0x137: {  	(tag) =	ssettag $0x2  }
0x138: {  	s0 =	rddreg [dreg:$0x0];
	s2 =	stileid.u32  }
0x139: {  	s1 =	rddreg [dreg:$0x1];
	p0 =	sne.s32 s2, $0x0  }
0x13a: {  	s3 =	rddreg [dreg:$0x2];
	[bflag:$0x3] =	sbarrier.arrive $0xFFFF;
	s2 =	simm.s32 @!p0 $0x1C09  }
0x13b: {  	[timem:s3], [sflag:s2] =	dma.local @!p0 [hbm:s0], s1  }
0x13c: {  	s0 =	simm.s32 @!p0 $0x9  }
0x13d: {  	_ =	swait.ge @!p0 [sflag:s0], s1  }
0x13e: {  	s1 =	ssub.s32 @!p0 $0x0, s1;
	[sflag:s0] =	ssyncset.done @!p0 $0x0  }
0x13f: {  	[sflag:s0] =	ssyncadd.s32 @!p0 s1  }
0x140: {  	[bflag:$0x3] =	sbarrier.arrive $0xFFFF  }
0x141: {  	_ =	shalt  }

</sc_bundles>
